<compile_context>
chip_gen: v7x
topology: tpu7x:2x2x1
jax: 0.10.2.dev20260603
libtpu: 0.0.44.dev20260713+nightly
codegen_flags: <defaults>
</compile_context>

<pallas_src>
import jax
import jax.numpy as jnp
from jax import lax
from jax.experimental import pallas as pl
from jax.experimental.pallas import tpu as pltpu
from jax.experimental.pallas import tpu_sc as plsc

M = 1_000_000
B = 16_384
NC = 2
NS = 16
HALF = M // NC
ACC = HALF + 8
CAT = 31_248
CH = 4_464
NCH = CAT // CH
NBUF = 3
TAIL = 32
OB = B // NS
ZCH = 4_096
NR = OB // 128


def _body(pm_hbm, pv_hbm, po_hbm, x_hbm, idx_hbm, out_hbm,
          idx_buf, x_buf, po_buf, x2d, ones2d, loc2d, z_buf,
          pmb0, pvb0, cb0, sb0, pmb1, pvb1, cb1, sb1, pmb2, pvb2, cb2, sb2,
          sem_in, sem_z, sem_add, sem_acc, sem_out,
          cnt_sh, sum_sh):
    bufsets = [(pmb0, pvb0, cb0, sb0), (pmb1, pvb1, cb1, sb1),
               (pmb2, pvb2, cb2, sb2)]
    c = lax.axis_index("c")
    s = lax.axis_index("s")
    base = c * HALF
    cat0 = base + s * CAT

    ins = {}
    for k in range(NBUF):
        bs = bufsets[k % NBUF]
        ins[k] = (
            pltpu.async_copy(pm_hbm.at[pl.ds(cat0 + k * CH, CH)], bs[0], sem_in),
            pltpu.async_copy(pv_hbm.at[pl.ds(cat0 + k * CH, CH)], bs[1], sem_in),
        )

    pltpu.sync_copy(po_hbm, po_buf)
    pltpu.sync_copy(idx_hbm.at[pl.ds(s * OB, OB)], idx_buf)
    pltpu.sync_copy(x_hbm.at[pl.ds(s * OB, OB)], x_buf)

    zeros16 = jnp.zeros((16,), jnp.float32)

    def zb(i, carry):
        z_buf[pl.ds(i * 16, 16)] = zeros16
        return carry

    lax.fori_loop(0, ZCH // 16, zb, 0)

    zoff = s * CAT
    ztoff = jnp.where(s == NS - 1, NS * CAT, s * CAT)
    zts = []
    for k in range(CAT // ZCH):
        for sh in (cnt_sh, sum_sh):
            zts.append(pltpu.async_copy(
                z_buf, sh.at[pl.ds(zoff + k * ZCH, ZCH)], sem_z))
    rem = CAT - (CAT // ZCH) * ZCH
    for sh in (cnt_sh, sum_sh):
        zts.append(pltpu.async_copy(
            z_buf.at[pl.ds(0, rem)],
            sh.at[pl.ds(zoff + (CAT // ZCH) * ZCH, rem)], sem_z))
        zts.append(pltpu.async_copy(
            z_buf.at[pl.ds(0, ACC - NS * CAT)],
            sh.at[pl.ds(ztoff, ACC - NS * CAT)], sem_z))

    ones16 = jnp.ones((16,), jnp.float32)

    def lb(i, carry):
        row = i >> 3
        sl = pl.ds((i & 7) * 16, 16)
        iv = idx_buf[pl.ds(i * 16, 16)]
        loc = iv - base
        in_core = (loc >= 0) & (loc < HALF)
        loc2d[row, sl] = jnp.where(in_core, loc, HALF)
        x2d[row, sl] = x_buf[pl.ds(i * 16, 16)]
        ones2d[row, sl] = ones16
        return carry

    lax.fori_loop(0, OB // 16, lb, 0)

    for t in zts:
        t.wait()
    plsc.subcore_barrier()

    adds = []
    for j in range(NR):
        adds.append(pltpu.async_copy(
            ones2d.at[j], cnt_sh.at[loc2d.at[j]], sem_add, add=True))
        adds.append(pltpu.async_copy(
            x2d.at[j], sum_sh.at[loc2d.at[j]], sem_add, add=True))
    for t in adds:
        t.wait()
    plsc.subcore_barrier()

    accs = {}
    for k in range(NBUF):
        bs = bufsets[k % NBUF]
        accs[k] = (
            pltpu.async_copy(cnt_sh.at[pl.ds(zoff + k * CH, CH)], bs[2], sem_acc),
            pltpu.async_copy(sum_sh.at[pl.ds(zoff + k * CH, CH)], bs[3], sem_acc),
        )

    po = po_buf[...]

    def compute_chunk(pmb, pvb, cb, sb):
        def body(i, carry):
            for u in range(3):
                sl = pl.ds(i * 48 + u * 16, 16)
                pmv = pmb[sl]
                pvv = pvb[sl]
                cnt = cb[sl]
                sx = sb[sl]
                q = po * pvv
                r = 1.0 / (1.0 + cnt * q)
                pmb[sl] = (pmv + sx * q) * r
                pvb[sl] = pvv * r
            return carry
        lax.fori_loop(0, CH // 48, body, 0)

    outs = {}
    for k in range(NCH):
        bs = bufsets[k % NBUF]
        if k >= NBUF:
            for t in outs[k - NBUF]:
                t.wait()
        for t in ins[k]:
            t.wait()
        for t in accs[k]:
            t.wait()
        compute_chunk(*bs)
        outs[k] = (
            pltpu.async_copy(bs[0], out_hbm.at[pl.ds(cat0 + k * CH, CH)], sem_out),
            pltpu.async_copy(bs[1], out_hbm.at[pl.ds(M + cat0 + k * CH, CH)], sem_out),
        )
        if k + NBUF < NCH:
            nb = bufsets[(k + NBUF) % NBUF]
            ins[k + NBUF] = (
                pltpu.async_copy(pm_hbm.at[pl.ds(cat0 + (k + NBUF) * CH, CH)], nb[0], sem_in),
                pltpu.async_copy(pv_hbm.at[pl.ds(cat0 + (k + NBUF) * CH, CH)], nb[1], sem_in),
            )
            accs[k + NBUF] = (
                pltpu.async_copy(cnt_sh.at[pl.ds(zoff + (k + NBUF) * CH, CH)], nb[2], sem_acc),
                pltpu.async_copy(sum_sh.at[pl.ds(zoff + (k + NBUF) * CH, CH)], nb[3], sem_acc),
            )

    @pl.when(s == NS - 1)
    def _tail():
        gt = base + NS * CAT
        lt = NS * CAT
        pltpu.sync_copy(pm_hbm.at[pl.ds(gt, TAIL)], z_buf.at[pl.ds(0, TAIL)])
        pltpu.sync_copy(pv_hbm.at[pl.ds(gt, TAIL)], z_buf.at[pl.ds(32, TAIL)])
        pltpu.sync_copy(cnt_sh.at[pl.ds(lt, TAIL)], z_buf.at[pl.ds(64, TAIL)])
        pltpu.sync_copy(sum_sh.at[pl.ds(lt, TAIL)], z_buf.at[pl.ds(96, TAIL)])

        def tbody(i, carry):
            pmv = z_buf[pl.ds(i * 16, 16)]
            pvv = z_buf[pl.ds(32 + i * 16, 16)]
            cnt = z_buf[pl.ds(64 + i * 16, 16)]
            sx = z_buf[pl.ds(96 + i * 16, 16)]
            q = po * pvv
            r = 1.0 / (1.0 + cnt * q)
            z_buf[pl.ds(128 + i * 16, 16)] = (pmv + sx * q) * r
            z_buf[pl.ds(160 + i * 16, 16)] = pvv * r
            return carry

        lax.fori_loop(0, TAIL // 16, tbody, 0)
        pltpu.sync_copy(z_buf.at[pl.ds(128, TAIL)], out_hbm.at[pl.ds(gt, TAIL)])
        pltpu.sync_copy(z_buf.at[pl.ds(160, TAIL)], out_hbm.at[pl.ds(M + gt, TAIL)])

    for k in range(max(0, NCH - NBUF), NCH):
        for t in outs[k]:
            t.wait()


def kernel(prior_mean, prior_var, obs_variance, x, idx_tensor):
    po_vec = jnp.full((16,), 1.0, jnp.float32) / obs_variance

    mesh = plsc.VectorSubcoreMesh(core_axis_name="c", subcore_axis_name="s")
    run = pl.kernel(
        _body,
        out_type=jax.ShapeDtypeStruct((2 * M,), jnp.float32),
        mesh=mesh,
        scratch_types=(
            pltpu.VMEM((OB,), jnp.int32),
            pltpu.VMEM((OB,), jnp.float32),
            pltpu.VMEM((16,), jnp.float32),
            pltpu.VMEM((NR, 128), jnp.float32),
            pltpu.VMEM((NR, 128), jnp.float32),
            pltpu.VMEM((NR, 128), jnp.int32),
            pltpu.VMEM((ZCH,), jnp.float32),
            pltpu.VMEM((CH,), jnp.float32),
            pltpu.VMEM((CH,), jnp.float32),
            pltpu.VMEM((CH,), jnp.float32),
            pltpu.VMEM((CH,), jnp.float32),
            pltpu.VMEM((CH,), jnp.float32),
            pltpu.VMEM((CH,), jnp.float32),
            pltpu.VMEM((CH,), jnp.float32),
            pltpu.VMEM((CH,), jnp.float32),
            pltpu.VMEM((CH,), jnp.float32),
            pltpu.VMEM((CH,), jnp.float32),
            pltpu.VMEM((CH,), jnp.float32),
            pltpu.VMEM((CH,), jnp.float32),
            pltpu.SemaphoreType.DMA,
            pltpu.SemaphoreType.DMA,
            pltpu.SemaphoreType.DMA,
            pltpu.SemaphoreType.DMA,
            pltpu.SemaphoreType.DMA,
            pltpu.VMEM_SHARED((ACC,), jnp.float32),
            pltpu.VMEM_SHARED((ACC,), jnp.float32),
        ),
    )
    out = run(prior_mean, prior_var, po_vec, x, idx_tensor)
    return out.reshape(2, M)

# --- scband reference (transcript-rebuilt; emitter-appended) ---
"""Pipeline reference for scband-diagonal-gaussian-surrogate-171798691851 (READ-ONLY COPY).

The authoritative reference and input builder live on the scoring server;
editing this copy changes nothing except your own understanding.
"""

import jax, jax.numpy as jnp
import numpy as np

M = 1000000  # num_categories
B = 16384    # observations per observe() call
PRIOR_MEAN = 0.0
PRIOR_VAR = 100.0
OBS_VAR = 1.0

def setup_inputs(seed: int = 0) -> dict:
    key = jax.random.key(seed)
    k1, k2 = jax.random.split(key)
    idx_tensor = jax.random.randint(k1, (B,), 0, M, dtype=jnp.int32)
    x = jax.random.normal(k2, (B,), dtype=jnp.float32)
    prior_mean = jnp.full((M,), PRIOR_MEAN, dtype=jnp.float32)
    prior_var = jnp.full((M,), PRIOR_VAR, dtype=jnp.float32)
    obs_variance = jnp.asarray(OBS_VAR, dtype=jnp.float32)
    return {
        'prior_mean': prior_mean,
        'prior_var': prior_var,
        'obs_variance': obs_variance,
        'x': x,
        'idx_tensor': idx_tensor,
    }

def reference(prior_mean, prior_var, obs_variance, x, idx_tensor):
    # DiagonalGaussianSurrogate.observe(idx_tensor, x) with max_entropy_gain=0.
    # The torch loop applies, per observation i hitting index j:
    #   p' = p + 1/obs_var ;  (m*p)' = m*p + x_i/obs_var
    # Precisions / natural params accumulate additively, so the sequential loop
    # (including duplicate indices) is exactly equivalent to a scatter-add of
    # observation counts and observation sums:
    Mcat = prior_mean.shape[0]
    p0 = 1.0 / prior_var                      # prior precision per category
    po = 1.0 / obs_variance                   # observation precision (scalar)
    counts = jnp.zeros((Mcat,), dtype=x.dtype).at[idx_tensor].add(jnp.ones_like(x))
    sumx = jnp.zeros((Mcat,), dtype=x.dtype).at[idx_tensor].add(x)
    p_new = p0 + counts * po
    m_new = (prior_mean * p0 + sumx * po) / p_new
    v_new = 1.0 / p_new
    # Updated buffers after observe(): posterior mean and posterior diag variance.
    return jnp.stack([m_new, v_new])

if False:  # reference __main__ guard neutralized (emitter)
    out = reference(**setup_inputs())
    print(out.shape, out.dtype)

if __name__ == "__main__":
    import jax
    _d = setup_inputs()
    print(jax.jit(kernel)(*tuple(_d.values())))

</pallas_src>

<mosaic_0001>
#map = affine_map<(d0, d1) -> (0)>
module attributes {stable_mosaic.version = 14 : i64} {
  func.func @_body(%arg0: i32, %arg1: i32, %arg2: memref<1000000xf32, #tpu.memory_space<hbm>>, %arg3: memref<1000000xf32, #tpu.memory_space<hbm>>, %arg4: memref<16xf32, #tpu.memory_space<hbm>>, %arg5: memref<16384xf32, #tpu.memory_space<hbm>>, %arg6: memref<16384xi32, #tpu.memory_space<hbm>>, %arg7: memref<2000000xf32, #tpu.memory_space<hbm>>, %arg8: memref<1024xi32, #tpu.memory_space<vmem>>, %arg9: memref<1024xf32, #tpu.memory_space<vmem>>, %arg10: memref<16xf32, #tpu.memory_space<vmem>>, %arg11: memref<8x128xf32, #tpu.memory_space<vmem>>, %arg12: memref<8x128xf32, #tpu.memory_space<vmem>>, %arg13: memref<8x128xi32, #tpu.memory_space<vmem>>, %arg14: memref<4096xf32, #tpu.memory_space<vmem>>, %arg15: memref<4464xf32, #tpu.memory_space<vmem>>, %arg16: memref<4464xf32, #tpu.memory_space<vmem>>, %arg17: memref<4464xf32, #tpu.memory_space<vmem>>, %arg18: memref<4464xf32, #tpu.memory_space<vmem>>, %arg19: memref<4464xf32, #tpu.memory_space<vmem>>, %arg20: memref<4464xf32, #tpu.memory_space<vmem>>, %arg21: memref<4464xf32, #tpu.memory_space<vmem>>, %arg22: memref<4464xf32, #tpu.memory_space<vmem>>, %arg23: memref<4464xf32, #tpu.memory_space<vmem>>, %arg24: memref<4464xf32, #tpu.memory_space<vmem>>, %arg25: memref<4464xf32, #tpu.memory_space<vmem>>, %arg26: memref<4464xf32, #tpu.memory_space<vmem>>, %arg27: memref<!tpu.dma_semaphore, #tpu.memory_space<semaphore_mem>>, %arg28: memref<!tpu.dma_semaphore, #tpu.memory_space<semaphore_mem>>, %arg29: memref<!tpu.dma_semaphore, #tpu.memory_space<semaphore_mem>>, %arg30: memref<!tpu.dma_semaphore, #tpu.memory_space<semaphore_mem>>, %arg31: memref<!tpu.dma_semaphore, #tpu.memory_space<semaphore_mem>>, %arg32: memref<500008xf32, #tpu.memory_space<vmem_shared>>, %arg33: memref<500008xf32, #tpu.memory_space<vmem_shared>>) attributes {dimension_semantics = [#tpu.dimension_semantics<core_parallel>, #tpu.dimension_semantics<subcore_parallel>], iteration_bounds = array<i64: 2, 16>, scalar_prefetch = 0 : i64, scratch_operands = 26 : i64, tpu.core_type = #tpu.core_type<sc_vector_subcore>, window_params = [{transform_indices = #map}, {transform_indices = #map}, {transform_indices = #map}, {transform_indices = #map}, {transform_indices = #map}, {transform_indices = #map}]} {
    %mul3A = arith.constant 500000 : i32
    %mul3A_0 = arith.muli %arg0, %mul3A : i32
    %mul3A_1 = arith.constant 31248 : i32
    %mul3A_2 = arith.muli %arg1, %mul3A_1 : i32
    %add3A = arith.addi %mul3A_0, %mul3A_2 : i32
    %add3A_3 = arith.constant 0 : i32
    %add3A_4 = arith.addi %add3A, %add3A_3 : i32
    %dma_start3A = tpu.memref_slice %arg2[%add3A_4] : memref<1000000xf32, #tpu.memory_space<hbm>> -> memref<4464xf32, #tpu.memory_space<hbm>>
    %dma_start3A_5 = tpu.memref_slice %arg2[%add3A_4] : memref<1000000xf32, #tpu.memory_space<hbm>> -> memref<4464xf32, #tpu.memory_space<hbm>>
    tpu.enqueue_dma source(%dma_start3A_5 : memref<4464xf32, #tpu.memory_space<hbm>>) target(%arg15 : memref<4464xf32, #tpu.memory_space<vmem>>) target_semaphore(%arg27 : memref<!tpu.dma_semaphore, #tpu.memory_space<semaphore_mem>>)
    %add3A_6 = arith.constant 0 : i32
    %add3A_7 = arith.addi %add3A, %add3A_6 : i32
    %dma_start3A_8 = tpu.memref_slice %arg3[%add3A_7] : memref<1000000xf32, #tpu.memory_space<hbm>> -> memref<4464xf32, #tpu.memory_space<hbm>>
    %dma_start3A_9 = tpu.memref_slice %arg3[%add3A_7] : memref<1000000xf32, #tpu.memory_space<hbm>> -> memref<4464xf32, #tpu.memory_space<hbm>>
    tpu.enqueue_dma source(%dma_start3A_9 : memref<4464xf32, #tpu.memory_space<hbm>>) target(%arg16 : memref<4464xf32, #tpu.memory_space<vmem>>) target_semaphore(%arg27 : memref<!tpu.dma_semaphore, #tpu.memory_space<semaphore_mem>>)
    %add3A_10 = arith.constant 4464 : i32
    %add3A_11 = arith.addi %add3A, %add3A_10 : i32
    %dma_start3A_12 = tpu.memref_slice %arg2[%add3A_11] : memref<1000000xf32, #tpu.memory_space<hbm>> -> memref<4464xf32, #tpu.memory_space<hbm>>
    %dma_start3A_13 = tpu.memref_slice %arg2[%add3A_11] : memref<1000000xf32, #tpu.memory_space<hbm>> -> memref<4464xf32, #tpu.memory_space<hbm>>
    tpu.enqueue_dma source(%dma_start3A_13 : memref<4464xf32, #tpu.memory_space<hbm>>) target(%arg19 : memref<4464xf32, #tpu.memory_space<vmem>>) target_semaphore(%arg27 : memref<!tpu.dma_semaphore, #tpu.memory_space<semaphore_mem>>)
    %add3A_14 = arith.constant 4464 : i32
    %add3A_15 = arith.addi %add3A, %add3A_14 : i32
    %dma_start3A_16 = tpu.memref_slice %arg3[%add3A_15] : memref<1000000xf32, #tpu.memory_space<hbm>> -> memref<4464xf32, #tpu.memory_space<hbm>>
    %dma_start3A_17 = tpu.memref_slice %arg3[%add3A_15] : memref<1000000xf32, #tpu.memory_space<hbm>> -> memref<4464xf32, #tpu.memory_space<hbm>>
    tpu.enqueue_dma source(%dma_start3A_17 : memref<4464xf32, #tpu.memory_space<hbm>>) target(%arg20 : memref<4464xf32, #tpu.memory_space<vmem>>) target_semaphore(%arg27 : memref<!tpu.dma_semaphore, #tpu.memory_space<semaphore_mem>>)
    %add3A_18 = arith.constant 8928 : i32
    %add3A_19 = arith.addi %add3A, %add3A_18 : i32
    %dma_start3A_20 = tpu.memref_slice %arg2[%add3A_19] : memref<1000000xf32, #tpu.memory_space<hbm>> -> memref<4464xf32, #tpu.memory_space<hbm>>
    %dma_start3A_21 = tpu.memref_slice %arg2[%add3A_19] : memref<1000000xf32, #tpu.memory_space<hbm>> -> memref<4464xf32, #tpu.memory_space<hbm>>
    tpu.enqueue_dma source(%dma_start3A_21 : memref<4464xf32, #tpu.memory_space<hbm>>) target(%arg23 : memref<4464xf32, #tpu.memory_space<vmem>>) target_semaphore(%arg27 : memref<!tpu.dma_semaphore, #tpu.memory_space<semaphore_mem>>)
    %add3A_22 = arith.constant 8928 : i32
    %add3A_23 = arith.addi %add3A, %add3A_22 : i32
    %dma_start3A_24 = tpu.memref_slice %arg3[%add3A_23] : memref<1000000xf32, #tpu.memory_space<hbm>> -> memref<4464xf32, #tpu.memory_space<hbm>>
    %dma_start3A_25 = tpu.memref_slice %arg3[%add3A_23] : memref<1000000xf32, #tpu.memory_space<hbm>> -> memref<4464xf32, #tpu.memory_space<hbm>>
    tpu.enqueue_dma source(%dma_start3A_25 : memref<4464xf32, #tpu.memory_space<hbm>>) target(%arg24 : memref<4464xf32, #tpu.memory_space<vmem>>) target_semaphore(%arg27 : memref<!tpu.dma_semaphore, #tpu.memory_space<semaphore_mem>>)
    "tpu.region"() ({
      %run_scoped3A = tpu.sem_alloc : memref<!tpu.dma_semaphore, #tpu.memory_space<semaphore_mem>>
      tpu.enqueue_dma source(%arg4 : memref<16xf32, #tpu.memory_space<hbm>>) target(%arg10 : memref<16xf32, #tpu.memory_space<vmem>>) target_semaphore(%run_scoped3A : memref<!tpu.dma_semaphore, #tpu.memory_space<semaphore_mem>>)
      tpu.wait_dma2 semaphore(%run_scoped3A : memref<!tpu.dma_semaphore, #tpu.memory_space<semaphore_mem>>) src(%arg4 : memref<16xf32, #tpu.memory_space<hbm>>) dst(%arg10 : memref<16xf32, #tpu.memory_space<vmem>>)
      tpu.yield
    }) : () -> ()
    %mul3A_26 = arith.constant 1024 : i32
    %mul3A_27 = arith.muli %arg1, %mul3A_26 : i32
    "tpu.region"() ({
      %run_scoped3A = tpu.sem_alloc : memref<!tpu.dma_semaphore, #tpu.memory_space<semaphore_mem>>
      %dma_start3A_794 = tpu.memref_slice %arg6[%mul3A_27] : memref<16384xi32, #tpu.memory_space<hbm>> -> memref<1024xi32, #tpu.memory_space<hbm>>
      %dma_start3A_795 = tpu.memref_slice %arg6[%mul3A_27] : memref<16384xi32, #tpu.memory_space<hbm>> -> memref<1024xi32, #tpu.memory_space<hbm>>
      tpu.enqueue_dma source(%dma_start3A_795 : memref<1024xi32, #tpu.memory_space<hbm>>) target(%arg8 : memref<1024xi32, #tpu.memory_space<vmem>>) target_semaphore(%run_scoped3A : memref<!tpu.dma_semaphore, #tpu.memory_space<semaphore_mem>>)
      %dma_wait3A_796 = tpu.memref_slice %arg6[%mul3A_27] : memref<16384xi32, #tpu.memory_space<hbm>> -> memref<1024xi32, #tpu.memory_space<hbm>>
      %dma_wait3A_797 = tpu.memref_slice %arg6[%mul3A_27] : memref<16384xi32, #tpu.memory_space<hbm>> -> memref<1024xi32, #tpu.memory_space<hbm>>
      tpu.wait_dma2 semaphore(%run_scoped3A : memref<!tpu.dma_semaphore, #tpu.memory_space<semaphore_mem>>) src(%dma_wait3A_797 : memref<1024xi32, #tpu.memory_space<hbm>>) dst(%arg8 : memref<1024xi32, #tpu.memory_space<vmem>>)
      tpu.yield
    }) : () -> ()
    %mul3A_28 = arith.constant 1024 : i32
    %mul3A_29 = arith.muli %arg1, %mul3A_28 : i32
    "tpu.region"() ({
      %run_scoped3A = tpu.sem_alloc : memref<!tpu.dma_semaphore, #tpu.memory_space<semaphore_mem>>
      %dma_start3A_794 = tpu.memref_slice %arg5[%mul3A_29] : memref<16384xf32, #tpu.memory_space<hbm>> -> memref<1024xf32, #tpu.memory_space<hbm>>
      %dma_start3A_795 = tpu.memref_slice %arg5[%mul3A_29] : memref<16384xf32, #tpu.memory_space<hbm>> -> memref<1024xf32, #tpu.memory_space<hbm>>
      tpu.enqueue_dma source(%dma_start3A_795 : memref<1024xf32, #tpu.memory_space<hbm>>) target(%arg9 : memref<1024xf32, #tpu.memory_space<vmem>>) target_semaphore(%run_scoped3A : memref<!tpu.dma_semaphore, #tpu.memory_space<semaphore_mem>>)
      %dma_wait3A_796 = tpu.memref_slice %arg5[%mul3A_29] : memref<16384xf32, #tpu.memory_space<hbm>> -> memref<1024xf32, #tpu.memory_space<hbm>>
      %dma_wait3A_797 = tpu.memref_slice %arg5[%mul3A_29] : memref<16384xf32, #tpu.memory_space<hbm>> -> memref<1024xf32, #tpu.memory_space<hbm>>
      tpu.wait_dma2 semaphore(%run_scoped3A : memref<!tpu.dma_semaphore, #tpu.memory_space<semaphore_mem>>) src(%dma_wait3A_797 : memref<1024xf32, #tpu.memory_space<hbm>>) dst(%arg9 : memref<1024xf32, #tpu.memory_space<vmem>>)
      tpu.yield
    }) : () -> ()
    %broadcast_in_dim3A = arith.constant 0.000000e+00 : f32
    %broadcast_in_dim3A_30 = vector.broadcast %broadcast_in_dim3A : f32 to vector<16xf32>
    %scan3A = arith.constant 0 : i32
    %scan3A_31 = arith.constant 0 : i32
    %scan3A_32 = arith.constant 256 : i32
    %scan3A_33 = arith.addi %scan3A_31, %scan3A_32 : i32
    %scan3A_34 = arith.constant 1 : i32
    scf.for %scan3A_794 = %scan3A_31 to %scan3A_33 step %scan3A_34  : i32 {
      %mul3A_795 = arith.constant 16 : i32
      %mul3A_796 = arith.muli %scan3A_794, %mul3A_795 : i32
      %swap3A = arith.index_cast %mul3A_796 : i32 to index
      %swap3A_797 = tpu.vector_load %arg14[%swap3A] {strides = array<i32>} : memref<4096xf32, #tpu.memory_space<vmem>>, vector<16xf32>,
      %swap3A_798 = vector.shape_cast %swap3A_797 : vector<16xf32> to vector<16xf32>
      %swap3A_799 = vector.shape_cast %broadcast_in_dim3A_30 : vector<16xf32> to vector<16xf32>
      tpu.vector_store %arg14[%swap3A], %swap3A_799 {strides = array<i32>} : memref<4096xf32, #tpu.memory_space<vmem>>, vector<16xf32>,
    }
    %scan3A_35 = arith.constant 256 : i32
    %mul3A_36 = arith.constant 31248 : i32
    %mul3A_37 = arith.muli %arg1, %mul3A_36 : i32
    %eq3A = arith.constant 15 : i32
    %eq3A_38 = arith.cmpi eq, %arg1, %eq3A : i32
    %mul3A_39 = arith.constant 31248 : i32
    %mul3A_40 = arith.muli %arg1, %mul3A_39 : i32
    %jit3A = arith.constant 499968 : i32
    %select_n3A = arith.select %eq3A_38, %jit3A, %mul3A_40 : i32
    %add3A_41 = arith.constant 0 : i32
    %add3A_42 = arith.addi %mul3A_37, %add3A_41 : i32
    %dma_start3A_43 = tpu.memref_slice %arg32[%add3A_42] : memref<500008xf32, #tpu.memory_space<vmem_shared>> -> memref<4096xf32, #tpu.memory_space<vmem_shared>>
    %dma_start3A_44 = tpu.memref_slice %arg32[%add3A_42] : memref<500008xf32, #tpu.memory_space<vmem_shared>> -> memref<4096xf32, #tpu.memory_space<vmem_shared>>
    tpu.enqueue_dma source(%arg14 : memref<4096xf32, #tpu.memory_space<vmem>>) target(%dma_start3A_44 : memref<4096xf32, #tpu.memory_space<vmem_shared>>) target_semaphore(%arg28 : memref<!tpu.dma_semaphore, #tpu.memory_space<semaphore_mem>>)
    %add3A_45 = arith.constant 0 : i32
    %add3A_46 = arith.addi %mul3A_37, %add3A_45 : i32
    %dma_start3A_47 = tpu.memref_slice %arg33[%add3A_46] : memref<500008xf32, #tpu.memory_space<vmem_shared>> -> memref<4096xf32, #tpu.memory_space<vmem_shared>>
    %dma_start3A_48 = tpu.memref_slice %arg33[%add3A_46] : memref<500008xf32, #tpu.memory_space<vmem_shared>> -> memref<4096xf32, #tpu.memory_space<vmem_shared>>
    tpu.enqueue_dma source(%arg14 : memref<4096xf32, #tpu.memory_space<vmem>>) target(%dma_start3A_48 : memref<4096xf32, #tpu.memory_space<vmem_shared>>) target_semaphore(%arg28 : memref<!tpu.dma_semaphore, #tpu.memory_space<semaphore_mem>>)
    %add3A_49 = arith.constant 4096 : i32
    %add3A_50 = arith.addi %mul3A_37, %add3A_49 : i32
    %dma_start3A_51 = tpu.memref_slice %arg32[%add3A_50] : memref<500008xf32, #tpu.memory_space<vmem_shared>> -> memref<4096xf32, #tpu.memory_space<vmem_shared>>
    %dma_start3A_52 = tpu.memref_slice %arg32[%add3A_50] : memref<500008xf32, #tpu.memory_space<vmem_shared>> -> memref<4096xf32, #tpu.memory_space<vmem_shared>>
    tpu.enqueue_dma source(%arg14 : memref<4096xf32, #tpu.memory_space<vmem>>) target(%dma_start3A_52 : memref<4096xf32, #tpu.memory_space<vmem_shared>>) target_semaphore(%arg28 : memref<!tpu.dma_semaphore, #tpu.memory_space<semaphore_mem>>)
    %add3A_53 = arith.constant 4096 : i32
    %add3A_54 = arith.addi %mul3A_37, %add3A_53 : i32
    %dma_start3A_55 = tpu.memref_slice %arg33[%add3A_54] : memref<500008xf32, #tpu.memory_space<vmem_shared>> -> memref<4096xf32, #tpu.memory_space<vmem_shared>>
    %dma_start3A_56 = tpu.memref_slice %arg33[%add3A_54] : memref<500008xf32, #tpu.memory_space<vmem_shared>> -> memref<4096xf32, #tpu.memory_space<vmem_shared>>
    tpu.enqueue_dma source(%arg14 : memref<4096xf32, #tpu.memory_space<vmem>>) target(%dma_start3A_56 : memref<4096xf32, #tpu.memory_space<vmem_shared>>) target_semaphore(%arg28 : memref<!tpu.dma_semaphore, #tpu.memory_space<semaphore_mem>>)
    %add3A_57 = arith.constant 8192 : i32
    %add3A_58 = arith.addi %mul3A_37, %add3A_57 : i32
    %dma_start3A_59 = tpu.memref_slice %arg32[%add3A_58] : memref<500008xf32, #tpu.memory_space<vmem_shared>> -> memref<4096xf32, #tpu.memory_space<vmem_shared>>
    %dma_start3A_60 = tpu.memref_slice %arg32[%add3A_58] : memref<500008xf32, #tpu.memory_space<vmem_shared>> -> memref<4096xf32, #tpu.memory_space<vmem_shared>>
    tpu.enqueue_dma source(%arg14 : memref<4096xf32, #tpu.memory_space<vmem>>) target(%dma_start3A_60 : memref<4096xf32, #tpu.memory_space<vmem_shared>>) target_semaphore(%arg28 : memref<!tpu.dma_semaphore, #tpu.memory_space<semaphore_mem>>)
    %add3A_61 = arith.constant 8192 : i32
    %add3A_62 = arith.addi %mul3A_37, %add3A_61 : i32
    %dma_start3A_63 = tpu.memref_slice %arg33[%add3A_62] : memref<500008xf32, #tpu.memory_space<vmem_shared>> -> memref<4096xf32, #tpu.memory_space<vmem_shared>>
    %dma_start3A_64 = tpu.memref_slice %arg33[%add3A_62] : memref<500008xf32, #tpu.memory_space<vmem_shared>> -> memref<4096xf32, #tpu.memory_space<vmem_shared>>
    tpu.enqueue_dma source(%arg14 : memref<4096xf32, #tpu.memory_space<vmem>>) target(%dma_start3A_64 : memref<4096xf32, #tpu.memory_space<vmem_shared>>) target_semaphore(%arg28 : memref<!tpu.dma_semaphore, #tpu.memory_space<semaphore_mem>>)
    %add3A_65 = arith.constant 12288 : i32
    %add3A_66 = arith.addi %mul3A_37, %add3A_65 : i32
    %dma_start3A_67 = tpu.memref_slice %arg32[%add3A_66] : memref<500008xf32, #tpu.memory_space<vmem_shared>> -> memref<4096xf32, #tpu.memory_space<vmem_shared>>
    %dma_start3A_68 = tpu.memref_slice %arg32[%add3A_66] : memref<500008xf32, #tpu.memory_space<vmem_shared>> -> memref<4096xf32, #tpu.memory_space<vmem_shared>>
    tpu.enqueue_dma source(%arg14 : memref<4096xf32, #tpu.memory_space<vmem>>) target(%dma_start3A_68 : memref<4096xf32, #tpu.memory_space<vmem_shared>>) target_semaphore(%arg28 : memref<!tpu.dma_semaphore, #tpu.memory_space<semaphore_mem>>)
    %add3A_69 = arith.constant 12288 : i32
    %add3A_70 = arith.addi %mul3A_37, %add3A_69 : i32
    %dma_start3A_71 = tpu.memref_slice %arg33[%add3A_70] : memref<500008xf32, #tpu.memory_space<vmem_shared>> -> memref<4096xf32, #tpu.memory_space<vmem_shared>>
    %dma_start3A_72 = tpu.memref_slice %arg33[%add3A_70] : memref<500008xf32, #tpu.memory_space<vmem_shared>> -> memref<4096xf32, #tpu.memory_space<vmem_shared>>
    tpu.enqueue_dma source(%arg14 : memref<4096xf32, #tpu.memory_space<vmem>>) target(%dma_start3A_72 : memref<4096xf32, #tpu.memory_space<vmem_shared>>) target_semaphore(%arg28 : memref<!tpu.dma_semaphore, #tpu.memory_space<semaphore_mem>>)
    %add3A_73 = arith.constant 16384 : i32
    %add3A_74 = arith.addi %mul3A_37, %add3A_73 : i32
    %dma_start3A_75 = tpu.memref_slice %arg32[%add3A_74] : memref<500008xf32, #tpu.memory_space<vmem_shared>> -> memref<4096xf32, #tpu.memory_space<vmem_shared>>
    %dma_start3A_76 = tpu.memref_slice %arg32[%add3A_74] : memref<500008xf32, #tpu.memory_space<vmem_shared>> -> memref<4096xf32, #tpu.memory_space<vmem_shared>>
    tpu.enqueue_dma source(%arg14 : memref<4096xf32, #tpu.memory_space<vmem>>) target(%dma_start3A_76 : memref<4096xf32, #tpu.memory_space<vmem_shared>>) target_semaphore(%arg28 : memref<!tpu.dma_semaphore, #tpu.memory_space<semaphore_mem>>)
    %add3A_77 = arith.constant 16384 : i32
    %add3A_78 = arith.addi %mul3A_37, %add3A_77 : i32
    %dma_start3A_79 = tpu.memref_slice %arg33[%add3A_78] : memref<500008xf32, #tpu.memory_space<vmem_shared>> -> memref<4096xf32, #tpu.memory_space<vmem_shared>>
    %dma_start3A_80 = tpu.memref_slice %arg33[%add3A_78] : memref<500008xf32, #tpu.memory_space<vmem_shared>> -> memref<4096xf32, #tpu.memory_space<vmem_shared>>
    tpu.enqueue_dma source(%arg14 : memref<4096xf32, #tpu.memory_space<vmem>>) target(%dma_start3A_80 : memref<4096xf32, #tpu.memory_space<vmem_shared>>) target_semaphore(%arg28 : memref<!tpu.dma_semaphore, #tpu.memory_space<semaphore_mem>>)
    %add3A_81 = arith.constant 20480 : i32
    %add3A_82 = arith.addi %mul3A_37, %add3A_81 : i32
    %dma_start3A_83 = tpu.memref_slice %arg32[%add3A_82] : memref<500008xf32, #tpu.memory_space<vmem_shared>> -> memref<4096xf32, #tpu.memory_space<vmem_shared>>
    %dma_start3A_84 = tpu.memref_slice %arg32[%add3A_82] : memref<500008xf32, #tpu.memory_space<vmem_shared>> -> memref<4096xf32, #tpu.memory_space<vmem_shared>>
    tpu.enqueue_dma source(%arg14 : memref<4096xf32, #tpu.memory_space<vmem>>) target(%dma_start3A_84 : memref<4096xf32, #tpu.memory_space<vmem_shared>>) target_semaphore(%arg28 : memref<!tpu.dma_semaphore, #tpu.memory_space<semaphore_mem>>)
    %add3A_85 = arith.constant 20480 : i32
    %add3A_86 = arith.addi %mul3A_37, %add3A_85 : i32
    %dma_start3A_87 = tpu.memref_slice %arg33[%add3A_86] : memref<500008xf32, #tpu.memory_space<vmem_shared>> -> memref<4096xf32, #tpu.memory_space<vmem_shared>>
    %dma_start3A_88 = tpu.memref_slice %arg33[%add3A_86] : memref<500008xf32, #tpu.memory_space<vmem_shared>> -> memref<4096xf32, #tpu.memory_space<vmem_shared>>
    tpu.enqueue_dma source(%arg14 : memref<4096xf32, #tpu.memory_space<vmem>>) target(%dma_start3A_88 : memref<4096xf32, #tpu.memory_space<vmem_shared>>) target_semaphore(%arg28 : memref<!tpu.dma_semaphore, #tpu.memory_space<semaphore_mem>>)
    %add3A_89 = arith.constant 24576 : i32
    %add3A_90 = arith.addi %mul3A_37, %add3A_89 : i32
    %dma_start3A_91 = tpu.memref_slice %arg32[%add3A_90] : memref<500008xf32, #tpu.memory_space<vmem_shared>> -> memref<4096xf32, #tpu.memory_space<vmem_shared>>
    %dma_start3A_92 = tpu.memref_slice %arg32[%add3A_90] : memref<500008xf32, #tpu.memory_space<vmem_shared>> -> memref<4096xf32, #tpu.memory_space<vmem_shared>>
    tpu.enqueue_dma source(%arg14 : memref<4096xf32, #tpu.memory_space<vmem>>) target(%dma_start3A_92 : memref<4096xf32, #tpu.memory_space<vmem_shared>>) target_semaphore(%arg28 : memref<!tpu.dma_semaphore, #tpu.memory_space<semaphore_mem>>)
    %add3A_93 = arith.constant 24576 : i32
    %add3A_94 = arith.addi %mul3A_37, %add3A_93 : i32
    %dma_start3A_95 = tpu.memref_slice %arg33[%add3A_94] : memref<500008xf32, #tpu.memory_space<vmem_shared>> -> memref<4096xf32, #tpu.memory_space<vmem_shared>>
    %dma_start3A_96 = tpu.memref_slice %arg33[%add3A_94] : memref<500008xf32, #tpu.memory_space<vmem_shared>> -> memref<4096xf32, #tpu.memory_space<vmem_shared>>
    tpu.enqueue_dma source(%arg14 : memref<4096xf32, #tpu.memory_space<vmem>>) target(%dma_start3A_96 : memref<4096xf32, #tpu.memory_space<vmem_shared>>) target_semaphore(%arg28 : memref<!tpu.dma_semaphore, #tpu.memory_space<semaphore_mem>>)
    %add3A_97 = arith.constant 28672 : i32
    %add3A_98 = arith.addi %mul3A_37, %add3A_97 : i32
    %dma_start3A_99 = arith.constant 0 : i32
    %dma_start3A_100 = tpu.memref_slice %arg14[%dma_start3A_99] : memref<4096xf32, #tpu.memory_space<vmem>> -> memref<2576xf32, #tpu.memory_space<vmem>>
    %dma_start3A_101 = tpu.memref_slice %arg32[%add3A_98] : memref<500008xf32, #tpu.memory_space<vmem_shared>> -> memref<2576xf32, #tpu.memory_space<vmem_shared>>
    %dma_start3A_102 = tpu.memref_slice %arg32[%add3A_98] : memref<500008xf32, #tpu.memory_space<vmem_shared>> -> memref<2576xf32, #tpu.memory_space<vmem_shared>>
    %dma_start3A_103 = arith.constant 0 : i32
    %dma_start3A_104 = tpu.memref_slice %arg14[%dma_start3A_103] : memref<4096xf32, #tpu.memory_space<vmem>> -> memref<2576xf32, #tpu.memory_space<vmem>>
    tpu.enqueue_dma source(%dma_start3A_104 : memref<2576xf32, #tpu.memory_space<vmem>>) target(%dma_start3A_102 : memref<2576xf32, #tpu.memory_space<vmem_shared>>) target_semaphore(%arg28 : memref<!tpu.dma_semaphore, #tpu.memory_space<semaphore_mem>>)
    %dma_start3A_105 = arith.constant 0 : i32
    %dma_start3A_106 = tpu.memref_slice %arg14[%dma_start3A_105] : memref<4096xf32, #tpu.memory_space<vmem>> -> memref<40xf32, #tpu.memory_space<vmem>>
    %dma_start3A_107 = tpu.memref_slice %arg32[%select_n3A] : memref<500008xf32, #tpu.memory_space<vmem_shared>> -> memref<40xf32, #tpu.memory_space<vmem_shared>>
    %dma_start3A_108 = tpu.memref_slice %arg32[%select_n3A] : memref<500008xf32, #tpu.memory_space<vmem_shared>> -> memref<40xf32, #tpu.memory_space<vmem_shared>>
    %dma_start3A_109 = arith.constant 0 : i32
    %dma_start3A_110 = tpu.memref_slice %arg14[%dma_start3A_109] : memref<4096xf32, #tpu.memory_space<vmem>> -> memref<40xf32, #tpu.memory_space<vmem>>
    tpu.enqueue_dma source(%dma_start3A_110 : memref<40xf32, #tpu.memory_space<vmem>>) target(%dma_start3A_108 : memref<40xf32, #tpu.memory_space<vmem_shared>>) target_semaphore(%arg28 : memref<!tpu.dma_semaphore, #tpu.memory_space<semaphore_mem>>)
    %add3A_111 = arith.constant 28672 : i32
    %add3A_112 = arith.addi %mul3A_37, %add3A_111 : i32
    %dma_start3A_113 = arith.constant 0 : i32
    %dma_start3A_114 = tpu.memref_slice %arg14[%dma_start3A_113] : memref<4096xf32, #tpu.memory_space<vmem>> -> memref<2576xf32, #tpu.memory_space<vmem>>
    %dma_start3A_115 = tpu.memref_slice %arg33[%add3A_112] : memref<500008xf32, #tpu.memory_space<vmem_shared>> -> memref<2576xf32, #tpu.memory_space<vmem_shared>>
    %dma_start3A_116 = tpu.memref_slice %arg33[%add3A_112] : memref<500008xf32, #tpu.memory_space<vmem_shared>> -> memref<2576xf32, #tpu.memory_space<vmem_shared>>
    %dma_start3A_117 = arith.constant 0 : i32
    %dma_start3A_118 = tpu.memref_slice %arg14[%dma_start3A_117] : memref<4096xf32, #tpu.memory_space<vmem>> -> memref<2576xf32, #tpu.memory_space<vmem>>
    tpu.enqueue_dma source(%dma_start3A_118 : memref<2576xf32, #tpu.memory_space<vmem>>) target(%dma_start3A_116 : memref<2576xf32, #tpu.memory_space<vmem_shared>>) target_semaphore(%arg28 : memref<!tpu.dma_semaphore, #tpu.memory_space<semaphore_mem>>)
    %dma_start3A_119 = arith.constant 0 : i32
    %dma_start3A_120 = tpu.memref_slice %arg14[%dma_start3A_119] : memref<4096xf32, #tpu.memory_space<vmem>> -> memref<40xf32, #tpu.memory_space<vmem>>
    %dma_start3A_121 = tpu.memref_slice %arg33[%select_n3A] : memref<500008xf32, #tpu.memory_space<vmem_shared>> -> memref<40xf32, #tpu.memory_space<vmem_shared>>
    %dma_start3A_122 = tpu.memref_slice %arg33[%select_n3A] : memref<500008xf32, #tpu.memory_space<vmem_shared>> -> memref<40xf32, #tpu.memory_space<vmem_shared>>
    %dma_start3A_123 = arith.constant 0 : i32
    %dma_start3A_124 = tpu.memref_slice %arg14[%dma_start3A_123] : memref<4096xf32, #tpu.memory_space<vmem>> -> memref<40xf32, #tpu.memory_space<vmem>>
    tpu.enqueue_dma source(%dma_start3A_124 : memref<40xf32, #tpu.memory_space<vmem>>) target(%dma_start3A_122 : memref<40xf32, #tpu.memory_space<vmem_shared>>) target_semaphore(%arg28 : memref<!tpu.dma_semaphore, #tpu.memory_space<semaphore_mem>>)
    %broadcast_in_dim3A_125 = arith.constant 1.000000e+00 : f32
    %broadcast_in_dim3A_126 = vector.broadcast %broadcast_in_dim3A_125 : f32 to vector<16xf32>
    %scan3A_127 = arith.constant 0 : i32
    %scan3A_128 = arith.constant 0 : i32
    %scan3A_129 = arith.constant 64 : i32
    %scan3A_130 = arith.addi %scan3A_128, %scan3A_129 : i32
    %scan3A_131 = arith.constant 1 : i32
    scf.for %scan3A_794 = %scan3A_128 to %scan3A_130 step %scan3A_131  : i32 {
      %shift_right_arithmetic3A = arith.constant 3 : i32
      %shift_right_arithmetic3A_795 = arith.shrsi %scan3A_794, %shift_right_arithmetic3A : i32
      %and3A = arith.constant 7 : i32
      %and3A_796 = arith.andi %scan3A_794, %and3A : i32
      %mul3A_797 = arith.constant 16 : i32
      %mul3A_798 = arith.muli %and3A_796, %mul3A_797 : i32
      %mul3A_799 = arith.constant 16 : i32
      %mul3A_800 = arith.muli %scan3A_794, %mul3A_799 : i32
      %get3A_801 = arith.index_cast %mul3A_800 : i32 to index
      %get3A_802 = tpu.vector_load %arg8[%get3A_801] {strides = array<i32>} : memref<1024xi32, #tpu.memory_space<vmem>>, vector<16xi32>,
      %get3A_803 = vector.shape_cast %get3A_802 : vector<16xi32> to vector<16xi32>
      %sub3A = vector.broadcast %mul3A_0 : i32 to vector<16xi32>
      %sub3A_804 = arith.subi %get3A_803, %sub3A : vector<16xi32>
      %ge3A = arith.constant 0 : i32
      %ge3A_805 = vector.broadcast %ge3A : i32 to vector<16xi32>
      %ge3A_806 = arith.cmpi sge, %sub3A_804, %ge3A_805 : vector<16xi32>
      %lt3A = arith.constant 500000 : i32
      %lt3A_807 = vector.broadcast %lt3A : i32 to vector<16xi32>
      %lt3A_808 = arith.cmpi slt, %sub3A_804, %lt3A_807 : vector<16xi32>
      %and3A_809 = arith.andi %ge3A_806, %lt3A_808 : vector<16xi1>
      %jit3A_810 = arith.constant 500000 : i32
      %broadcast_in_dim3A_811 = vector.broadcast %jit3A_810 : i32 to vector<16xi32>
      %select_n3A_812 = arith.select %and3A_809, %sub3A_804, %broadcast_in_dim3A_811 : vector<16xi1>, vector<16xi32>
      %swap3A = arith.index_cast %shift_right_arithmetic3A_795 : i32 to index
      %swap3A_813 = arith.index_cast %mul3A_798 : i32 to index
      %swap3A_814 = tpu.vector_load %arg13[%swap3A, %swap3A_813] {strides = array<i32>} : memref<8x128xi32, #tpu.memory_space<vmem>>, vector<1x16xi32>,
      %swap3A_815 = vector.shape_cast %swap3A_814 : vector<1x16xi32> to vector<16xi32>
      %swap3A_816 = vector.shape_cast %select_n3A_812 : vector<16xi32> to vector<1x16xi32>
      tpu.vector_store %arg13[%swap3A, %swap3A_813], %swap3A_816 {strides = array<i32>} : memref<8x128xi32, #tpu.memory_space<vmem>>, vector<1x16xi32>,
      %mul3A_817 = arith.constant 16 : i32
      %mul3A_818 = arith.muli %scan3A_794, %mul3A_817 : i32
      %get3A_819 = arith.index_cast %mul3A_818 : i32 to index
      %get3A_820 = tpu.vector_load %arg9[%get3A_819] {strides = array<i32>} : memref<1024xf32, #tpu.memory_space<vmem>>, vector<16xf32>,
      %get3A_821 = vector.shape_cast %get3A_820 : vector<16xf32> to vector<16xf32>
      %swap3A_822 = arith.index_cast %shift_right_arithmetic3A_795 : i32 to index
      %swap3A_823 = arith.index_cast %mul3A_798 : i32 to index
      %swap3A_824 = tpu.vector_load %arg11[%swap3A_822, %swap3A_823] {strides = array<i32>} : memref<8x128xf32, #tpu.memory_space<vmem>>, vector<1x16xf32>,
      %swap3A_825 = vector.shape_cast %swap3A_824 : vector<1x16xf32> to vector<16xf32>
      %swap3A_826 = vector.shape_cast %get3A_821 : vector<16xf32> to vector<1x16xf32>
      tpu.vector_store %arg11[%swap3A_822, %swap3A_823], %swap3A_826 {strides = array<i32>} : memref<8x128xf32, #tpu.memory_space<vmem>>, vector<1x16xf32>,
      %swap3A_827 = arith.index_cast %shift_right_arithmetic3A_795 : i32 to index
      %swap3A_828 = arith.index_cast %mul3A_798 : i32 to index
      %swap3A_829 = tpu.vector_load %arg12[%swap3A_827, %swap3A_828] {strides = array<i32>} : memref<8x128xf32, #tpu.memory_space<vmem>>, vector<1x16xf32>,
      %swap3A_830 = vector.shape_cast %swap3A_829 : vector<1x16xf32> to vector<16xf32>
      %swap3A_831 = vector.shape_cast %broadcast_in_dim3A_126 : vector<16xf32> to vector<1x16xf32>
      tpu.vector_store %arg12[%swap3A_827, %swap3A_828], %swap3A_831 {strides = array<i32>} : memref<8x128xf32, #tpu.memory_space<vmem>>, vector<1x16xf32>,
    }
    %scan3A_132 = arith.constant 64 : i32
    %dma_wait3A = tpu.memref_slice %arg32[%add3A_42] : memref<500008xf32, #tpu.memory_space<vmem_shared>> -> memref<4096xf32, #tpu.memory_space<vmem_shared>>
    %dma_wait3A_133 = tpu.memref_slice %arg32[%add3A_42] : memref<500008xf32, #tpu.memory_space<vmem_shared>> -> memref<4096xf32, #tpu.memory_space<vmem_shared>>
    tpu.wait_dma2 semaphore(%arg28 : memref<!tpu.dma_semaphore, #tpu.memory_space<semaphore_mem>>) src(%arg14 : memref<4096xf32, #tpu.memory_space<vmem>>) dst(%dma_wait3A_133 : memref<4096xf32, #tpu.memory_space<vmem_shared>>)
    %dma_wait3A_134 = tpu.memref_slice %arg33[%add3A_46] : memref<500008xf32, #tpu.memory_space<vmem_shared>> -> memref<4096xf32, #tpu.memory_space<vmem_shared>>
    %dma_wait3A_135 = tpu.memref_slice %arg33[%add3A_46] : memref<500008xf32, #tpu.memory_space<vmem_shared>> -> memref<4096xf32, #tpu.memory_space<vmem_shared>>
    tpu.wait_dma2 semaphore(%arg28 : memref<!tpu.dma_semaphore, #tpu.memory_space<semaphore_mem>>) src(%arg14 : memref<4096xf32, #tpu.memory_space<vmem>>) dst(%dma_wait3A_135 : memref<4096xf32, #tpu.memory_space<vmem_shared>>)
    %dma_wait3A_136 = tpu.memref_slice %arg32[%add3A_50] : memref<500008xf32, #tpu.memory_space<vmem_shared>> -> memref<4096xf32, #tpu.memory_space<vmem_shared>>
    %dma_wait3A_137 = tpu.memref_slice %arg32[%add3A_50] : memref<500008xf32, #tpu.memory_space<vmem_shared>> -> memref<4096xf32, #tpu.memory_space<vmem_shared>>
    tpu.wait_dma2 semaphore(%arg28 : memref<!tpu.dma_semaphore, #tpu.memory_space<semaphore_mem>>) src(%arg14 : memref<4096xf32, #tpu.memory_space<vmem>>) dst(%dma_wait3A_137 : memref<4096xf32, #tpu.memory_space<vmem_shared>>)
    %dma_wait3A_138 = tpu.memref_slice %arg33[%add3A_54] : memref<500008xf32, #tpu.memory_space<vmem_shared>> -> memref<4096xf32, #tpu.memory_space<vmem_shared>>
    %dma_wait3A_139 = tpu.memref_slice %arg33[%add3A_54] : memref<500008xf32, #tpu.memory_space<vmem_shared>> -> memref<4096xf32, #tpu.memory_space<vmem_shared>>
    tpu.wait_dma2 semaphore(%arg28 : memref<!tpu.dma_semaphore, #tpu.memory_space<semaphore_mem>>) src(%arg14 : memref<4096xf32, #tpu.memory_space<vmem>>) dst(%dma_wait3A_139 : memref<4096xf32, #tpu.memory_space<vmem_shared>>)
    %dma_wait3A_140 = tpu.memref_slice %arg32[%add3A_58] : memref<500008xf32, #tpu.memory_space<vmem_shared>> -> memref<4096xf32, #tpu.memory_space<vmem_shared>>
    %dma_wait3A_141 = tpu.memref_slice %arg32[%add3A_58] : memref<500008xf32, #tpu.memory_space<vmem_shared>> -> memref<4096xf32, #tpu.memory_space<vmem_shared>>
    tpu.wait_dma2 semaphore(%arg28 : memref<!tpu.dma_semaphore, #tpu.memory_space<semaphore_mem>>) src(%arg14 : memref<4096xf32, #tpu.memory_space<vmem>>) dst(%dma_wait3A_141 : memref<4096xf32, #tpu.memory_space<vmem_shared>>)
    %dma_wait3A_142 = tpu.memref_slice %arg33[%add3A_62] : memref<500008xf32, #tpu.memory_space<vmem_shared>> -> memref<4096xf32, #tpu.memory_space<vmem_shared>>
    %dma_wait3A_143 = tpu.memref_slice %arg33[%add3A_62] : memref<500008xf32, #tpu.memory_space<vmem_shared>> -> memref<4096xf32, #tpu.memory_space<vmem_shared>>
    tpu.wait_dma2 semaphore(%arg28 : memref<!tpu.dma_semaphore, #tpu.memory_space<semaphore_mem>>) src(%arg14 : memref<4096xf32, #tpu.memory_space<vmem>>) dst(%dma_wait3A_143 : memref<4096xf32, #tpu.memory_space<vmem_shared>>)
    %dma_wait3A_144 = tpu.memref_slice %arg32[%add3A_66] : memref<500008xf32, #tpu.memory_space<vmem_shared>> -> memref<4096xf32, #tpu.memory_space<vmem_shared>>
    %dma_wait3A_145 = tpu.memref_slice %arg32[%add3A_66] : memref<500008xf32, #tpu.memory_space<vmem_shared>> -> memref<4096xf32, #tpu.memory_space<vmem_shared>>
    tpu.wait_dma2 semaphore(%arg28 : memref<!tpu.dma_semaphore, #tpu.memory_space<semaphore_mem>>) src(%arg14 : memref<4096xf32, #tpu.memory_space<vmem>>) dst(%dma_wait3A_145 : memref<4096xf32, #tpu.memory_space<vmem_shared>>)
    %dma_wait3A_146 = tpu.memref_slice %arg33[%add3A_70] : memref<500008xf32, #tpu.memory_space<vmem_shared>> -> memref<4096xf32, #tpu.memory_space<vmem_shared>>
    %dma_wait3A_147 = tpu.memref_slice %arg33[%add3A_70] : memref<500008xf32, #tpu.memory_space<vmem_shared>> -> memref<4096xf32, #tpu.memory_space<vmem_shared>>
    tpu.wait_dma2 semaphore(%arg28 : memref<!tpu.dma_semaphore, #tpu.memory_space<semaphore_mem>>) src(%arg14 : memref<4096xf32, #tpu.memory_space<vmem>>) dst(%dma_wait3A_147 : memref<4096xf32, #tpu.memory_space<vmem_shared>>)
    %dma_wait3A_148 = tpu.memref_slice %arg32[%add3A_74] : memref<500008xf32, #tpu.memory_space<vmem_shared>> -> memref<4096xf32, #tpu.memory_space<vmem_shared>>
    %dma_wait3A_149 = tpu.memref_slice %arg32[%add3A_74] : memref<500008xf32, #tpu.memory_space<vmem_shared>> -> memref<4096xf32, #tpu.memory_space<vmem_shared>>
    tpu.wait_dma2 semaphore(%arg28 : memref<!tpu.dma_semaphore, #tpu.memory_space<semaphore_mem>>) src(%arg14 : memref<4096xf32, #tpu.memory_space<vmem>>) dst(%dma_wait3A_149 : memref<4096xf32, #tpu.memory_space<vmem_shared>>)
    %dma_wait3A_150 = tpu.memref_slice %arg33[%add3A_78] : memref<500008xf32, #tpu.memory_space<vmem_shared>> -> memref<4096xf32, #tpu.memory_space<vmem_shared>>
    %dma_wait3A_151 = tpu.memref_slice %arg33[%add3A_78] : memref<500008xf32, #tpu.memory_space<vmem_shared>> -> memref<4096xf32, #tpu.memory_space<vmem_shared>>
    tpu.wait_dma2 semaphore(%arg28 : memref<!tpu.dma_semaphore, #tpu.memory_space<semaphore_mem>>) src(%arg14 : memref<4096xf32, #tpu.memory_space<vmem>>) dst(%dma_wait3A_151 : memref<4096xf32, #tpu.memory_space<vmem_shared>>)
    %dma_wait3A_152 = tpu.memref_slice %arg32[%add3A_82] : memref<500008xf32, #tpu.memory_space<vmem_shared>> -> memref<4096xf32, #tpu.memory_space<vmem_shared>>
    %dma_wait3A_153 = tpu.memref_slice %arg32[%add3A_82] : memref<500008xf32, #tpu.memory_space<vmem_shared>> -> memref<4096xf32, #tpu.memory_space<vmem_shared>>
    tpu.wait_dma2 semaphore(%arg28 : memref<!tpu.dma_semaphore, #tpu.memory_space<semaphore_mem>>) src(%arg14 : memref<4096xf32, #tpu.memory_space<vmem>>) dst(%dma_wait3A_153 : memref<4096xf32, #tpu.memory_space<vmem_shared>>)
    %dma_wait3A_154 = tpu.memref_slice %arg33[%add3A_86] : memref<500008xf32, #tpu.memory_space<vmem_shared>> -> memref<4096xf32, #tpu.memory_space<vmem_shared>>
    %dma_wait3A_155 = tpu.memref_slice %arg33[%add3A_86] : memref<500008xf32, #tpu.memory_space<vmem_shared>> -> memref<4096xf32, #tpu.memory_space<vmem_shared>>
    tpu.wait_dma2 semaphore(%arg28 : memref<!tpu.dma_semaphore, #tpu.memory_space<semaphore_mem>>) src(%arg14 : memref<4096xf32, #tpu.memory_space<vmem>>) dst(%dma_wait3A_155 : memref<4096xf32, #tpu.memory_space<vmem_shared>>)
    %dma_wait3A_156 = tpu.memref_slice %arg32[%add3A_90] : memref<500008xf32, #tpu.memory_space<vmem_shared>> -> memref<4096xf32, #tpu.memory_space<vmem_shared>>
    %dma_wait3A_157 = tpu.memref_slice %arg32[%add3A_90] : memref<500008xf32, #tpu.memory_space<vmem_shared>> -> memref<4096xf32, #tpu.memory_space<vmem_shared>>
    tpu.wait_dma2 semaphore(%arg28 : memref<!tpu.dma_semaphore, #tpu.memory_space<semaphore_mem>>) src(%arg14 : memref<4096xf32, #tpu.memory_space<vmem>>) dst(%dma_wait3A_157 : memref<4096xf32, #tpu.memory_space<vmem_shared>>)
    %dma_wait3A_158 = tpu.memref_slice %arg33[%add3A_94] : memref<500008xf32, #tpu.memory_space<vmem_shared>> -> memref<4096xf32, #tpu.memory_space<vmem_shared>>
    %dma_wait3A_159 = tpu.memref_slice %arg33[%add3A_94] : memref<500008xf32, #tpu.memory_space<vmem_shared>> -> memref<4096xf32, #tpu.memory_space<vmem_shared>>
    tpu.wait_dma2 semaphore(%arg28 : memref<!tpu.dma_semaphore, #tpu.memory_space<semaphore_mem>>) src(%arg14 : memref<4096xf32, #tpu.memory_space<vmem>>) dst(%dma_wait3A_159 : memref<4096xf32, #tpu.memory_space<vmem_shared>>)
    %dma_wait3A_160 = arith.constant 0 : i32
    %dma_wait3A_161 = tpu.memref_slice %arg14[%dma_wait3A_160] : memref<4096xf32, #tpu.memory_space<vmem>> -> memref<2576xf32, #tpu.memory_space<vmem>>
    %dma_wait3A_162 = tpu.memref_slice %arg32[%add3A_98] : memref<500008xf32, #tpu.memory_space<vmem_shared>> -> memref<2576xf32, #tpu.memory_space<vmem_shared>>
    %dma_wait3A_163 = tpu.memref_slice %arg32[%add3A_98] : memref<500008xf32, #tpu.memory_space<vmem_shared>> -> memref<2576xf32, #tpu.memory_space<vmem_shared>>
    %dma_wait3A_164 = arith.constant 0 : i32
    %dma_wait3A_165 = tpu.memref_slice %arg14[%dma_wait3A_164] : memref<4096xf32, #tpu.memory_space<vmem>> -> memref<2576xf32, #tpu.memory_space<vmem>>
    tpu.wait_dma2 semaphore(%arg28 : memref<!tpu.dma_semaphore, #tpu.memory_space<semaphore_mem>>) src(%dma_wait3A_165 : memref<2576xf32, #tpu.memory_space<vmem>>) dst(%dma_wait3A_163 : memref<2576xf32, #tpu.memory_space<vmem_shared>>)
    %dma_wait3A_166 = arith.constant 0 : i32
    %dma_wait3A_167 = tpu.memref_slice %arg14[%dma_wait3A_166] : memref<4096xf32, #tpu.memory_space<vmem>> -> memref<40xf32, #tpu.memory_space<vmem>>
    %dma_wait3A_168 = tpu.memref_slice %arg32[%select_n3A] : memref<500008xf32, #tpu.memory_space<vmem_shared>> -> memref<40xf32, #tpu.memory_space<vmem_shared>>
    %dma_wait3A_169 = tpu.memref_slice %arg32[%select_n3A] : memref<500008xf32, #tpu.memory_space<vmem_shared>> -> memref<40xf32, #tpu.memory_space<vmem_shared>>
    %dma_wait3A_170 = arith.constant 0 : i32
    %dma_wait3A_171 = tpu.memref_slice %arg14[%dma_wait3A_170] : memref<4096xf32, #tpu.memory_space<vmem>> -> memref<40xf32, #tpu.memory_space<vmem>>
    tpu.wait_dma2 semaphore(%arg28 : memref<!tpu.dma_semaphore, #tpu.memory_space<semaphore_mem>>) src(%dma_wait3A_171 : memref<40xf32, #tpu.memory_space<vmem>>) dst(%dma_wait3A_169 : memref<40xf32, #tpu.memory_space<vmem_shared>>)
    %dma_wait3A_172 = arith.constant 0 : i32
    %dma_wait3A_173 = tpu.memref_slice %arg14[%dma_wait3A_172] : memref<4096xf32, #tpu.memory_space<vmem>> -> memref<2576xf32, #tpu.memory_space<vmem>>
    %dma_wait3A_174 = tpu.memref_slice %arg33[%add3A_112] : memref<500008xf32, #tpu.memory_space<vmem_shared>> -> memref<2576xf32, #tpu.memory_space<vmem_shared>>
    %dma_wait3A_175 = tpu.memref_slice %arg33[%add3A_112] : memref<500008xf32, #tpu.memory_space<vmem_shared>> -> memref<2576xf32, #tpu.memory_space<vmem_shared>>
    %dma_wait3A_176 = arith.constant 0 : i32
    %dma_wait3A_177 = tpu.memref_slice %arg14[%dma_wait3A_176] : memref<4096xf32, #tpu.memory_space<vmem>> -> memref<2576xf32, #tpu.memory_space<vmem>>
    tpu.wait_dma2 semaphore(%arg28 : memref<!tpu.dma_semaphore, #tpu.memory_space<semaphore_mem>>) src(%dma_wait3A_177 : memref<2576xf32, #tpu.memory_space<vmem>>) dst(%dma_wait3A_175 : memref<2576xf32, #tpu.memory_space<vmem_shared>>)
    %dma_wait3A_178 = arith.constant 0 : i32
    %dma_wait3A_179 = tpu.memref_slice %arg14[%dma_wait3A_178] : memref<4096xf32, #tpu.memory_space<vmem>> -> memref<40xf32, #tpu.memory_space<vmem>>
    %dma_wait3A_180 = tpu.memref_slice %arg33[%select_n3A] : memref<500008xf32, #tpu.memory_space<vmem_shared>> -> memref<40xf32, #tpu.memory_space<vmem_shared>>
    %dma_wait3A_181 = tpu.memref_slice %arg33[%select_n3A] : memref<500008xf32, #tpu.memory_space<vmem_shared>> -> memref<40xf32, #tpu.memory_space<vmem_shared>>
    %dma_wait3A_182 = arith.constant 0 : i32
    %dma_wait3A_183 = tpu.memref_slice %arg14[%dma_wait3A_182] : memref<4096xf32, #tpu.memory_space<vmem>> -> memref<40xf32, #tpu.memory_space<vmem>>
    tpu.wait_dma2 semaphore(%arg28 : memref<!tpu.dma_semaphore, #tpu.memory_space<semaphore_mem>>) src(%dma_wait3A_183 : memref<40xf32, #tpu.memory_space<vmem>>) dst(%dma_wait3A_181 : memref<40xf32, #tpu.memory_space<vmem_shared>>)
    %barrier3A = arith.constant 0 : index
    tpu.barrier barrier_id(%barrier3A)
    %dma_start3A_184 = arith.constant 0 : i32
    %dma_start3A_185 = arith.constant 0 : i32
    %dma_start3A_186 = arith.constant 0 : i32
    %dma_start3A_187 = tpu.memref_slice %arg12[%dma_start3A_184, %dma_start3A_186] : memref<8x128xf32, #tpu.memory_space<vmem>> -> memref<1x128xf32, #tpu.memory_space<vmem>>
    %dma_start3A_188 = tpu.memref_squeeze %dma_start3A_187 : memref<1x128xf32, #tpu.memory_space<vmem>> -> memref<128xf32, #tpu.memory_space<vmem>>
    %dma_start3A_189 = arith.constant 0 : i32
    %dma_start3A_190 = tpu.memref_slice %arg13[%dma_start3A_185, %dma_start3A_189] : memref<8x128xi32, #tpu.memory_space<vmem>> -> memref<1x128xi32, #tpu.memory_space<vmem>>
    %dma_start3A_191 = tpu.memref_squeeze %dma_start3A_190 : memref<1x128xi32, #tpu.memory_space<vmem>> -> memref<128xi32, #tpu.memory_space<vmem>>
    %dma_start3A_192 = arith.constant 0 : i32
    %dma_start3A_193 = tpu.memref_slice %arg32[%dma_start3A_192] : memref<500008xf32, #tpu.memory_space<vmem_shared>> -> memref<500008xf32, #tpu.memory_space<vmem_shared>>
    tpu.enqueue_indirect_dma source(%dma_start3A_188 : memref<128xf32, #tpu.memory_space<vmem>>) target(%dma_start3A_193 : memref<500008xf32, #tpu.memory_space<vmem_shared>>) offsets(%dma_start3A_191 : memref<128xi32, #tpu.memory_space<vmem>>) semaphore(%arg29 : memref<!tpu.dma_semaphore, #tpu.memory_space<semaphore_mem>>) {add = true}
    %dma_start3A_194 = arith.constant 0 : i32
    %dma_start3A_195 = arith.constant 0 : i32
    %dma_start3A_196 = arith.constant 0 : i32
    %dma_start3A_197 = tpu.memref_slice %arg11[%dma_start3A_194, %dma_start3A_196] : memref<8x128xf32, #tpu.memory_space<vmem>> -> memref<1x128xf32, #tpu.memory_space<vmem>>
    %dma_start3A_198 = tpu.memref_squeeze %dma_start3A_197 : memref<1x128xf32, #tpu.memory_space<vmem>> -> memref<128xf32, #tpu.memory_space<vmem>>
    %dma_start3A_199 = arith.constant 0 : i32
    %dma_start3A_200 = tpu.memref_slice %arg13[%dma_start3A_195, %dma_start3A_199] : memref<8x128xi32, #tpu.memory_space<vmem>> -> memref<1x128xi32, #tpu.memory_space<vmem>>
    %dma_start3A_201 = tpu.memref_squeeze %dma_start3A_200 : memref<1x128xi32, #tpu.memory_space<vmem>> -> memref<128xi32, #tpu.memory_space<vmem>>
    %dma_start3A_202 = arith.constant 0 : i32
    %dma_start3A_203 = tpu.memref_slice %arg33[%dma_start3A_202] : memref<500008xf32, #tpu.memory_space<vmem_shared>> -> memref<500008xf32, #tpu.memory_space<vmem_shared>>
    tpu.enqueue_indirect_dma source(%dma_start3A_198 : memref<128xf32, #tpu.memory_space<vmem>>) target(%dma_start3A_203 : memref<500008xf32, #tpu.memory_space<vmem_shared>>) offsets(%dma_start3A_201 : memref<128xi32, #tpu.memory_space<vmem>>) semaphore(%arg29 : memref<!tpu.dma_semaphore, #tpu.memory_space<semaphore_mem>>) {add = true}
    %dma_start3A_204 = arith.constant 1 : i32
    %dma_start3A_205 = arith.constant 1 : i32
    %dma_start3A_206 = arith.constant 0 : i32
    %dma_start3A_207 = tpu.memref_slice %arg12[%dma_start3A_204, %dma_start3A_206] : memref<8x128xf32, #tpu.memory_space<vmem>> -> memref<1x128xf32, #tpu.memory_space<vmem>>
    %dma_start3A_208 = tpu.memref_squeeze %dma_start3A_207 : memref<1x128xf32, #tpu.memory_space<vmem>> -> memref<128xf32, #tpu.memory_space<vmem>>
    %dma_start3A_209 = arith.constant 0 : i32
    %dma_start3A_210 = tpu.memref_slice %arg13[%dma_start3A_205, %dma_start3A_209] : memref<8x128xi32, #tpu.memory_space<vmem>> -> memref<1x128xi32, #tpu.memory_space<vmem>>
    %dma_start3A_211 = tpu.memref_squeeze %dma_start3A_210 : memref<1x128xi32, #tpu.memory_space<vmem>> -> memref<128xi32, #tpu.memory_space<vmem>>
    %dma_start3A_212 = arith.constant 0 : i32
    %dma_start3A_213 = tpu.memref_slice %arg32[%dma_start3A_212] : memref<500008xf32, #tpu.memory_space<vmem_shared>> -> memref<500008xf32, #tpu.memory_space<vmem_shared>>
    tpu.enqueue_indirect_dma source(%dma_start3A_208 : memref<128xf32, #tpu.memory_space<vmem>>) target(%dma_start3A_213 : memref<500008xf32, #tpu.memory_space<vmem_shared>>) offsets(%dma_start3A_211 : memref<128xi32, #tpu.memory_space<vmem>>) semaphore(%arg29 : memref<!tpu.dma_semaphore, #tpu.memory_space<semaphore_mem>>) {add = true}
    %dma_start3A_214 = arith.constant 1 : i32
    %dma_start3A_215 = arith.constant 1 : i32
    %dma_start3A_216 = arith.constant 0 : i32
    %dma_start3A_217 = tpu.memref_slice %arg11[%dma_start3A_214, %dma_start3A_216] : memref<8x128xf32, #tpu.memory_space<vmem>> -> memref<1x128xf32, #tpu.memory_space<vmem>>
    %dma_start3A_218 = tpu.memref_squeeze %dma_start3A_217 : memref<1x128xf32, #tpu.memory_space<vmem>> -> memref<128xf32, #tpu.memory_space<vmem>>
    %dma_start3A_219 = arith.constant 0 : i32
    %dma_start3A_220 = tpu.memref_slice %arg13[%dma_start3A_215, %dma_start3A_219] : memref<8x128xi32, #tpu.memory_space<vmem>> -> memref<1x128xi32, #tpu.memory_space<vmem>>
    %dma_start3A_221 = tpu.memref_squeeze %dma_start3A_220 : memref<1x128xi32, #tpu.memory_space<vmem>> -> memref<128xi32, #tpu.memory_space<vmem>>
    %dma_start3A_222 = arith.constant 0 : i32
    %dma_start3A_223 = tpu.memref_slice %arg33[%dma_start3A_222] : memref<500008xf32, #tpu.memory_space<vmem_shared>> -> memref<500008xf32, #tpu.memory_space<vmem_shared>>
    tpu.enqueue_indirect_dma source(%dma_start3A_218 : memref<128xf32, #tpu.memory_space<vmem>>) target(%dma_start3A_223 : memref<500008xf32, #tpu.memory_space<vmem_shared>>) offsets(%dma_start3A_221 : memref<128xi32, #tpu.memory_space<vmem>>) semaphore(%arg29 : memref<!tpu.dma_semaphore, #tpu.memory_space<semaphore_mem>>) {add = true}
    %dma_start3A_224 = arith.constant 2 : i32
    %dma_start3A_225 = arith.constant 2 : i32
    %dma_start3A_226 = arith.constant 0 : i32
    %dma_start3A_227 = tpu.memref_slice %arg12[%dma_start3A_224, %dma_start3A_226] : memref<8x128xf32, #tpu.memory_space<vmem>> -> memref<1x128xf32, #tpu.memory_space<vmem>>
    %dma_start3A_228 = tpu.memref_squeeze %dma_start3A_227 : memref<1x128xf32, #tpu.memory_space<vmem>> -> memref<128xf32, #tpu.memory_space<vmem>>
    %dma_start3A_229 = arith.constant 0 : i32
    %dma_start3A_230 = tpu.memref_slice %arg13[%dma_start3A_225, %dma_start3A_229] : memref<8x128xi32, #tpu.memory_space<vmem>> -> memref<1x128xi32, #tpu.memory_space<vmem>>
    %dma_start3A_231 = tpu.memref_squeeze %dma_start3A_230 : memref<1x128xi32, #tpu.memory_space<vmem>> -> memref<128xi32, #tpu.memory_space<vmem>>
    %dma_start3A_232 = arith.constant 0 : i32
    %dma_start3A_233 = tpu.memref_slice %arg32[%dma_start3A_232] : memref<500008xf32, #tpu.memory_space<vmem_shared>> -> memref<500008xf32, #tpu.memory_space<vmem_shared>>
    tpu.enqueue_indirect_dma source(%dma_start3A_228 : memref<128xf32, #tpu.memory_space<vmem>>) target(%dma_start3A_233 : memref<500008xf32, #tpu.memory_space<vmem_shared>>) offsets(%dma_start3A_231 : memref<128xi32, #tpu.memory_space<vmem>>) semaphore(%arg29 : memref<!tpu.dma_semaphore, #tpu.memory_space<semaphore_mem>>) {add = true}
    %dma_start3A_234 = arith.constant 2 : i32
    %dma_start3A_235 = arith.constant 2 : i32
    %dma_start3A_236 = arith.constant 0 : i32
    %dma_start3A_237 = tpu.memref_slice %arg11[%dma_start3A_234, %dma_start3A_236] : memref<8x128xf32, #tpu.memory_space<vmem>> -> memref<1x128xf32, #tpu.memory_space<vmem>>
    %dma_start3A_238 = tpu.memref_squeeze %dma_start3A_237 : memref<1x128xf32, #tpu.memory_space<vmem>> -> memref<128xf32, #tpu.memory_space<vmem>>
    %dma_start3A_239 = arith.constant 0 : i32
    %dma_start3A_240 = tpu.memref_slice %arg13[%dma_start3A_235, %dma_start3A_239] : memref<8x128xi32, #tpu.memory_space<vmem>> -> memref<1x128xi32, #tpu.memory_space<vmem>>
    %dma_start3A_241 = tpu.memref_squeeze %dma_start3A_240 : memref<1x128xi32, #tpu.memory_space<vmem>> -> memref<128xi32, #tpu.memory_space<vmem>>
    %dma_start3A_242 = arith.constant 0 : i32
    %dma_start3A_243 = tpu.memref_slice %arg33[%dma_start3A_242] : memref<500008xf32, #tpu.memory_space<vmem_shared>> -> memref<500008xf32, #tpu.memory_space<vmem_shared>>
    tpu.enqueue_indirect_dma source(%dma_start3A_238 : memref<128xf32, #tpu.memory_space<vmem>>) target(%dma_start3A_243 : memref<500008xf32, #tpu.memory_space<vmem_shared>>) offsets(%dma_start3A_241 : memref<128xi32, #tpu.memory_space<vmem>>) semaphore(%arg29 : memref<!tpu.dma_semaphore, #tpu.memory_space<semaphore_mem>>) {add = true}
    %dma_start3A_244 = arith.constant 3 : i32
    %dma_start3A_245 = arith.constant 3 : i32
    %dma_start3A_246 = arith.constant 0 : i32
    %dma_start3A_247 = tpu.memref_slice %arg12[%dma_start3A_244, %dma_start3A_246] : memref<8x128xf32, #tpu.memory_space<vmem>> -> memref<1x128xf32, #tpu.memory_space<vmem>>
    %dma_start3A_248 = tpu.memref_squeeze %dma_start3A_247 : memref<1x128xf32, #tpu.memory_space<vmem>> -> memref<128xf32, #tpu.memory_space<vmem>>
    %dma_start3A_249 = arith.constant 0 : i32
    %dma_start3A_250 = tpu.memref_slice %arg13[%dma_start3A_245, %dma_start3A_249] : memref<8x128xi32, #tpu.memory_space<vmem>> -> memref<1x128xi32, #tpu.memory_space<vmem>>
    %dma_start3A_251 = tpu.memref_squeeze %dma_start3A_250 : memref<1x128xi32, #tpu.memory_space<vmem>> -> memref<128xi32, #tpu.memory_space<vmem>>
    %dma_start3A_252 = arith.constant 0 : i32
    %dma_start3A_253 = tpu.memref_slice %arg32[%dma_start3A_252] : memref<500008xf32, #tpu.memory_space<vmem_shared>> -> memref<500008xf32, #tpu.memory_space<vmem_shared>>
    tpu.enqueue_indirect_dma source(%dma_start3A_248 : memref<128xf32, #tpu.memory_space<vmem>>) target(%dma_start3A_253 : memref<500008xf32, #tpu.memory_space<vmem_shared>>) offsets(%dma_start3A_251 : memref<128xi32, #tpu.memory_space<vmem>>) semaphore(%arg29 : memref<!tpu.dma_semaphore, #tpu.memory_space<semaphore_mem>>) {add = true}
    %dma_start3A_254 = arith.constant 3 : i32
    %dma_start3A_255 = arith.constant 3 : i32
    %dma_start3A_256 = arith.constant 0 : i32
    %dma_start3A_257 = tpu.memref_slice %arg11[%dma_start3A_254, %dma_start3A_256] : memref<8x128xf32, #tpu.memory_space<vmem>> -> memref<1x128xf32, #tpu.memory_space<vmem>>
    %dma_start3A_258 = tpu.memref_squeeze %dma_start3A_257 : memref<1x128xf32, #tpu.memory_space<vmem>> -> memref<128xf32, #tpu.memory_space<vmem>>
    %dma_start3A_259 = arith.constant 0 : i32
    %dma_start3A_260 = tpu.memref_slice %arg13[%dma_start3A_255, %dma_start3A_259] : memref<8x128xi32, #tpu.memory_space<vmem>> -> memref<1x128xi32, #tpu.memory_space<vmem>>
    %dma_start3A_261 = tpu.memref_squeeze %dma_start3A_260 : memref<1x128xi32, #tpu.memory_space<vmem>> -> memref<128xi32, #tpu.memory_space<vmem>>
    %dma_start3A_262 = arith.constant 0 : i32
    %dma_start3A_263 = tpu.memref_slice %arg33[%dma_start3A_262] : memref<500008xf32, #tpu.memory_space<vmem_shared>> -> memref<500008xf32, #tpu.memory_space<vmem_shared>>
    tpu.enqueue_indirect_dma source(%dma_start3A_258 : memref<128xf32, #tpu.memory_space<vmem>>) target(%dma_start3A_263 : memref<500008xf32, #tpu.memory_space<vmem_shared>>) offsets(%dma_start3A_261 : memref<128xi32, #tpu.memory_space<vmem>>) semaphore(%arg29 : memref<!tpu.dma_semaphore, #tpu.memory_space<semaphore_mem>>) {add = true}
    %dma_start3A_264 = arith.constant 4 : i32
    %dma_start3A_265 = arith.constant 4 : i32
    %dma_start3A_266 = arith.constant 0 : i32
    %dma_start3A_267 = tpu.memref_slice %arg12[%dma_start3A_264, %dma_start3A_266] : memref<8x128xf32, #tpu.memory_space<vmem>> -> memref<1x128xf32, #tpu.memory_space<vmem>>
    %dma_start3A_268 = tpu.memref_squeeze %dma_start3A_267 : memref<1x128xf32, #tpu.memory_space<vmem>> -> memref<128xf32, #tpu.memory_space<vmem>>
    %dma_start3A_269 = arith.constant 0 : i32
    %dma_start3A_270 = tpu.memref_slice %arg13[%dma_start3A_265, %dma_start3A_269] : memref<8x128xi32, #tpu.memory_space<vmem>> -> memref<1x128xi32, #tpu.memory_space<vmem>>
    %dma_start3A_271 = tpu.memref_squeeze %dma_start3A_270 : memref<1x128xi32, #tpu.memory_space<vmem>> -> memref<128xi32, #tpu.memory_space<vmem>>
    %dma_start3A_272 = arith.constant 0 : i32
    %dma_start3A_273 = tpu.memref_slice %arg32[%dma_start3A_272] : memref<500008xf32, #tpu.memory_space<vmem_shared>> -> memref<500008xf32, #tpu.memory_space<vmem_shared>>
    tpu.enqueue_indirect_dma source(%dma_start3A_268 : memref<128xf32, #tpu.memory_space<vmem>>) target(%dma_start3A_273 : memref<500008xf32, #tpu.memory_space<vmem_shared>>) offsets(%dma_start3A_271 : memref<128xi32, #tpu.memory_space<vmem>>) semaphore(%arg29 : memref<!tpu.dma_semaphore, #tpu.memory_space<semaphore_mem>>) {add = true}
    %dma_start3A_274 = arith.constant 4 : i32
    %dma_start3A_275 = arith.constant 4 : i32
    %dma_start3A_276 = arith.constant 0 : i32
    %dma_start3A_277 = tpu.memref_slice %arg11[%dma_start3A_274, %dma_start3A_276] : memref<8x128xf32, #tpu.memory_space<vmem>> -> memref<1x128xf32, #tpu.memory_space<vmem>>
    %dma_start3A_278 = tpu.memref_squeeze %dma_start3A_277 : memref<1x128xf32, #tpu.memory_space<vmem>> -> memref<128xf32, #tpu.memory_space<vmem>>
    %dma_start3A_279 = arith.constant 0 : i32
    %dma_start3A_280 = tpu.memref_slice %arg13[%dma_start3A_275, %dma_start3A_279] : memref<8x128xi32, #tpu.memory_space<vmem>> -> memref<1x128xi32, #tpu.memory_space<vmem>>
    %dma_start3A_281 = tpu.memref_squeeze %dma_start3A_280 : memref<1x128xi32, #tpu.memory_space<vmem>> -> memref<128xi32, #tpu.memory_space<vmem>>
    %dma_start3A_282 = arith.constant 0 : i32
    %dma_start3A_283 = tpu.memref_slice %arg33[%dma_start3A_282] : memref<500008xf32, #tpu.memory_space<vmem_shared>> -> memref<500008xf32, #tpu.memory_space<vmem_shared>>
    tpu.enqueue_indirect_dma source(%dma_start3A_278 : memref<128xf32, #tpu.memory_space<vmem>>) target(%dma_start3A_283 : memref<500008xf32, #tpu.memory_space<vmem_shared>>) offsets(%dma_start3A_281 : memref<128xi32, #tpu.memory_space<vmem>>) semaphore(%arg29 : memref<!tpu.dma_semaphore, #tpu.memory_space<semaphore_mem>>) {add = true}
    %dma_start3A_284 = arith.constant 5 : i32
    %dma_start3A_285 = arith.constant 5 : i32
    %dma_start3A_286 = arith.constant 0 : i32
    %dma_start3A_287 = tpu.memref_slice %arg12[%dma_start3A_284, %dma_start3A_286] : memref<8x128xf32, #tpu.memory_space<vmem>> -> memref<1x128xf32, #tpu.memory_space<vmem>>
    %dma_start3A_288 = tpu.memref_squeeze %dma_start3A_287 : memref<1x128xf32, #tpu.memory_space<vmem>> -> memref<128xf32, #tpu.memory_space<vmem>>
    %dma_start3A_289 = arith.constant 0 : i32
    %dma_start3A_290 = tpu.memref_slice %arg13[%dma_start3A_285, %dma_start3A_289] : memref<8x128xi32, #tpu.memory_space<vmem>> -> memref<1x128xi32, #tpu.memory_space<vmem>>
    %dma_start3A_291 = tpu.memref_squeeze %dma_start3A_290 : memref<1x128xi32, #tpu.memory_space<vmem>> -> memref<128xi32, #tpu.memory_space<vmem>>
    %dma_start3A_292 = arith.constant 0 : i32
    %dma_start3A_293 = tpu.memref_slice %arg32[%dma_start3A_292] : memref<500008xf32, #tpu.memory_space<vmem_shared>> -> memref<500008xf32, #tpu.memory_space<vmem_shared>>
    tpu.enqueue_indirect_dma source(%dma_start3A_288 : memref<128xf32, #tpu.memory_space<vmem>>) target(%dma_start3A_293 : memref<500008xf32, #tpu.memory_space<vmem_shared>>) offsets(%dma_start3A_291 : memref<128xi32, #tpu.memory_space<vmem>>) semaphore(%arg29 : memref<!tpu.dma_semaphore, #tpu.memory_space<semaphore_mem>>) {add = true}
    %dma_start3A_294 = arith.constant 5 : i32
    %dma_start3A_295 = arith.constant 5 : i32
    %dma_start3A_296 = arith.constant 0 : i32
    %dma_start3A_297 = tpu.memref_slice %arg11[%dma_start3A_294, %dma_start3A_296] : memref<8x128xf32, #tpu.memory_space<vmem>> -> memref<1x128xf32, #tpu.memory_space<vmem>>
    %dma_start3A_298 = tpu.memref_squeeze %dma_start3A_297 : memref<1x128xf32, #tpu.memory_space<vmem>> -> memref<128xf32, #tpu.memory_space<vmem>>
    %dma_start3A_299 = arith.constant 0 : i32
    %dma_start3A_300 = tpu.memref_slice %arg13[%dma_start3A_295, %dma_start3A_299] : memref<8x128xi32, #tpu.memory_space<vmem>> -> memref<1x128xi32, #tpu.memory_space<vmem>>
    %dma_start3A_301 = tpu.memref_squeeze %dma_start3A_300 : memref<1x128xi32, #tpu.memory_space<vmem>> -> memref<128xi32, #tpu.memory_space<vmem>>
    %dma_start3A_302 = arith.constant 0 : i32
    %dma_start3A_303 = tpu.memref_slice %arg33[%dma_start3A_302] : memref<500008xf32, #tpu.memory_space<vmem_shared>> -> memref<500008xf32, #tpu.memory_space<vmem_shared>>
    tpu.enqueue_indirect_dma source(%dma_start3A_298 : memref<128xf32, #tpu.memory_space<vmem>>) target(%dma_start3A_303 : memref<500008xf32, #tpu.memory_space<vmem_shared>>) offsets(%dma_start3A_301 : memref<128xi32, #tpu.memory_space<vmem>>) semaphore(%arg29 : memref<!tpu.dma_semaphore, #tpu.memory_space<semaphore_mem>>) {add = true}
    %dma_start3A_304 = arith.constant 6 : i32
    %dma_start3A_305 = arith.constant 6 : i32
    %dma_start3A_306 = arith.constant 0 : i32
    %dma_start3A_307 = tpu.memref_slice %arg12[%dma_start3A_304, %dma_start3A_306] : memref<8x128xf32, #tpu.memory_space<vmem>> -> memref<1x128xf32, #tpu.memory_space<vmem>>
    %dma_start3A_308 = tpu.memref_squeeze %dma_start3A_307 : memref<1x128xf32, #tpu.memory_space<vmem>> -> memref<128xf32, #tpu.memory_space<vmem>>
    %dma_start3A_309 = arith.constant 0 : i32
    %dma_start3A_310 = tpu.memref_slice %arg13[%dma_start3A_305, %dma_start3A_309] : memref<8x128xi32, #tpu.memory_space<vmem>> -> memref<1x128xi32, #tpu.memory_space<vmem>>
    %dma_start3A_311 = tpu.memref_squeeze %dma_start3A_310 : memref<1x128xi32, #tpu.memory_space<vmem>> -> memref<128xi32, #tpu.memory_space<vmem>>
    %dma_start3A_312 = arith.constant 0 : i32
    %dma_start3A_313 = tpu.memref_slice %arg32[%dma_start3A_312] : memref<500008xf32, #tpu.memory_space<vmem_shared>> -> memref<500008xf32, #tpu.memory_space<vmem_shared>>
    tpu.enqueue_indirect_dma source(%dma_start3A_308 : memref<128xf32, #tpu.memory_space<vmem>>) target(%dma_start3A_313 : memref<500008xf32, #tpu.memory_space<vmem_shared>>) offsets(%dma_start3A_311 : memref<128xi32, #tpu.memory_space<vmem>>) semaphore(%arg29 : memref<!tpu.dma_semaphore, #tpu.memory_space<semaphore_mem>>) {add = true}
    %dma_start3A_314 = arith.constant 6 : i32
    %dma_start3A_315 = arith.constant 6 : i32
    %dma_start3A_316 = arith.constant 0 : i32
    %dma_start3A_317 = tpu.memref_slice %arg11[%dma_start3A_314, %dma_start3A_316] : memref<8x128xf32, #tpu.memory_space<vmem>> -> memref<1x128xf32, #tpu.memory_space<vmem>>
    %dma_start3A_318 = tpu.memref_squeeze %dma_start3A_317 : memref<1x128xf32, #tpu.memory_space<vmem>> -> memref<128xf32, #tpu.memory_space<vmem>>
    %dma_start3A_319 = arith.constant 0 : i32
    %dma_start3A_320 = tpu.memref_slice %arg13[%dma_start3A_315, %dma_start3A_319] : memref<8x128xi32, #tpu.memory_space<vmem>> -> memref<1x128xi32, #tpu.memory_space<vmem>>
    %dma_start3A_321 = tpu.memref_squeeze %dma_start3A_320 : memref<1x128xi32, #tpu.memory_space<vmem>> -> memref<128xi32, #tpu.memory_space<vmem>>
    %dma_start3A_322 = arith.constant 0 : i32
    %dma_start3A_323 = tpu.memref_slice %arg33[%dma_start3A_322] : memref<500008xf32, #tpu.memory_space<vmem_shared>> -> memref<500008xf32, #tpu.memory_space<vmem_shared>>
    tpu.enqueue_indirect_dma source(%dma_start3A_318 : memref<128xf32, #tpu.memory_space<vmem>>) target(%dma_start3A_323 : memref<500008xf32, #tpu.memory_space<vmem_shared>>) offsets(%dma_start3A_321 : memref<128xi32, #tpu.memory_space<vmem>>) semaphore(%arg29 : memref<!tpu.dma_semaphore, #tpu.memory_space<semaphore_mem>>) {add = true}
    %dma_start3A_324 = arith.constant 7 : i32
    %dma_start3A_325 = arith.constant 7 : i32
    %dma_start3A_326 = arith.constant 0 : i32
    %dma_start3A_327 = tpu.memref_slice %arg12[%dma_start3A_324, %dma_start3A_326] : memref<8x128xf32, #tpu.memory_space<vmem>> -> memref<1x128xf32, #tpu.memory_space<vmem>>
    %dma_start3A_328 = tpu.memref_squeeze %dma_start3A_327 : memref<1x128xf32, #tpu.memory_space<vmem>> -> memref<128xf32, #tpu.memory_space<vmem>>
    %dma_start3A_329 = arith.constant 0 : i32
    %dma_start3A_330 = tpu.memref_slice %arg13[%dma_start3A_325, %dma_start3A_329] : memref<8x128xi32, #tpu.memory_space<vmem>> -> memref<1x128xi32, #tpu.memory_space<vmem>>
    %dma_start3A_331 = tpu.memref_squeeze %dma_start3A_330 : memref<1x128xi32, #tpu.memory_space<vmem>> -> memref<128xi32, #tpu.memory_space<vmem>>
    %dma_start3A_332 = arith.constant 0 : i32
    %dma_start3A_333 = tpu.memref_slice %arg32[%dma_start3A_332] : memref<500008xf32, #tpu.memory_space<vmem_shared>> -> memref<500008xf32, #tpu.memory_space<vmem_shared>>
    tpu.enqueue_indirect_dma source(%dma_start3A_328 : memref<128xf32, #tpu.memory_space<vmem>>) target(%dma_start3A_333 : memref<500008xf32, #tpu.memory_space<vmem_shared>>) offsets(%dma_start3A_331 : memref<128xi32, #tpu.memory_space<vmem>>) semaphore(%arg29 : memref<!tpu.dma_semaphore, #tpu.memory_space<semaphore_mem>>) {add = true}
    %dma_start3A_334 = arith.constant 7 : i32
    %dma_start3A_335 = arith.constant 7 : i32
    %dma_start3A_336 = arith.constant 0 : i32
    %dma_start3A_337 = tpu.memref_slice %arg11[%dma_start3A_334, %dma_start3A_336] : memref<8x128xf32, #tpu.memory_space<vmem>> -> memref<1x128xf32, #tpu.memory_space<vmem>>
    %dma_start3A_338 = tpu.memref_squeeze %dma_start3A_337 : memref<1x128xf32, #tpu.memory_space<vmem>> -> memref<128xf32, #tpu.memory_space<vmem>>
    %dma_start3A_339 = arith.constant 0 : i32
    %dma_start3A_340 = tpu.memref_slice %arg13[%dma_start3A_335, %dma_start3A_339] : memref<8x128xi32, #tpu.memory_space<vmem>> -> memref<1x128xi32, #tpu.memory_space<vmem>>
    %dma_start3A_341 = tpu.memref_squeeze %dma_start3A_340 : memref<1x128xi32, #tpu.memory_space<vmem>> -> memref<128xi32, #tpu.memory_space<vmem>>
    %dma_start3A_342 = arith.constant 0 : i32
    %dma_start3A_343 = tpu.memref_slice %arg33[%dma_start3A_342] : memref<500008xf32, #tpu.memory_space<vmem_shared>> -> memref<500008xf32, #tpu.memory_space<vmem_shared>>
    tpu.enqueue_indirect_dma source(%dma_start3A_338 : memref<128xf32, #tpu.memory_space<vmem>>) target(%dma_start3A_343 : memref<500008xf32, #tpu.memory_space<vmem_shared>>) offsets(%dma_start3A_341 : memref<128xi32, #tpu.memory_space<vmem>>) semaphore(%arg29 : memref<!tpu.dma_semaphore, #tpu.memory_space<semaphore_mem>>) {add = true}
    %dma_wait3A_344 = arith.constant 0 : i32
    %dma_wait3A_345 = arith.constant 0 : i32
    %dma_wait3A_346 = arith.constant 0 : i32
    %dma_wait3A_347 = tpu.memref_slice %arg12[%dma_wait3A_344, %dma_wait3A_346] : memref<8x128xf32, #tpu.memory_space<vmem>> -> memref<1x128xf32, #tpu.memory_space<vmem>>
    %dma_wait3A_348 = tpu.memref_squeeze %dma_wait3A_347 : memref<1x128xf32, #tpu.memory_space<vmem>> -> memref<128xf32, #tpu.memory_space<vmem>>
    %dma_wait3A_349 = arith.constant 0 : i32
    %dma_wait3A_350 = tpu.memref_slice %arg13[%dma_wait3A_345, %dma_wait3A_349] : memref<8x128xi32, #tpu.memory_space<vmem>> -> memref<1x128xi32, #tpu.memory_space<vmem>>
    %dma_wait3A_351 = tpu.memref_squeeze %dma_wait3A_350 : memref<1x128xi32, #tpu.memory_space<vmem>> -> memref<128xi32, #tpu.memory_space<vmem>>
    %dma_wait3A_352 = arith.constant 0 : i32
    %dma_wait3A_353 = tpu.memref_slice %arg32[%dma_wait3A_352] : memref<500008xf32, #tpu.memory_space<vmem_shared>> -> memref<500008xf32, #tpu.memory_space<vmem_shared>>
    tpu.wait_indirect_dma semaphore(%arg29 : memref<!tpu.dma_semaphore, #tpu.memory_space<semaphore_mem>>) src(%dma_wait3A_348 : memref<128xf32, #tpu.memory_space<vmem>>) dst(%dma_wait3A_353 : memref<500008xf32, #tpu.memory_space<vmem_shared>>)
    %dma_wait3A_354 = arith.constant 0 : i32
    %dma_wait3A_355 = arith.constant 0 : i32
    %dma_wait3A_356 = arith.constant 0 : i32
    %dma_wait3A_357 = tpu.memref_slice %arg11[%dma_wait3A_354, %dma_wait3A_356] : memref<8x128xf32, #tpu.memory_space<vmem>> -> memref<1x128xf32, #tpu.memory_space<vmem>>
    %dma_wait3A_358 = tpu.memref_squeeze %dma_wait3A_357 : memref<1x128xf32, #tpu.memory_space<vmem>> -> memref<128xf32, #tpu.memory_space<vmem>>
    %dma_wait3A_359 = arith.constant 0 : i32
    %dma_wait3A_360 = tpu.memref_slice %arg13[%dma_wait3A_355, %dma_wait3A_359] : memref<8x128xi32, #tpu.memory_space<vmem>> -> memref<1x128xi32, #tpu.memory_space<vmem>>
    %dma_wait3A_361 = tpu.memref_squeeze %dma_wait3A_360 : memref<1x128xi32, #tpu.memory_space<vmem>> -> memref<128xi32, #tpu.memory_space<vmem>>
    %dma_wait3A_362 = arith.constant 0 : i32
    %dma_wait3A_363 = tpu.memref_slice %arg33[%dma_wait3A_362] : memref<500008xf32, #tpu.memory_space<vmem_shared>> -> memref<500008xf32, #tpu.memory_space<vmem_shared>>
    tpu.wait_indirect_dma semaphore(%arg29 : memref<!tpu.dma_semaphore, #tpu.memory_space<semaphore_mem>>) src(%dma_wait3A_358 : memref<128xf32, #tpu.memory_space<vmem>>) dst(%dma_wait3A_363 : memref<500008xf32, #tpu.memory_space<vmem_shared>>)
    %dma_wait3A_364 = arith.constant 1 : i32
    %dma_wait3A_365 = arith.constant 1 : i32
    %dma_wait3A_366 = arith.constant 0 : i32
    %dma_wait3A_367 = tpu.memref_slice %arg12[%dma_wait3A_364, %dma_wait3A_366] : memref<8x128xf32, #tpu.memory_space<vmem>> -> memref<1x128xf32, #tpu.memory_space<vmem>>
    %dma_wait3A_368 = tpu.memref_squeeze %dma_wait3A_367 : memref<1x128xf32, #tpu.memory_space<vmem>> -> memref<128xf32, #tpu.memory_space<vmem>>
    %dma_wait3A_369 = arith.constant 0 : i32
    %dma_wait3A_370 = tpu.memref_slice %arg13[%dma_wait3A_365, %dma_wait3A_369] : memref<8x128xi32, #tpu.memory_space<vmem>> -> memref<1x128xi32, #tpu.memory_space<vmem>>
    %dma_wait3A_371 = tpu.memref_squeeze %dma_wait3A_370 : memref<1x128xi32, #tpu.memory_space<vmem>> -> memref<128xi32, #tpu.memory_space<vmem>>
    %dma_wait3A_372 = arith.constant 0 : i32
    %dma_wait3A_373 = tpu.memref_slice %arg32[%dma_wait3A_372] : memref<500008xf32, #tpu.memory_space<vmem_shared>> -> memref<500008xf32, #tpu.memory_space<vmem_shared>>
    tpu.wait_indirect_dma semaphore(%arg29 : memref<!tpu.dma_semaphore, #tpu.memory_space<semaphore_mem>>) src(%dma_wait3A_368 : memref<128xf32, #tpu.memory_space<vmem>>) dst(%dma_wait3A_373 : memref<500008xf32, #tpu.memory_space<vmem_shared>>)
    %dma_wait3A_374 = arith.constant 1 : i32
    %dma_wait3A_375 = arith.constant 1 : i32
    %dma_wait3A_376 = arith.constant 0 : i32
    %dma_wait3A_377 = tpu.memref_slice %arg11[%dma_wait3A_374, %dma_wait3A_376] : memref<8x128xf32, #tpu.memory_space<vmem>> -> memref<1x128xf32, #tpu.memory_space<vmem>>
    %dma_wait3A_378 = tpu.memref_squeeze %dma_wait3A_377 : memref<1x128xf32, #tpu.memory_space<vmem>> -> memref<128xf32, #tpu.memory_space<vmem>>
    %dma_wait3A_379 = arith.constant 0 : i32
    %dma_wait3A_380 = tpu.memref_slice %arg13[%dma_wait3A_375, %dma_wait3A_379] : memref<8x128xi32, #tpu.memory_space<vmem>> -> memref<1x128xi32, #tpu.memory_space<vmem>>
    %dma_wait3A_381 = tpu.memref_squeeze %dma_wait3A_380 : memref<1x128xi32, #tpu.memory_space<vmem>> -> memref<128xi32, #tpu.memory_space<vmem>>
    %dma_wait3A_382 = arith.constant 0 : i32
    %dma_wait3A_383 = tpu.memref_slice %arg33[%dma_wait3A_382] : memref<500008xf32, #tpu.memory_space<vmem_shared>> -> memref<500008xf32, #tpu.memory_space<vmem_shared>>
    tpu.wait_indirect_dma semaphore(%arg29 : memref<!tpu.dma_semaphore, #tpu.memory_space<semaphore_mem>>) src(%dma_wait3A_378 : memref<128xf32, #tpu.memory_space<vmem>>) dst(%dma_wait3A_383 : memref<500008xf32, #tpu.memory_space<vmem_shared>>)
    %dma_wait3A_384 = arith.constant 2 : i32
    %dma_wait3A_385 = arith.constant 2 : i32
    %dma_wait3A_386 = arith.constant 0 : i32
    %dma_wait3A_387 = tpu.memref_slice %arg12[%dma_wait3A_384, %dma_wait3A_386] : memref<8x128xf32, #tpu.memory_space<vmem>> -> memref<1x128xf32, #tpu.memory_space<vmem>>
    %dma_wait3A_388 = tpu.memref_squeeze %dma_wait3A_387 : memref<1x128xf32, #tpu.memory_space<vmem>> -> memref<128xf32, #tpu.memory_space<vmem>>
    %dma_wait3A_389 = arith.constant 0 : i32
    %dma_wait3A_390 = tpu.memref_slice %arg13[%dma_wait3A_385, %dma_wait3A_389] : memref<8x128xi32, #tpu.memory_space<vmem>> -> memref<1x128xi32, #tpu.memory_space<vmem>>
    %dma_wait3A_391 = tpu.memref_squeeze %dma_wait3A_390 : memref<1x128xi32, #tpu.memory_space<vmem>> -> memref<128xi32, #tpu.memory_space<vmem>>
    %dma_wait3A_392 = arith.constant 0 : i32
    %dma_wait3A_393 = tpu.memref_slice %arg32[%dma_wait3A_392] : memref<500008xf32, #tpu.memory_space<vmem_shared>> -> memref<500008xf32, #tpu.memory_space<vmem_shared>>
    tpu.wait_indirect_dma semaphore(%arg29 : memref<!tpu.dma_semaphore, #tpu.memory_space<semaphore_mem>>) src(%dma_wait3A_388 : memref<128xf32, #tpu.memory_space<vmem>>) dst(%dma_wait3A_393 : memref<500008xf32, #tpu.memory_space<vmem_shared>>)
    %dma_wait3A_394 = arith.constant 2 : i32
    %dma_wait3A_395 = arith.constant 2 : i32
    %dma_wait3A_396 = arith.constant 0 : i32
    %dma_wait3A_397 = tpu.memref_slice %arg11[%dma_wait3A_394, %dma_wait3A_396] : memref<8x128xf32, #tpu.memory_space<vmem>> -> memref<1x128xf32, #tpu.memory_space<vmem>>
    %dma_wait3A_398 = tpu.memref_squeeze %dma_wait3A_397 : memref<1x128xf32, #tpu.memory_space<vmem>> -> memref<128xf32, #tpu.memory_space<vmem>>
    %dma_wait3A_399 = arith.constant 0 : i32
    %dma_wait3A_400 = tpu.memref_slice %arg13[%dma_wait3A_395, %dma_wait3A_399] : memref<8x128xi32, #tpu.memory_space<vmem>> -> memref<1x128xi32, #tpu.memory_space<vmem>>
    %dma_wait3A_401 = tpu.memref_squeeze %dma_wait3A_400 : memref<1x128xi32, #tpu.memory_space<vmem>> -> memref<128xi32, #tpu.memory_space<vmem>>
    %dma_wait3A_402 = arith.constant 0 : i32
    %dma_wait3A_403 = tpu.memref_slice %arg33[%dma_wait3A_402] : memref<500008xf32, #tpu.memory_space<vmem_shared>> -> memref<500008xf32, #tpu.memory_space<vmem_shared>>
    tpu.wait_indirect_dma semaphore(%arg29 : memref<!tpu.dma_semaphore, #tpu.memory_space<semaphore_mem>>) src(%dma_wait3A_398 : memref<128xf32, #tpu.memory_space<vmem>>) dst(%dma_wait3A_403 : memref<500008xf32, #tpu.memory_space<vmem_shared>>)
    %dma_wait3A_404 = arith.constant 3 : i32
    %dma_wait3A_405 = arith.constant 3 : i32
    %dma_wait3A_406 = arith.constant 0 : i32
    %dma_wait3A_407 = tpu.memref_slice %arg12[%dma_wait3A_404, %dma_wait3A_406] : memref<8x128xf32, #tpu.memory_space<vmem>> -> memref<1x128xf32, #tpu.memory_space<vmem>>
    %dma_wait3A_408 = tpu.memref_squeeze %dma_wait3A_407 : memref<1x128xf32, #tpu.memory_space<vmem>> -> memref<128xf32, #tpu.memory_space<vmem>>
    %dma_wait3A_409 = arith.constant 0 : i32
    %dma_wait3A_410 = tpu.memref_slice %arg13[%dma_wait3A_405, %dma_wait3A_409] : memref<8x128xi32, #tpu.memory_space<vmem>> -> memref<1x128xi32, #tpu.memory_space<vmem>>
    %dma_wait3A_411 = tpu.memref_squeeze %dma_wait3A_410 : memref<1x128xi32, #tpu.memory_space<vmem>> -> memref<128xi32, #tpu.memory_space<vmem>>
    %dma_wait3A_412 = arith.constant 0 : i32
    %dma_wait3A_413 = tpu.memref_slice %arg32[%dma_wait3A_412] : memref<500008xf32, #tpu.memory_space<vmem_shared>> -> memref<500008xf32, #tpu.memory_space<vmem_shared>>
    tpu.wait_indirect_dma semaphore(%arg29 : memref<!tpu.dma_semaphore, #tpu.memory_space<semaphore_mem>>) src(%dma_wait3A_408 : memref<128xf32, #tpu.memory_space<vmem>>) dst(%dma_wait3A_413 : memref<500008xf32, #tpu.memory_space<vmem_shared>>)
    %dma_wait3A_414 = arith.constant 3 : i32
    %dma_wait3A_415 = arith.constant 3 : i32
    %dma_wait3A_416 = arith.constant 0 : i32
    %dma_wait3A_417 = tpu.memref_slice %arg11[%dma_wait3A_414, %dma_wait3A_416] : memref<8x128xf32, #tpu.memory_space<vmem>> -> memref<1x128xf32, #tpu.memory_space<vmem>>
    %dma_wait3A_418 = tpu.memref_squeeze %dma_wait3A_417 : memref<1x128xf32, #tpu.memory_space<vmem>> -> memref<128xf32, #tpu.memory_space<vmem>>
    %dma_wait3A_419 = arith.constant 0 : i32
    %dma_wait3A_420 = tpu.memref_slice %arg13[%dma_wait3A_415, %dma_wait3A_419] : memref<8x128xi32, #tpu.memory_space<vmem>> -> memref<1x128xi32, #tpu.memory_space<vmem>>
    %dma_wait3A_421 = tpu.memref_squeeze %dma_wait3A_420 : memref<1x128xi32, #tpu.memory_space<vmem>> -> memref<128xi32, #tpu.memory_space<vmem>>
    %dma_wait3A_422 = arith.constant 0 : i32
    %dma_wait3A_423 = tpu.memref_slice %arg33[%dma_wait3A_422] : memref<500008xf32, #tpu.memory_space<vmem_shared>> -> memref<500008xf32, #tpu.memory_space<vmem_shared>>
    tpu.wait_indirect_dma semaphore(%arg29 : memref<!tpu.dma_semaphore, #tpu.memory_space<semaphore_mem>>) src(%dma_wait3A_418 : memref<128xf32, #tpu.memory_space<vmem>>) dst(%dma_wait3A_423 : memref<500008xf32, #tpu.memory_space<vmem_shared>>)
    %dma_wait3A_424 = arith.constant 4 : i32
    %dma_wait3A_425 = arith.constant 4 : i32
    %dma_wait3A_426 = arith.constant 0 : i32
    %dma_wait3A_427 = tpu.memref_slice %arg12[%dma_wait3A_424, %dma_wait3A_426] : memref<8x128xf32, #tpu.memory_space<vmem>> -> memref<1x128xf32, #tpu.memory_space<vmem>>
    %dma_wait3A_428 = tpu.memref_squeeze %dma_wait3A_427 : memref<1x128xf32, #tpu.memory_space<vmem>> -> memref<128xf32, #tpu.memory_space<vmem>>
    %dma_wait3A_429 = arith.constant 0 : i32
    %dma_wait3A_430 = tpu.memref_slice %arg13[%dma_wait3A_425, %dma_wait3A_429] : memref<8x128xi32, #tpu.memory_space<vmem>> -> memref<1x128xi32, #tpu.memory_space<vmem>>
    %dma_wait3A_431 = tpu.memref_squeeze %dma_wait3A_430 : memref<1x128xi32, #tpu.memory_space<vmem>> -> memref<128xi32, #tpu.memory_space<vmem>>
    %dma_wait3A_432 = arith.constant 0 : i32
    %dma_wait3A_433 = tpu.memref_slice %arg32[%dma_wait3A_432] : memref<500008xf32, #tpu.memory_space<vmem_shared>> -> memref<500008xf32, #tpu.memory_space<vmem_shared>>
    tpu.wait_indirect_dma semaphore(%arg29 : memref<!tpu.dma_semaphore, #tpu.memory_space<semaphore_mem>>) src(%dma_wait3A_428 : memref<128xf32, #tpu.memory_space<vmem>>) dst(%dma_wait3A_433 : memref<500008xf32, #tpu.memory_space<vmem_shared>>)
    %dma_wait3A_434 = arith.constant 4 : i32
    %dma_wait3A_435 = arith.constant 4 : i32
    %dma_wait3A_436 = arith.constant 0 : i32
    %dma_wait3A_437 = tpu.memref_slice %arg11[%dma_wait3A_434, %dma_wait3A_436] : memref<8x128xf32, #tpu.memory_space<vmem>> -> memref<1x128xf32, #tpu.memory_space<vmem>>
    %dma_wait3A_438 = tpu.memref_squeeze %dma_wait3A_437 : memref<1x128xf32, #tpu.memory_space<vmem>> -> memref<128xf32, #tpu.memory_space<vmem>>
    %dma_wait3A_439 = arith.constant 0 : i32
    %dma_wait3A_440 = tpu.memref_slice %arg13[%dma_wait3A_435, %dma_wait3A_439] : memref<8x128xi32, #tpu.memory_space<vmem>> -> memref<1x128xi32, #tpu.memory_space<vmem>>
    %dma_wait3A_441 = tpu.memref_squeeze %dma_wait3A_440 : memref<1x128xi32, #tpu.memory_space<vmem>> -> memref<128xi32, #tpu.memory_space<vmem>>
    %dma_wait3A_442 = arith.constant 0 : i32
    %dma_wait3A_443 = tpu.memref_slice %arg33[%dma_wait3A_442] : memref<500008xf32, #tpu.memory_space<vmem_shared>> -> memref<500008xf32, #tpu.memory_space<vmem_shared>>
    tpu.wait_indirect_dma semaphore(%arg29 : memref<!tpu.dma_semaphore, #tpu.memory_space<semaphore_mem>>) src(%dma_wait3A_438 : memref<128xf32, #tpu.memory_space<vmem>>) dst(%dma_wait3A_443 : memref<500008xf32, #tpu.memory_space<vmem_shared>>)
    %dma_wait3A_444 = arith.constant 5 : i32
    %dma_wait3A_445 = arith.constant 5 : i32
    %dma_wait3A_446 = arith.constant 0 : i32
    %dma_wait3A_447 = tpu.memref_slice %arg12[%dma_wait3A_444, %dma_wait3A_446] : memref<8x128xf32, #tpu.memory_space<vmem>> -> memref<1x128xf32, #tpu.memory_space<vmem>>
    %dma_wait3A_448 = tpu.memref_squeeze %dma_wait3A_447 : memref<1x128xf32, #tpu.memory_space<vmem>> -> memref<128xf32, #tpu.memory_space<vmem>>
    %dma_wait3A_449 = arith.constant 0 : i32
    %dma_wait3A_450 = tpu.memref_slice %arg13[%dma_wait3A_445, %dma_wait3A_449] : memref<8x128xi32, #tpu.memory_space<vmem>> -> memref<1x128xi32, #tpu.memory_space<vmem>>
    %dma_wait3A_451 = tpu.memref_squeeze %dma_wait3A_450 : memref<1x128xi32, #tpu.memory_space<vmem>> -> memref<128xi32, #tpu.memory_space<vmem>>
    %dma_wait3A_452 = arith.constant 0 : i32
    %dma_wait3A_453 = tpu.memref_slice %arg32[%dma_wait3A_452] : memref<500008xf32, #tpu.memory_space<vmem_shared>> -> memref<500008xf32, #tpu.memory_space<vmem_shared>>
    tpu.wait_indirect_dma semaphore(%arg29 : memref<!tpu.dma_semaphore, #tpu.memory_space<semaphore_mem>>) src(%dma_wait3A_448 : memref<128xf32, #tpu.memory_space<vmem>>) dst(%dma_wait3A_453 : memref<500008xf32, #tpu.memory_space<vmem_shared>>)
    %dma_wait3A_454 = arith.constant 5 : i32
    %dma_wait3A_455 = arith.constant 5 : i32
    %dma_wait3A_456 = arith.constant 0 : i32
    %dma_wait3A_457 = tpu.memref_slice %arg11[%dma_wait3A_454, %dma_wait3A_456] : memref<8x128xf32, #tpu.memory_space<vmem>> -> memref<1x128xf32, #tpu.memory_space<vmem>>
    %dma_wait3A_458 = tpu.memref_squeeze %dma_wait3A_457 : memref<1x128xf32, #tpu.memory_space<vmem>> -> memref<128xf32, #tpu.memory_space<vmem>>
    %dma_wait3A_459 = arith.constant 0 : i32
    %dma_wait3A_460 = tpu.memref_slice %arg13[%dma_wait3A_455, %dma_wait3A_459] : memref<8x128xi32, #tpu.memory_space<vmem>> -> memref<1x128xi32, #tpu.memory_space<vmem>>
    %dma_wait3A_461 = tpu.memref_squeeze %dma_wait3A_460 : memref<1x128xi32, #tpu.memory_space<vmem>> -> memref<128xi32, #tpu.memory_space<vmem>>
    %dma_wait3A_462 = arith.constant 0 : i32
    %dma_wait3A_463 = tpu.memref_slice %arg33[%dma_wait3A_462] : memref<500008xf32, #tpu.memory_space<vmem_shared>> -> memref<500008xf32, #tpu.memory_space<vmem_shared>>
    tpu.wait_indirect_dma semaphore(%arg29 : memref<!tpu.dma_semaphore, #tpu.memory_space<semaphore_mem>>) src(%dma_wait3A_458 : memref<128xf32, #tpu.memory_space<vmem>>) dst(%dma_wait3A_463 : memref<500008xf32, #tpu.memory_space<vmem_shared>>)
    %dma_wait3A_464 = arith.constant 6 : i32
    %dma_wait3A_465 = arith.constant 6 : i32
    %dma_wait3A_466 = arith.constant 0 : i32
    %dma_wait3A_467 = tpu.memref_slice %arg12[%dma_wait3A_464, %dma_wait3A_466] : memref<8x128xf32, #tpu.memory_space<vmem>> -> memref<1x128xf32, #tpu.memory_space<vmem>>
    %dma_wait3A_468 = tpu.memref_squeeze %dma_wait3A_467 : memref<1x128xf32, #tpu.memory_space<vmem>> -> memref<128xf32, #tpu.memory_space<vmem>>
    %dma_wait3A_469 = arith.constant 0 : i32
    %dma_wait3A_470 = tpu.memref_slice %arg13[%dma_wait3A_465, %dma_wait3A_469] : memref<8x128xi32, #tpu.memory_space<vmem>> -> memref<1x128xi32, #tpu.memory_space<vmem>>
    %dma_wait3A_471 = tpu.memref_squeeze %dma_wait3A_470 : memref<1x128xi32, #tpu.memory_space<vmem>> -> memref<128xi32, #tpu.memory_space<vmem>>
    %dma_wait3A_472 = arith.constant 0 : i32
    %dma_wait3A_473 = tpu.memref_slice %arg32[%dma_wait3A_472] : memref<500008xf32, #tpu.memory_space<vmem_shared>> -> memref<500008xf32, #tpu.memory_space<vmem_shared>>
    tpu.wait_indirect_dma semaphore(%arg29 : memref<!tpu.dma_semaphore, #tpu.memory_space<semaphore_mem>>) src(%dma_wait3A_468 : memref<128xf32, #tpu.memory_space<vmem>>) dst(%dma_wait3A_473 : memref<500008xf32, #tpu.memory_space<vmem_shared>>)
    %dma_wait3A_474 = arith.constant 6 : i32
    %dma_wait3A_475 = arith.constant 6 : i32
    %dma_wait3A_476 = arith.constant 0 : i32
    %dma_wait3A_477 = tpu.memref_slice %arg11[%dma_wait3A_474, %dma_wait3A_476] : memref<8x128xf32, #tpu.memory_space<vmem>> -> memref<1x128xf32, #tpu.memory_space<vmem>>
    %dma_wait3A_478 = tpu.memref_squeeze %dma_wait3A_477 : memref<1x128xf32, #tpu.memory_space<vmem>> -> memref<128xf32, #tpu.memory_space<vmem>>
    %dma_wait3A_479 = arith.constant 0 : i32
    %dma_wait3A_480 = tpu.memref_slice %arg13[%dma_wait3A_475, %dma_wait3A_479] : memref<8x128xi32, #tpu.memory_space<vmem>> -> memref<1x128xi32, #tpu.memory_space<vmem>>
    %dma_wait3A_481 = tpu.memref_squeeze %dma_wait3A_480 : memref<1x128xi32, #tpu.memory_space<vmem>> -> memref<128xi32, #tpu.memory_space<vmem>>
    %dma_wait3A_482 = arith.constant 0 : i32
    %dma_wait3A_483 = tpu.memref_slice %arg33[%dma_wait3A_482] : memref<500008xf32, #tpu.memory_space<vmem_shared>> -> memref<500008xf32, #tpu.memory_space<vmem_shared>>
    tpu.wait_indirect_dma semaphore(%arg29 : memref<!tpu.dma_semaphore, #tpu.memory_space<semaphore_mem>>) src(%dma_wait3A_478 : memref<128xf32, #tpu.memory_space<vmem>>) dst(%dma_wait3A_483 : memref<500008xf32, #tpu.memory_space<vmem_shared>>)
    %dma_wait3A_484 = arith.constant 7 : i32
    %dma_wait3A_485 = arith.constant 7 : i32
    %dma_wait3A_486 = arith.constant 0 : i32
    %dma_wait3A_487 = tpu.memref_slice %arg12[%dma_wait3A_484, %dma_wait3A_486] : memref<8x128xf32, #tpu.memory_space<vmem>> -> memref<1x128xf32, #tpu.memory_space<vmem>>
    %dma_wait3A_488 = tpu.memref_squeeze %dma_wait3A_487 : memref<1x128xf32, #tpu.memory_space<vmem>> -> memref<128xf32, #tpu.memory_space<vmem>>
    %dma_wait3A_489 = arith.constant 0 : i32
    %dma_wait3A_490 = tpu.memref_slice %arg13[%dma_wait3A_485, %dma_wait3A_489] : memref<8x128xi32, #tpu.memory_space<vmem>> -> memref<1x128xi32, #tpu.memory_space<vmem>>
    %dma_wait3A_491 = tpu.memref_squeeze %dma_wait3A_490 : memref<1x128xi32, #tpu.memory_space<vmem>> -> memref<128xi32, #tpu.memory_space<vmem>>
    %dma_wait3A_492 = arith.constant 0 : i32
    %dma_wait3A_493 = tpu.memref_slice %arg32[%dma_wait3A_492] : memref<500008xf32, #tpu.memory_space<vmem_shared>> -> memref<500008xf32, #tpu.memory_space<vmem_shared>>
    tpu.wait_indirect_dma semaphore(%arg29 : memref<!tpu.dma_semaphore, #tpu.memory_space<semaphore_mem>>) src(%dma_wait3A_488 : memref<128xf32, #tpu.memory_space<vmem>>) dst(%dma_wait3A_493 : memref<500008xf32, #tpu.memory_space<vmem_shared>>)
    %dma_wait3A_494 = arith.constant 7 : i32
    %dma_wait3A_495 = arith.constant 7 : i32
    %dma_wait3A_496 = arith.constant 0 : i32
    %dma_wait3A_497 = tpu.memref_slice %arg11[%dma_wait3A_494, %dma_wait3A_496] : memref<8x128xf32, #tpu.memory_space<vmem>> -> memref<1x128xf32, #tpu.memory_space<vmem>>
    %dma_wait3A_498 = tpu.memref_squeeze %dma_wait3A_497 : memref<1x128xf32, #tpu.memory_space<vmem>> -> memref<128xf32, #tpu.memory_space<vmem>>
    %dma_wait3A_499 = arith.constant 0 : i32
    %dma_wait3A_500 = tpu.memref_slice %arg13[%dma_wait3A_495, %dma_wait3A_499] : memref<8x128xi32, #tpu.memory_space<vmem>> -> memref<1x128xi32, #tpu.memory_space<vmem>>
    %dma_wait3A_501 = tpu.memref_squeeze %dma_wait3A_500 : memref<1x128xi32, #tpu.memory_space<vmem>> -> memref<128xi32, #tpu.memory_space<vmem>>
    %dma_wait3A_502 = arith.constant 0 : i32
    %dma_wait3A_503 = tpu.memref_slice %arg33[%dma_wait3A_502] : memref<500008xf32, #tpu.memory_space<vmem_shared>> -> memref<500008xf32, #tpu.memory_space<vmem_shared>>
    tpu.wait_indirect_dma semaphore(%arg29 : memref<!tpu.dma_semaphore, #tpu.memory_space<semaphore_mem>>) src(%dma_wait3A_498 : memref<128xf32, #tpu.memory_space<vmem>>) dst(%dma_wait3A_503 : memref<500008xf32, #tpu.memory_space<vmem_shared>>)
    %barrier3A_504 = arith.constant 0 : index
    tpu.barrier barrier_id(%barrier3A_504)
    %add3A_505 = arith.constant 0 : i32
    %add3A_506 = arith.addi %mul3A_37, %add3A_505 : i32
    %dma_start3A_507 = tpu.memref_slice %arg32[%add3A_506] : memref<500008xf32, #tpu.memory_space<vmem_shared>> -> memref<4464xf32, #tpu.memory_space<vmem_shared>>
    %dma_start3A_508 = tpu.memref_slice %arg32[%add3A_506] : memref<500008xf32, #tpu.memory_space<vmem_shared>> -> memref<4464xf32, #tpu.memory_space<vmem_shared>>
    tpu.enqueue_dma source(%dma_start3A_508 : memref<4464xf32, #tpu.memory_space<vmem_shared>>) target(%arg17 : memref<4464xf32, #tpu.memory_space<vmem>>) target_semaphore(%arg30 : memref<!tpu.dma_semaphore, #tpu.memory_space<semaphore_mem>>)
    %add3A_509 = arith.constant 0 : i32
    %add3A_510 = arith.addi %mul3A_37, %add3A_509 : i32
    %dma_start3A_511 = tpu.memref_slice %arg33[%add3A_510] : memref<500008xf32, #tpu.memory_space<vmem_shared>> -> memref<4464xf32, #tpu.memory_space<vmem_shared>>
    %dma_start3A_512 = tpu.memref_slice %arg33[%add3A_510] : memref<500008xf32, #tpu.memory_space<vmem_shared>> -> memref<4464xf32, #tpu.memory_space<vmem_shared>>
    tpu.enqueue_dma source(%dma_start3A_512 : memref<4464xf32, #tpu.memory_space<vmem_shared>>) target(%arg18 : memref<4464xf32, #tpu.memory_space<vmem>>) target_semaphore(%arg30 : memref<!tpu.dma_semaphore, #tpu.memory_space<semaphore_mem>>)
    %add3A_513 = arith.constant 4464 : i32
    %add3A_514 = arith.addi %mul3A_37, %add3A_513 : i32
    %dma_start3A_515 = tpu.memref_slice %arg32[%add3A_514] : memref<500008xf32, #tpu.memory_space<vmem_shared>> -> memref<4464xf32, #tpu.memory_space<vmem_shared>>
    %dma_start3A_516 = tpu.memref_slice %arg32[%add3A_514] : memref<500008xf32, #tpu.memory_space<vmem_shared>> -> memref<4464xf32, #tpu.memory_space<vmem_shared>>
    tpu.enqueue_dma source(%dma_start3A_516 : memref<4464xf32, #tpu.memory_space<vmem_shared>>) target(%arg21 : memref<4464xf32, #tpu.memory_space<vmem>>) target_semaphore(%arg30 : memref<!tpu.dma_semaphore, #tpu.memory_space<semaphore_mem>>)
    %add3A_517 = arith.constant 4464 : i32
    %add3A_518 = arith.addi %mul3A_37, %add3A_517 : i32
    %dma_start3A_519 = tpu.memref_slice %arg33[%add3A_518] : memref<500008xf32, #tpu.memory_space<vmem_shared>> -> memref<4464xf32, #tpu.memory_space<vmem_shared>>
    %dma_start3A_520 = tpu.memref_slice %arg33[%add3A_518] : memref<500008xf32, #tpu.memory_space<vmem_shared>> -> memref<4464xf32, #tpu.memory_space<vmem_shared>>
    tpu.enqueue_dma source(%dma_start3A_520 : memref<4464xf32, #tpu.memory_space<vmem_shared>>) target(%arg22 : memref<4464xf32, #tpu.memory_space<vmem>>) target_semaphore(%arg30 : memref<!tpu.dma_semaphore, #tpu.memory_space<semaphore_mem>>)
    %add3A_521 = arith.constant 8928 : i32
    %add3A_522 = arith.addi %mul3A_37, %add3A_521 : i32
    %dma_start3A_523 = tpu.memref_slice %arg32[%add3A_522] : memref<500008xf32, #tpu.memory_space<vmem_shared>> -> memref<4464xf32, #tpu.memory_space<vmem_shared>>
    %dma_start3A_524 = tpu.memref_slice %arg32[%add3A_522] : memref<500008xf32, #tpu.memory_space<vmem_shared>> -> memref<4464xf32, #tpu.memory_space<vmem_shared>>
    tpu.enqueue_dma source(%dma_start3A_524 : memref<4464xf32, #tpu.memory_space<vmem_shared>>) target(%arg25 : memref<4464xf32, #tpu.memory_space<vmem>>) target_semaphore(%arg30 : memref<!tpu.dma_semaphore, #tpu.memory_space<semaphore_mem>>)
    %add3A_525 = arith.constant 8928 : i32
    %add3A_526 = arith.addi %mul3A_37, %add3A_525 : i32
    %dma_start3A_527 = tpu.memref_slice %arg33[%add3A_526] : memref<500008xf32, #tpu.memory_space<vmem_shared>> -> memref<4464xf32, #tpu.memory_space<vmem_shared>>
    %dma_start3A_528 = tpu.memref_slice %arg33[%add3A_526] : memref<500008xf32, #tpu.memory_space<vmem_shared>> -> memref<4464xf32, #tpu.memory_space<vmem_shared>>
    tpu.enqueue_dma source(%dma_start3A_528 : memref<4464xf32, #tpu.memory_space<vmem_shared>>) target(%arg26 : memref<4464xf32, #tpu.memory_space<vmem>>) target_semaphore(%arg30 : memref<!tpu.dma_semaphore, #tpu.memory_space<semaphore_mem>>)
    %get3A = arith.constant 0 : index
    %get3A_529 = tpu.vector_load %arg10[%get3A] {strides = array<i32>} : memref<16xf32, #tpu.memory_space<vmem>>, vector<16xf32>,
    %get3A_530 = vector.shape_cast %get3A_529 : vector<16xf32> to vector<16xf32>
    %dma_wait3A_531 = tpu.memref_slice %arg2[%add3A_4] : memref<1000000xf32, #tpu.memory_space<hbm>> -> memref<4464xf32, #tpu.memory_space<hbm>>
    %dma_wait3A_532 = tpu.memref_slice %arg2[%add3A_4] : memref<1000000xf32, #tpu.memory_space<hbm>> -> memref<4464xf32, #tpu.memory_space<hbm>>
    tpu.wait_dma2 semaphore(%arg27 : memref<!tpu.dma_semaphore, #tpu.memory_space<semaphore_mem>>) src(%dma_wait3A_532 : memref<4464xf32, #tpu.memory_space<hbm>>) dst(%arg15 : memref<4464xf32, #tpu.memory_space<vmem>>)
    %dma_wait3A_533 = tpu.memref_slice %arg3[%add3A_7] : memref<1000000xf32, #tpu.memory_space<hbm>> -> memref<4464xf32, #tpu.memory_space<hbm>>
    %dma_wait3A_534 = tpu.memref_slice %arg3[%add3A_7] : memref<1000000xf32, #tpu.memory_space<hbm>> -> memref<4464xf32, #tpu.memory_space<hbm>>
    tpu.wait_dma2 semaphore(%arg27 : memref<!tpu.dma_semaphore, #tpu.memory_space<semaphore_mem>>) src(%dma_wait3A_534 : memref<4464xf32, #tpu.memory_space<hbm>>) dst(%arg16 : memref<4464xf32, #tpu.memory_space<vmem>>)
    %dma_wait3A_535 = tpu.memref_slice %arg32[%add3A_506] : memref<500008xf32, #tpu.memory_space<vmem_shared>> -> memref<4464xf32, #tpu.memory_space<vmem_shared>>
    %dma_wait3A_536 = tpu.memref_slice %arg32[%add3A_506] : memref<500008xf32, #tpu.memory_space<vmem_shared>> -> memref<4464xf32, #tpu.memory_space<vmem_shared>>
    tpu.wait_dma2 semaphore(%arg30 : memref<!tpu.dma_semaphore, #tpu.memory_space<semaphore_mem>>) src(%dma_wait3A_536 : memref<4464xf32, #tpu.memory_space<vmem_shared>>) dst(%arg17 : memref<4464xf32, #tpu.memory_space<vmem>>)
    %dma_wait3A_537 = tpu.memref_slice %arg33[%add3A_510] : memref<500008xf32, #tpu.memory_space<vmem_shared>> -> memref<4464xf32, #tpu.memory_space<vmem_shared>>
    %dma_wait3A_538 = tpu.memref_slice %arg33[%add3A_510] : memref<500008xf32, #tpu.memory_space<vmem_shared>> -> memref<4464xf32, #tpu.memory_space<vmem_shared>>
    tpu.wait_dma2 semaphore(%arg30 : memref<!tpu.dma_semaphore, #tpu.memory_space<semaphore_mem>>) src(%dma_wait3A_538 : memref<4464xf32, #tpu.memory_space<vmem_shared>>) dst(%arg18 : memref<4464xf32, #tpu.memory_space<vmem>>)
    %scan3A_539 = arith.constant 0 : i32
    %scan3A_540 = arith.constant 0 : i32
    %scan3A_541 = arith.constant 93 : i32
    %scan3A_542 = arith.addi %scan3A_540, %scan3A_541 : i32
    %scan3A_543 = arith.constant 1 : i32
    scf.for %scan3A_794 = %scan3A_540 to %scan3A_542 step %scan3A_543  : i32 {
      %mul3A_795 = arith.constant 48 : i32
      %mul3A_796 = arith.muli %scan3A_794, %mul3A_795 : i32
      %add3A_797 = arith.constant 0 : i32
      %add3A_798 = arith.addi %mul3A_796, %add3A_797 : i32
      %get3A_799 = arith.index_cast %add3A_798 : i32 to index
      %get3A_800 = tpu.vector_load %arg15[%get3A_799] {strides = array<i32>} : memref<4464xf32, #tpu.memory_space<vmem>>, vector<16xf32>,
      %get3A_801 = vector.shape_cast %get3A_800 : vector<16xf32> to vector<16xf32>
      %get3A_802 = arith.index_cast %add3A_798 : i32 to index
      %get3A_803 = tpu.vector_load %arg16[%get3A_802] {strides = array<i32>} : memref<4464xf32, #tpu.memory_space<vmem>>, vector<16xf32>,
      %get3A_804 = vector.shape_cast %get3A_803 : vector<16xf32> to vector<16xf32>
      %get3A_805 = arith.index_cast %add3A_798 : i32 to index
      %get3A_806 = tpu.vector_load %arg17[%get3A_805] {strides = array<i32>} : memref<4464xf32, #tpu.memory_space<vmem>>, vector<16xf32>,
      %get3A_807 = vector.shape_cast %get3A_806 : vector<16xf32> to vector<16xf32>
      %get3A_808 = arith.index_cast %add3A_798 : i32 to index
      %get3A_809 = tpu.vector_load %arg18[%get3A_808] {strides = array<i32>} : memref<4464xf32, #tpu.memory_space<vmem>>, vector<16xf32>,
      %get3A_810 = vector.shape_cast %get3A_809 : vector<16xf32> to vector<16xf32>
      %mul3A_811 = arith.mulf %get3A_530, %get3A_804 : vector<16xf32>
      %mul3A_812 = arith.mulf %get3A_807, %mul3A_811 : vector<16xf32>
      %add3A_813 = arith.constant 1.000000e+00 : f32
      %add3A_814 = vector.broadcast %add3A_813 : f32 to vector<16xf32>
      %add3A_815 = arith.addf %add3A_814, %mul3A_812 : vector<16xf32>
      %div3A = arith.constant 1.000000e+00 : f32
      %div3A_816 = vector.broadcast %div3A : f32 to vector<16xf32>
      %div3A_817 = arith.divf %div3A_816, %add3A_815 : vector<16xf32>
      %mul3A_818 = arith.mulf %get3A_810, %mul3A_811 : vector<16xf32>
      %add3A_819 = arith.addf %get3A_801, %mul3A_818 : vector<16xf32>
      %mul3A_820 = arith.mulf %add3A_819, %div3A_817 : vector<16xf32>
      %swap3A = arith.index_cast %add3A_798 : i32 to index
      %swap3A_821 = tpu.vector_load %arg15[%swap3A] {strides = array<i32>} : memref<4464xf32, #tpu.memory_space<vmem>>, vector<16xf32>,
      %swap3A_822 = vector.shape_cast %swap3A_821 : vector<16xf32> to vector<16xf32>
      %swap3A_823 = vector.shape_cast %mul3A_820 : vector<16xf32> to vector<16xf32>
      tpu.vector_store %arg15[%swap3A], %swap3A_823 {strides = array<i32>} : memref<4464xf32, #tpu.memory_space<vmem>>, vector<16xf32>,
      %mul3A_824 = arith.mulf %get3A_804, %div3A_817 : vector<16xf32>
      %swap3A_825 = arith.index_cast %add3A_798 : i32 to index
      %swap3A_826 = tpu.vector_load %arg16[%swap3A_825] {strides = array<i32>} : memref<4464xf32, #tpu.memory_space<vmem>>, vector<16xf32>,
      %swap3A_827 = vector.shape_cast %swap3A_826 : vector<16xf32> to vector<16xf32>
      %swap3A_828 = vector.shape_cast %mul3A_824 : vector<16xf32> to vector<16xf32>
      tpu.vector_store %arg16[%swap3A_825], %swap3A_828 {strides = array<i32>} : memref<4464xf32, #tpu.memory_space<vmem>>, vector<16xf32>,
      %mul3A_829 = arith.constant 48 : i32
      %mul3A_830 = arith.muli %scan3A_794, %mul3A_829 : i32
      %add3A_831 = arith.constant 16 : i32
      %add3A_832 = arith.addi %mul3A_830, %add3A_831 : i32
      %get3A_833 = arith.index_cast %add3A_832 : i32 to index
      %get3A_834 = tpu.vector_load %arg15[%get3A_833] {strides = array<i32>} : memref<4464xf32, #tpu.memory_space<vmem>>, vector<16xf32>,
      %get3A_835 = vector.shape_cast %get3A_834 : vector<16xf32> to vector<16xf32>
      %get3A_836 = arith.index_cast %add3A_832 : i32 to index
      %get3A_837 = tpu.vector_load %arg16[%get3A_836] {strides = array<i32>} : memref<4464xf32, #tpu.memory_space<vmem>>, vector<16xf32>,
      %get3A_838 = vector.shape_cast %get3A_837 : vector<16xf32> to vector<16xf32>
      %get3A_839 = arith.index_cast %add3A_832 : i32 to index
      %get3A_840 = tpu.vector_load %arg17[%get3A_839] {strides = array<i32>} : memref<4464xf32, #tpu.memory_space<vmem>>, vector<16xf32>,
      %get3A_841 = vector.shape_cast %get3A_840 : vector<16xf32> to vector<16xf32>
      %get3A_842 = arith.index_cast %add3A_832 : i32 to index
      %get3A_843 = tpu.vector_load %arg18[%get3A_842] {strides = array<i32>} : memref<4464xf32, #tpu.memory_space<vmem>>, vector<16xf32>,
      %get3A_844 = vector.shape_cast %get3A_843 : vector<16xf32> to vector<16xf32>
      %mul3A_845 = arith.mulf %get3A_530, %get3A_838 : vector<16xf32>
      %mul3A_846 = arith.mulf %get3A_841, %mul3A_845 : vector<16xf32>
      %add3A_847 = arith.constant 1.000000e+00 : f32
      %add3A_848 = vector.broadcast %add3A_847 : f32 to vector<16xf32>
      %add3A_849 = arith.addf %add3A_848, %mul3A_846 : vector<16xf32>
      %div3A_850 = arith.constant 1.000000e+00 : f32
      %div3A_851 = vector.broadcast %div3A_850 : f32 to vector<16xf32>
      %div3A_852 = arith.divf %div3A_851, %add3A_849 : vector<16xf32>
      %mul3A_853 = arith.mulf %get3A_844, %mul3A_845 : vector<16xf32>
      %add3A_854 = arith.addf %get3A_835, %mul3A_853 : vector<16xf32>
      %mul3A_855 = arith.mulf %add3A_854, %div3A_852 : vector<16xf32>
      %swap3A_856 = arith.index_cast %add3A_832 : i32 to index
      %swap3A_857 = tpu.vector_load %arg15[%swap3A_856] {strides = array<i32>} : memref<4464xf32, #tpu.memory_space<vmem>>, vector<16xf32>,
      %swap3A_858 = vector.shape_cast %swap3A_857 : vector<16xf32> to vector<16xf32>
      %swap3A_859 = vector.shape_cast %mul3A_855 : vector<16xf32> to vector<16xf32>
      tpu.vector_store %arg15[%swap3A_856], %swap3A_859 {strides = array<i32>} : memref<4464xf32, #tpu.memory_space<vmem>>, vector<16xf32>,
      %mul3A_860 = arith.mulf %get3A_838, %div3A_852 : vector<16xf32>
      %swap3A_861 = arith.index_cast %add3A_832 : i32 to index
      %swap3A_862 = tpu.vector_load %arg16[%swap3A_861] {strides = array<i32>} : memref<4464xf32, #tpu.memory_space<vmem>>, vector<16xf32>,
      %swap3A_863 = vector.shape_cast %swap3A_862 : vector<16xf32> to vector<16xf32>
      %swap3A_864 = vector.shape_cast %mul3A_860 : vector<16xf32> to vector<16xf32>
      tpu.vector_store %arg16[%swap3A_861], %swap3A_864 {strides = array<i32>} : memref<4464xf32, #tpu.memory_space<vmem>>, vector<16xf32>,
      %mul3A_865 = arith.constant 48 : i32
      %mul3A_866 = arith.muli %scan3A_794, %mul3A_865 : i32
      %add3A_867 = arith.constant 32 : i32
      %add3A_868 = arith.addi %mul3A_866, %add3A_867 : i32
      %get3A_869 = arith.index_cast %add3A_868 : i32 to index
      %get3A_870 = tpu.vector_load %arg15[%get3A_869] {strides = array<i32>} : memref<4464xf32, #tpu.memory_space<vmem>>, vector<16xf32>,
      %get3A_871 = vector.shape_cast %get3A_870 : vector<16xf32> to vector<16xf32>
      %get3A_872 = arith.index_cast %add3A_868 : i32 to index
      %get3A_873 = tpu.vector_load %arg16[%get3A_872] {strides = array<i32>} : memref<4464xf32, #tpu.memory_space<vmem>>, vector<16xf32>,
      %get3A_874 = vector.shape_cast %get3A_873 : vector<16xf32> to vector<16xf32>
      %get3A_875 = arith.index_cast %add3A_868 : i32 to index
      %get3A_876 = tpu.vector_load %arg17[%get3A_875] {strides = array<i32>} : memref<4464xf32, #tpu.memory_space<vmem>>, vector<16xf32>,
      %get3A_877 = vector.shape_cast %get3A_876 : vector<16xf32> to vector<16xf32>
      %get3A_878 = arith.index_cast %add3A_868 : i32 to index
      %get3A_879 = tpu.vector_load %arg18[%get3A_878] {strides = array<i32>} : memref<4464xf32, #tpu.memory_space<vmem>>, vector<16xf32>,
      %get3A_880 = vector.shape_cast %get3A_879 : vector<16xf32> to vector<16xf32>
      %mul3A_881 = arith.mulf %get3A_530, %get3A_874 : vector<16xf32>
      %mul3A_882 = arith.mulf %get3A_877, %mul3A_881 : vector<16xf32>
      %add3A_883 = arith.constant 1.000000e+00 : f32
      %add3A_884 = vector.broadcast %add3A_883 : f32 to vector<16xf32>
      %add3A_885 = arith.addf %add3A_884, %mul3A_882 : vector<16xf32>
      %div3A_886 = arith.constant 1.000000e+00 : f32
      %div3A_887 = vector.broadcast %div3A_886 : f32 to vector<16xf32>
      %div3A_888 = arith.divf %div3A_887, %add3A_885 : vector<16xf32>
      %mul3A_889 = arith.mulf %get3A_880, %mul3A_881 : vector<16xf32>
      %add3A_890 = arith.addf %get3A_871, %mul3A_889 : vector<16xf32>
      %mul3A_891 = arith.mulf %add3A_890, %div3A_888 : vector<16xf32>
      %swap3A_892 = arith.index_cast %add3A_868 : i32 to index
      %swap3A_893 = tpu.vector_load %arg15[%swap3A_892] {strides = array<i32>} : memref<4464xf32, #tpu.memory_space<vmem>>, vector<16xf32>,
      %swap3A_894 = vector.shape_cast %swap3A_893 : vector<16xf32> to vector<16xf32>
      %swap3A_895 = vector.shape_cast %mul3A_891 : vector<16xf32> to vector<16xf32>
      tpu.vector_store %arg15[%swap3A_892], %swap3A_895 {strides = array<i32>} : memref<4464xf32, #tpu.memory_space<vmem>>, vector<16xf32>,
      %mul3A_896 = arith.mulf %get3A_874, %div3A_888 : vector<16xf32>
      %swap3A_897 = arith.index_cast %add3A_868 : i32 to index
      %swap3A_898 = tpu.vector_load %arg16[%swap3A_897] {strides = array<i32>} : memref<4464xf32, #tpu.memory_space<vmem>>, vector<16xf32>,
      %swap3A_899 = vector.shape_cast %swap3A_898 : vector<16xf32> to vector<16xf32>
      %swap3A_900 = vector.shape_cast %mul3A_896 : vector<16xf32> to vector<16xf32>
      tpu.vector_store %arg16[%swap3A_897], %swap3A_900 {strides = array<i32>} : memref<4464xf32, #tpu.memory_space<vmem>>, vector<16xf32>,
    }
    %scan3A_544 = arith.constant 93 : i32
    %add3A_545 = arith.constant 0 : i32
    %add3A_546 = arith.addi %add3A, %add3A_545 : i32
    %dma_start3A_547 = tpu.memref_slice %arg7[%add3A_546] : memref<2000000xf32, #tpu.memory_space<hbm>> -> memref<4464xf32, #tpu.memory_space<hbm>>
    %dma_start3A_548 = tpu.memref_slice %arg7[%add3A_546] : memref<2000000xf32, #tpu.memory_space<hbm>> -> memref<4464xf32, #tpu.memory_space<hbm>>
    tpu.enqueue_dma source(%arg15 : memref<4464xf32, #tpu.memory_space<vmem>>) target(%dma_start3A_548 : memref<4464xf32, #tpu.memory_space<hbm>>) target_semaphore(%arg31 : memref<!tpu.dma_semaphore, #tpu.memory_space<semaphore_mem>>)
    %add3A_549 = arith.constant 1000000 : i32
    %add3A_550 = arith.addi %add3A_549, %add3A : i32
    %add3A_551 = arith.constant 0 : i32
    %add3A_552 = arith.addi %add3A_550, %add3A_551 : i32
    %dma_start3A_553 = tpu.memref_slice %arg7[%add3A_552] : memref<2000000xf32, #tpu.memory_space<hbm>> -> memref<4464xf32, #tpu.memory_space<hbm>>
    %dma_start3A_554 = tpu.memref_slice %arg7[%add3A_552] : memref<2000000xf32, #tpu.memory_space<hbm>> -> memref<4464xf32, #tpu.memory_space<hbm>>
    tpu.enqueue_dma source(%arg16 : memref<4464xf32, #tpu.memory_space<vmem>>) target(%dma_start3A_554 : memref<4464xf32, #tpu.memory_space<hbm>>) target_semaphore(%arg31 : memref<!tpu.dma_semaphore, #tpu.memory_space<semaphore_mem>>)
    %add3A_555 = arith.constant 13392 : i32
    %add3A_556 = arith.addi %add3A, %add3A_555 : i32
    %dma_start3A_557 = tpu.memref_slice %arg2[%add3A_556] : memref<1000000xf32, #tpu.memory_space<hbm>> -> memref<4464xf32, #tpu.memory_space<hbm>>
    %dma_start3A_558 = tpu.memref_slice %arg2[%add3A_556] : memref<1000000xf32, #tpu.memory_space<hbm>> -> memref<4464xf32, #tpu.memory_space<hbm>>
    tpu.enqueue_dma source(%dma_start3A_558 : memref<4464xf32, #tpu.memory_space<hbm>>) target(%arg15 : memref<4464xf32, #tpu.memory_space<vmem>>) target_semaphore(%arg27 : memref<!tpu.dma_semaphore, #tpu.memory_space<semaphore_mem>>)
    %add3A_559 = arith.constant 13392 : i32
    %add3A_560 = arith.addi %add3A, %add3A_559 : i32
    %dma_start3A_561 = tpu.memref_slice %arg3[%add3A_560] : memref<1000000xf32, #tpu.memory_space<hbm>> -> memref<4464xf32, #tpu.memory_space<hbm>>
    %dma_start3A_562 = tpu.memref_slice %arg3[%add3A_560] : memref<1000000xf32, #tpu.memory_space<hbm>> -> memref<4464xf32, #tpu.memory_space<hbm>>
    tpu.enqueue_dma source(%dma_start3A_562 : memref<4464xf32, #tpu.memory_space<hbm>>) target(%arg16 : memref<4464xf32, #tpu.memory_space<vmem>>) target_semaphore(%arg27 : memref<!tpu.dma_semaphore, #tpu.memory_space<semaphore_mem>>)
    %add3A_563 = arith.constant 13392 : i32
    %add3A_564 = arith.addi %mul3A_37, %add3A_563 : i32
    %dma_start3A_565 = tpu.memref_slice %arg32[%add3A_564] : memref<500008xf32, #tpu.memory_space<vmem_shared>> -> memref<4464xf32, #tpu.memory_space<vmem_shared>>
    %dma_start3A_566 = tpu.memref_slice %arg32[%add3A_564] : memref<500008xf32, #tpu.memory_space<vmem_shared>> -> memref<4464xf32, #tpu.memory_space<vmem_shared>>
    tpu.enqueue_dma source(%dma_start3A_566 : memref<4464xf32, #tpu.memory_space<vmem_shared>>) target(%arg17 : memref<4464xf32, #tpu.memory_space<vmem>>) target_semaphore(%arg30 : memref<!tpu.dma_semaphore, #tpu.memory_space<semaphore_mem>>)
    %add3A_567 = arith.constant 13392 : i32
    %add3A_568 = arith.addi %mul3A_37, %add3A_567 : i32
    %dma_start3A_569 = tpu.memref_slice %arg33[%add3A_568] : memref<500008xf32, #tpu.memory_space<vmem_shared>> -> memref<4464xf32, #tpu.memory_space<vmem_shared>>
    %dma_start3A_570 = tpu.memref_slice %arg33[%add3A_568] : memref<500008xf32, #tpu.memory_space<vmem_shared>> -> memref<4464xf32, #tpu.memory_space<vmem_shared>>
    tpu.enqueue_dma source(%dma_start3A_570 : memref<4464xf32, #tpu.memory_space<vmem_shared>>) target(%arg18 : memref<4464xf32, #tpu.memory_space<vmem>>) target_semaphore(%arg30 : memref<!tpu.dma_semaphore, #tpu.memory_space<semaphore_mem>>)
    %dma_wait3A_571 = tpu.memref_slice %arg2[%add3A_11] : memref<1000000xf32, #tpu.memory_space<hbm>> -> memref<4464xf32, #tpu.memory_space<hbm>>
    %dma_wait3A_572 = tpu.memref_slice %arg2[%add3A_11] : memref<1000000xf32, #tpu.memory_space<hbm>> -> memref<4464xf32, #tpu.memory_space<hbm>>
    tpu.wait_dma2 semaphore(%arg27 : memref<!tpu.dma_semaphore, #tpu.memory_space<semaphore_mem>>) src(%dma_wait3A_572 : memref<4464xf32, #tpu.memory_space<hbm>>) dst(%arg19 : memref<4464xf32, #tpu.memory_space<vmem>>)
    %dma_wait3A_573 = tpu.memref_slice %arg3[%add3A_15] : memref<1000000xf32, #tpu.memory_space<hbm>> -> memref<4464xf32, #tpu.memory_space<hbm>>
    %dma_wait3A_574 = tpu.memref_slice %arg3[%add3A_15] : memref<1000000xf32, #tpu.memory_space<hbm>> -> memref<4464xf32, #tpu.memory_space<hbm>>
    tpu.wait_dma2 semaphore(%arg27 : memref<!tpu.dma_semaphore, #tpu.memory_space<semaphore_mem>>) src(%dma_wait3A_574 : memref<4464xf32, #tpu.memory_space<hbm>>) dst(%arg20 : memref<4464xf32, #tpu.memory_space<vmem>>)
    %dma_wait3A_575 = tpu.memref_slice %arg32[%add3A_514] : memref<500008xf32, #tpu.memory_space<vmem_shared>> -> memref<4464xf32, #tpu.memory_space<vmem_shared>>
    %dma_wait3A_576 = tpu.memref_slice %arg32[%add3A_514] : memref<500008xf32, #tpu.memory_space<vmem_shared>> -> memref<4464xf32, #tpu.memory_space<vmem_shared>>
    tpu.wait_dma2 semaphore(%arg30 : memref<!tpu.dma_semaphore, #tpu.memory_space<semaphore_mem>>) src(%dma_wait3A_576 : memref<4464xf32, #tpu.memory_space<vmem_shared>>) dst(%arg21 : memref<4464xf32, #tpu.memory_space<vmem>>)
    %dma_wait3A_577 = tpu.memref_slice %arg33[%add3A_518] : memref<500008xf32, #tpu.memory_space<vmem_shared>> -> memref<4464xf32, #tpu.memory_space<vmem_shared>>
    %dma_wait3A_578 = tpu.memref_slice %arg33[%add3A_518] : memref<500008xf32, #tpu.memory_space<vmem_shared>> -> memref<4464xf32, #tpu.memory_space<vmem_shared>>
    tpu.wait_dma2 semaphore(%arg30 : memref<!tpu.dma_semaphore, #tpu.memory_space<semaphore_mem>>) src(%dma_wait3A_578 : memref<4464xf32, #tpu.memory_space<vmem_shared>>) dst(%arg22 : memref<4464xf32, #tpu.memory_space<vmem>>)
    %scan3A_579 = arith.constant 0 : i32
    %scan3A_580 = arith.constant 0 : i32
    %scan3A_581 = arith.constant 93 : i32
    %scan3A_582 = arith.addi %scan3A_580, %scan3A_581 : i32
    %scan3A_583 = arith.constant 1 : i32
    scf.for %scan3A_794 = %scan3A_580 to %scan3A_582 step %scan3A_583  : i32 {
      %mul3A_795 = arith.constant 48 : i32
      %mul3A_796 = arith.muli %scan3A_794, %mul3A_795 : i32
      %add3A_797 = arith.constant 0 : i32
      %add3A_798 = arith.addi %mul3A_796, %add3A_797 : i32
      %get3A_799 = arith.index_cast %add3A_798 : i32 to index
      %get3A_800 = tpu.vector_load %arg19[%get3A_799] {strides = array<i32>} : memref<4464xf32, #tpu.memory_space<vmem>>, vector<16xf32>,
      %get3A_801 = vector.shape_cast %get3A_800 : vector<16xf32> to vector<16xf32>
      %get3A_802 = arith.index_cast %add3A_798 : i32 to index
      %get3A_803 = tpu.vector_load %arg20[%get3A_802] {strides = array<i32>} : memref<4464xf32, #tpu.memory_space<vmem>>, vector<16xf32>,
      %get3A_804 = vector.shape_cast %get3A_803 : vector<16xf32> to vector<16xf32>
      %get3A_805 = arith.index_cast %add3A_798 : i32 to index
      %get3A_806 = tpu.vector_load %arg21[%get3A_805] {strides = array<i32>} : memref<4464xf32, #tpu.memory_space<vmem>>, vector<16xf32>,
      %get3A_807 = vector.shape_cast %get3A_806 : vector<16xf32> to vector<16xf32>
      %get3A_808 = arith.index_cast %add3A_798 : i32 to index
      %get3A_809 = tpu.vector_load %arg22[%get3A_808] {strides = array<i32>} : memref<4464xf32, #tpu.memory_space<vmem>>, vector<16xf32>,
      %get3A_810 = vector.shape_cast %get3A_809 : vector<16xf32> to vector<16xf32>
      %mul3A_811 = arith.mulf %get3A_530, %get3A_804 : vector<16xf32>
      %mul3A_812 = arith.mulf %get3A_807, %mul3A_811 : vector<16xf32>
      %add3A_813 = arith.constant 1.000000e+00 : f32
      %add3A_814 = vector.broadcast %add3A_813 : f32 to vector<16xf32>
      %add3A_815 = arith.addf %add3A_814, %mul3A_812 : vector<16xf32>
      %div3A = arith.constant 1.000000e+00 : f32
      %div3A_816 = vector.broadcast %div3A : f32 to vector<16xf32>
      %div3A_817 = arith.divf %div3A_816, %add3A_815 : vector<16xf32>
      %mul3A_818 = arith.mulf %get3A_810, %mul3A_811 : vector<16xf32>
      %add3A_819 = arith.addf %get3A_801, %mul3A_818 : vector<16xf32>
      %mul3A_820 = arith.mulf %add3A_819, %div3A_817 : vector<16xf32>
      %swap3A = arith.index_cast %add3A_798 : i32 to index
      %swap3A_821 = tpu.vector_load %arg19[%swap3A] {strides = array<i32>} : memref<4464xf32, #tpu.memory_space<vmem>>, vector<16xf32>,
      %swap3A_822 = vector.shape_cast %swap3A_821 : vector<16xf32> to vector<16xf32>
      %swap3A_823 = vector.shape_cast %mul3A_820 : vector<16xf32> to vector<16xf32>
      tpu.vector_store %arg19[%swap3A], %swap3A_823 {strides = array<i32>} : memref<4464xf32, #tpu.memory_space<vmem>>, vector<16xf32>,
      %mul3A_824 = arith.mulf %get3A_804, %div3A_817 : vector<16xf32>
      %swap3A_825 = arith.index_cast %add3A_798 : i32 to index
      %swap3A_826 = tpu.vector_load %arg20[%swap3A_825] {strides = array<i32>} : memref<4464xf32, #tpu.memory_space<vmem>>, vector<16xf32>,
      %swap3A_827 = vector.shape_cast %swap3A_826 : vector<16xf32> to vector<16xf32>
      %swap3A_828 = vector.shape_cast %mul3A_824 : vector<16xf32> to vector<16xf32>
      tpu.vector_store %arg20[%swap3A_825], %swap3A_828 {strides = array<i32>} : memref<4464xf32, #tpu.memory_space<vmem>>, vector<16xf32>,
      %mul3A_829 = arith.constant 48 : i32
      %mul3A_830 = arith.muli %scan3A_794, %mul3A_829 : i32
      %add3A_831 = arith.constant 16 : i32
      %add3A_832 = arith.addi %mul3A_830, %add3A_831 : i32
      %get3A_833 = arith.index_cast %add3A_832 : i32 to index
      %get3A_834 = tpu.vector_load %arg19[%get3A_833] {strides = array<i32>} : memref<4464xf32, #tpu.memory_space<vmem>>, vector<16xf32>,
      %get3A_835 = vector.shape_cast %get3A_834 : vector<16xf32> to vector<16xf32>
      %get3A_836 = arith.index_cast %add3A_832 : i32 to index
      %get3A_837 = tpu.vector_load %arg20[%get3A_836] {strides = array<i32>} : memref<4464xf32, #tpu.memory_space<vmem>>, vector<16xf32>,
      %get3A_838 = vector.shape_cast %get3A_837 : vector<16xf32> to vector<16xf32>
      %get3A_839 = arith.index_cast %add3A_832 : i32 to index
      %get3A_840 = tpu.vector_load %arg21[%get3A_839] {strides = array<i32>} : memref<4464xf32, #tpu.memory_space<vmem>>, vector<16xf32>,
      %get3A_841 = vector.shape_cast %get3A_840 : vector<16xf32> to vector<16xf32>
      %get3A_842 = arith.index_cast %add3A_832 : i32 to index
      %get3A_843 = tpu.vector_load %arg22[%get3A_842] {strides = array<i32>} : memref<4464xf32, #tpu.memory_space<vmem>>, vector<16xf32>,
      %get3A_844 = vector.shape_cast %get3A_843 : vector<16xf32> to vector<16xf32>
      %mul3A_845 = arith.mulf %get3A_530, %get3A_838 : vector<16xf32>
      %mul3A_846 = arith.mulf %get3A_841, %mul3A_845 : vector<16xf32>
      %add3A_847 = arith.constant 1.000000e+00 : f32
      %add3A_848 = vector.broadcast %add3A_847 : f32 to vector<16xf32>
      %add3A_849 = arith.addf %add3A_848, %mul3A_846 : vector<16xf32>
      %div3A_850 = arith.constant 1.000000e+00 : f32
      %div3A_851 = vector.broadcast %div3A_850 : f32 to vector<16xf32>
      %div3A_852 = arith.divf %div3A_851, %add3A_849 : vector<16xf32>
      %mul3A_853 = arith.mulf %get3A_844, %mul3A_845 : vector<16xf32>
      %add3A_854 = arith.addf %get3A_835, %mul3A_853 : vector<16xf32>
      %mul3A_855 = arith.mulf %add3A_854, %div3A_852 : vector<16xf32>
      %swap3A_856 = arith.index_cast %add3A_832 : i32 to index
      %swap3A_857 = tpu.vector_load %arg19[%swap3A_856] {strides = array<i32>} : memref<4464xf32, #tpu.memory_space<vmem>>, vector<16xf32>,
      %swap3A_858 = vector.shape_cast %swap3A_857 : vector<16xf32> to vector<16xf32>
      %swap3A_859 = vector.shape_cast %mul3A_855 : vector<16xf32> to vector<16xf32>
      tpu.vector_store %arg19[%swap3A_856], %swap3A_859 {strides = array<i32>} : memref<4464xf32, #tpu.memory_space<vmem>>, vector<16xf32>,
      %mul3A_860 = arith.mulf %get3A_838, %div3A_852 : vector<16xf32>
      %swap3A_861 = arith.index_cast %add3A_832 : i32 to index
      %swap3A_862 = tpu.vector_load %arg20[%swap3A_861] {strides = array<i32>} : memref<4464xf32, #tpu.memory_space<vmem>>, vector<16xf32>,
      %swap3A_863 = vector.shape_cast %swap3A_862 : vector<16xf32> to vector<16xf32>
      %swap3A_864 = vector.shape_cast %mul3A_860 : vector<16xf32> to vector<16xf32>
      tpu.vector_store %arg20[%swap3A_861], %swap3A_864 {strides = array<i32>} : memref<4464xf32, #tpu.memory_space<vmem>>, vector<16xf32>,
      %mul3A_865 = arith.constant 48 : i32
      %mul3A_866 = arith.muli %scan3A_794, %mul3A_865 : i32
      %add3A_867 = arith.constant 32 : i32
      %add3A_868 = arith.addi %mul3A_866, %add3A_867 : i32
      %get3A_869 = arith.index_cast %add3A_868 : i32 to index
      %get3A_870 = tpu.vector_load %arg19[%get3A_869] {strides = array<i32>} : memref<4464xf32, #tpu.memory_space<vmem>>, vector<16xf32>,
      %get3A_871 = vector.shape_cast %get3A_870 : vector<16xf32> to vector<16xf32>
      %get3A_872 = arith.index_cast %add3A_868 : i32 to index
      %get3A_873 = tpu.vector_load %arg20[%get3A_872] {strides = array<i32>} : memref<4464xf32, #tpu.memory_space<vmem>>, vector<16xf32>,
      %get3A_874 = vector.shape_cast %get3A_873 : vector<16xf32> to vector<16xf32>
      %get3A_875 = arith.index_cast %add3A_868 : i32 to index
      %get3A_876 = tpu.vector_load %arg21[%get3A_875] {strides = array<i32>} : memref<4464xf32, #tpu.memory_space<vmem>>, vector<16xf32>,
      %get3A_877 = vector.shape_cast %get3A_876 : vector<16xf32> to vector<16xf32>
      %get3A_878 = arith.index_cast %add3A_868 : i32 to index
      %get3A_879 = tpu.vector_load %arg22[%get3A_878] {strides = array<i32>} : memref<4464xf32, #tpu.memory_space<vmem>>, vector<16xf32>,
      %get3A_880 = vector.shape_cast %get3A_879 : vector<16xf32> to vector<16xf32>
      %mul3A_881 = arith.mulf %get3A_530, %get3A_874 : vector<16xf32>
      %mul3A_882 = arith.mulf %get3A_877, %mul3A_881 : vector<16xf32>
      %add3A_883 = arith.constant 1.000000e+00 : f32
      %add3A_884 = vector.broadcast %add3A_883 : f32 to vector<16xf32>
      %add3A_885 = arith.addf %add3A_884, %mul3A_882 : vector<16xf32>
      %div3A_886 = arith.constant 1.000000e+00 : f32
      %div3A_887 = vector.broadcast %div3A_886 : f32 to vector<16xf32>
      %div3A_888 = arith.divf %div3A_887, %add3A_885 : vector<16xf32>
      %mul3A_889 = arith.mulf %get3A_880, %mul3A_881 : vector<16xf32>
      %add3A_890 = arith.addf %get3A_871, %mul3A_889 : vector<16xf32>
      %mul3A_891 = arith.mulf %add3A_890, %div3A_888 : vector<16xf32>
      %swap3A_892 = arith.index_cast %add3A_868 : i32 to index
      %swap3A_893 = tpu.vector_load %arg19[%swap3A_892] {strides = array<i32>} : memref<4464xf32, #tpu.memory_space<vmem>>, vector<16xf32>,
      %swap3A_894 = vector.shape_cast %swap3A_893 : vector<16xf32> to vector<16xf32>
      %swap3A_895 = vector.shape_cast %mul3A_891 : vector<16xf32> to vector<16xf32>
      tpu.vector_store %arg19[%swap3A_892], %swap3A_895 {strides = array<i32>} : memref<4464xf32, #tpu.memory_space<vmem>>, vector<16xf32>,
      %mul3A_896 = arith.mulf %get3A_874, %div3A_888 : vector<16xf32>
      %swap3A_897 = arith.index_cast %add3A_868 : i32 to index
      %swap3A_898 = tpu.vector_load %arg20[%swap3A_897] {strides = array<i32>} : memref<4464xf32, #tpu.memory_space<vmem>>, vector<16xf32>,
      %swap3A_899 = vector.shape_cast %swap3A_898 : vector<16xf32> to vector<16xf32>
      %swap3A_900 = vector.shape_cast %mul3A_896 : vector<16xf32> to vector<16xf32>
      tpu.vector_store %arg20[%swap3A_897], %swap3A_900 {strides = array<i32>} : memref<4464xf32, #tpu.memory_space<vmem>>, vector<16xf32>,
    }
    %scan3A_584 = arith.constant 93 : i32
    %add3A_585 = arith.constant 4464 : i32
    %add3A_586 = arith.addi %add3A, %add3A_585 : i32
    %dma_start3A_587 = tpu.memref_slice %arg7[%add3A_586] : memref<2000000xf32, #tpu.memory_space<hbm>> -> memref<4464xf32, #tpu.memory_space<hbm>>
    %dma_start3A_588 = tpu.memref_slice %arg7[%add3A_586] : memref<2000000xf32, #tpu.memory_space<hbm>> -> memref<4464xf32, #tpu.memory_space<hbm>>
    tpu.enqueue_dma source(%arg19 : memref<4464xf32, #tpu.memory_space<vmem>>) target(%dma_start3A_588 : memref<4464xf32, #tpu.memory_space<hbm>>) target_semaphore(%arg31 : memref<!tpu.dma_semaphore, #tpu.memory_space<semaphore_mem>>)
    %add3A_589 = arith.constant 1000000 : i32
    %add3A_590 = arith.addi %add3A_589, %add3A : i32
    %add3A_591 = arith.constant 4464 : i32
    %add3A_592 = arith.addi %add3A_590, %add3A_591 : i32
    %dma_start3A_593 = tpu.memref_slice %arg7[%add3A_592] : memref<2000000xf32, #tpu.memory_space<hbm>> -> memref<4464xf32, #tpu.memory_space<hbm>>
    %dma_start3A_594 = tpu.memref_slice %arg7[%add3A_592] : memref<2000000xf32, #tpu.memory_space<hbm>> -> memref<4464xf32, #tpu.memory_space<hbm>>
    tpu.enqueue_dma source(%arg20 : memref<4464xf32, #tpu.memory_space<vmem>>) target(%dma_start3A_594 : memref<4464xf32, #tpu.memory_space<hbm>>) target_semaphore(%arg31 : memref<!tpu.dma_semaphore, #tpu.memory_space<semaphore_mem>>)
    %add3A_595 = arith.constant 17856 : i32
    %add3A_596 = arith.addi %add3A, %add3A_595 : i32
    %dma_start3A_597 = tpu.memref_slice %arg2[%add3A_596] : memref<1000000xf32, #tpu.memory_space<hbm>> -> memref<4464xf32, #tpu.memory_space<hbm>>
    %dma_start3A_598 = tpu.memref_slice %arg2[%add3A_596] : memref<1000000xf32, #tpu.memory_space<hbm>> -> memref<4464xf32, #tpu.memory_space<hbm>>
    tpu.enqueue_dma source(%dma_start3A_598 : memref<4464xf32, #tpu.memory_space<hbm>>) target(%arg19 : memref<4464xf32, #tpu.memory_space<vmem>>) target_semaphore(%arg27 : memref<!tpu.dma_semaphore, #tpu.memory_space<semaphore_mem>>)
    %add3A_599 = arith.constant 17856 : i32
    %add3A_600 = arith.addi %add3A, %add3A_599 : i32
    %dma_start3A_601 = tpu.memref_slice %arg3[%add3A_600] : memref<1000000xf32, #tpu.memory_space<hbm>> -> memref<4464xf32, #tpu.memory_space<hbm>>
    %dma_start3A_602 = tpu.memref_slice %arg3[%add3A_600] : memref<1000000xf32, #tpu.memory_space<hbm>> -> memref<4464xf32, #tpu.memory_space<hbm>>
    tpu.enqueue_dma source(%dma_start3A_602 : memref<4464xf32, #tpu.memory_space<hbm>>) target(%arg20 : memref<4464xf32, #tpu.memory_space<vmem>>) target_semaphore(%arg27 : memref<!tpu.dma_semaphore, #tpu.memory_space<semaphore_mem>>)
    %add3A_603 = arith.constant 17856 : i32
    %add3A_604 = arith.addi %mul3A_37, %add3A_603 : i32
    %dma_start3A_605 = tpu.memref_slice %arg32[%add3A_604] : memref<500008xf32, #tpu.memory_space<vmem_shared>> -> memref<4464xf32, #tpu.memory_space<vmem_shared>>
    %dma_start3A_606 = tpu.memref_slice %arg32[%add3A_604] : memref<500008xf32, #tpu.memory_space<vmem_shared>> -> memref<4464xf32, #tpu.memory_space<vmem_shared>>
    tpu.enqueue_dma source(%dma_start3A_606 : memref<4464xf32, #tpu.memory_space<vmem_shared>>) target(%arg21 : memref<4464xf32, #tpu.memory_space<vmem>>) target_semaphore(%arg30 : memref<!tpu.dma_semaphore, #tpu.memory_space<semaphore_mem>>)
    %add3A_607 = arith.constant 17856 : i32
    %add3A_608 = arith.addi %mul3A_37, %add3A_607 : i32
    %dma_start3A_609 = tpu.memref_slice %arg33[%add3A_608] : memref<500008xf32, #tpu.memory_space<vmem_shared>> -> memref<4464xf32, #tpu.memory_space<vmem_shared>>
    %dma_start3A_610 = tpu.memref_slice %arg33[%add3A_608] : memref<500008xf32, #tpu.memory_space<vmem_shared>> -> memref<4464xf32, #tpu.memory_space<vmem_shared>>
    tpu.enqueue_dma source(%dma_start3A_610 : memref<4464xf32, #tpu.memory_space<vmem_shared>>) target(%arg22 : memref<4464xf32, #tpu.memory_space<vmem>>) target_semaphore(%arg30 : memref<!tpu.dma_semaphore, #tpu.memory_space<semaphore_mem>>)
    %dma_wait3A_611 = tpu.memref_slice %arg2[%add3A_19] : memref<1000000xf32, #tpu.memory_space<hbm>> -> memref<4464xf32, #tpu.memory_space<hbm>>
    %dma_wait3A_612 = tpu.memref_slice %arg2[%add3A_19] : memref<1000000xf32, #tpu.memory_space<hbm>> -> memref<4464xf32, #tpu.memory_space<hbm>>
    tpu.wait_dma2 semaphore(%arg27 : memref<!tpu.dma_semaphore, #tpu.memory_space<semaphore_mem>>) src(%dma_wait3A_612 : memref<4464xf32, #tpu.memory_space<hbm>>) dst(%arg23 : memref<4464xf32, #tpu.memory_space<vmem>>)
    %dma_wait3A_613 = tpu.memref_slice %arg3[%add3A_23] : memref<1000000xf32, #tpu.memory_space<hbm>> -> memref<4464xf32, #tpu.memory_space<hbm>>
    %dma_wait3A_614 = tpu.memref_slice %arg3[%add3A_23] : memref<1000000xf32, #tpu.memory_space<hbm>> -> memref<4464xf32, #tpu.memory_space<hbm>>
    tpu.wait_dma2 semaphore(%arg27 : memref<!tpu.dma_semaphore, #tpu.memory_space<semaphore_mem>>) src(%dma_wait3A_614 : memref<4464xf32, #tpu.memory_space<hbm>>) dst(%arg24 : memref<4464xf32, #tpu.memory_space<vmem>>)
    %dma_wait3A_615 = tpu.memref_slice %arg32[%add3A_522] : memref<500008xf32, #tpu.memory_space<vmem_shared>> -> memref<4464xf32, #tpu.memory_space<vmem_shared>>
    %dma_wait3A_616 = tpu.memref_slice %arg32[%add3A_522] : memref<500008xf32, #tpu.memory_space<vmem_shared>> -> memref<4464xf32, #tpu.memory_space<vmem_shared>>
    tpu.wait_dma2 semaphore(%arg30 : memref<!tpu.dma_semaphore, #tpu.memory_space<semaphore_mem>>) src(%dma_wait3A_616 : memref<4464xf32, #tpu.memory_space<vmem_shared>>) dst(%arg25 : memref<4464xf32, #tpu.memory_space<vmem>>)
    %dma_wait3A_617 = tpu.memref_slice %arg33[%add3A_526] : memref<500008xf32, #tpu.memory_space<vmem_shared>> -> memref<4464xf32, #tpu.memory_space<vmem_shared>>
    %dma_wait3A_618 = tpu.memref_slice %arg33[%add3A_526] : memref<500008xf32, #tpu.memory_space<vmem_shared>> -> memref<4464xf32, #tpu.memory_space<vmem_shared>>
    tpu.wait_dma2 semaphore(%arg30 : memref<!tpu.dma_semaphore, #tpu.memory_space<semaphore_mem>>) src(%dma_wait3A_618 : memref<4464xf32, #tpu.memory_space<vmem_shared>>) dst(%arg26 : memref<4464xf32, #tpu.memory_space<vmem>>)
    %scan3A_619 = arith.constant 0 : i32
    %scan3A_620 = arith.constant 0 : i32
    %scan3A_621 = arith.constant 93 : i32
    %scan3A_622 = arith.addi %scan3A_620, %scan3A_621 : i32
    %scan3A_623 = arith.constant 1 : i32
    scf.for %scan3A_794 = %scan3A_620 to %scan3A_622 step %scan3A_623  : i32 {
      %mul3A_795 = arith.constant 48 : i32
      %mul3A_796 = arith.muli %scan3A_794, %mul3A_795 : i32
      %add3A_797 = arith.constant 0 : i32
      %add3A_798 = arith.addi %mul3A_796, %add3A_797 : i32
      %get3A_799 = arith.index_cast %add3A_798 : i32 to index
      %get3A_800 = tpu.vector_load %arg23[%get3A_799] {strides = array<i32>} : memref<4464xf32, #tpu.memory_space<vmem>>, vector<16xf32>,
      %get3A_801 = vector.shape_cast %get3A_800 : vector<16xf32> to vector<16xf32>
      %get3A_802 = arith.index_cast %add3A_798 : i32 to index
      %get3A_803 = tpu.vector_load %arg24[%get3A_802] {strides = array<i32>} : memref<4464xf32, #tpu.memory_space<vmem>>, vector<16xf32>,
      %get3A_804 = vector.shape_cast %get3A_803 : vector<16xf32> to vector<16xf32>
      %get3A_805 = arith.index_cast %add3A_798 : i32 to index
      %get3A_806 = tpu.vector_load %arg25[%get3A_805] {strides = array<i32>} : memref<4464xf32, #tpu.memory_space<vmem>>, vector<16xf32>,
      %get3A_807 = vector.shape_cast %get3A_806 : vector<16xf32> to vector<16xf32>
      %get3A_808 = arith.index_cast %add3A_798 : i32 to index
      %get3A_809 = tpu.vector_load %arg26[%get3A_808] {strides = array<i32>} : memref<4464xf32, #tpu.memory_space<vmem>>, vector<16xf32>,
      %get3A_810 = vector.shape_cast %get3A_809 : vector<16xf32> to vector<16xf32>
      %mul3A_811 = arith.mulf %get3A_530, %get3A_804 : vector<16xf32>
      %mul3A_812 = arith.mulf %get3A_807, %mul3A_811 : vector<16xf32>
      %add3A_813 = arith.constant 1.000000e+00 : f32
      %add3A_814 = vector.broadcast %add3A_813 : f32 to vector<16xf32>
      %add3A_815 = arith.addf %add3A_814, %mul3A_812 : vector<16xf32>
      %div3A = arith.constant 1.000000e+00 : f32
      %div3A_816 = vector.broadcast %div3A : f32 to vector<16xf32>
      %div3A_817 = arith.divf %div3A_816, %add3A_815 : vector<16xf32>
      %mul3A_818 = arith.mulf %get3A_810, %mul3A_811 : vector<16xf32>
      %add3A_819 = arith.addf %get3A_801, %mul3A_818 : vector<16xf32>
      %mul3A_820 = arith.mulf %add3A_819, %div3A_817 : vector<16xf32>
      %swap3A = arith.index_cast %add3A_798 : i32 to index
      %swap3A_821 = tpu.vector_load %arg23[%swap3A] {strides = array<i32>} : memref<4464xf32, #tpu.memory_space<vmem>>, vector<16xf32>,
      %swap3A_822 = vector.shape_cast %swap3A_821 : vector<16xf32> to vector<16xf32>
      %swap3A_823 = vector.shape_cast %mul3A_820 : vector<16xf32> to vector<16xf32>
      tpu.vector_store %arg23[%swap3A], %swap3A_823 {strides = array<i32>} : memref<4464xf32, #tpu.memory_space<vmem>>, vector<16xf32>,
      %mul3A_824 = arith.mulf %get3A_804, %div3A_817 : vector<16xf32>
      %swap3A_825 = arith.index_cast %add3A_798 : i32 to index
      %swap3A_826 = tpu.vector_load %arg24[%swap3A_825] {strides = array<i32>} : memref<4464xf32, #tpu.memory_space<vmem>>, vector<16xf32>,
      %swap3A_827 = vector.shape_cast %swap3A_826 : vector<16xf32> to vector<16xf32>
      %swap3A_828 = vector.shape_cast %mul3A_824 : vector<16xf32> to vector<16xf32>
      tpu.vector_store %arg24[%swap3A_825], %swap3A_828 {strides = array<i32>} : memref<4464xf32, #tpu.memory_space<vmem>>, vector<16xf32>,
      %mul3A_829 = arith.constant 48 : i32
      %mul3A_830 = arith.muli %scan3A_794, %mul3A_829 : i32
      %add3A_831 = arith.constant 16 : i32
      %add3A_832 = arith.addi %mul3A_830, %add3A_831 : i32
      %get3A_833 = arith.index_cast %add3A_832 : i32 to index
      %get3A_834 = tpu.vector_load %arg23[%get3A_833] {strides = array<i32>} : memref<4464xf32, #tpu.memory_space<vmem>>, vector<16xf32>,
      %get3A_835 = vector.shape_cast %get3A_834 : vector<16xf32> to vector<16xf32>
      %get3A_836 = arith.index_cast %add3A_832 : i32 to index
      %get3A_837 = tpu.vector_load %arg24[%get3A_836] {strides = array<i32>} : memref<4464xf32, #tpu.memory_space<vmem>>, vector<16xf32>,
      %get3A_838 = vector.shape_cast %get3A_837 : vector<16xf32> to vector<16xf32>
      %get3A_839 = arith.index_cast %add3A_832 : i32 to index
      %get3A_840 = tpu.vector_load %arg25[%get3A_839] {strides = array<i32>} : memref<4464xf32, #tpu.memory_space<vmem>>, vector<16xf32>,
      %get3A_841 = vector.shape_cast %get3A_840 : vector<16xf32> to vector<16xf32>
      %get3A_842 = arith.index_cast %add3A_832 : i32 to index
      %get3A_843 = tpu.vector_load %arg26[%get3A_842] {strides = array<i32>} : memref<4464xf32, #tpu.memory_space<vmem>>, vector<16xf32>,
      %get3A_844 = vector.shape_cast %get3A_843 : vector<16xf32> to vector<16xf32>
      %mul3A_845 = arith.mulf %get3A_530, %get3A_838 : vector<16xf32>
      %mul3A_846 = arith.mulf %get3A_841, %mul3A_845 : vector<16xf32>
      %add3A_847 = arith.constant 1.000000e+00 : f32
      %add3A_848 = vector.broadcast %add3A_847 : f32 to vector<16xf32>
      %add3A_849 = arith.addf %add3A_848, %mul3A_846 : vector<16xf32>
      %div3A_850 = arith.constant 1.000000e+00 : f32
      %div3A_851 = vector.broadcast %div3A_850 : f32 to vector<16xf32>
      %div3A_852 = arith.divf %div3A_851, %add3A_849 : vector<16xf32>
      %mul3A_853 = arith.mulf %get3A_844, %mul3A_845 : vector<16xf32>
      %add3A_854 = arith.addf %get3A_835, %mul3A_853 : vector<16xf32>
      %mul3A_855 = arith.mulf %add3A_854, %div3A_852 : vector<16xf32>
      %swap3A_856 = arith.index_cast %add3A_832 : i32 to index
      %swap3A_857 = tpu.vector_load %arg23[%swap3A_856] {strides = array<i32>} : memref<4464xf32, #tpu.memory_space<vmem>>, vector<16xf32>,
      %swap3A_858 = vector.shape_cast %swap3A_857 : vector<16xf32> to vector<16xf32>
      %swap3A_859 = vector.shape_cast %mul3A_855 : vector<16xf32> to vector<16xf32>
      tpu.vector_store %arg23[%swap3A_856], %swap3A_859 {strides = array<i32>} : memref<4464xf32, #tpu.memory_space<vmem>>, vector<16xf32>,
      %mul3A_860 = arith.mulf %get3A_838, %div3A_852 : vector<16xf32>
      %swap3A_861 = arith.index_cast %add3A_832 : i32 to index
      %swap3A_862 = tpu.vector_load %arg24[%swap3A_861] {strides = array<i32>} : memref<4464xf32, #tpu.memory_space<vmem>>, vector<16xf32>,
      %swap3A_863 = vector.shape_cast %swap3A_862 : vector<16xf32> to vector<16xf32>
      %swap3A_864 = vector.shape_cast %mul3A_860 : vector<16xf32> to vector<16xf32>
      tpu.vector_store %arg24[%swap3A_861], %swap3A_864 {strides = array<i32>} : memref<4464xf32, #tpu.memory_space<vmem>>, vector<16xf32>,
      %mul3A_865 = arith.constant 48 : i32
      %mul3A_866 = arith.muli %scan3A_794, %mul3A_865 : i32
      %add3A_867 = arith.constant 32 : i32
      %add3A_868 = arith.addi %mul3A_866, %add3A_867 : i32
      %get3A_869 = arith.index_cast %add3A_868 : i32 to index
      %get3A_870 = tpu.vector_load %arg23[%get3A_869] {strides = array<i32>} : memref<4464xf32, #tpu.memory_space<vmem>>, vector<16xf32>,
      %get3A_871 = vector.shape_cast %get3A_870 : vector<16xf32> to vector<16xf32>
      %get3A_872 = arith.index_cast %add3A_868 : i32 to index
      %get3A_873 = tpu.vector_load %arg24[%get3A_872] {strides = array<i32>} : memref<4464xf32, #tpu.memory_space<vmem>>, vector<16xf32>,
      %get3A_874 = vector.shape_cast %get3A_873 : vector<16xf32> to vector<16xf32>
      %get3A_875 = arith.index_cast %add3A_868 : i32 to index
      %get3A_876 = tpu.vector_load %arg25[%get3A_875] {strides = array<i32>} : memref<4464xf32, #tpu.memory_space<vmem>>, vector<16xf32>,
      %get3A_877 = vector.shape_cast %get3A_876 : vector<16xf32> to vector<16xf32>
      %get3A_878 = arith.index_cast %add3A_868 : i32 to index
      %get3A_879 = tpu.vector_load %arg26[%get3A_878] {strides = array<i32>} : memref<4464xf32, #tpu.memory_space<vmem>>, vector<16xf32>,
      %get3A_880 = vector.shape_cast %get3A_879 : vector<16xf32> to vector<16xf32>
      %mul3A_881 = arith.mulf %get3A_530, %get3A_874 : vector<16xf32>
      %mul3A_882 = arith.mulf %get3A_877, %mul3A_881 : vector<16xf32>
      %add3A_883 = arith.constant 1.000000e+00 : f32
      %add3A_884 = vector.broadcast %add3A_883 : f32 to vector<16xf32>
      %add3A_885 = arith.addf %add3A_884, %mul3A_882 : vector<16xf32>
      %div3A_886 = arith.constant 1.000000e+00 : f32
      %div3A_887 = vector.broadcast %div3A_886 : f32 to vector<16xf32>
      %div3A_888 = arith.divf %div3A_887, %add3A_885 : vector<16xf32>
      %mul3A_889 = arith.mulf %get3A_880, %mul3A_881 : vector<16xf32>
      %add3A_890 = arith.addf %get3A_871, %mul3A_889 : vector<16xf32>
      %mul3A_891 = arith.mulf %add3A_890, %div3A_888 : vector<16xf32>
      %swap3A_892 = arith.index_cast %add3A_868 : i32 to index
      %swap3A_893 = tpu.vector_load %arg23[%swap3A_892] {strides = array<i32>} : memref<4464xf32, #tpu.memory_space<vmem>>, vector<16xf32>,
      %swap3A_894 = vector.shape_cast %swap3A_893 : vector<16xf32> to vector<16xf32>
      %swap3A_895 = vector.shape_cast %mul3A_891 : vector<16xf32> to vector<16xf32>
      tpu.vector_store %arg23[%swap3A_892], %swap3A_895 {strides = array<i32>} : memref<4464xf32, #tpu.memory_space<vmem>>, vector<16xf32>,
      %mul3A_896 = arith.mulf %get3A_874, %div3A_888 : vector<16xf32>
      %swap3A_897 = arith.index_cast %add3A_868 : i32 to index
      %swap3A_898 = tpu.vector_load %arg24[%swap3A_897] {strides = array<i32>} : memref<4464xf32, #tpu.memory_space<vmem>>, vector<16xf32>,
      %swap3A_899 = vector.shape_cast %swap3A_898 : vector<16xf32> to vector<16xf32>
      %swap3A_900 = vector.shape_cast %mul3A_896 : vector<16xf32> to vector<16xf32>
      tpu.vector_store %arg24[%swap3A_897], %swap3A_900 {strides = array<i32>} : memref<4464xf32, #tpu.memory_space<vmem>>, vector<16xf32>,
    }
    %scan3A_624 = arith.constant 93 : i32
    %add3A_625 = arith.constant 8928 : i32
    %add3A_626 = arith.addi %add3A, %add3A_625 : i32
    %dma_start3A_627 = tpu.memref_slice %arg7[%add3A_626] : memref<2000000xf32, #tpu.memory_space<hbm>> -> memref<4464xf32, #tpu.memory_space<hbm>>
    %dma_start3A_628 = tpu.memref_slice %arg7[%add3A_626] : memref<2000000xf32, #tpu.memory_space<hbm>> -> memref<4464xf32, #tpu.memory_space<hbm>>
    tpu.enqueue_dma source(%arg23 : memref<4464xf32, #tpu.memory_space<vmem>>) target(%dma_start3A_628 : memref<4464xf32, #tpu.memory_space<hbm>>) target_semaphore(%arg31 : memref<!tpu.dma_semaphore, #tpu.memory_space<semaphore_mem>>)
    %add3A_629 = arith.constant 1000000 : i32
    %add3A_630 = arith.addi %add3A_629, %add3A : i32
    %add3A_631 = arith.constant 8928 : i32
    %add3A_632 = arith.addi %add3A_630, %add3A_631 : i32
    %dma_start3A_633 = tpu.memref_slice %arg7[%add3A_632] : memref<2000000xf32, #tpu.memory_space<hbm>> -> memref<4464xf32, #tpu.memory_space<hbm>>
    %dma_start3A_634 = tpu.memref_slice %arg7[%add3A_632] : memref<2000000xf32, #tpu.memory_space<hbm>> -> memref<4464xf32, #tpu.memory_space<hbm>>
    tpu.enqueue_dma source(%arg24 : memref<4464xf32, #tpu.memory_space<vmem>>) target(%dma_start3A_634 : memref<4464xf32, #tpu.memory_space<hbm>>) target_semaphore(%arg31 : memref<!tpu.dma_semaphore, #tpu.memory_space<semaphore_mem>>)
    %add3A_635 = arith.constant 22320 : i32
    %add3A_636 = arith.addi %add3A, %add3A_635 : i32
    %dma_start3A_637 = tpu.memref_slice %arg2[%add3A_636] : memref<1000000xf32, #tpu.memory_space<hbm>> -> memref<4464xf32, #tpu.memory_space<hbm>>
    %dma_start3A_638 = tpu.memref_slice %arg2[%add3A_636] : memref<1000000xf32, #tpu.memory_space<hbm>> -> memref<4464xf32, #tpu.memory_space<hbm>>
    tpu.enqueue_dma source(%dma_start3A_638 : memref<4464xf32, #tpu.memory_space<hbm>>) target(%arg23 : memref<4464xf32, #tpu.memory_space<vmem>>) target_semaphore(%arg27 : memref<!tpu.dma_semaphore, #tpu.memory_space<semaphore_mem>>)
    %add3A_639 = arith.constant 22320 : i32
    %add3A_640 = arith.addi %add3A, %add3A_639 : i32
    %dma_start3A_641 = tpu.memref_slice %arg3[%add3A_640] : memref<1000000xf32, #tpu.memory_space<hbm>> -> memref<4464xf32, #tpu.memory_space<hbm>>
    %dma_start3A_642 = tpu.memref_slice %arg3[%add3A_640] : memref<1000000xf32, #tpu.memory_space<hbm>> -> memref<4464xf32, #tpu.memory_space<hbm>>
    tpu.enqueue_dma source(%dma_start3A_642 : memref<4464xf32, #tpu.memory_space<hbm>>) target(%arg24 : memref<4464xf32, #tpu.memory_space<vmem>>) target_semaphore(%arg27 : memref<!tpu.dma_semaphore, #tpu.memory_space<semaphore_mem>>)
    %add3A_643 = arith.constant 22320 : i32
    %add3A_644 = arith.addi %mul3A_37, %add3A_643 : i32
    %dma_start3A_645 = tpu.memref_slice %arg32[%add3A_644] : memref<500008xf32, #tpu.memory_space<vmem_shared>> -> memref<4464xf32, #tpu.memory_space<vmem_shared>>
    %dma_start3A_646 = tpu.memref_slice %arg32[%add3A_644] : memref<500008xf32, #tpu.memory_space<vmem_shared>> -> memref<4464xf32, #tpu.memory_space<vmem_shared>>
    tpu.enqueue_dma source(%dma_start3A_646 : memref<4464xf32, #tpu.memory_space<vmem_shared>>) target(%arg25 : memref<4464xf32, #tpu.memory_space<vmem>>) target_semaphore(%arg30 : memref<!tpu.dma_semaphore, #tpu.memory_space<semaphore_mem>>)
    %add3A_647 = arith.constant 22320 : i32
    %add3A_648 = arith.addi %mul3A_37, %add3A_647 : i32
    %dma_start3A_649 = tpu.memref_slice %arg33[%add3A_648] : memref<500008xf32, #tpu.memory_space<vmem_shared>> -> memref<4464xf32, #tpu.memory_space<vmem_shared>>
    %dma_start3A_650 = tpu.memref_slice %arg33[%add3A_648] : memref<500008xf32, #tpu.memory_space<vmem_shared>> -> memref<4464xf32, #tpu.memory_space<vmem_shared>>
    tpu.enqueue_dma source(%dma_start3A_650 : memref<4464xf32, #tpu.memory_space<vmem_shared>>) target(%arg26 : memref<4464xf32, #tpu.memory_space<vmem>>) target_semaphore(%arg30 : memref<!tpu.dma_semaphore, #tpu.memory_space<semaphore_mem>>)
    %dma_wait3A_651 = tpu.memref_slice %arg7[%add3A_546] : memref<2000000xf32, #tpu.memory_space<hbm>> -> memref<4464xf32, #tpu.memory_space<hbm>>
    %dma_wait3A_652 = tpu.memref_slice %arg7[%add3A_546] : memref<2000000xf32, #tpu.memory_space<hbm>> -> memref<4464xf32, #tpu.memory_space<hbm>>
    tpu.wait_dma2 semaphore(%arg31 : memref<!tpu.dma_semaphore, #tpu.memory_space<semaphore_mem>>) src(%arg15 : memref<4464xf32, #tpu.memory_space<vmem>>) dst(%dma_wait3A_652 : memref<4464xf32, #tpu.memory_space<hbm>>)
    %dma_wait3A_653 = tpu.memref_slice %arg7[%add3A_552] : memref<2000000xf32, #tpu.memory_space<hbm>> -> memref<4464xf32, #tpu.memory_space<hbm>>
    %dma_wait3A_654 = tpu.memref_slice %arg7[%add3A_552] : memref<2000000xf32, #tpu.memory_space<hbm>> -> memref<4464xf32, #tpu.memory_space<hbm>>
    tpu.wait_dma2 semaphore(%arg31 : memref<!tpu.dma_semaphore, #tpu.memory_space<semaphore_mem>>) src(%arg16 : memref<4464xf32, #tpu.memory_space<vmem>>) dst(%dma_wait3A_654 : memref<4464xf32, #tpu.memory_space<hbm>>)
    %dma_wait3A_655 = tpu.memref_slice %arg2[%add3A_556] : memref<1000000xf32, #tpu.memory_space<hbm>> -> memref<4464xf32, #tpu.memory_space<hbm>>
    %dma_wait3A_656 = tpu.memref_slice %arg2[%add3A_556] : memref<1000000xf32, #tpu.memory_space<hbm>> -> memref<4464xf32, #tpu.memory_space<hbm>>
    tpu.wait_dma2 semaphore(%arg27 : memref<!tpu.dma_semaphore, #tpu.memory_space<semaphore_mem>>) src(%dma_wait3A_656 : memref<4464xf32, #tpu.memory_space<hbm>>) dst(%arg15 : memref<4464xf32, #tpu.memory_space<vmem>>)
    %dma_wait3A_657 = tpu.memref_slice %arg3[%add3A_560] : memref<1000000xf32, #tpu.memory_space<hbm>> -> memref<4464xf32, #tpu.memory_space<hbm>>
    %dma_wait3A_658 = tpu.memref_slice %arg3[%add3A_560] : memref<1000000xf32, #tpu.memory_space<hbm>> -> memref<4464xf32, #tpu.memory_space<hbm>>
    tpu.wait_dma2 semaphore(%arg27 : memref<!tpu.dma_semaphore, #tpu.memory_space<semaphore_mem>>) src(%dma_wait3A_658 : memref<4464xf32, #tpu.memory_space<hbm>>) dst(%arg16 : memref<4464xf32, #tpu.memory_space<vmem>>)
    %dma_wait3A_659 = tpu.memref_slice %arg32[%add3A_564] : memref<500008xf32, #tpu.memory_space<vmem_shared>> -> memref<4464xf32, #tpu.memory_space<vmem_shared>>
    %dma_wait3A_660 = tpu.memref_slice %arg32[%add3A_564] : memref<500008xf32, #tpu.memory_space<vmem_shared>> -> memref<4464xf32, #tpu.memory_space<vmem_shared>>
    tpu.wait_dma2 semaphore(%arg30 : memref<!tpu.dma_semaphore, #tpu.memory_space<semaphore_mem>>) src(%dma_wait3A_660 : memref<4464xf32, #tpu.memory_space<vmem_shared>>) dst(%arg17 : memref<4464xf32, #tpu.memory_space<vmem>>)
    %dma_wait3A_661 = tpu.memref_slice %arg33[%add3A_568] : memref<500008xf32, #tpu.memory_space<vmem_shared>> -> memref<4464xf32, #tpu.memory_space<vmem_shared>>
    %dma_wait3A_662 = tpu.memref_slice %arg33[%add3A_568] : memref<500008xf32, #tpu.memory_space<vmem_shared>> -> memref<4464xf32, #tpu.memory_space<vmem_shared>>
    tpu.wait_dma2 semaphore(%arg30 : memref<!tpu.dma_semaphore, #tpu.memory_space<semaphore_mem>>) src(%dma_wait3A_662 : memref<4464xf32, #tpu.memory_space<vmem_shared>>) dst(%arg18 : memref<4464xf32, #tpu.memory_space<vmem>>)
    %scan3A_663 = arith.constant 0 : i32
    %scan3A_664 = arith.constant 0 : i32
    %scan3A_665 = arith.constant 93 : i32
    %scan3A_666 = arith.addi %scan3A_664, %scan3A_665 : i32
    %scan3A_667 = arith.constant 1 : i32
    scf.for %scan3A_794 = %scan3A_664 to %scan3A_666 step %scan3A_667  : i32 {
      %mul3A_795 = arith.constant 48 : i32
      %mul3A_796 = arith.muli %scan3A_794, %mul3A_795 : i32
      %add3A_797 = arith.constant 0 : i32
      %add3A_798 = arith.addi %mul3A_796, %add3A_797 : i32
      %get3A_799 = arith.index_cast %add3A_798 : i32 to index
      %get3A_800 = tpu.vector_load %arg15[%get3A_799] {strides = array<i32>} : memref<4464xf32, #tpu.memory_space<vmem>>, vector<16xf32>,
      %get3A_801 = vector.shape_cast %get3A_800 : vector<16xf32> to vector<16xf32>
      %get3A_802 = arith.index_cast %add3A_798 : i32 to index
      %get3A_803 = tpu.vector_load %arg16[%get3A_802] {strides = array<i32>} : memref<4464xf32, #tpu.memory_space<vmem>>, vector<16xf32>,
      %get3A_804 = vector.shape_cast %get3A_803 : vector<16xf32> to vector<16xf32>
      %get3A_805 = arith.index_cast %add3A_798 : i32 to index
      %get3A_806 = tpu.vector_load %arg17[%get3A_805] {strides = array<i32>} : memref<4464xf32, #tpu.memory_space<vmem>>, vector<16xf32>,
      %get3A_807 = vector.shape_cast %get3A_806 : vector<16xf32> to vector<16xf32>
      %get3A_808 = arith.index_cast %add3A_798 : i32 to index
      %get3A_809 = tpu.vector_load %arg18[%get3A_808] {strides = array<i32>} : memref<4464xf32, #tpu.memory_space<vmem>>, vector<16xf32>,
      %get3A_810 = vector.shape_cast %get3A_809 : vector<16xf32> to vector<16xf32>
      %mul3A_811 = arith.mulf %get3A_530, %get3A_804 : vector<16xf32>
      %mul3A_812 = arith.mulf %get3A_807, %mul3A_811 : vector<16xf32>
      %add3A_813 = arith.constant 1.000000e+00 : f32
      %add3A_814 = vector.broadcast %add3A_813 : f32 to vector<16xf32>
      %add3A_815 = arith.addf %add3A_814, %mul3A_812 : vector<16xf32>
      %div3A = arith.constant 1.000000e+00 : f32
      %div3A_816 = vector.broadcast %div3A : f32 to vector<16xf32>
      %div3A_817 = arith.divf %div3A_816, %add3A_815 : vector<16xf32>
      %mul3A_818 = arith.mulf %get3A_810, %mul3A_811 : vector<16xf32>
      %add3A_819 = arith.addf %get3A_801, %mul3A_818 : vector<16xf32>
      %mul3A_820 = arith.mulf %add3A_819, %div3A_817 : vector<16xf32>
      %swap3A = arith.index_cast %add3A_798 : i32 to index
      %swap3A_821 = tpu.vector_load %arg15[%swap3A] {strides = array<i32>} : memref<4464xf32, #tpu.memory_space<vmem>>, vector<16xf32>,
      %swap3A_822 = vector.shape_cast %swap3A_821 : vector<16xf32> to vector<16xf32>
      %swap3A_823 = vector.shape_cast %mul3A_820 : vector<16xf32> to vector<16xf32>
      tpu.vector_store %arg15[%swap3A], %swap3A_823 {strides = array<i32>} : memref<4464xf32, #tpu.memory_space<vmem>>, vector<16xf32>,
      %mul3A_824 = arith.mulf %get3A_804, %div3A_817 : vector<16xf32>
      %swap3A_825 = arith.index_cast %add3A_798 : i32 to index
      %swap3A_826 = tpu.vector_load %arg16[%swap3A_825] {strides = array<i32>} : memref<4464xf32, #tpu.memory_space<vmem>>, vector<16xf32>,
      %swap3A_827 = vector.shape_cast %swap3A_826 : vector<16xf32> to vector<16xf32>
      %swap3A_828 = vector.shape_cast %mul3A_824 : vector<16xf32> to vector<16xf32>
      tpu.vector_store %arg16[%swap3A_825], %swap3A_828 {strides = array<i32>} : memref<4464xf32, #tpu.memory_space<vmem>>, vector<16xf32>,
      %mul3A_829 = arith.constant 48 : i32
      %mul3A_830 = arith.muli %scan3A_794, %mul3A_829 : i32
      %add3A_831 = arith.constant 16 : i32
      %add3A_832 = arith.addi %mul3A_830, %add3A_831 : i32
      %get3A_833 = arith.index_cast %add3A_832 : i32 to index
      %get3A_834 = tpu.vector_load %arg15[%get3A_833] {strides = array<i32>} : memref<4464xf32, #tpu.memory_space<vmem>>, vector<16xf32>,
      %get3A_835 = vector.shape_cast %get3A_834 : vector<16xf32> to vector<16xf32>
      %get3A_836 = arith.index_cast %add3A_832 : i32 to index
      %get3A_837 = tpu.vector_load %arg16[%get3A_836] {strides = array<i32>} : memref<4464xf32, #tpu.memory_space<vmem>>, vector<16xf32>,
      %get3A_838 = vector.shape_cast %get3A_837 : vector<16xf32> to vector<16xf32>
      %get3A_839 = arith.index_cast %add3A_832 : i32 to index
      %get3A_840 = tpu.vector_load %arg17[%get3A_839] {strides = array<i32>} : memref<4464xf32, #tpu.memory_space<vmem>>, vector<16xf32>,
      %get3A_841 = vector.shape_cast %get3A_840 : vector<16xf32> to vector<16xf32>
      %get3A_842 = arith.index_cast %add3A_832 : i32 to index
      %get3A_843 = tpu.vector_load %arg18[%get3A_842] {strides = array<i32>} : memref<4464xf32, #tpu.memory_space<vmem>>, vector<16xf32>,
      %get3A_844 = vector.shape_cast %get3A_843 : vector<16xf32> to vector<16xf32>
      %mul3A_845 = arith.mulf %get3A_530, %get3A_838 : vector<16xf32>
      %mul3A_846 = arith.mulf %get3A_841, %mul3A_845 : vector<16xf32>
      %add3A_847 = arith.constant 1.000000e+00 : f32
      %add3A_848 = vector.broadcast %add3A_847 : f32 to vector<16xf32>
      %add3A_849 = arith.addf %add3A_848, %mul3A_846 : vector<16xf32>
      %div3A_850 = arith.constant 1.000000e+00 : f32
      %div3A_851 = vector.broadcast %div3A_850 : f32 to vector<16xf32>
      %div3A_852 = arith.divf %div3A_851, %add3A_849 : vector<16xf32>
      %mul3A_853 = arith.mulf %get3A_844, %mul3A_845 : vector<16xf32>
      %add3A_854 = arith.addf %get3A_835, %mul3A_853 : vector<16xf32>
      %mul3A_855 = arith.mulf %add3A_854, %div3A_852 : vector<16xf32>
      %swap3A_856 = arith.index_cast %add3A_832 : i32 to index
      %swap3A_857 = tpu.vector_load %arg15[%swap3A_856] {strides = array<i32>} : memref<4464xf32, #tpu.memory_space<vmem>>, vector<16xf32>,
      %swap3A_858 = vector.shape_cast %swap3A_857 : vector<16xf32> to vector<16xf32>
      %swap3A_859 = vector.shape_cast %mul3A_855 : vector<16xf32> to vector<16xf32>
      tpu.vector_store %arg15[%swap3A_856], %swap3A_859 {strides = array<i32>} : memref<4464xf32, #tpu.memory_space<vmem>>, vector<16xf32>,
      %mul3A_860 = arith.mulf %get3A_838, %div3A_852 : vector<16xf32>
      %swap3A_861 = arith.index_cast %add3A_832 : i32 to index
      %swap3A_862 = tpu.vector_load %arg16[%swap3A_861] {strides = array<i32>} : memref<4464xf32, #tpu.memory_space<vmem>>, vector<16xf32>,
      %swap3A_863 = vector.shape_cast %swap3A_862 : vector<16xf32> to vector<16xf32>
      %swap3A_864 = vector.shape_cast %mul3A_860 : vector<16xf32> to vector<16xf32>
      tpu.vector_store %arg16[%swap3A_861], %swap3A_864 {strides = array<i32>} : memref<4464xf32, #tpu.memory_space<vmem>>, vector<16xf32>,
      %mul3A_865 = arith.constant 48 : i32
      %mul3A_866 = arith.muli %scan3A_794, %mul3A_865 : i32
      %add3A_867 = arith.constant 32 : i32
      %add3A_868 = arith.addi %mul3A_866, %add3A_867 : i32
      %get3A_869 = arith.index_cast %add3A_868 : i32 to index
      %get3A_870 = tpu.vector_load %arg15[%get3A_869] {strides = array<i32>} : memref<4464xf32, #tpu.memory_space<vmem>>, vector<16xf32>,
      %get3A_871 = vector.shape_cast %get3A_870 : vector<16xf32> to vector<16xf32>
      %get3A_872 = arith.index_cast %add3A_868 : i32 to index
      %get3A_873 = tpu.vector_load %arg16[%get3A_872] {strides = array<i32>} : memref<4464xf32, #tpu.memory_space<vmem>>, vector<16xf32>,
      %get3A_874 = vector.shape_cast %get3A_873 : vector<16xf32> to vector<16xf32>
      %get3A_875 = arith.index_cast %add3A_868 : i32 to index
      %get3A_876 = tpu.vector_load %arg17[%get3A_875] {strides = array<i32>} : memref<4464xf32, #tpu.memory_space<vmem>>, vector<16xf32>,
      %get3A_877 = vector.shape_cast %get3A_876 : vector<16xf32> to vector<16xf32>
      %get3A_878 = arith.index_cast %add3A_868 : i32 to index
      %get3A_879 = tpu.vector_load %arg18[%get3A_878] {strides = array<i32>} : memref<4464xf32, #tpu.memory_space<vmem>>, vector<16xf32>,
      %get3A_880 = vector.shape_cast %get3A_879 : vector<16xf32> to vector<16xf32>
      %mul3A_881 = arith.mulf %get3A_530, %get3A_874 : vector<16xf32>
      %mul3A_882 = arith.mulf %get3A_877, %mul3A_881 : vector<16xf32>
      %add3A_883 = arith.constant 1.000000e+00 : f32
      %add3A_884 = vector.broadcast %add3A_883 : f32 to vector<16xf32>
      %add3A_885 = arith.addf %add3A_884, %mul3A_882 : vector<16xf32>
      %div3A_886 = arith.constant 1.000000e+00 : f32
      %div3A_887 = vector.broadcast %div3A_886 : f32 to vector<16xf32>
      %div3A_888 = arith.divf %div3A_887, %add3A_885 : vector<16xf32>
      %mul3A_889 = arith.mulf %get3A_880, %mul3A_881 : vector<16xf32>
      %add3A_890 = arith.addf %get3A_871, %mul3A_889 : vector<16xf32>
      %mul3A_891 = arith.mulf %add3A_890, %div3A_888 : vector<16xf32>
      %swap3A_892 = arith.index_cast %add3A_868 : i32 to index
      %swap3A_893 = tpu.vector_load %arg15[%swap3A_892] {strides = array<i32>} : memref<4464xf32, #tpu.memory_space<vmem>>, vector<16xf32>,
      %swap3A_894 = vector.shape_cast %swap3A_893 : vector<16xf32> to vector<16xf32>
      %swap3A_895 = vector.shape_cast %mul3A_891 : vector<16xf32> to vector<16xf32>
      tpu.vector_store %arg15[%swap3A_892], %swap3A_895 {strides = array<i32>} : memref<4464xf32, #tpu.memory_space<vmem>>, vector<16xf32>,
      %mul3A_896 = arith.mulf %get3A_874, %div3A_888 : vector<16xf32>
      %swap3A_897 = arith.index_cast %add3A_868 : i32 to index
      %swap3A_898 = tpu.vector_load %arg16[%swap3A_897] {strides = array<i32>} : memref<4464xf32, #tpu.memory_space<vmem>>, vector<16xf32>,
      %swap3A_899 = vector.shape_cast %swap3A_898 : vector<16xf32> to vector<16xf32>
      %swap3A_900 = vector.shape_cast %mul3A_896 : vector<16xf32> to vector<16xf32>
      tpu.vector_store %arg16[%swap3A_897], %swap3A_900 {strides = array<i32>} : memref<4464xf32, #tpu.memory_space<vmem>>, vector<16xf32>,
    }
    %scan3A_668 = arith.constant 93 : i32
    %add3A_669 = arith.constant 13392 : i32
    %add3A_670 = arith.addi %add3A, %add3A_669 : i32
    %dma_start3A_671 = tpu.memref_slice %arg7[%add3A_670] : memref<2000000xf32, #tpu.memory_space<hbm>> -> memref<4464xf32, #tpu.memory_space<hbm>>
    %dma_start3A_672 = tpu.memref_slice %arg7[%add3A_670] : memref<2000000xf32, #tpu.memory_space<hbm>> -> memref<4464xf32, #tpu.memory_space<hbm>>
    tpu.enqueue_dma source(%arg15 : memref<4464xf32, #tpu.memory_space<vmem>>) target(%dma_start3A_672 : memref<4464xf32, #tpu.memory_space<hbm>>) target_semaphore(%arg31 : memref<!tpu.dma_semaphore, #tpu.memory_space<semaphore_mem>>)
    %add3A_673 = arith.constant 1000000 : i32
    %add3A_674 = arith.addi %add3A_673, %add3A : i32
    %add3A_675 = arith.constant 13392 : i32
    %add3A_676 = arith.addi %add3A_674, %add3A_675 : i32
    %dma_start3A_677 = tpu.memref_slice %arg7[%add3A_676] : memref<2000000xf32, #tpu.memory_space<hbm>> -> memref<4464xf32, #tpu.memory_space<hbm>>
    %dma_start3A_678 = tpu.memref_slice %arg7[%add3A_676] : memref<2000000xf32, #tpu.memory_space<hbm>> -> memref<4464xf32, #tpu.memory_space<hbm>>
    tpu.enqueue_dma source(%arg16 : memref<4464xf32, #tpu.memory_space<vmem>>) target(%dma_start3A_678 : memref<4464xf32, #tpu.memory_space<hbm>>) target_semaphore(%arg31 : memref<!tpu.dma_semaphore, #tpu.memory_space<semaphore_mem>>)
    %add3A_679 = arith.constant 26784 : i32
    %add3A_680 = arith.addi %add3A, %add3A_679 : i32
    %dma_start3A_681 = tpu.memref_slice %arg2[%add3A_680] : memref<1000000xf32, #tpu.memory_space<hbm>> -> memref<4464xf32, #tpu.memory_space<hbm>>
    %dma_start3A_682 = tpu.memref_slice %arg2[%add3A_680] : memref<1000000xf32, #tpu.memory_space<hbm>> -> memref<4464xf32, #tpu.memory_space<hbm>>
    tpu.enqueue_dma source(%dma_start3A_682 : memref<4464xf32, #tpu.memory_space<hbm>>) target(%arg15 : memref<4464xf32, #tpu.memory_space<vmem>>) target_semaphore(%arg27 : memref<!tpu.dma_semaphore, #tpu.memory_space<semaphore_mem>>)
    %add3A_683 = arith.constant 26784 : i32
    %add3A_684 = arith.addi %add3A, %add3A_683 : i32
    %dma_start3A_685 = tpu.memref_slice %arg3[%add3A_684] : memref<1000000xf32, #tpu.memory_space<hbm>> -> memref<4464xf32, #tpu.memory_space<hbm>>
    %dma_start3A_686 = tpu.memref_slice %arg3[%add3A_684] : memref<1000000xf32, #tpu.memory_space<hbm>> -> memref<4464xf32, #tpu.memory_space<hbm>>
    tpu.enqueue_dma source(%dma_start3A_686 : memref<4464xf32, #tpu.memory_space<hbm>>) target(%arg16 : memref<4464xf32, #tpu.memory_space<vmem>>) target_semaphore(%arg27 : memref<!tpu.dma_semaphore, #tpu.memory_space<semaphore_mem>>)
    %add3A_687 = arith.constant 26784 : i32
    %add3A_688 = arith.addi %mul3A_37, %add3A_687 : i32
    %dma_start3A_689 = tpu.memref_slice %arg32[%add3A_688] : memref<500008xf32, #tpu.memory_space<vmem_shared>> -> memref<4464xf32, #tpu.memory_space<vmem_shared>>
    %dma_start3A_690 = tpu.memref_slice %arg32[%add3A_688] : memref<500008xf32, #tpu.memory_space<vmem_shared>> -> memref<4464xf32, #tpu.memory_space<vmem_shared>>
    tpu.enqueue_dma source(%dma_start3A_690 : memref<4464xf32, #tpu.memory_space<vmem_shared>>) target(%arg17 : memref<4464xf32, #tpu.memory_space<vmem>>) target_semaphore(%arg30 : memref<!tpu.dma_semaphore, #tpu.memory_space<semaphore_mem>>)
    %add3A_691 = arith.constant 26784 : i32
    %add3A_692 = arith.addi %mul3A_37, %add3A_691 : i32
    %dma_start3A_693 = tpu.memref_slice %arg33[%add3A_692] : memref<500008xf32, #tpu.memory_space<vmem_shared>> -> memref<4464xf32, #tpu.memory_space<vmem_shared>>
    %dma_start3A_694 = tpu.memref_slice %arg33[%add3A_692] : memref<500008xf32, #tpu.memory_space<vmem_shared>> -> memref<4464xf32, #tpu.memory_space<vmem_shared>>
    tpu.enqueue_dma source(%dma_start3A_694 : memref<4464xf32, #tpu.memory_space<vmem_shared>>) target(%arg18 : memref<4464xf32, #tpu.memory_space<vmem>>) target_semaphore(%arg30 : memref<!tpu.dma_semaphore, #tpu.memory_space<semaphore_mem>>)
    %dma_wait3A_695 = tpu.memref_slice %arg7[%add3A_586] : memref<2000000xf32, #tpu.memory_space<hbm>> -> memref<4464xf32, #tpu.memory_space<hbm>>
    %dma_wait3A_696 = tpu.memref_slice %arg7[%add3A_586] : memref<2000000xf32, #tpu.memory_space<hbm>> -> memref<4464xf32, #tpu.memory_space<hbm>>
    tpu.wait_dma2 semaphore(%arg31 : memref<!tpu.dma_semaphore, #tpu.memory_space<semaphore_mem>>) src(%arg19 : memref<4464xf32, #tpu.memory_space<vmem>>) dst(%dma_wait3A_696 : memref<4464xf32, #tpu.memory_space<hbm>>)
    %dma_wait3A_697 = tpu.memref_slice %arg7[%add3A_592] : memref<2000000xf32, #tpu.memory_space<hbm>> -> memref<4464xf32, #tpu.memory_space<hbm>>
    %dma_wait3A_698 = tpu.memref_slice %arg7[%add3A_592] : memref<2000000xf32, #tpu.memory_space<hbm>> -> memref<4464xf32, #tpu.memory_space<hbm>>
    tpu.wait_dma2 semaphore(%arg31 : memref<!tpu.dma_semaphore, #tpu.memory_space<semaphore_mem>>) src(%arg20 : memref<4464xf32, #tpu.memory_space<vmem>>) dst(%dma_wait3A_698 : memref<4464xf32, #tpu.memory_space<hbm>>)
    %dma_wait3A_699 = tpu.memref_slice %arg2[%add3A_596] : memref<1000000xf32, #tpu.memory_space<hbm>> -> memref<4464xf32, #tpu.memory_space<hbm>>
    %dma_wait3A_700 = tpu.memref_slice %arg2[%add3A_596] : memref<1000000xf32, #tpu.memory_space<hbm>> -> memref<4464xf32, #tpu.memory_space<hbm>>
    tpu.wait_dma2 semaphore(%arg27 : memref<!tpu.dma_semaphore, #tpu.memory_space<semaphore_mem>>) src(%dma_wait3A_700 : memref<4464xf32, #tpu.memory_space<hbm>>) dst(%arg19 : memref<4464xf32, #tpu.memory_space<vmem>>)
    %dma_wait3A_701 = tpu.memref_slice %arg3[%add3A_600] : memref<1000000xf32, #tpu.memory_space<hbm>> -> memref<4464xf32, #tpu.memory_space<hbm>>
    %dma_wait3A_702 = tpu.memref_slice %arg3[%add3A_600] : memref<1000000xf32, #tpu.memory_space<hbm>> -> memref<4464xf32, #tpu.memory_space<hbm>>
    tpu.wait_dma2 semaphore(%arg27 : memref<!tpu.dma_semaphore, #tpu.memory_space<semaphore_mem>>) src(%dma_wait3A_702 : memref<4464xf32, #tpu.memory_space<hbm>>) dst(%arg20 : memref<4464xf32, #tpu.memory_space<vmem>>)
    %dma_wait3A_703 = tpu.memref_slice %arg32[%add3A_604] : memref<500008xf32, #tpu.memory_space<vmem_shared>> -> memref<4464xf32, #tpu.memory_space<vmem_shared>>
    %dma_wait3A_704 = tpu.memref_slice %arg32[%add3A_604] : memref<500008xf32, #tpu.memory_space<vmem_shared>> -> memref<4464xf32, #tpu.memory_space<vmem_shared>>
    tpu.wait_dma2 semaphore(%arg30 : memref<!tpu.dma_semaphore, #tpu.memory_space<semaphore_mem>>) src(%dma_wait3A_704 : memref<4464xf32, #tpu.memory_space<vmem_shared>>) dst(%arg21 : memref<4464xf32, #tpu.memory_space<vmem>>)
    %dma_wait3A_705 = tpu.memref_slice %arg33[%add3A_608] : memref<500008xf32, #tpu.memory_space<vmem_shared>> -> memref<4464xf32, #tpu.memory_space<vmem_shared>>
    %dma_wait3A_706 = tpu.memref_slice %arg33[%add3A_608] : memref<500008xf32, #tpu.memory_space<vmem_shared>> -> memref<4464xf32, #tpu.memory_space<vmem_shared>>
    tpu.wait_dma2 semaphore(%arg30 : memref<!tpu.dma_semaphore, #tpu.memory_space<semaphore_mem>>) src(%dma_wait3A_706 : memref<4464xf32, #tpu.memory_space<vmem_shared>>) dst(%arg22 : memref<4464xf32, #tpu.memory_space<vmem>>)
    %scan3A_707 = arith.constant 0 : i32
    %scan3A_708 = arith.constant 0 : i32
    %scan3A_709 = arith.constant 93 : i32
    %scan3A_710 = arith.addi %scan3A_708, %scan3A_709 : i32
    %scan3A_711 = arith.constant 1 : i32
    scf.for %scan3A_794 = %scan3A_708 to %scan3A_710 step %scan3A_711  : i32 {
      %mul3A_795 = arith.constant 48 : i32
      %mul3A_796 = arith.muli %scan3A_794, %mul3A_795 : i32
      %add3A_797 = arith.constant 0 : i32
      %add3A_798 = arith.addi %mul3A_796, %add3A_797 : i32
      %get3A_799 = arith.index_cast %add3A_798 : i32 to index
      %get3A_800 = tpu.vector_load %arg19[%get3A_799] {strides = array<i32>} : memref<4464xf32, #tpu.memory_space<vmem>>, vector<16xf32>,
      %get3A_801 = vector.shape_cast %get3A_800 : vector<16xf32> to vector<16xf32>
      %get3A_802 = arith.index_cast %add3A_798 : i32 to index
      %get3A_803 = tpu.vector_load %arg20[%get3A_802] {strides = array<i32>} : memref<4464xf32, #tpu.memory_space<vmem>>, vector<16xf32>,
      %get3A_804 = vector.shape_cast %get3A_803 : vector<16xf32> to vector<16xf32>
      %get3A_805 = arith.index_cast %add3A_798 : i32 to index
      %get3A_806 = tpu.vector_load %arg21[%get3A_805] {strides = array<i32>} : memref<4464xf32, #tpu.memory_space<vmem>>, vector<16xf32>,
      %get3A_807 = vector.shape_cast %get3A_806 : vector<16xf32> to vector<16xf32>
      %get3A_808 = arith.index_cast %add3A_798 : i32 to index
      %get3A_809 = tpu.vector_load %arg22[%get3A_808] {strides = array<i32>} : memref<4464xf32, #tpu.memory_space<vmem>>, vector<16xf32>,
      %get3A_810 = vector.shape_cast %get3A_809 : vector<16xf32> to vector<16xf32>
      %mul3A_811 = arith.mulf %get3A_530, %get3A_804 : vector<16xf32>
      %mul3A_812 = arith.mulf %get3A_807, %mul3A_811 : vector<16xf32>
      %add3A_813 = arith.constant 1.000000e+00 : f32
      %add3A_814 = vector.broadcast %add3A_813 : f32 to vector<16xf32>
      %add3A_815 = arith.addf %add3A_814, %mul3A_812 : vector<16xf32>
      %div3A = arith.constant 1.000000e+00 : f32
      %div3A_816 = vector.broadcast %div3A : f32 to vector<16xf32>
      %div3A_817 = arith.divf %div3A_816, %add3A_815 : vector<16xf32>
      %mul3A_818 = arith.mulf %get3A_810, %mul3A_811 : vector<16xf32>
      %add3A_819 = arith.addf %get3A_801, %mul3A_818 : vector<16xf32>
      %mul3A_820 = arith.mulf %add3A_819, %div3A_817 : vector<16xf32>
      %swap3A = arith.index_cast %add3A_798 : i32 to index
      %swap3A_821 = tpu.vector_load %arg19[%swap3A] {strides = array<i32>} : memref<4464xf32, #tpu.memory_space<vmem>>, vector<16xf32>,
      %swap3A_822 = vector.shape_cast %swap3A_821 : vector<16xf32> to vector<16xf32>
      %swap3A_823 = vector.shape_cast %mul3A_820 : vector<16xf32> to vector<16xf32>
      tpu.vector_store %arg19[%swap3A], %swap3A_823 {strides = array<i32>} : memref<4464xf32, #tpu.memory_space<vmem>>, vector<16xf32>,
      %mul3A_824 = arith.mulf %get3A_804, %div3A_817 : vector<16xf32>
      %swap3A_825 = arith.index_cast %add3A_798 : i32 to index
      %swap3A_826 = tpu.vector_load %arg20[%swap3A_825] {strides = array<i32>} : memref<4464xf32, #tpu.memory_space<vmem>>, vector<16xf32>,
      %swap3A_827 = vector.shape_cast %swap3A_826 : vector<16xf32> to vector<16xf32>
      %swap3A_828 = vector.shape_cast %mul3A_824 : vector<16xf32> to vector<16xf32>
      tpu.vector_store %arg20[%swap3A_825], %swap3A_828 {strides = array<i32>} : memref<4464xf32, #tpu.memory_space<vmem>>, vector<16xf32>,
      %mul3A_829 = arith.constant 48 : i32
      %mul3A_830 = arith.muli %scan3A_794, %mul3A_829 : i32
      %add3A_831 = arith.constant 16 : i32
      %add3A_832 = arith.addi %mul3A_830, %add3A_831 : i32
      %get3A_833 = arith.index_cast %add3A_832 : i32 to index
      %get3A_834 = tpu.vector_load %arg19[%get3A_833] {strides = array<i32>} : memref<4464xf32, #tpu.memory_space<vmem>>, vector<16xf32>,
      %get3A_835 = vector.shape_cast %get3A_834 : vector<16xf32> to vector<16xf32>
      %get3A_836 = arith.index_cast %add3A_832 : i32 to index
      %get3A_837 = tpu.vector_load %arg20[%get3A_836] {strides = array<i32>} : memref<4464xf32, #tpu.memory_space<vmem>>, vector<16xf32>,
      %get3A_838 = vector.shape_cast %get3A_837 : vector<16xf32> to vector<16xf32>
      %get3A_839 = arith.index_cast %add3A_832 : i32 to index
      %get3A_840 = tpu.vector_load %arg21[%get3A_839] {strides = array<i32>} : memref<4464xf32, #tpu.memory_space<vmem>>, vector<16xf32>,
      %get3A_841 = vector.shape_cast %get3A_840 : vector<16xf32> to vector<16xf32>
      %get3A_842 = arith.index_cast %add3A_832 : i32 to index
      %get3A_843 = tpu.vector_load %arg22[%get3A_842] {strides = array<i32>} : memref<4464xf32, #tpu.memory_space<vmem>>, vector<16xf32>,
      %get3A_844 = vector.shape_cast %get3A_843 : vector<16xf32> to vector<16xf32>
      %mul3A_845 = arith.mulf %get3A_530, %get3A_838 : vector<16xf32>
      %mul3A_846 = arith.mulf %get3A_841, %mul3A_845 : vector<16xf32>
      %add3A_847 = arith.constant 1.000000e+00 : f32
      %add3A_848 = vector.broadcast %add3A_847 : f32 to vector<16xf32>
      %add3A_849 = arith.addf %add3A_848, %mul3A_846 : vector<16xf32>
      %div3A_850 = arith.constant 1.000000e+00 : f32
      %div3A_851 = vector.broadcast %div3A_850 : f32 to vector<16xf32>
      %div3A_852 = arith.divf %div3A_851, %add3A_849 : vector<16xf32>
      %mul3A_853 = arith.mulf %get3A_844, %mul3A_845 : vector<16xf32>
      %add3A_854 = arith.addf %get3A_835, %mul3A_853 : vector<16xf32>
      %mul3A_855 = arith.mulf %add3A_854, %div3A_852 : vector<16xf32>
      %swap3A_856 = arith.index_cast %add3A_832 : i32 to index
      %swap3A_857 = tpu.vector_load %arg19[%swap3A_856] {strides = array<i32>} : memref<4464xf32, #tpu.memory_space<vmem>>, vector<16xf32>,
      %swap3A_858 = vector.shape_cast %swap3A_857 : vector<16xf32> to vector<16xf32>
      %swap3A_859 = vector.shape_cast %mul3A_855 : vector<16xf32> to vector<16xf32>
      tpu.vector_store %arg19[%swap3A_856], %swap3A_859 {strides = array<i32>} : memref<4464xf32, #tpu.memory_space<vmem>>, vector<16xf32>,
      %mul3A_860 = arith.mulf %get3A_838, %div3A_852 : vector<16xf32>
      %swap3A_861 = arith.index_cast %add3A_832 : i32 to index
      %swap3A_862 = tpu.vector_load %arg20[%swap3A_861] {strides = array<i32>} : memref<4464xf32, #tpu.memory_space<vmem>>, vector<16xf32>,
      %swap3A_863 = vector.shape_cast %swap3A_862 : vector<16xf32> to vector<16xf32>
      %swap3A_864 = vector.shape_cast %mul3A_860 : vector<16xf32> to vector<16xf32>
      tpu.vector_store %arg20[%swap3A_861], %swap3A_864 {strides = array<i32>} : memref<4464xf32, #tpu.memory_space<vmem>>, vector<16xf32>,
      %mul3A_865 = arith.constant 48 : i32
      %mul3A_866 = arith.muli %scan3A_794, %mul3A_865 : i32
      %add3A_867 = arith.constant 32 : i32
      %add3A_868 = arith.addi %mul3A_866, %add3A_867 : i32
      %get3A_869 = arith.index_cast %add3A_868 : i32 to index
      %get3A_870 = tpu.vector_load %arg19[%get3A_869] {strides = array<i32>} : memref<4464xf32, #tpu.memory_space<vmem>>, vector<16xf32>,
      %get3A_871 = vector.shape_cast %get3A_870 : vector<16xf32> to vector<16xf32>
      %get3A_872 = arith.index_cast %add3A_868 : i32 to index
      %get3A_873 = tpu.vector_load %arg20[%get3A_872] {strides = array<i32>} : memref<4464xf32, #tpu.memory_space<vmem>>, vector<16xf32>,
      %get3A_874 = vector.shape_cast %get3A_873 : vector<16xf32> to vector<16xf32>
      %get3A_875 = arith.index_cast %add3A_868 : i32 to index
      %get3A_876 = tpu.vector_load %arg21[%get3A_875] {strides = array<i32>} : memref<4464xf32, #tpu.memory_space<vmem>>, vector<16xf32>,
      %get3A_877 = vector.shape_cast %get3A_876 : vector<16xf32> to vector<16xf32>
      %get3A_878 = arith.index_cast %add3A_868 : i32 to index
      %get3A_879 = tpu.vector_load %arg22[%get3A_878] {strides = array<i32>} : memref<4464xf32, #tpu.memory_space<vmem>>, vector<16xf32>,
      %get3A_880 = vector.shape_cast %get3A_879 : vector<16xf32> to vector<16xf32>
      %mul3A_881 = arith.mulf %get3A_530, %get3A_874 : vector<16xf32>
      %mul3A_882 = arith.mulf %get3A_877, %mul3A_881 : vector<16xf32>
      %add3A_883 = arith.constant 1.000000e+00 : f32
      %add3A_884 = vector.broadcast %add3A_883 : f32 to vector<16xf32>
      %add3A_885 = arith.addf %add3A_884, %mul3A_882 : vector<16xf32>
      %div3A_886 = arith.constant 1.000000e+00 : f32
      %div3A_887 = vector.broadcast %div3A_886 : f32 to vector<16xf32>
      %div3A_888 = arith.divf %div3A_887, %add3A_885 : vector<16xf32>
      %mul3A_889 = arith.mulf %get3A_880, %mul3A_881 : vector<16xf32>
      %add3A_890 = arith.addf %get3A_871, %mul3A_889 : vector<16xf32>
      %mul3A_891 = arith.mulf %add3A_890, %div3A_888 : vector<16xf32>
      %swap3A_892 = arith.index_cast %add3A_868 : i32 to index
      %swap3A_893 = tpu.vector_load %arg19[%swap3A_892] {strides = array<i32>} : memref<4464xf32, #tpu.memory_space<vmem>>, vector<16xf32>,
      %swap3A_894 = vector.shape_cast %swap3A_893 : vector<16xf32> to vector<16xf32>
      %swap3A_895 = vector.shape_cast %mul3A_891 : vector<16xf32> to vector<16xf32>
      tpu.vector_store %arg19[%swap3A_892], %swap3A_895 {strides = array<i32>} : memref<4464xf32, #tpu.memory_space<vmem>>, vector<16xf32>,
      %mul3A_896 = arith.mulf %get3A_874, %div3A_888 : vector<16xf32>
      %swap3A_897 = arith.index_cast %add3A_868 : i32 to index
      %swap3A_898 = tpu.vector_load %arg20[%swap3A_897] {strides = array<i32>} : memref<4464xf32, #tpu.memory_space<vmem>>, vector<16xf32>,
      %swap3A_899 = vector.shape_cast %swap3A_898 : vector<16xf32> to vector<16xf32>
      %swap3A_900 = vector.shape_cast %mul3A_896 : vector<16xf32> to vector<16xf32>
      tpu.vector_store %arg20[%swap3A_897], %swap3A_900 {strides = array<i32>} : memref<4464xf32, #tpu.memory_space<vmem>>, vector<16xf32>,
    }
    %scan3A_712 = arith.constant 93 : i32
    %add3A_713 = arith.constant 17856 : i32
    %add3A_714 = arith.addi %add3A, %add3A_713 : i32
    %dma_start3A_715 = tpu.memref_slice %arg7[%add3A_714] : memref<2000000xf32, #tpu.memory_space<hbm>> -> memref<4464xf32, #tpu.memory_space<hbm>>
    %dma_start3A_716 = tpu.memref_slice %arg7[%add3A_714] : memref<2000000xf32, #tpu.memory_space<hbm>> -> memref<4464xf32, #tpu.memory_space<hbm>>
    tpu.enqueue_dma source(%arg19 : memref<4464xf32, #tpu.memory_space<vmem>>) target(%dma_start3A_716 : memref<4464xf32, #tpu.memory_space<hbm>>) target_semaphore(%arg31 : memref<!tpu.dma_semaphore, #tpu.memory_space<semaphore_mem>>)
    %add3A_717 = arith.constant 1000000 : i32
    %add3A_718 = arith.addi %add3A_717, %add3A : i32
    %add3A_719 = arith.constant 17856 : i32
    %add3A_720 = arith.addi %add3A_718, %add3A_719 : i32
    %dma_start3A_721 = tpu.memref_slice %arg7[%add3A_720] : memref<2000000xf32, #tpu.memory_space<hbm>> -> memref<4464xf32, #tpu.memory_space<hbm>>
    %dma_start3A_722 = tpu.memref_slice %arg7[%add3A_720] : memref<2000000xf32, #tpu.memory_space<hbm>> -> memref<4464xf32, #tpu.memory_space<hbm>>
    tpu.enqueue_dma source(%arg20 : memref<4464xf32, #tpu.memory_space<vmem>>) target(%dma_start3A_722 : memref<4464xf32, #tpu.memory_space<hbm>>) target_semaphore(%arg31 : memref<!tpu.dma_semaphore, #tpu.memory_space<semaphore_mem>>)
    %dma_wait3A_723 = tpu.memref_slice %arg7[%add3A_626] : memref<2000000xf32, #tpu.memory_space<hbm>> -> memref<4464xf32, #tpu.memory_space<hbm>>
    %dma_wait3A_724 = tpu.memref_slice %arg7[%add3A_626] : memref<2000000xf32, #tpu.memory_space<hbm>> -> memref<4464xf32, #tpu.memory_space<hbm>>
    tpu.wait_dma2 semaphore(%arg31 : memref<!tpu.dma_semaphore, #tpu.memory_space<semaphore_mem>>) src(%arg23 : memref<4464xf32, #tpu.memory_space<vmem>>) dst(%dma_wait3A_724 : memref<4464xf32, #tpu.memory_space<hbm>>)
    %dma_wait3A_725 = tpu.memref_slice %arg7[%add3A_632] : memref<2000000xf32, #tpu.memory_space<hbm>> -> memref<4464xf32, #tpu.memory_space<hbm>>
    %dma_wait3A_726 = tpu.memref_slice %arg7[%add3A_632] : memref<2000000xf32, #tpu.memory_space<hbm>> -> memref<4464xf32, #tpu.memory_space<hbm>>
    tpu.wait_dma2 semaphore(%arg31 : memref<!tpu.dma_semaphore, #tpu.memory_space<semaphore_mem>>) src(%arg24 : memref<4464xf32, #tpu.memory_space<vmem>>) dst(%dma_wait3A_726 : memref<4464xf32, #tpu.memory_space<hbm>>)
    %dma_wait3A_727 = tpu.memref_slice %arg2[%add3A_636] : memref<1000000xf32, #tpu.memory_space<hbm>> -> memref<4464xf32, #tpu.memory_space<hbm>>
    %dma_wait3A_728 = tpu.memref_slice %arg2[%add3A_636] : memref<1000000xf32, #tpu.memory_space<hbm>> -> memref<4464xf32, #tpu.memory_space<hbm>>
    tpu.wait_dma2 semaphore(%arg27 : memref<!tpu.dma_semaphore, #tpu.memory_space<semaphore_mem>>) src(%dma_wait3A_728 : memref<4464xf32, #tpu.memory_space<hbm>>) dst(%arg23 : memref<4464xf32, #tpu.memory_space<vmem>>)
    %dma_wait3A_729 = tpu.memref_slice %arg3[%add3A_640] : memref<1000000xf32, #tpu.memory_space<hbm>> -> memref<4464xf32, #tpu.memory_space<hbm>>
    %dma_wait3A_730 = tpu.memref_slice %arg3[%add3A_640] : memref<1000000xf32, #tpu.memory_space<hbm>> -> memref<4464xf32, #tpu.memory_space<hbm>>
    tpu.wait_dma2 semaphore(%arg27 : memref<!tpu.dma_semaphore, #tpu.memory_space<semaphore_mem>>) src(%dma_wait3A_730 : memref<4464xf32, #tpu.memory_space<hbm>>) dst(%arg24 : memref<4464xf32, #tpu.memory_space<vmem>>)
    %dma_wait3A_731 = tpu.memref_slice %arg32[%add3A_644] : memref<500008xf32, #tpu.memory_space<vmem_shared>> -> memref<4464xf32, #tpu.memory_space<vmem_shared>>
    %dma_wait3A_732 = tpu.memref_slice %arg32[%add3A_644] : memref<500008xf32, #tpu.memory_space<vmem_shared>> -> memref<4464xf32, #tpu.memory_space<vmem_shared>>
    tpu.wait_dma2 semaphore(%arg30 : memref<!tpu.dma_semaphore, #tpu.memory_space<semaphore_mem>>) src(%dma_wait3A_732 : memref<4464xf32, #tpu.memory_space<vmem_shared>>) dst(%arg25 : memref<4464xf32, #tpu.memory_space<vmem>>)
    %dma_wait3A_733 = tpu.memref_slice %arg33[%add3A_648] : memref<500008xf32, #tpu.memory_space<vmem_shared>> -> memref<4464xf32, #tpu.memory_space<vmem_shared>>
    %dma_wait3A_734 = tpu.memref_slice %arg33[%add3A_648] : memref<500008xf32, #tpu.memory_space<vmem_shared>> -> memref<4464xf32, #tpu.memory_space<vmem_shared>>
    tpu.wait_dma2 semaphore(%arg30 : memref<!tpu.dma_semaphore, #tpu.memory_space<semaphore_mem>>) src(%dma_wait3A_734 : memref<4464xf32, #tpu.memory_space<vmem_shared>>) dst(%arg26 : memref<4464xf32, #tpu.memory_space<vmem>>)
    %scan3A_735 = arith.constant 0 : i32
    %scan3A_736 = arith.constant 0 : i32
    %scan3A_737 = arith.constant 93 : i32
    %scan3A_738 = arith.addi %scan3A_736, %scan3A_737 : i32
    %scan3A_739 = arith.constant 1 : i32
    scf.for %scan3A_794 = %scan3A_736 to %scan3A_738 step %scan3A_739  : i32 {
      %mul3A_795 = arith.constant 48 : i32
      %mul3A_796 = arith.muli %scan3A_794, %mul3A_795 : i32
      %add3A_797 = arith.constant 0 : i32
      %add3A_798 = arith.addi %mul3A_796, %add3A_797 : i32
      %get3A_799 = arith.index_cast %add3A_798 : i32 to index
      %get3A_800 = tpu.vector_load %arg23[%get3A_799] {strides = array<i32>} : memref<4464xf32, #tpu.memory_space<vmem>>, vector<16xf32>,
      %get3A_801 = vector.shape_cast %get3A_800 : vector<16xf32> to vector<16xf32>
      %get3A_802 = arith.index_cast %add3A_798 : i32 to index
      %get3A_803 = tpu.vector_load %arg24[%get3A_802] {strides = array<i32>} : memref<4464xf32, #tpu.memory_space<vmem>>, vector<16xf32>,
      %get3A_804 = vector.shape_cast %get3A_803 : vector<16xf32> to vector<16xf32>
      %get3A_805 = arith.index_cast %add3A_798 : i32 to index
      %get3A_806 = tpu.vector_load %arg25[%get3A_805] {strides = array<i32>} : memref<4464xf32, #tpu.memory_space<vmem>>, vector<16xf32>,
      %get3A_807 = vector.shape_cast %get3A_806 : vector<16xf32> to vector<16xf32>
      %get3A_808 = arith.index_cast %add3A_798 : i32 to index
      %get3A_809 = tpu.vector_load %arg26[%get3A_808] {strides = array<i32>} : memref<4464xf32, #tpu.memory_space<vmem>>, vector<16xf32>,
      %get3A_810 = vector.shape_cast %get3A_809 : vector<16xf32> to vector<16xf32>
      %mul3A_811 = arith.mulf %get3A_530, %get3A_804 : vector<16xf32>
      %mul3A_812 = arith.mulf %get3A_807, %mul3A_811 : vector<16xf32>
      %add3A_813 = arith.constant 1.000000e+00 : f32
      %add3A_814 = vector.broadcast %add3A_813 : f32 to vector<16xf32>
      %add3A_815 = arith.addf %add3A_814, %mul3A_812 : vector<16xf32>
      %div3A = arith.constant 1.000000e+00 : f32
      %div3A_816 = vector.broadcast %div3A : f32 to vector<16xf32>
      %div3A_817 = arith.divf %div3A_816, %add3A_815 : vector<16xf32>
      %mul3A_818 = arith.mulf %get3A_810, %mul3A_811 : vector<16xf32>
      %add3A_819 = arith.addf %get3A_801, %mul3A_818 : vector<16xf32>
      %mul3A_820 = arith.mulf %add3A_819, %div3A_817 : vector<16xf32>
      %swap3A = arith.index_cast %add3A_798 : i32 to index
      %swap3A_821 = tpu.vector_load %arg23[%swap3A] {strides = array<i32>} : memref<4464xf32, #tpu.memory_space<vmem>>, vector<16xf32>,
      %swap3A_822 = vector.shape_cast %swap3A_821 : vector<16xf32> to vector<16xf32>
      %swap3A_823 = vector.shape_cast %mul3A_820 : vector<16xf32> to vector<16xf32>
      tpu.vector_store %arg23[%swap3A], %swap3A_823 {strides = array<i32>} : memref<4464xf32, #tpu.memory_space<vmem>>, vector<16xf32>,
      %mul3A_824 = arith.mulf %get3A_804, %div3A_817 : vector<16xf32>
      %swap3A_825 = arith.index_cast %add3A_798 : i32 to index
      %swap3A_826 = tpu.vector_load %arg24[%swap3A_825] {strides = array<i32>} : memref<4464xf32, #tpu.memory_space<vmem>>, vector<16xf32>,
      %swap3A_827 = vector.shape_cast %swap3A_826 : vector<16xf32> to vector<16xf32>
      %swap3A_828 = vector.shape_cast %mul3A_824 : vector<16xf32> to vector<16xf32>
      tpu.vector_store %arg24[%swap3A_825], %swap3A_828 {strides = array<i32>} : memref<4464xf32, #tpu.memory_space<vmem>>, vector<16xf32>,
      %mul3A_829 = arith.constant 48 : i32
      %mul3A_830 = arith.muli %scan3A_794, %mul3A_829 : i32
      %add3A_831 = arith.constant 16 : i32
      %add3A_832 = arith.addi %mul3A_830, %add3A_831 : i32
      %get3A_833 = arith.index_cast %add3A_832 : i32 to index
      %get3A_834 = tpu.vector_load %arg23[%get3A_833] {strides = array<i32>} : memref<4464xf32, #tpu.memory_space<vmem>>, vector<16xf32>,
      %get3A_835 = vector.shape_cast %get3A_834 : vector<16xf32> to vector<16xf32>
      %get3A_836 = arith.index_cast %add3A_832 : i32 to index
      %get3A_837 = tpu.vector_load %arg24[%get3A_836] {strides = array<i32>} : memref<4464xf32, #tpu.memory_space<vmem>>, vector<16xf32>,
      %get3A_838 = vector.shape_cast %get3A_837 : vector<16xf32> to vector<16xf32>
      %get3A_839 = arith.index_cast %add3A_832 : i32 to index
      %get3A_840 = tpu.vector_load %arg25[%get3A_839] {strides = array<i32>} : memref<4464xf32, #tpu.memory_space<vmem>>, vector<16xf32>,
      %get3A_841 = vector.shape_cast %get3A_840 : vector<16xf32> to vector<16xf32>
      %get3A_842 = arith.index_cast %add3A_832 : i32 to index
      %get3A_843 = tpu.vector_load %arg26[%get3A_842] {strides = array<i32>} : memref<4464xf32, #tpu.memory_space<vmem>>, vector<16xf32>,
      %get3A_844 = vector.shape_cast %get3A_843 : vector<16xf32> to vector<16xf32>
      %mul3A_845 = arith.mulf %get3A_530, %get3A_838 : vector<16xf32>
      %mul3A_846 = arith.mulf %get3A_841, %mul3A_845 : vector<16xf32>
      %add3A_847 = arith.constant 1.000000e+00 : f32
      %add3A_848 = vector.broadcast %add3A_847 : f32 to vector<16xf32>
      %add3A_849 = arith.addf %add3A_848, %mul3A_846 : vector<16xf32>
      %div3A_850 = arith.constant 1.000000e+00 : f32
      %div3A_851 = vector.broadcast %div3A_850 : f32 to vector<16xf32>
      %div3A_852 = arith.divf %div3A_851, %add3A_849 : vector<16xf32>
      %mul3A_853 = arith.mulf %get3A_844, %mul3A_845 : vector<16xf32>
      %add3A_854 = arith.addf %get3A_835, %mul3A_853 : vector<16xf32>
      %mul3A_855 = arith.mulf %add3A_854, %div3A_852 : vector<16xf32>
      %swap3A_856 = arith.index_cast %add3A_832 : i32 to index
      %swap3A_857 = tpu.vector_load %arg23[%swap3A_856] {strides = array<i32>} : memref<4464xf32, #tpu.memory_space<vmem>>, vector<16xf32>,
      %swap3A_858 = vector.shape_cast %swap3A_857 : vector<16xf32> to vector<16xf32>
      %swap3A_859 = vector.shape_cast %mul3A_855 : vector<16xf32> to vector<16xf32>
      tpu.vector_store %arg23[%swap3A_856], %swap3A_859 {strides = array<i32>} : memref<4464xf32, #tpu.memory_space<vmem>>, vector<16xf32>,
      %mul3A_860 = arith.mulf %get3A_838, %div3A_852 : vector<16xf32>
      %swap3A_861 = arith.index_cast %add3A_832 : i32 to index
      %swap3A_862 = tpu.vector_load %arg24[%swap3A_861] {strides = array<i32>} : memref<4464xf32, #tpu.memory_space<vmem>>, vector<16xf32>,
      %swap3A_863 = vector.shape_cast %swap3A_862 : vector<16xf32> to vector<16xf32>
      %swap3A_864 = vector.shape_cast %mul3A_860 : vector<16xf32> to vector<16xf32>
      tpu.vector_store %arg24[%swap3A_861], %swap3A_864 {strides = array<i32>} : memref<4464xf32, #tpu.memory_space<vmem>>, vector<16xf32>,
      %mul3A_865 = arith.constant 48 : i32
      %mul3A_866 = arith.muli %scan3A_794, %mul3A_865 : i32
      %add3A_867 = arith.constant 32 : i32
      %add3A_868 = arith.addi %mul3A_866, %add3A_867 : i32
      %get3A_869 = arith.index_cast %add3A_868 : i32 to index
      %get3A_870 = tpu.vector_load %arg23[%get3A_869] {strides = array<i32>} : memref<4464xf32, #tpu.memory_space<vmem>>, vector<16xf32>,
      %get3A_871 = vector.shape_cast %get3A_870 : vector<16xf32> to vector<16xf32>
      %get3A_872 = arith.index_cast %add3A_868 : i32 to index
      %get3A_873 = tpu.vector_load %arg24[%get3A_872] {strides = array<i32>} : memref<4464xf32, #tpu.memory_space<vmem>>, vector<16xf32>,
      %get3A_874 = vector.shape_cast %get3A_873 : vector<16xf32> to vector<16xf32>
      %get3A_875 = arith.index_cast %add3A_868 : i32 to index
      %get3A_876 = tpu.vector_load %arg25[%get3A_875] {strides = array<i32>} : memref<4464xf32, #tpu.memory_space<vmem>>, vector<16xf32>,
      %get3A_877 = vector.shape_cast %get3A_876 : vector<16xf32> to vector<16xf32>
      %get3A_878 = arith.index_cast %add3A_868 : i32 to index
      %get3A_879 = tpu.vector_load %arg26[%get3A_878] {strides = array<i32>} : memref<4464xf32, #tpu.memory_space<vmem>>, vector<16xf32>,
      %get3A_880 = vector.shape_cast %get3A_879 : vector<16xf32> to vector<16xf32>
      %mul3A_881 = arith.mulf %get3A_530, %get3A_874 : vector<16xf32>
      %mul3A_882 = arith.mulf %get3A_877, %mul3A_881 : vector<16xf32>
      %add3A_883 = arith.constant 1.000000e+00 : f32
      %add3A_884 = vector.broadcast %add3A_883 : f32 to vector<16xf32>
      %add3A_885 = arith.addf %add3A_884, %mul3A_882 : vector<16xf32>
      %div3A_886 = arith.constant 1.000000e+00 : f32
      %div3A_887 = vector.broadcast %div3A_886 : f32 to vector<16xf32>
      %div3A_888 = arith.divf %div3A_887, %add3A_885 : vector<16xf32>
      %mul3A_889 = arith.mulf %get3A_880, %mul3A_881 : vector<16xf32>
      %add3A_890 = arith.addf %get3A_871, %mul3A_889 : vector<16xf32>
      %mul3A_891 = arith.mulf %add3A_890, %div3A_888 : vector<16xf32>
      %swap3A_892 = arith.index_cast %add3A_868 : i32 to index
      %swap3A_893 = tpu.vector_load %arg23[%swap3A_892] {strides = array<i32>} : memref<4464xf32, #tpu.memory_space<vmem>>, vector<16xf32>,
      %swap3A_894 = vector.shape_cast %swap3A_893 : vector<16xf32> to vector<16xf32>
      %swap3A_895 = vector.shape_cast %mul3A_891 : vector<16xf32> to vector<16xf32>
      tpu.vector_store %arg23[%swap3A_892], %swap3A_895 {strides = array<i32>} : memref<4464xf32, #tpu.memory_space<vmem>>, vector<16xf32>,
      %mul3A_896 = arith.mulf %get3A_874, %div3A_888 : vector<16xf32>
      %swap3A_897 = arith.index_cast %add3A_868 : i32 to index
      %swap3A_898 = tpu.vector_load %arg24[%swap3A_897] {strides = array<i32>} : memref<4464xf32, #tpu.memory_space<vmem>>, vector<16xf32>,
      %swap3A_899 = vector.shape_cast %swap3A_898 : vector<16xf32> to vector<16xf32>
      %swap3A_900 = vector.shape_cast %mul3A_896 : vector<16xf32> to vector<16xf32>
      tpu.vector_store %arg24[%swap3A_897], %swap3A_900 {strides = array<i32>} : memref<4464xf32, #tpu.memory_space<vmem>>, vector<16xf32>,
    }
    %scan3A_740 = arith.constant 93 : i32
    %add3A_741 = arith.constant 22320 : i32
    %add3A_742 = arith.addi %add3A, %add3A_741 : i32
    %dma_start3A_743 = tpu.memref_slice %arg7[%add3A_742] : memref<2000000xf32, #tpu.memory_space<hbm>> -> memref<4464xf32, #tpu.memory_space<hbm>>
    %dma_start3A_744 = tpu.memref_slice %arg7[%add3A_742] : memref<2000000xf32, #tpu.memory_space<hbm>> -> memref<4464xf32, #tpu.memory_space<hbm>>
    tpu.enqueue_dma source(%arg23 : memref<4464xf32, #tpu.memory_space<vmem>>) target(%dma_start3A_744 : memref<4464xf32, #tpu.memory_space<hbm>>) target_semaphore(%arg31 : memref<!tpu.dma_semaphore, #tpu.memory_space<semaphore_mem>>)
    %add3A_745 = arith.constant 1000000 : i32
    %add3A_746 = arith.addi %add3A_745, %add3A : i32
    %add3A_747 = arith.constant 22320 : i32
    %add3A_748 = arith.addi %add3A_746, %add3A_747 : i32
    %dma_start3A_749 = tpu.memref_slice %arg7[%add3A_748] : memref<2000000xf32, #tpu.memory_space<hbm>> -> memref<4464xf32, #tpu.memory_space<hbm>>
    %dma_start3A_750 = tpu.memref_slice %arg7[%add3A_748] : memref<2000000xf32, #tpu.memory_space<hbm>> -> memref<4464xf32, #tpu.memory_space<hbm>>
    tpu.enqueue_dma source(%arg24 : memref<4464xf32, #tpu.memory_space<vmem>>) target(%dma_start3A_750 : memref<4464xf32, #tpu.memory_space<hbm>>) target_semaphore(%arg31 : memref<!tpu.dma_semaphore, #tpu.memory_space<semaphore_mem>>)
    %dma_wait3A_751 = tpu.memref_slice %arg7[%add3A_670] : memref<2000000xf32, #tpu.memory_space<hbm>> -> memref<4464xf32, #tpu.memory_space<hbm>>
    %dma_wait3A_752 = tpu.memref_slice %arg7[%add3A_670] : memref<2000000xf32, #tpu.memory_space<hbm>> -> memref<4464xf32, #tpu.memory_space<hbm>>
    tpu.wait_dma2 semaphore(%arg31 : memref<!tpu.dma_semaphore, #tpu.memory_space<semaphore_mem>>) src(%arg15 : memref<4464xf32, #tpu.memory_space<vmem>>) dst(%dma_wait3A_752 : memref<4464xf32, #tpu.memory_space<hbm>>)
    %dma_wait3A_753 = tpu.memref_slice %arg7[%add3A_676] : memref<2000000xf32, #tpu.memory_space<hbm>> -> memref<4464xf32, #tpu.memory_space<hbm>>
    %dma_wait3A_754 = tpu.memref_slice %arg7[%add3A_676] : memref<2000000xf32, #tpu.memory_space<hbm>> -> memref<4464xf32, #tpu.memory_space<hbm>>
    tpu.wait_dma2 semaphore(%arg31 : memref<!tpu.dma_semaphore, #tpu.memory_space<semaphore_mem>>) src(%arg16 : memref<4464xf32, #tpu.memory_space<vmem>>) dst(%dma_wait3A_754 : memref<4464xf32, #tpu.memory_space<hbm>>)
    %dma_wait3A_755 = tpu.memref_slice %arg2[%add3A_680] : memref<1000000xf32, #tpu.memory_space<hbm>> -> memref<4464xf32, #tpu.memory_space<hbm>>
    %dma_wait3A_756 = tpu.memref_slice %arg2[%add3A_680] : memref<1000000xf32, #tpu.memory_space<hbm>> -> memref<4464xf32, #tpu.memory_space<hbm>>
    tpu.wait_dma2 semaphore(%arg27 : memref<!tpu.dma_semaphore, #tpu.memory_space<semaphore_mem>>) src(%dma_wait3A_756 : memref<4464xf32, #tpu.memory_space<hbm>>) dst(%arg15 : memref<4464xf32, #tpu.memory_space<vmem>>)
    %dma_wait3A_757 = tpu.memref_slice %arg3[%add3A_684] : memref<1000000xf32, #tpu.memory_space<hbm>> -> memref<4464xf32, #tpu.memory_space<hbm>>
    %dma_wait3A_758 = tpu.memref_slice %arg3[%add3A_684] : memref<1000000xf32, #tpu.memory_space<hbm>> -> memref<4464xf32, #tpu.memory_space<hbm>>
    tpu.wait_dma2 semaphore(%arg27 : memref<!tpu.dma_semaphore, #tpu.memory_space<semaphore_mem>>) src(%dma_wait3A_758 : memref<4464xf32, #tpu.memory_space<hbm>>) dst(%arg16 : memref<4464xf32, #tpu.memory_space<vmem>>)
    %dma_wait3A_759 = tpu.memref_slice %arg32[%add3A_688] : memref<500008xf32, #tpu.memory_space<vmem_shared>> -> memref<4464xf32, #tpu.memory_space<vmem_shared>>
    %dma_wait3A_760 = tpu.memref_slice %arg32[%add3A_688] : memref<500008xf32, #tpu.memory_space<vmem_shared>> -> memref<4464xf32, #tpu.memory_space<vmem_shared>>
    tpu.wait_dma2 semaphore(%arg30 : memref<!tpu.dma_semaphore, #tpu.memory_space<semaphore_mem>>) src(%dma_wait3A_760 : memref<4464xf32, #tpu.memory_space<vmem_shared>>) dst(%arg17 : memref<4464xf32, #tpu.memory_space<vmem>>)
    %dma_wait3A_761 = tpu.memref_slice %arg33[%add3A_692] : memref<500008xf32, #tpu.memory_space<vmem_shared>> -> memref<4464xf32, #tpu.memory_space<vmem_shared>>
    %dma_wait3A_762 = tpu.memref_slice %arg33[%add3A_692] : memref<500008xf32, #tpu.memory_space<vmem_shared>> -> memref<4464xf32, #tpu.memory_space<vmem_shared>>
    tpu.wait_dma2 semaphore(%arg30 : memref<!tpu.dma_semaphore, #tpu.memory_space<semaphore_mem>>) src(%dma_wait3A_762 : memref<4464xf32, #tpu.memory_space<vmem_shared>>) dst(%arg18 : memref<4464xf32, #tpu.memory_space<vmem>>)
    %scan3A_763 = arith.constant 0 : i32
    %scan3A_764 = arith.constant 0 : i32
    %scan3A_765 = arith.constant 93 : i32
    %scan3A_766 = arith.addi %scan3A_764, %scan3A_765 : i32
    %scan3A_767 = arith.constant 1 : i32
    scf.for %scan3A_794 = %scan3A_764 to %scan3A_766 step %scan3A_767  : i32 {
      %mul3A_795 = arith.constant 48 : i32
      %mul3A_796 = arith.muli %scan3A_794, %mul3A_795 : i32
      %add3A_797 = arith.constant 0 : i32
      %add3A_798 = arith.addi %mul3A_796, %add3A_797 : i32
      %get3A_799 = arith.index_cast %add3A_798 : i32 to index
      %get3A_800 = tpu.vector_load %arg15[%get3A_799] {strides = array<i32>} : memref<4464xf32, #tpu.memory_space<vmem>>, vector<16xf32>,
      %get3A_801 = vector.shape_cast %get3A_800 : vector<16xf32> to vector<16xf32>
      %get3A_802 = arith.index_cast %add3A_798 : i32 to index
      %get3A_803 = tpu.vector_load %arg16[%get3A_802] {strides = array<i32>} : memref<4464xf32, #tpu.memory_space<vmem>>, vector<16xf32>,
      %get3A_804 = vector.shape_cast %get3A_803 : vector<16xf32> to vector<16xf32>
      %get3A_805 = arith.index_cast %add3A_798 : i32 to index
      %get3A_806 = tpu.vector_load %arg17[%get3A_805] {strides = array<i32>} : memref<4464xf32, #tpu.memory_space<vmem>>, vector<16xf32>,
      %get3A_807 = vector.shape_cast %get3A_806 : vector<16xf32> to vector<16xf32>
      %get3A_808 = arith.index_cast %add3A_798 : i32 to index
      %get3A_809 = tpu.vector_load %arg18[%get3A_808] {strides = array<i32>} : memref<4464xf32, #tpu.memory_space<vmem>>, vector<16xf32>,
      %get3A_810 = vector.shape_cast %get3A_809 : vector<16xf32> to vector<16xf32>
      %mul3A_811 = arith.mulf %get3A_530, %get3A_804 : vector<16xf32>
      %mul3A_812 = arith.mulf %get3A_807, %mul3A_811 : vector<16xf32>
      %add3A_813 = arith.constant 1.000000e+00 : f32
      %add3A_814 = vector.broadcast %add3A_813 : f32 to vector<16xf32>
      %add3A_815 = arith.addf %add3A_814, %mul3A_812 : vector<16xf32>
      %div3A = arith.constant 1.000000e+00 : f32
      %div3A_816 = vector.broadcast %div3A : f32 to vector<16xf32>
      %div3A_817 = arith.divf %div3A_816, %add3A_815 : vector<16xf32>
      %mul3A_818 = arith.mulf %get3A_810, %mul3A_811 : vector<16xf32>
      %add3A_819 = arith.addf %get3A_801, %mul3A_818 : vector<16xf32>
      %mul3A_820 = arith.mulf %add3A_819, %div3A_817 : vector<16xf32>
      %swap3A = arith.index_cast %add3A_798 : i32 to index
      %swap3A_821 = tpu.vector_load %arg15[%swap3A] {strides = array<i32>} : memref<4464xf32, #tpu.memory_space<vmem>>, vector<16xf32>,
      %swap3A_822 = vector.shape_cast %swap3A_821 : vector<16xf32> to vector<16xf32>
      %swap3A_823 = vector.shape_cast %mul3A_820 : vector<16xf32> to vector<16xf32>
      tpu.vector_store %arg15[%swap3A], %swap3A_823 {strides = array<i32>} : memref<4464xf32, #tpu.memory_space<vmem>>, vector<16xf32>,
      %mul3A_824 = arith.mulf %get3A_804, %div3A_817 : vector<16xf32>
      %swap3A_825 = arith.index_cast %add3A_798 : i32 to index
      %swap3A_826 = tpu.vector_load %arg16[%swap3A_825] {strides = array<i32>} : memref<4464xf32, #tpu.memory_space<vmem>>, vector<16xf32>,
      %swap3A_827 = vector.shape_cast %swap3A_826 : vector<16xf32> to vector<16xf32>
      %swap3A_828 = vector.shape_cast %mul3A_824 : vector<16xf32> to vector<16xf32>
      tpu.vector_store %arg16[%swap3A_825], %swap3A_828 {strides = array<i32>} : memref<4464xf32, #tpu.memory_space<vmem>>, vector<16xf32>,
      %mul3A_829 = arith.constant 48 : i32
      %mul3A_830 = arith.muli %scan3A_794, %mul3A_829 : i32
      %add3A_831 = arith.constant 16 : i32
      %add3A_832 = arith.addi %mul3A_830, %add3A_831 : i32
      %get3A_833 = arith.index_cast %add3A_832 : i32 to index
      %get3A_834 = tpu.vector_load %arg15[%get3A_833] {strides = array<i32>} : memref<4464xf32, #tpu.memory_space<vmem>>, vector<16xf32>,
      %get3A_835 = vector.shape_cast %get3A_834 : vector<16xf32> to vector<16xf32>
      %get3A_836 = arith.index_cast %add3A_832 : i32 to index
      %get3A_837 = tpu.vector_load %arg16[%get3A_836] {strides = array<i32>} : memref<4464xf32, #tpu.memory_space<vmem>>, vector<16xf32>,
      %get3A_838 = vector.shape_cast %get3A_837 : vector<16xf32> to vector<16xf32>
      %get3A_839 = arith.index_cast %add3A_832 : i32 to index
      %get3A_840 = tpu.vector_load %arg17[%get3A_839] {strides = array<i32>} : memref<4464xf32, #tpu.memory_space<vmem>>, vector<16xf32>,
      %get3A_841 = vector.shape_cast %get3A_840 : vector<16xf32> to vector<16xf32>
      %get3A_842 = arith.index_cast %add3A_832 : i32 to index
      %get3A_843 = tpu.vector_load %arg18[%get3A_842] {strides = array<i32>} : memref<4464xf32, #tpu.memory_space<vmem>>, vector<16xf32>,
      %get3A_844 = vector.shape_cast %get3A_843 : vector<16xf32> to vector<16xf32>
      %mul3A_845 = arith.mulf %get3A_530, %get3A_838 : vector<16xf32>
      %mul3A_846 = arith.mulf %get3A_841, %mul3A_845 : vector<16xf32>
      %add3A_847 = arith.constant 1.000000e+00 : f32
      %add3A_848 = vector.broadcast %add3A_847 : f32 to vector<16xf32>
      %add3A_849 = arith.addf %add3A_848, %mul3A_846 : vector<16xf32>
      %div3A_850 = arith.constant 1.000000e+00 : f32
      %div3A_851 = vector.broadcast %div3A_850 : f32 to vector<16xf32>
      %div3A_852 = arith.divf %div3A_851, %add3A_849 : vector<16xf32>
      %mul3A_853 = arith.mulf %get3A_844, %mul3A_845 : vector<16xf32>
      %add3A_854 = arith.addf %get3A_835, %mul3A_853 : vector<16xf32>
      %mul3A_855 = arith.mulf %add3A_854, %div3A_852 : vector<16xf32>
      %swap3A_856 = arith.index_cast %add3A_832 : i32 to index
      %swap3A_857 = tpu.vector_load %arg15[%swap3A_856] {strides = array<i32>} : memref<4464xf32, #tpu.memory_space<vmem>>, vector<16xf32>,
      %swap3A_858 = vector.shape_cast %swap3A_857 : vector<16xf32> to vector<16xf32>
      %swap3A_859 = vector.shape_cast %mul3A_855 : vector<16xf32> to vector<16xf32>
      tpu.vector_store %arg15[%swap3A_856], %swap3A_859 {strides = array<i32>} : memref<4464xf32, #tpu.memory_space<vmem>>, vector<16xf32>,
      %mul3A_860 = arith.mulf %get3A_838, %div3A_852 : vector<16xf32>
      %swap3A_861 = arith.index_cast %add3A_832 : i32 to index
      %swap3A_862 = tpu.vector_load %arg16[%swap3A_861] {strides = array<i32>} : memref<4464xf32, #tpu.memory_space<vmem>>, vector<16xf32>,
      %swap3A_863 = vector.shape_cast %swap3A_862 : vector<16xf32> to vector<16xf32>
      %swap3A_864 = vector.shape_cast %mul3A_860 : vector<16xf32> to vector<16xf32>
      tpu.vector_store %arg16[%swap3A_861], %swap3A_864 {strides = array<i32>} : memref<4464xf32, #tpu.memory_space<vmem>>, vector<16xf32>,
      %mul3A_865 = arith.constant 48 : i32
      %mul3A_866 = arith.muli %scan3A_794, %mul3A_865 : i32
      %add3A_867 = arith.constant 32 : i32
      %add3A_868 = arith.addi %mul3A_866, %add3A_867 : i32
      %get3A_869 = arith.index_cast %add3A_868 : i32 to index
      %get3A_870 = tpu.vector_load %arg15[%get3A_869] {strides = array<i32>} : memref<4464xf32, #tpu.memory_space<vmem>>, vector<16xf32>,
      %get3A_871 = vector.shape_cast %get3A_870 : vector<16xf32> to vector<16xf32>
      %get3A_872 = arith.index_cast %add3A_868 : i32 to index
      %get3A_873 = tpu.vector_load %arg16[%get3A_872] {strides = array<i32>} : memref<4464xf32, #tpu.memory_space<vmem>>, vector<16xf32>,
      %get3A_874 = vector.shape_cast %get3A_873 : vector<16xf32> to vector<16xf32>
      %get3A_875 = arith.index_cast %add3A_868 : i32 to index
      %get3A_876 = tpu.vector_load %arg17[%get3A_875] {strides = array<i32>} : memref<4464xf32, #tpu.memory_space<vmem>>, vector<16xf32>,
      %get3A_877 = vector.shape_cast %get3A_876 : vector<16xf32> to vector<16xf32>
      %get3A_878 = arith.index_cast %add3A_868 : i32 to index
      %get3A_879 = tpu.vector_load %arg18[%get3A_878] {strides = array<i32>} : memref<4464xf32, #tpu.memory_space<vmem>>, vector<16xf32>,
      %get3A_880 = vector.shape_cast %get3A_879 : vector<16xf32> to vector<16xf32>
      %mul3A_881 = arith.mulf %get3A_530, %get3A_874 : vector<16xf32>
      %mul3A_882 = arith.mulf %get3A_877, %mul3A_881 : vector<16xf32>
      %add3A_883 = arith.constant 1.000000e+00 : f32
      %add3A_884 = vector.broadcast %add3A_883 : f32 to vector<16xf32>
      %add3A_885 = arith.addf %add3A_884, %mul3A_882 : vector<16xf32>
      %div3A_886 = arith.constant 1.000000e+00 : f32
      %div3A_887 = vector.broadcast %div3A_886 : f32 to vector<16xf32>
      %div3A_888 = arith.divf %div3A_887, %add3A_885 : vector<16xf32>
      %mul3A_889 = arith.mulf %get3A_880, %mul3A_881 : vector<16xf32>
      %add3A_890 = arith.addf %get3A_871, %mul3A_889 : vector<16xf32>
      %mul3A_891 = arith.mulf %add3A_890, %div3A_888 : vector<16xf32>
      %swap3A_892 = arith.index_cast %add3A_868 : i32 to index
      %swap3A_893 = tpu.vector_load %arg15[%swap3A_892] {strides = array<i32>} : memref<4464xf32, #tpu.memory_space<vmem>>, vector<16xf32>,
      %swap3A_894 = vector.shape_cast %swap3A_893 : vector<16xf32> to vector<16xf32>
      %swap3A_895 = vector.shape_cast %mul3A_891 : vector<16xf32> to vector<16xf32>
      tpu.vector_store %arg15[%swap3A_892], %swap3A_895 {strides = array<i32>} : memref<4464xf32, #tpu.memory_space<vmem>>, vector<16xf32>,
      %mul3A_896 = arith.mulf %get3A_874, %div3A_888 : vector<16xf32>
      %swap3A_897 = arith.index_cast %add3A_868 : i32 to index
      %swap3A_898 = tpu.vector_load %arg16[%swap3A_897] {strides = array<i32>} : memref<4464xf32, #tpu.memory_space<vmem>>, vector<16xf32>,
      %swap3A_899 = vector.shape_cast %swap3A_898 : vector<16xf32> to vector<16xf32>
      %swap3A_900 = vector.shape_cast %mul3A_896 : vector<16xf32> to vector<16xf32>
      tpu.vector_store %arg16[%swap3A_897], %swap3A_900 {strides = array<i32>} : memref<4464xf32, #tpu.memory_space<vmem>>, vector<16xf32>,
    }
    %scan3A_768 = arith.constant 93 : i32
    %add3A_769 = arith.constant 26784 : i32
    %add3A_770 = arith.addi %add3A, %add3A_769 : i32
    %dma_start3A_771 = tpu.memref_slice %arg7[%add3A_770] : memref<2000000xf32, #tpu.memory_space<hbm>> -> memref<4464xf32, #tpu.memory_space<hbm>>
    %dma_start3A_772 = tpu.memref_slice %arg7[%add3A_770] : memref<2000000xf32, #tpu.memory_space<hbm>> -> memref<4464xf32, #tpu.memory_space<hbm>>
    tpu.enqueue_dma source(%arg15 : memref<4464xf32, #tpu.memory_space<vmem>>) target(%dma_start3A_772 : memref<4464xf32, #tpu.memory_space<hbm>>) target_semaphore(%arg31 : memref<!tpu.dma_semaphore, #tpu.memory_space<semaphore_mem>>)
    %add3A_773 = arith.constant 1000000 : i32
    %add3A_774 = arith.addi %add3A_773, %add3A : i32
    %add3A_775 = arith.constant 26784 : i32
    %add3A_776 = arith.addi %add3A_774, %add3A_775 : i32
    %dma_start3A_777 = tpu.memref_slice %arg7[%add3A_776] : memref<2000000xf32, #tpu.memory_space<hbm>> -> memref<4464xf32, #tpu.memory_space<hbm>>
    %dma_start3A_778 = tpu.memref_slice %arg7[%add3A_776] : memref<2000000xf32, #tpu.memory_space<hbm>> -> memref<4464xf32, #tpu.memory_space<hbm>>
    tpu.enqueue_dma source(%arg16 : memref<4464xf32, #tpu.memory_space<vmem>>) target(%dma_start3A_778 : memref<4464xf32, #tpu.memory_space<hbm>>) target_semaphore(%arg31 : memref<!tpu.dma_semaphore, #tpu.memory_space<semaphore_mem>>)
    %eq3A_779 = arith.constant 15 : i32
    %eq3A_780 = arith.cmpi eq, %arg1, %eq3A_779 : i32
    %convert_element_type3A = arith.extui %eq3A_780 : i1 to i32
    %cond3A = arith.constant 0 : i32
    %cond3A_781 = arith.cmpi ne, %convert_element_type3A, %cond3A : i32
    scf.if %cond3A_781 {
      %add3A_794 = arith.constant 499968 : i32
      %add3A_795 = arith.addi %mul3A_0, %add3A_794 : i32
      "tpu.region"() ({
        %run_scoped3A = tpu.sem_alloc : memref<!tpu.dma_semaphore, #tpu.memory_space<semaphore_mem>>
        %dma_start3A_804 = arith.constant 0 : i32
        %dma_start3A_805 = tpu.memref_slice %arg14[%dma_start3A_804] : memref<4096xf32, #tpu.memory_space<vmem>> -> memref<32xf32, #tpu.memory_space<vmem>>
        %dma_start3A_806 = tpu.memref_slice %arg2[%add3A_795] : memref<1000000xf32, #tpu.memory_space<hbm>> -> memref<32xf32, #tpu.memory_space<hbm>>
        %dma_start3A_807 = arith.constant 0 : i32
        %dma_start3A_808 = tpu.memref_slice %arg14[%dma_start3A_807] : memref<4096xf32, #tpu.memory_space<vmem>> -> memref<32xf32, #tpu.memory_space<vmem>>
        %dma_start3A_809 = tpu.memref_slice %arg2[%add3A_795] : memref<1000000xf32, #tpu.memory_space<hbm>> -> memref<32xf32, #tpu.memory_space<hbm>>
        tpu.enqueue_dma source(%dma_start3A_809 : memref<32xf32, #tpu.memory_space<hbm>>) target(%dma_start3A_808 : memref<32xf32, #tpu.memory_space<vmem>>) target_semaphore(%run_scoped3A : memref<!tpu.dma_semaphore, #tpu.memory_space<semaphore_mem>>)
        %dma_wait3A_810 = arith.constant 0 : i32
        %dma_wait3A_811 = tpu.memref_slice %arg14[%dma_wait3A_810] : memref<4096xf32, #tpu.memory_space<vmem>> -> memref<32xf32, #tpu.memory_space<vmem>>
        %dma_wait3A_812 = tpu.memref_slice %arg2[%add3A_795] : memref<1000000xf32, #tpu.memory_space<hbm>> -> memref<32xf32, #tpu.memory_space<hbm>>
        %dma_wait3A_813 = arith.constant 0 : i32
        %dma_wait3A_814 = tpu.memref_slice %arg14[%dma_wait3A_813] : memref<4096xf32, #tpu.memory_space<vmem>> -> memref<32xf32, #tpu.memory_space<vmem>>
        %dma_wait3A_815 = tpu.memref_slice %arg2[%add3A_795] : memref<1000000xf32, #tpu.memory_space<hbm>> -> memref<32xf32, #tpu.memory_space<hbm>>
        tpu.wait_dma2 semaphore(%run_scoped3A : memref<!tpu.dma_semaphore, #tpu.memory_space<semaphore_mem>>) src(%dma_wait3A_815 : memref<32xf32, #tpu.memory_space<hbm>>) dst(%dma_wait3A_814 : memref<32xf32, #tpu.memory_space<vmem>>)
        tpu.yield
      }) : () -> ()
      "tpu.region"() ({
        %run_scoped3A = tpu.sem_alloc : memref<!tpu.dma_semaphore, #tpu.memory_space<semaphore_mem>>
        %dma_start3A_804 = arith.constant 32 : i32
        %dma_start3A_805 = tpu.memref_slice %arg14[%dma_start3A_804] : memref<4096xf32, #tpu.memory_space<vmem>> -> memref<32xf32, #tpu.memory_space<vmem>>
        %dma_start3A_806 = tpu.memref_slice %arg3[%add3A_795] : memref<1000000xf32, #tpu.memory_space<hbm>> -> memref<32xf32, #tpu.memory_space<hbm>>
        %dma_start3A_807 = arith.constant 32 : i32
        %dma_start3A_808 = tpu.memref_slice %arg14[%dma_start3A_807] : memref<4096xf32, #tpu.memory_space<vmem>> -> memref<32xf32, #tpu.memory_space<vmem>>
        %dma_start3A_809 = tpu.memref_slice %arg3[%add3A_795] : memref<1000000xf32, #tpu.memory_space<hbm>> -> memref<32xf32, #tpu.memory_space<hbm>>
        tpu.enqueue_dma source(%dma_start3A_809 : memref<32xf32, #tpu.memory_space<hbm>>) target(%dma_start3A_808 : memref<32xf32, #tpu.memory_space<vmem>>) target_semaphore(%run_scoped3A : memref<!tpu.dma_semaphore, #tpu.memory_space<semaphore_mem>>)
        %dma_wait3A_810 = arith.constant 32 : i32
        %dma_wait3A_811 = tpu.memref_slice %arg14[%dma_wait3A_810] : memref<4096xf32, #tpu.memory_space<vmem>> -> memref<32xf32, #tpu.memory_space<vmem>>
        %dma_wait3A_812 = tpu.memref_slice %arg3[%add3A_795] : memref<1000000xf32, #tpu.memory_space<hbm>> -> memref<32xf32, #tpu.memory_space<hbm>>
        %dma_wait3A_813 = arith.constant 32 : i32
        %dma_wait3A_814 = tpu.memref_slice %arg14[%dma_wait3A_813] : memref<4096xf32, #tpu.memory_space<vmem>> -> memref<32xf32, #tpu.memory_space<vmem>>
        %dma_wait3A_815 = tpu.memref_slice %arg3[%add3A_795] : memref<1000000xf32, #tpu.memory_space<hbm>> -> memref<32xf32, #tpu.memory_space<hbm>>
        tpu.wait_dma2 semaphore(%run_scoped3A : memref<!tpu.dma_semaphore, #tpu.memory_space<semaphore_mem>>) src(%dma_wait3A_815 : memref<32xf32, #tpu.memory_space<hbm>>) dst(%dma_wait3A_814 : memref<32xf32, #tpu.memory_space<vmem>>)
        tpu.yield
      }) : () -> ()
      "tpu.region"() ({
        %run_scoped3A = tpu.sem_alloc : memref<!tpu.dma_semaphore, #tpu.memory_space<semaphore_mem>>
        %dma_start3A_804 = arith.constant 64 : i32
        %dma_start3A_805 = tpu.memref_slice %arg14[%dma_start3A_804] : memref<4096xf32, #tpu.memory_space<vmem>> -> memref<32xf32, #tpu.memory_space<vmem>>
        %dma_start3A_806 = arith.constant 499968 : i32
        %dma_start3A_807 = tpu.memref_slice %arg32[%dma_start3A_806] : memref<500008xf32, #tpu.memory_space<vmem_shared>> -> memref<32xf32, #tpu.memory_space<vmem_shared>>
        %dma_start3A_808 = arith.constant 64 : i32
        %dma_start3A_809 = tpu.memref_slice %arg14[%dma_start3A_808] : memref<4096xf32, #tpu.memory_space<vmem>> -> memref<32xf32, #tpu.memory_space<vmem>>
        %dma_start3A_810 = arith.constant 499968 : i32
        %dma_start3A_811 = tpu.memref_slice %arg32[%dma_start3A_810] : memref<500008xf32, #tpu.memory_space<vmem_shared>> -> memref<32xf32, #tpu.memory_space<vmem_shared>>
        tpu.enqueue_dma source(%dma_start3A_811 : memref<32xf32, #tpu.memory_space<vmem_shared>>) target(%dma_start3A_809 : memref<32xf32, #tpu.memory_space<vmem>>) target_semaphore(%run_scoped3A : memref<!tpu.dma_semaphore, #tpu.memory_space<semaphore_mem>>)
        %dma_wait3A_812 = arith.constant 64 : i32
        %dma_wait3A_813 = tpu.memref_slice %arg14[%dma_wait3A_812] : memref<4096xf32, #tpu.memory_space<vmem>> -> memref<32xf32, #tpu.memory_space<vmem>>
        %dma_wait3A_814 = arith.constant 499968 : i32
        %dma_wait3A_815 = tpu.memref_slice %arg32[%dma_wait3A_814] : memref<500008xf32, #tpu.memory_space<vmem_shared>> -> memref<32xf32, #tpu.memory_space<vmem_shared>>
        %dma_wait3A_816 = arith.constant 64 : i32
        %dma_wait3A_817 = tpu.memref_slice %arg14[%dma_wait3A_816] : memref<4096xf32, #tpu.memory_space<vmem>> -> memref<32xf32, #tpu.memory_space<vmem>>
        %dma_wait3A_818 = arith.constant 499968 : i32
        %dma_wait3A_819 = tpu.memref_slice %arg32[%dma_wait3A_818] : memref<500008xf32, #tpu.memory_space<vmem_shared>> -> memref<32xf32, #tpu.memory_space<vmem_shared>>
        tpu.wait_dma2 semaphore(%run_scoped3A : memref<!tpu.dma_semaphore, #tpu.memory_space<semaphore_mem>>) src(%dma_wait3A_819 : memref<32xf32, #tpu.memory_space<vmem_shared>>) dst(%dma_wait3A_817 : memref<32xf32, #tpu.memory_space<vmem>>)
        tpu.yield
      }) : () -> ()
      "tpu.region"() ({
        %run_scoped3A = tpu.sem_alloc : memref<!tpu.dma_semaphore, #tpu.memory_space<semaphore_mem>>
        %dma_start3A_804 = arith.constant 96 : i32
        %dma_start3A_805 = tpu.memref_slice %arg14[%dma_start3A_804] : memref<4096xf32, #tpu.memory_space<vmem>> -> memref<32xf32, #tpu.memory_space<vmem>>
        %dma_start3A_806 = arith.constant 499968 : i32
        %dma_start3A_807 = tpu.memref_slice %arg33[%dma_start3A_806] : memref<500008xf32, #tpu.memory_space<vmem_shared>> -> memref<32xf32, #tpu.memory_space<vmem_shared>>
        %dma_start3A_808 = arith.constant 96 : i32
        %dma_start3A_809 = tpu.memref_slice %arg14[%dma_start3A_808] : memref<4096xf32, #tpu.memory_space<vmem>> -> memref<32xf32, #tpu.memory_space<vmem>>
        %dma_start3A_810 = arith.constant 499968 : i32
        %dma_start3A_811 = tpu.memref_slice %arg33[%dma_start3A_810] : memref<500008xf32, #tpu.memory_space<vmem_shared>> -> memref<32xf32, #tpu.memory_space<vmem_shared>>
        tpu.enqueue_dma source(%dma_start3A_811 : memref<32xf32, #tpu.memory_space<vmem_shared>>) target(%dma_start3A_809 : memref<32xf32, #tpu.memory_space<vmem>>) target_semaphore(%run_scoped3A : memref<!tpu.dma_semaphore, #tpu.memory_space<semaphore_mem>>)
        %dma_wait3A_812 = arith.constant 96 : i32
        %dma_wait3A_813 = tpu.memref_slice %arg14[%dma_wait3A_812] : memref<4096xf32, #tpu.memory_space<vmem>> -> memref<32xf32, #tpu.memory_space<vmem>>
        %dma_wait3A_814 = arith.constant 499968 : i32
        %dma_wait3A_815 = tpu.memref_slice %arg33[%dma_wait3A_814] : memref<500008xf32, #tpu.memory_space<vmem_shared>> -> memref<32xf32, #tpu.memory_space<vmem_shared>>
        %dma_wait3A_816 = arith.constant 96 : i32
        %dma_wait3A_817 = tpu.memref_slice %arg14[%dma_wait3A_816] : memref<4096xf32, #tpu.memory_space<vmem>> -> memref<32xf32, #tpu.memory_space<vmem>>
        %dma_wait3A_818 = arith.constant 499968 : i32
        %dma_wait3A_819 = tpu.memref_slice %arg33[%dma_wait3A_818] : memref<500008xf32, #tpu.memory_space<vmem_shared>> -> memref<32xf32, #tpu.memory_space<vmem_shared>>
        tpu.wait_dma2 semaphore(%run_scoped3A : memref<!tpu.dma_semaphore, #tpu.memory_space<semaphore_mem>>) src(%dma_wait3A_819 : memref<32xf32, #tpu.memory_space<vmem_shared>>) dst(%dma_wait3A_817 : memref<32xf32, #tpu.memory_space<vmem>>)
        tpu.yield
      }) : () -> ()
      %scan3A_796 = arith.constant 0 : i32
      %scan3A_797 = arith.constant 0 : i32
      %scan3A_798 = arith.constant 2 : i32
      %scan3A_799 = arith.addi %scan3A_797, %scan3A_798 : i32
      %scan3A_800 = arith.constant 1 : i32
      scf.for %scan3A_804 = %scan3A_797 to %scan3A_799 step %scan3A_800  : i32 {
        %mul3A_805 = arith.constant 16 : i32
        %mul3A_806 = arith.muli %scan3A_804, %mul3A_805 : i32
        %get3A_807 = arith.index_cast %mul3A_806 : i32 to index
        %get3A_808 = tpu.vector_load %arg14[%get3A_807] {strides = array<i32>} : memref<4096xf32, #tpu.memory_space<vmem>>, vector<16xf32>,
        %get3A_809 = vector.shape_cast %get3A_808 : vector<16xf32> to vector<16xf32>
        %mul3A_810 = arith.constant 16 : i32
        %mul3A_811 = arith.muli %scan3A_804, %mul3A_810 : i32
        %add3A_812 = arith.constant 32 : i32
        %add3A_813 = arith.addi %add3A_812, %mul3A_811 : i32
        %get3A_814 = arith.index_cast %add3A_813 : i32 to index
        %get3A_815 = tpu.vector_load %arg14[%get3A_814] {strides = array<i32>} : memref<4096xf32, #tpu.memory_space<vmem>>, vector<16xf32>,
        %get3A_816 = vector.shape_cast %get3A_815 : vector<16xf32> to vector<16xf32>
        %mul3A_817 = arith.constant 16 : i32
        %mul3A_818 = arith.muli %scan3A_804, %mul3A_817 : i32
        %add3A_819 = arith.constant 64 : i32
        %add3A_820 = arith.addi %add3A_819, %mul3A_818 : i32
        %get3A_821 = arith.index_cast %add3A_820 : i32 to index
        %get3A_822 = tpu.vector_load %arg14[%get3A_821] {strides = array<i32>} : memref<4096xf32, #tpu.memory_space<vmem>>, vector<16xf32>,
        %get3A_823 = vector.shape_cast %get3A_822 : vector<16xf32> to vector<16xf32>
        %mul3A_824 = arith.constant 16 : i32
        %mul3A_825 = arith.muli %scan3A_804, %mul3A_824 : i32
        %add3A_826 = arith.constant 96 : i32
        %add3A_827 = arith.addi %add3A_826, %mul3A_825 : i32
        %get3A_828 = arith.index_cast %add3A_827 : i32 to index
        %get3A_829 = tpu.vector_load %arg14[%get3A_828] {strides = array<i32>} : memref<4096xf32, #tpu.memory_space<vmem>>, vector<16xf32>,
        %get3A_830 = vector.shape_cast %get3A_829 : vector<16xf32> to vector<16xf32>
        %mul3A_831 = arith.mulf %get3A_530, %get3A_816 : vector<16xf32>
        %mul3A_832 = arith.mulf %get3A_823, %mul3A_831 : vector<16xf32>
        %add3A_833 = arith.constant 1.000000e+00 : f32
        %add3A_834 = vector.broadcast %add3A_833 : f32 to vector<16xf32>
        %add3A_835 = arith.addf %add3A_834, %mul3A_832 : vector<16xf32>
        %div3A = arith.constant 1.000000e+00 : f32
        %div3A_836 = vector.broadcast %div3A : f32 to vector<16xf32>
        %div3A_837 = arith.divf %div3A_836, %add3A_835 : vector<16xf32>
        %mul3A_838 = arith.mulf %get3A_830, %mul3A_831 : vector<16xf32>
        %add3A_839 = arith.addf %get3A_809, %mul3A_838 : vector<16xf32>
        %mul3A_840 = arith.mulf %add3A_839, %div3A_837 : vector<16xf32>
        %mul3A_841 = arith.constant 16 : i32
        %mul3A_842 = arith.muli %scan3A_804, %mul3A_841 : i32
        %add3A_843 = arith.constant 128 : i32
        %add3A_844 = arith.addi %add3A_843, %mul3A_842 : i32
        %swap3A = arith.index_cast %add3A_844 : i32 to index
        %swap3A_845 = tpu.vector_load %arg14[%swap3A] {strides = array<i32>} : memref<4096xf32, #tpu.memory_space<vmem>>, vector<16xf32>,
        %swap3A_846 = vector.shape_cast %swap3A_845 : vector<16xf32> to vector<16xf32>
        %swap3A_847 = vector.shape_cast %mul3A_840 : vector<16xf32> to vector<16xf32>
        tpu.vector_store %arg14[%swap3A], %swap3A_847 {strides = array<i32>} : memref<4096xf32, #tpu.memory_space<vmem>>, vector<16xf32>,
        %mul3A_848 = arith.mulf %get3A_816, %div3A_837 : vector<16xf32>
        %mul3A_849 = arith.constant 16 : i32
        %mul3A_850 = arith.muli %scan3A_804, %mul3A_849 : i32
        %add3A_851 = arith.constant 160 : i32
        %add3A_852 = arith.addi %add3A_851, %mul3A_850 : i32
        %swap3A_853 = arith.index_cast %add3A_852 : i32 to index
        %swap3A_854 = tpu.vector_load %arg14[%swap3A_853] {strides = array<i32>} : memref<4096xf32, #tpu.memory_space<vmem>>, vector<16xf32>,
        %swap3A_855 = vector.shape_cast %swap3A_854 : vector<16xf32> to vector<16xf32>
        %swap3A_856 = vector.shape_cast %mul3A_848 : vector<16xf32> to vector<16xf32>
        tpu.vector_store %arg14[%swap3A_853], %swap3A_856 {strides = array<i32>} : memref<4096xf32, #tpu.memory_space<vmem>>, vector<16xf32>,
      }
      %scan3A_801 = arith.constant 2 : i32
      "tpu.region"() ({
        %run_scoped3A = tpu.sem_alloc : memref<!tpu.dma_semaphore, #tpu.memory_space<semaphore_mem>>
        %dma_start3A_804 = arith.constant 128 : i32
        %dma_start3A_805 = tpu.memref_slice %arg14[%dma_start3A_804] : memref<4096xf32, #tpu.memory_space<vmem>> -> memref<32xf32, #tpu.memory_space<vmem>>
        %dma_start3A_806 = tpu.memref_slice %arg7[%add3A_795] : memref<2000000xf32, #tpu.memory_space<hbm>> -> memref<32xf32, #tpu.memory_space<hbm>>
        %dma_start3A_807 = tpu.memref_slice %arg7[%add3A_795] : memref<2000000xf32, #tpu.memory_space<hbm>> -> memref<32xf32, #tpu.memory_space<hbm>>
        %dma_start3A_808 = arith.constant 128 : i32
        %dma_start3A_809 = tpu.memref_slice %arg14[%dma_start3A_808] : memref<4096xf32, #tpu.memory_space<vmem>> -> memref<32xf32, #tpu.memory_space<vmem>>
        tpu.enqueue_dma source(%dma_start3A_809 : memref<32xf32, #tpu.memory_space<vmem>>) target(%dma_start3A_807 : memref<32xf32, #tpu.memory_space<hbm>>) target_semaphore(%run_scoped3A : memref<!tpu.dma_semaphore, #tpu.memory_space<semaphore_mem>>)
        %dma_wait3A_810 = arith.constant 128 : i32
        %dma_wait3A_811 = tpu.memref_slice %arg14[%dma_wait3A_810] : memref<4096xf32, #tpu.memory_space<vmem>> -> memref<32xf32, #tpu.memory_space<vmem>>
        %dma_wait3A_812 = tpu.memref_slice %arg7[%add3A_795] : memref<2000000xf32, #tpu.memory_space<hbm>> -> memref<32xf32, #tpu.memory_space<hbm>>
        %dma_wait3A_813 = tpu.memref_slice %arg7[%add3A_795] : memref<2000000xf32, #tpu.memory_space<hbm>> -> memref<32xf32, #tpu.memory_space<hbm>>
        %dma_wait3A_814 = arith.constant 128 : i32
        %dma_wait3A_815 = tpu.memref_slice %arg14[%dma_wait3A_814] : memref<4096xf32, #tpu.memory_space<vmem>> -> memref<32xf32, #tpu.memory_space<vmem>>
        tpu.wait_dma2 semaphore(%run_scoped3A : memref<!tpu.dma_semaphore, #tpu.memory_space<semaphore_mem>>) src(%dma_wait3A_815 : memref<32xf32, #tpu.memory_space<vmem>>) dst(%dma_wait3A_813 : memref<32xf32, #tpu.memory_space<hbm>>)
        tpu.yield
      }) : () -> ()
      %add3A_802 = arith.constant 1000000 : i32
      %add3A_803 = arith.addi %add3A_802, %add3A_795 : i32
      "tpu.region"() ({
        %run_scoped3A = tpu.sem_alloc : memref<!tpu.dma_semaphore, #tpu.memory_space<semaphore_mem>>
        %dma_start3A_804 = arith.constant 160 : i32
        %dma_start3A_805 = tpu.memref_slice %arg14[%dma_start3A_804] : memref<4096xf32, #tpu.memory_space<vmem>> -> memref<32xf32, #tpu.memory_space<vmem>>
        %dma_start3A_806 = tpu.memref_slice %arg7[%add3A_803] : memref<2000000xf32, #tpu.memory_space<hbm>> -> memref<32xf32, #tpu.memory_space<hbm>>
        %dma_start3A_807 = tpu.memref_slice %arg7[%add3A_803] : memref<2000000xf32, #tpu.memory_space<hbm>> -> memref<32xf32, #tpu.memory_space<hbm>>
        %dma_start3A_808 = arith.constant 160 : i32
        %dma_start3A_809 = tpu.memref_slice %arg14[%dma_start3A_808] : memref<4096xf32, #tpu.memory_space<vmem>> -> memref<32xf32, #tpu.memory_space<vmem>>
        tpu.enqueue_dma source(%dma_start3A_809 : memref<32xf32, #tpu.memory_space<vmem>>) target(%dma_start3A_807 : memref<32xf32, #tpu.memory_space<hbm>>) target_semaphore(%run_scoped3A : memref<!tpu.dma_semaphore, #tpu.memory_space<semaphore_mem>>)
        %dma_wait3A_810 = arith.constant 160 : i32
        %dma_wait3A_811 = tpu.memref_slice %arg14[%dma_wait3A_810] : memref<4096xf32, #tpu.memory_space<vmem>> -> memref<32xf32, #tpu.memory_space<vmem>>
        %dma_wait3A_812 = tpu.memref_slice %arg7[%add3A_803] : memref<2000000xf32, #tpu.memory_space<hbm>> -> memref<32xf32, #tpu.memory_space<hbm>>
        %dma_wait3A_813 = tpu.memref_slice %arg7[%add3A_803] : memref<2000000xf32, #tpu.memory_space<hbm>> -> memref<32xf32, #tpu.memory_space<hbm>>
        %dma_wait3A_814 = arith.constant 160 : i32
        %dma_wait3A_815 = tpu.memref_slice %arg14[%dma_wait3A_814] : memref<4096xf32, #tpu.memory_space<vmem>> -> memref<32xf32, #tpu.memory_space<vmem>>
        tpu.wait_dma2 semaphore(%run_scoped3A : memref<!tpu.dma_semaphore, #tpu.memory_space<semaphore_mem>>) src(%dma_wait3A_815 : memref<32xf32, #tpu.memory_space<vmem>>) dst(%dma_wait3A_813 : memref<32xf32, #tpu.memory_space<hbm>>)
        tpu.yield
      }) : () -> ()
    } else {
    }
    %dma_wait3A_782 = tpu.memref_slice %arg7[%add3A_714] : memref<2000000xf32, #tpu.memory_space<hbm>> -> memref<4464xf32, #tpu.memory_space<hbm>>
    %dma_wait3A_783 = tpu.memref_slice %arg7[%add3A_714] : memref<2000000xf32, #tpu.memory_space<hbm>> -> memref<4464xf32, #tpu.memory_space<hbm>>
    tpu.wait_dma2 semaphore(%arg31 : memref<!tpu.dma_semaphore, #tpu.memory_space<semaphore_mem>>) src(%arg19 : memref<4464xf32, #tpu.memory_space<vmem>>) dst(%dma_wait3A_783 : memref<4464xf32, #tpu.memory_space<hbm>>)
    %dma_wait3A_784 = tpu.memref_slice %arg7[%add3A_720] : memref<2000000xf32, #tpu.memory_space<hbm>> -> memref<4464xf32, #tpu.memory_space<hbm>>
    %dma_wait3A_785 = tpu.memref_slice %arg7[%add3A_720] : memref<2000000xf32, #tpu.memory_space<hbm>> -> memref<4464xf32, #tpu.memory_space<hbm>>
    tpu.wait_dma2 semaphore(%arg31 : memref<!tpu.dma_semaphore, #tpu.memory_space<semaphore_mem>>) src(%arg20 : memref<4464xf32, #tpu.memory_space<vmem>>) dst(%dma_wait3A_785 : memref<4464xf32, #tpu.memory_space<hbm>>)
    %dma_wait3A_786 = tpu.memref_slice %arg7[%add3A_742] : memref<2000000xf32, #tpu.memory_space<hbm>> -> memref<4464xf32, #tpu.memory_space<hbm>>
    %dma_wait3A_787 = tpu.memref_slice %arg7[%add3A_742] : memref<2000000xf32, #tpu.memory_space<hbm>> -> memref<4464xf32, #tpu.memory_space<hbm>>
    tpu.wait_dma2 semaphore(%arg31 : memref<!tpu.dma_semaphore, #tpu.memory_space<semaphore_mem>>) src(%arg23 : memref<4464xf32, #tpu.memory_space<vmem>>) dst(%dma_wait3A_787 : memref<4464xf32, #tpu.memory_space<hbm>>)
    %dma_wait3A_788 = tpu.memref_slice %arg7[%add3A_748] : memref<2000000xf32, #tpu.memory_space<hbm>> -> memref<4464xf32, #tpu.memory_space<hbm>>
    %dma_wait3A_789 = tpu.memref_slice %arg7[%add3A_748] : memref<2000000xf32, #tpu.memory_space<hbm>> -> memref<4464xf32, #tpu.memory_space<hbm>>
    tpu.wait_dma2 semaphore(%arg31 : memref<!tpu.dma_semaphore, #tpu.memory_space<semaphore_mem>>) src(%arg24 : memref<4464xf32, #tpu.memory_space<vmem>>) dst(%dma_wait3A_789 : memref<4464xf32, #tpu.memory_space<hbm>>)
    %dma_wait3A_790 = tpu.memref_slice %arg7[%add3A_770] : memref<2000000xf32, #tpu.memory_space<hbm>> -> memref<4464xf32, #tpu.memory_space<hbm>>
    %dma_wait3A_791 = tpu.memref_slice %arg7[%add3A_770] : memref<2000000xf32, #tpu.memory_space<hbm>> -> memref<4464xf32, #tpu.memory_space<hbm>>
    tpu.wait_dma2 semaphore(%arg31 : memref<!tpu.dma_semaphore, #tpu.memory_space<semaphore_mem>>) src(%arg15 : memref<4464xf32, #tpu.memory_space<vmem>>) dst(%dma_wait3A_791 : memref<4464xf32, #tpu.memory_space<hbm>>)
    %dma_wait3A_792 = tpu.memref_slice %arg7[%add3A_776] : memref<2000000xf32, #tpu.memory_space<hbm>> -> memref<4464xf32, #tpu.memory_space<hbm>>
    %dma_wait3A_793 = tpu.memref_slice %arg7[%add3A_776] : memref<2000000xf32, #tpu.memory_space<hbm>> -> memref<4464xf32, #tpu.memory_space<hbm>>
    tpu.wait_dma2 semaphore(%arg31 : memref<!tpu.dma_semaphore, #tpu.memory_space<semaphore_mem>>) src(%arg16 : memref<4464xf32, #tpu.memory_space<vmem>>) dst(%dma_wait3A_793 : memref<4464xf32, #tpu.memory_space<hbm>>)
    return
  }
}

</mosaic_0001>

<sc_bundles>
// kernel: kernel.3.cloned.1.call-start
scs
__scs_entry_jumppad:
0x0: {  	(pc) =	sbr.rel $0x88, $3  }
0x1: {  	(tag) =	ssettag $0x0;
	lr =	simm.s32 $0x1  }
0x2: {  	[smem:$0x3F9C] =	sst lr;
	_ =	strace $0xD0000000  }
0x3: {  	_ = 	snop  }
0x4: {  	_ = 	snop  }
0x5: {  	_ = 	snop  }
0x6: {  	_ = 	snop  }
0x7: {  	_ = 	snop  }
__scs_overlays_trampoline_lowered:
0x8: {  	[smem:$0x3FAB] =	sst s0  }
0x9: {  	[smem:$0x3FAC] =	sst s1  }
0xa: {  	[smem:$0x3FAD] =	sst s2  }
0xb: {  	[smem:$0x3FAE] =	sst s3  }
0xc: {  	[smem:$0x3FAF] =	sst s4  }
0xd: {  	[smem:$0x3FB0] =	sst s5  }
0xe: {  	[smem:$0x3FB1] =	sst s6  }
0xf: {  	[smem:$0x3FB2] =	sst s7  }
0x10: {  	[smem:$0x3FB3] =	sst s8  }
0x11: {  	[smem:$0x3FB4] =	sst s9;
	s0 =	simm.s32 @!p0 $0x0  }
0x12: {  	s1 =	sld [smem:$0x3F9A];
	s0 =	simm.s32 @p0 $0x1  }
0x13: {  	[smem:$0x3FB5] =	sst s0;
	s0 =	simm.s32 @!p1 $0x0  }
0x14: {  	s2 =	sld [smem:$0x3F99];
	s0 =	simm.s32 @p1 $0x1  }
0x15: {  	[smem:$0x3FB6] =	sst s0;
	s0 =	simm.s32 @!p2 $0x0  }
0x16: {  	s3 =	sld [smem:$0x3FDB];
	s0 =	simm.s32 @p2 $0x1  }
0x17: {  	s4 =	simm.s32 $0x1BF5;
	[smem:$0x3FB8] =	sst s0  }
0x18: {  	s0 =	sld [smem:$0x3F9B];
	_ =	swait.ge [sflag:s4], $0x0  }
0x19: {  	s7 =	sld [smem:$0x3F9C]  }
0x1a: {  	s8 =	sadd.s32 $0xFFFFE003, lr  }
0x1b: {  	s9 =	sadd.s32 $0xFFFFFEF7, lr;
	s5 =	simm.s32 $0xFFFFFFFF;
	p2 =	slt.u32 s8, $0xFFFFF086  }
0x1c: {  	p1 =	slt.u32 s9, $0xF7A;
	s5 =	simm.s32 @!p2 $0x0  }
0x1d: {  	s5 =	simm.s32 @p1 $0x1;
	p0 =	seq.s32 s7, s2  }
0x1e: {  	s7 =	smul.u32 @!p0 $0xF7A, s2;
	p2 =	seq.s32 @!p0 s5, $0x0  }
0x1f: {  	s9 =	smul.u32 $0xF7A, s1;
	s8 =	simm.s32 @!p0 $0x1BF5;
	p2 =	por !p2, p0  }
0x20: {  	[sflag:s8] =	ssyncset.s32 @!p0 $0xFFFFF086;
	s6 =	sadd.s32 @!p0 s3, s7;
	s7 =	simm.s32 @!p0 $0x108  }
0x21: {  	s3 =	sadd.s32 s3, s9;
	s6 =	sadd.s32 @!p0 $0x88, s6;
	s7 =	simm.s32 @p2 $0x1082  }
0x22: {  	[simem:s7], [sflag:s8] =	dma.local @!p0 [hbm:s6], $0xF7A  }
0x23: {  	s9 =	sor.u32 $0xD0000000, s2;
	s6 =	simm.s32 $0x108;
	_ =	swait.ge @!p0 [sflag:s8], $0x0  }
0x24: {  	s3 =	sadd.s32 $0x88, s3;
	s6 =	simm.s32 @!p1 $0x1082;
	[sflag:s4] =	ssyncset.s32 $0xFFFFF086  }
0x25: {  	[simem:s6], [sflag:s4] =	dma.local [hbm:s3], $0xF7A  }
0x26: {  	[smem:$0x3F9C] =	sst s1;
	(tag) =	ssettag s2;
	_ =	strace s9  }
0x27: {  	s1 =	sld [smem:$0x3FAC]  }
0x28: {  	s2 =	sld [smem:$0x3FAD]  }
0x29: {  	s4 =	sld [smem:$0x3FAF]  }
0x2a: {  	p0 =	seq.s32 s5, $0x0;
	s5 =	sld [smem:$0x3FB0]  }
0x2b: {  	s6 =	sld [smem:$0x3FB1]  }
0x2c: {  	s7 =	sld [smem:$0x3FB2]  }
0x2d: {  	s3 =	simm.s32 $0x108;
	s8 =	sld [smem:$0x3FB3]  }
0x2e: {  	s3 =	simm.s32 @!p0 $0x1082;
	s9 =	sld [smem:$0x3FB4]  }
0x2f: {  	lr =	sadd.s32 s0, s3;
	s0 =	sld [smem:$0x3FAB]  }
0x30: {  	s3 =	sld [smem:$0x3FAE]  }
0x31: {  	[smem:$0x3FB7] =	sst s10  }
0x32: {  	s10 =	sld [smem:$0x3FB5];
	_ =	sdelay $0x3  }
0x33: {  	p0 =	seq.s32 s10, $0x1;
	s10 =	sld [smem:$0x3FB7];
	_ =	sdelay $0x3  }
0x34: {  	[smem:$0x3FB7] =	sst s10  }
0x35: {  	s10 =	sld [smem:$0x3FB6];
	_ =	sdelay $0x3  }
0x36: {  	p1 =	seq.s32 s10, $0x1;
	s10 =	sld [smem:$0x3FB7];
	_ =	sdelay $0x3  }
0x37: {  	[smem:$0x3FB7] =	sst s10  }
0x38: {  	s10 =	sld [smem:$0x3FB8]  }
0x39: {  	_ = 	snop;
	(pc) =	sbr.ind lr, $3  }
0x3a: {  	_ = 	snop  }
0x3b: {  	_ = 	snop  }
0x3c: {  	p2 =	seq.s32 s10, $0x1;
	s10 =	sld [smem:$0x3FB7]  }
0x3d: {  	_ =	shalt  }
0x3e: {  	_ =	shalt  }
0x3f: {  	_ =	shalt  }
0x40: {  	_ =	shalt  }
0x41: {  	_ =	shalt  }
0x42: {  	_ =	shalt  }
0x43: {  	_ =	shalt  }
0x44: {  	_ =	shalt  }
0x45: {  	_ =	shalt  }
0x46: {  	_ =	shalt  }
0x47: {  	_ =	shalt  }
0x48: {  	_ =	shalt  }
0x49: {  	_ =	shalt  }
0x4a: {  	_ =	shalt  }
0x4b: {  	_ =	shalt  }
0x4c: {  	_ =	shalt  }
0x4d: {  	_ =	shalt  }
0x4e: {  	_ =	shalt  }
0x4f: {  	_ =	shalt  }
0x50: {  	_ =	shalt  }
0x51: {  	_ =	shalt  }
0x52: {  	_ =	shalt  }
0x53: {  	_ =	shalt  }
0x54: {  	_ =	shalt  }
0x55: {  	_ =	shalt  }
0x56: {  	_ =	shalt  }
0x57: {  	_ =	shalt  }
0x58: {  	_ =	shalt  }
0x59: {  	_ =	shalt  }
0x5a: {  	_ =	shalt  }
0x5b: {  	_ =	shalt  }
0x5c: {  	_ =	shalt  }
0x5d: {  	_ =	shalt  }
0x5e: {  	_ =	shalt  }
0x5f: {  	_ =	shalt  }
0x60: {  	_ =	shalt  }
0x61: {  	_ =	shalt  }
0x62: {  	_ =	shalt  }
0x63: {  	_ =	shalt  }
0x64: {  	_ =	shalt  }
0x65: {  	_ =	shalt  }
0x66: {  	_ =	shalt  }
0x67: {  	_ =	shalt  }
0x68: {  	_ =	shalt  }
0x69: {  	_ =	shalt  }
0x6a: {  	_ =	shalt  }
0x6b: {  	_ =	shalt  }
0x6c: {  	_ =	shalt  }
0x6d: {  	_ =	shalt  }
0x6e: {  	_ =	shalt  }
0x6f: {  	_ =	shalt  }
0x70: {  	_ =	shalt  }
0x71: {  	_ =	shalt  }
0x72: {  	_ =	shalt  }
0x73: {  	_ =	shalt  }
0x74: {  	_ =	shalt  }
0x75: {  	_ =	shalt  }
0x76: {  	_ =	shalt  }
0x77: {  	_ =	shalt  }
0x78: {  	_ =	shalt  }
0x79: {  	_ =	shalt  }
0x7a: {  	_ =	shalt  }
0x7b: {  	_ =	shalt  }
0x7c: {  	_ =	shalt  }
0x7d: {  	_ =	shalt  }
0x7e: {  	_ =	shalt  }
0x7f: {  	_ =	shalt  }
0x80: {  	_ =	shalt  }
0x81: {  	_ =	shalt  }
0x82: {  	_ =	shalt  }
0x83: {  	_ =	shalt  }
0x84: {  	_ =	shalt  }
0x85: {  	_ =	shalt  }
0x86: {  	_ =	shalt  }
0x87: {  	_ =	shalt  }
.Lfunc_end0:
.L_simem_size_0:
called_computation_lowered:
.L_overlay_start_0:
0x88: {  	s2 =	sld [smem:$0x3FD9]  }
0x89: {  	s3 =	sld [smem:$0x3FFE];
	_ =	sdelay $0x1  }
0x8a: {  	s1 =	srdreg.scid  }
0x8b: {  	s0 =	sand.u32 $0x1, s1  }
0x8c: {  	s17 =	sshll.u32 s0, $0xA;
	s2 =	sadd.s32 s3, s2  }
0x8d: {  	s2 =	sadd.s32 s2, s17  }
0x8e: {  	[smem:$0x3FC3] =	sst s2  }
0x8f: {  	_ = 	snop  }
0x90: {  	s2 =	sld [smem:$0x3FC9]  }
0x91: {  	s18 =	sld [smem:$0x3FC8]  }
0x92: {  	s4 =	sld [smem:$0x3FC6]  }
0x93: {  	s5 =	sld [smem:$0x3FC5]  }
0x94: {  	s6 =	sld [smem:$0x3FD0];
	(tm) =	ssettm $0x1  }
0x95: {  	s7 =	sld [smem:$0x3FFB];
	_ =	sdelay $0x3  }
0x96: {  	_ =	strace s7  }
0x97: {  	s7 =	sld [smem:$0x3FFC];
	_ =	sdelay $0x3  }
0x98: {  	_ =	strace s7  }
0x99: {  	s7 =	sld [smem:$0x3FFD];
	_ =	sdelay $0x3  }
0x9a: {  	_ =	strace s7  }
0x9b: {  	_ =	strace $0x8FFFFFFF  }
0x9c: {  	s19 =	sld [smem:$0x3FDB];
	_ =	sdelay $0x1  }
0x9d: {  	s8 =	simm.s32 $_scs_section_size  }
0x9e: {  	s9 =	simm.s32 $_size__tile_overlayer_lowered;
	s10 =	simm.s32 $_tile_overlayer_lowered  }
0x9f: {  	s22 =	simm.s32 $0x1BFF;
	s21 =	sshll.u32 s10, $0x1;
	s7 =	sadd.s32 s8, s19  }
0xa0: {  	s11 =	simm.s32 $0x0;
	s20 =	sshll.u32 s9, $0x1;
	s9 =	sadd.s32 s21, s7  }
0xa1: {  	[timem:s11], [sflag:s22] =	dma.local [hbm:s9], s20  }
0xa2: {  	_ =	swait.ge [sflag:s22], s20  }
0xa3: {  	s8 =	ssub.s32 $0x0, s20;
	[sflag:s22] =	ssyncset.done $0x0  }
0xa4: {  	[sflag:s22] =	ssyncadd.s32 s8;
	_ =	sdelay $0x1  }
0xa5: {  	s23 =	simm.s32 $0x1B8B  }
0xa6: {  	_ =	swait.ge [sflag:s23], $0x1  }
0xa7: {  	[sflag:s23] =	ssyncset.done $0x0  }
0xa8: {  	s25 =	simm.s32 $0x1B8E;
	s24 =	sld [smem:$0x3FFE];
	[sflag:s23] =	ssyncadd.s32 $0xFFFFFFFF  }
0xa9: {  	s26 =	simm.s32 $execute0_lowered;
	[smem:$0x3FD2] =	sst s25  }
0xaa: {  	s9 =	sshll.u32 s26, $0x1;
	_ =	strace $0x80000046;
	[dreg:$0x1] =	wrdreg $0xFFFFFFFF  }
0xab: {  	s28 =	simm.s32 $_size_execute0_lowered;
	s7 =	sadd.s32 s7, s9;
	[dreg:$0x0] =	wrdreg $0x0  }
0xac: {  	s9 =	sshll.u32 s28, $0x1;
	[dreg:$0x2] =	wrdreg s7  }
0xad: {  	[dreg:$0x3] =	wrdreg s9  }
0xae: {  	[dreg:$0x4] =	wrdreg $0xC0  }
0xaf: {  	_ =	task [dreg:s11], $0x5FFFF  }
0xb0: {  	[dreg:$0x1] =	wrdreg $0xFFFFFFFF  }
0xb1: {  	[dreg:$0x0] =	wrdreg $0x60  }
0xb2: {  	[dreg:$0x2] =	wrdreg s2  }
0xb3: {  	[dreg:$0x3] =	wrdreg s18  }
0xb4: {  	[dreg:$0x4] =	wrdreg s6  }
0xb5: {  	[dreg:$0x5] =	wrdreg s4  }
0xb6: {  	[dreg:$0x6] =	wrdreg s5  }
0xb7: {  	[dreg:$0x7] =	wrdreg s24  }
0xb8: {  	[dreg:$0x8] =	wrdreg $0xF6800  }
0xb9: {  	[dreg:$0x9] =	wrdreg $0x170980  }
0xba: {  	[dreg:$0xa] =	wrdreg $0x9  }
0xbb: {  	_ =	task.clear_ibuf [dreg:s11], $0xBFFFF;
	_ =	strace $0x90000046  }
0xbc: {  	s29 =	simm.s32 $0x9;
	_ =	strace $0x80000048  }
0xbd: {  	_ =	swait.ge [sflag:s29], $0x1  }
0xbe: {  	[sflag:s29] =	ssyncadd.s32 $0xFFFFFFFF  }
0xbf: {  	_ =	strace $0x90000048  }
0xc0: {  	_ =	sfence  }
0xc1: {  	s30 =	sld [smem:$0x0];
	_ =	sdelay $0x2  }
0xc2: {  	s31 =	sshll.u32 s1, $0xD;
	s1 =	sshrl.u32 s1, $0x2  }
0xc3: {  	s3 =	sand.u32 $0x4000, s31;
	s1 =	sadd.s32 s1, s30  }
0xc4: {  	s0 =	sor.u32 s3, s0;
	s1 =	sshll.u32 s1, $0x11  }
0xc5: {  	s0 =	sor.u32 s1, s0  }
0xc6: {  	s0 =	sadd.s32 $0x8F2B, s0  }
0xc7: {  	[sflag:s0] =	ssyncadd.remote.s32 $0x1  }
0xc8: {  	_ =	sfence.sel $0xFFFF  }
0xc9: {  	[dreg:$0x0] =	wrdreg $0xFFFFFFFF;
	(pc) =	sbr.abs _section_cstart, $3  }
0xca: {  	[dreg:$0x1] =	wrdreg $0xFFFFFFFF  }
0xcb: {  	_ =	task.clear_ibuf [dreg:s11], $0x2FFFF;
	_ =	strace $0x9FFFFFFF  }
0xcc: {  	(tm) =	ssettm $0x7FFFFFFF  }
0xcd: {  	_ =	shalt  }
tec
execute0_lowered:
.L_overlay_start_1:
0x0: {  	(tag) =	ssettag $0x1  }
0x1: {  	s4 =	rddreg [dreg:$0x0]  }
0x2: {  	s5 =	rddreg [dreg:$0x1];
	s0 =	srdreg.scid  }
0x3: {  	s6 =	rddreg [dreg:$0x3];
	s13 =	stileid.u32  }
0x4: {  	s7 =	rddreg [dreg:$0x4];
	s3 =	sand.u32 $0x1, s0;
	s0 =	smul.u32 $0x7A10, s13  }
0x5: {  	s8 =	rddreg [dreg:$0x5];
	s2 =	smul.u32 $0x7A120, s3  }
0x6: {  	s1 =	simm.s32 $0x0;
	s31 =	rddreg [dreg:$0x7];
	s16 =	sshll.u32 s13, $0x7  }
0x7: {  	[smem:$0x7FF] =	sst s1;
	s7 =	sadd.s32 s7, s16;
	s9 =	sadd.s32 s0, s2  }
0x8: {  	s6 =	sadd.s32 s6, s16;
	[dreg:$0xf] =	wrdreg s7;
	s9 =	sshrl.u32 s9, $0x3  }
0x9: {  	[dreg:$0x10] =	wrdreg s6;
	s26 =	sadd.s32 s4, s9  }
0xa: {  	s11 =	sadd.s32 $0x22E, s9;
	s12 =	sadd.s32 s5, s9;
	[dreg:$0x9] =	wrdreg s26  }
0xb: {  	[dreg:$0xa] =	wrdreg s12;
	s14 =	sadd.s32 s4, s11  }
0xc: {  	s18 =	sadd.s32 $0x68A, s9;
	s15 =	sadd.s32 s5, s11;
	[dreg:$0xb] =	wrdreg s14  }
0xd: {  	s19 =	sadd.s32 s4, s18;
	[dreg:$0xc] =	wrdreg s15  }
0xe: {  	s8 =	sadd.s32 $0x400, s8;
	s20 =	sadd.s32 s5, s18;
	[dreg:$0x11] =	wrdreg s19  }
0xf: {  	s21 =	sadd.s32 $0x8B8, s9;
	s11 =	sadd.s32 s8, s11;
	[dreg:$0x12] =	wrdreg s20  }
0x10: {  	s22 =	sadd.s32 s4, s21;
	[dreg:$0x13] =	wrdreg s11  }
0x11: {  	s6 =	sadd.s32 s8, s18;
	[dreg:$0x14] =	wrdreg s22  }
0x12: {  	s26 =	sadd.s32 s5, s21;
	[dreg:$0x16] =	wrdreg s6  }
0x13: {  	s25 =	sadd.s32 $0xD14, s9;
	s7 =	sadd.s32 s8, s21;
	[dreg:$0x17] =	wrdreg s26  }
0x14: {  	s16 =	sadd.s32 s4, s25;
	[dreg:$0x18] =	wrdreg s7  }
0x15: {  	s12 =	sadd.s32 $0x45C, s9;
	[dreg:$0x1c] =	wrdreg s16  }
0x16: {  	s14 =	sadd.s32 s4, s12;
	s26 =	rddreg [dreg:$0x6]  }
0x17: {  	s17 =	sadd.s32 s5, s12;
	[dreg:$0xd] =	wrdreg s14  }
0x18: {  	s24 =	sadd.s32 $0xAE6, s9;
	s23 =	sadd.s32 s8, s12;
	[dreg:$0xe] =	wrdreg s17  }
0x19: {  	s12 =	sadd.s32 s4, s24;
	[dreg:$0x15] =	wrdreg s23  }
0x1a: {  	s3 =	ssub.s32 $0x2, s3;
	s15 =	sadd.s32 s8, s24;
	[dreg:$0x19] =	wrdreg s12  }
0x1b: {  	s10 =	sshrl.u32 s3, $0x1;
	s6 =	sadd.s32 s8, s25;
	[dreg:$0x1b] =	wrdreg s15  }
0x1c: {  	s18 =	sshrl.u32 s2, $0x3;
	s14 =	sadd.s32 s5, s24;
	[dreg:$0x1e] =	wrdreg s6  }
0x1d: {  	s19 =	sadd.s32 $0xF420, s18;
	s17 =	sadd.s32 s5, s25;
	[dreg:$0x1a] =	wrdreg s14  }
0x1e: {  	s3 =	ssub.s32 s3, s10;
	s4 =	sadd.s32 s4, s19;
	[dreg:$0x1d] =	wrdreg s17  }
0x1f: {  	s10 =	sadd.s32 s8, s9;
	s20 =	sadd.s32 s5, s19;
	[dreg:$0x1f] =	wrdreg s4  }
0x20: {  	s22 =	sadd.s32 $0x1000, s0;
	s21 =	sadd.s32 s8, s19;
	[smem:$0x7D5] =	sst s20  }
0x21: {  	s23 =	sadd.s32 s22, s26;
	s24 =	sadd.s32 $0x2000, s0;
	[smem:$0x7D6] =	sst s21  }
0x22: {  	s6 =	sadd.s32 s22, s31;
	_ =	strace $0x80000047;
	[smem:$0x7D7] =	sst s23  }
0x23: {  	s11 =	sadd.s32 $0x4000, s0;
	s25 =	sadd.s32 s24, s26;
	[smem:$0x7D8] =	sst s6  }
0x24: {  	s16 =	sadd.s32 $0x6000, s0;
	s7 =	sadd.s32 s24, s31;
	[smem:$0x7D9] =	sst s25  }
0x25: {  	s12 =	sadd.s32 s11, s26;
	s4 =	sadd.s32 s8, s18;
	[smem:$0x7DA] =	sst s7  }
0x26: {  	s8 =	sadd.s32 $0x3000, s0;
	s17 =	sadd.s32 s16, s26;
	[smem:$0x7DD] =	sst s12  }
0x27: {  	p0 =	seq.s32 s13, $0xF;
	s9 =	sadd.s32 s8, s26;
	[smem:$0x7E1] =	sst s17  }
0x28: {  	s5 =	smov.u32 s0;
	s6 =	sadd.s32 s8, s31;
	[smem:$0x7DB] =	sst s9  }
0x29: {  	s14 =	sadd.s32 $0x5000, s0;
	s7 =	sadd.s32 s11, s31;
	[smem:$0x7DC] =	sst s6  }
0x2a: {  	s18 =	sadd.s32 $0x7000, s0;
	s15 =	sadd.s32 s14, s26;
	[smem:$0x7DE] =	sst s7  }
0x2b: {  	s5 =	simm.s32 @p0 $0x7A100;
	s19 =	sadd.s32 s18, s26;
	[smem:$0x7DF] =	sst s15  }
0x2c: {  	s20 =	sadd.s32 s5, s26;
	[smem:$0x7E3] =	sst s19  }
0x2d: {  	s21 =	sadd.s32 $0x1170, s0;
	s5 =	sadd.s32 s5, s31;
	[smem:$0x7E5] =	sst s20  }
0x2e: {  	s22 =	sadd.s32 s21, s26;
	[smem:$0x7E6] =	sst s5  }
0x2f: {  	s30 =	sadd.s32 s0, s31;
	s17 =	sadd.s32 $0x1E848, s10;
	[smem:$0x7E7] =	sst s22  }
0x30: {  	s29 =	sadd.s32 s0, s26;
	s6 =	sadd.s32 s14, s31;
	[smem:$0x7F5] =	sst s17  }
0x31: {  	s23 =	sadd.s32 $0x22E0, s0;
	s7 =	sadd.s32 s16, s31;
	[smem:$0x7E0] =	sst s6  }
0x32: {  	s25 =	sadd.s32 $0x3450, s0;
	s5 =	sadd.s32 s21, s31;
	[smem:$0x7E2] =	sst s7  }
0x33: {  	s8 =	sadd.s32 $0x45C0, s0;
	s24 =	sadd.s32 s23, s26;
	[smem:$0x7E8] =	sst s5  }
0x34: {  	s11 =	sadd.s32 $0x5730, s0;
	s9 =	sadd.s32 s8, s26;
	[smem:$0x7E9] =	sst s24  }
0x35: {  	s0 =	sadd.s32 $0x68A0, s0;
	s12 =	sadd.s32 s11, s26;
	[smem:$0x7ED] =	sst s9  }
0x36: {  	s14 =	sadd.s32 s0, s26;
	[smem:$0x7EF] =	sst s12  }
0x37: {  	s28 =	simm.s32 $0x5900;
	s0 =	sadd.s32 s0, s31;
	[smem:$0x7F1] =	sst s14  }
0x38: {  	v0 =	vmov s2;
	s2 =	simm.s32 $0x0;
	s15 =	sadd.s32 $0x2DC68, s4;
	[smem:$0x7F2] =	sst s0  }
0x39: {  	p0 =	sne.s32 s13, $0xF;
	s16 =	smax.u32 s3, $0x1;
	[smem:$0x7F3] =	sst s15  }
0x3a: {  	s13 =	simm.s32 $0x5;
	s19 =	sadd.s32 $0x1ECA4, s10;
	[smem:$0x7F4] =	sst s16  }
0x3b: {  	s20 =	sadd.s32 $0x1EED2, s10;
	s21 =	sadd.s32 $0x1F100, s10;
	[smem:$0x7F7] =	sst s19  }
0x3c: {  	s22 =	sadd.s32 $0x1F32E, s10;
	s17 =	simm.s32 $0x6A80;
	[smem:$0x7F8] =	sst s20  }
0x3d: {  	s6 =	sadd.s32 s18, s31;
	s5 =	sadd.s32 s23, s31;
	[smem:$0x7F9] =	sst s21  }
0x3e: {  	s7 =	sadd.s32 s25, s26;
	s18 =	sadd.s32 $0x1EA76, s10;
	[smem:$0x7FA] =	sst s22  }
0x3f: {  	s23 =	sadd.s32 $0x1F55C, s10;
	s24 =	sadd.s32 $0x7A100, s26;
	[smem:$0x7E4] =	sst s6  }
0x40: {  	s15 =	simm.s32 $0x2480;
	s16 =	simm.s32 $0x3600;
	[smem:$0x7EA] =	sst s5  }
0x41: {  	s19 =	simm.s32 $0xB080;
	s20 =	simm.s32 $0xC200;
	[smem:$0x7EB] =	sst s7  }
0x42: {  	s21 =	simm.s32 $0x6;
	s9 =	simm.s32 $0xD380;
	[smem:$0x7F6] =	sst s18  }
0x43: {  	s22 =	simm.s32 $0xE500;
	s12 =	simm.s32 $0x4;
	[smem:$0x7FB] =	sst s23  }
0x44: {  	s5 =	sadd.s32 s25, s31;
	[smem:$0x7FC] =	sst s24;
	s25 =	sadd.s32 $0x7A100, s31  }
0x45: {  	s18 =	simm.s32 $0x7C00;
	s23 =	simm.s32 $0x1480;
	s24 =	simm.s32 $0x2  }
0x46: {  	s6 =	simm.s32 $0x4780;
	s7 =	simm.s32 $0x8D80;
	[smem:$0x7EC] =	sst s5  }
0x47: {  	s5 =	sadd.s32 s8, s31;
	[smem:$0x7FD] =	sst s25;
	s25 =	simm.s32 $0x80  }
0x48: {  	s8 =	simm.s32 $0x9F00;
	[smem:$0x7EE] =	sst s5;
	s5 =	sadd.s32 s11, s31  }
0x49: {  	v1 =	vimm.f32 $0.0e+00;
	v2 =	vimm.f32 $1.000000000e+00;
	s11 =	simm.s32 $0x1;
	[smem:$0x7F0] =	sst s5;
	s5 =	simm.s32 $0x3  }
.LBB2_1:
0x4a: {  	s3 =	rddreg [dreg:$0x9]  }
0x4b: {  	[tilespmem:s15], [sflag:$0x1] =	stream.linear.gather [hbm4b:s3+s1], $0x1170, $0x38;
	[tilespmem:$0x1EAB0] =	vst v63  }
0x4c: {  	s0 =	rddreg [dreg:$0xa]  }
0x4d: {  	[tilespmem:s16], [sflag:$0x1] =	stream.linear.gather [hbm4b:s0+s1], $0x1170, $0x38;
	[tilespmem:$0x1EAB0] =	vst v63  }
0x4e: {  	s4 =	rddreg [dreg:$0xb]  }
0x4f: {  	[tilespmem:s17], [sflag:$0x1] =	stream.linear.gather [hbm4b:s4+s1], $0x1170, $0x38;
	[tilespmem:$0x1EAB0] =	vst v63  }
0x50: {  	s14 =	rddreg [dreg:$0xc]  }
0x51: {  	[tilespmem:s18], [sflag:$0x1] =	stream.linear.gather [hbm4b:s14+s1], $0x1170, $0x38;
	[tilespmem:$0x1EAB0] =	vst v63  }
0x52: {  	s0 =	rddreg [dreg:$0xd]  }
0x53: {  	[tilespmem:s19], [sflag:$0x1] =	stream.linear.gather [hbm4b:s0+s1], $0x1170, $0x38;
	[tilespmem:$0x1EAB0] =	vst v63  }
0x54: {  	s4 =	rddreg [dreg:$0xe]  }
0x55: {  	[tilespmem:s20], [sflag:$0x1] =	stream.linear.gather [hbm4b:s4+s1], $0x1170, $0x38;
	[tilespmem:$0x1EAB0] =	vst v63  }
0x56: {  	s14 =	rddreg [dreg:$0x2];
	s0 =	simm.s32 $0x800  }
0x57: {  	[tilespmem:s0], [sflag:$0x6] =	stream.linear.gather [hbm4b:s14+s1], $0x80, $0x38;
	[tilespmem:$0x1EAB0] =	vst v63  }
0x58: {  	_ =	swait.ge [sflag:s21], $0x80  }
0x59: {  	[sflag:s21] =	ssyncset.done $0x0  }
0x5a: {  	s0 =	rddreg [dreg:$0xf];
	[sflag:s21] =	ssyncadd.s32 $0xFFFFFF80  }
0x5b: {  	[tilespmem:s1], [sflag:$0x6] =	stream.linear.gather [hbm4b:s0+s1], $0x400, $0x38;
	[tilespmem:$0x1EAB0] =	vst v63  }
0x5c: {  	_ =	swait.ge [sflag:s21], $0x400  }
0x5d: {  	[sflag:s21] =	ssyncset.done $0x0  }
0x5e: {  	s14 =	simm.s32 $0x400;
	s4 =	rddreg [dreg:$0x10];
	[sflag:s21] =	ssyncadd.s32 $0xFFFFFC00  }
0x5f: {  	[tilespmem:s14], [sflag:$0x6] =	stream.linear.gather [hbm4b:s4+s1], $0x400, $0x38;
	[tilespmem:$0x1EAB0] =	vst v63  }
0x60: {  	_ =	swait.ge [sflag:s21], $0x400  }
0x61: {  	[sflag:s21] =	ssyncset.done $0x0  }
0x62: {  	s3 =	simm.s32 $0x40;
	s4 =	simm.s32 $0x0;
	[sflag:s21] =	ssyncadd.s32 $0xFFFFFC00  }
.LBB2_2:
0x63: {  	p1 =	sne.s32 s3, $0x3FC0;
	[tilespmem:s4+$0x1480] =	vst v1;
	s4 =	smov.u32 s3;
	s3 =	sadd.s32 $0x40, s3  }
.Ltmp0:
0x64: {  	(pc) =	sbr.rel @p1 .LBB2_2-.Ltmp0, $2  }
0x65: {  	_ =	sdelay $0x2  }
0x66: {  	s4 =	sshra.s32 s4, $0x2  }
0x67: {  	[tilespmem:s4+$0x1480] =	vst v1  }
0x68: {  	[spmem:s29] =	stream.linear.scatter [tilespmem:s23], [sflag:$0x2], $0x1000, $0x38;
	[tilespmem:$0x1EAB0] =	vst v63  }
0x69: {  	s0 =	sld [smem:$0x7D7]  }
0x6a: {  	[spmem:s30] =	stream.linear.scatter [tilespmem:s23], [sflag:$0x2], $0x1000, $0x38;
	[tilespmem:$0x1EAB0] =	vst v63  }
0x6b: {  	s3 =	sld [smem:$0x7D8]  }
0x6c: {  	[spmem:s0] =	stream.linear.scatter [tilespmem:s23], [sflag:$0x2], $0x1000, $0x38;
	[tilespmem:$0x1EAB0] =	vst v63  }
0x6d: {  	s4 =	sld [smem:$0x7D9]  }
0x6e: {  	[spmem:s3] =	stream.linear.scatter [tilespmem:s23], [sflag:$0x2], $0x1000, $0x38;
	[tilespmem:$0x1EAB0] =	vst v63  }
0x6f: {  	s14 =	sld [smem:$0x7DA]  }
0x70: {  	[spmem:s4] =	stream.linear.scatter [tilespmem:s23], [sflag:$0x2], $0x1000, $0x38;
	[tilespmem:$0x1EAB0] =	vst v63  }
0x71: {  	s3 =	sld [smem:$0x7DB]  }
0x72: {  	[spmem:s14] =	stream.linear.scatter [tilespmem:s23], [sflag:$0x2], $0x1000, $0x38;
	[tilespmem:$0x1EAB0] =	vst v63  }
0x73: {  	s4 =	sld [smem:$0x7DC]  }
0x74: {  	[spmem:s3] =	stream.linear.scatter [tilespmem:s23], [sflag:$0x2], $0x1000, $0x38;
	[tilespmem:$0x1EAB0] =	vst v63  }
0x75: {  	s14 =	sld [smem:$0x7DD]  }
0x76: {  	[spmem:s4] =	stream.linear.scatter [tilespmem:s23], [sflag:$0x2], $0x1000, $0x38;
	[tilespmem:$0x1EAB0] =	vst v63  }
0x77: {  	s3 =	sld [smem:$0x7DE]  }
0x78: {  	[spmem:s14] =	stream.linear.scatter [tilespmem:s23], [sflag:$0x2], $0x1000, $0x38;
	[tilespmem:$0x1EAB0] =	vst v63  }
0x79: {  	s4 =	sld [smem:$0x7DF]  }
0x7a: {  	[spmem:s3] =	stream.linear.scatter [tilespmem:s23], [sflag:$0x2], $0x1000, $0x38;
	[tilespmem:$0x1EAB0] =	vst v63  }
0x7b: {  	s14 =	sld [smem:$0x7E0]  }
0x7c: {  	[spmem:s4] =	stream.linear.scatter [tilespmem:s23], [sflag:$0x2], $0x1000, $0x38;
	[tilespmem:$0x1EAB0] =	vst v63  }
0x7d: {  	s3 =	sld [smem:$0x7E1]  }
0x7e: {  	[spmem:s14] =	stream.linear.scatter [tilespmem:s23], [sflag:$0x2], $0x1000, $0x38;
	[tilespmem:$0x1EAB0] =	vst v63  }
0x7f: {  	s4 =	sld [smem:$0x7E2]  }
0x80: {  	[spmem:s3] =	stream.linear.scatter [tilespmem:s23], [sflag:$0x2], $0x1000, $0x38;
	[tilespmem:$0x1EAB0] =	vst v63  }
0x81: {  	s14 =	sld [smem:$0x7E3]  }
0x82: {  	[spmem:s4] =	stream.linear.scatter [tilespmem:s23], [sflag:$0x2], $0x1000, $0x38;
	[tilespmem:$0x1EAB0] =	vst v63  }
0x83: {  	s3 =	sld [smem:$0x7E5]  }
0x84: {  	[spmem:s14] =	stream.linear.scatter [tilespmem:s23], [sflag:$0x2], $0xA10, $0x38;
	[tilespmem:$0x1EAB0] =	vst v63  }
0x85: {  	s4 =	sld [smem:$0x7E4]  }
0x86: {  	[spmem:s3] =	stream.linear.scatter [tilespmem:s23], [sflag:$0x2], $0x28, $0x38;
	[tilespmem:$0x1EAB0] =	vst v63  }
0x87: {  	s14 =	sld [smem:$0x7E6]  }
0x88: {  	[spmem:s4] =	stream.linear.scatter [tilespmem:s23], [sflag:$0x2], $0xA10, $0x38;
	[tilespmem:$0x1EAB0] =	vst v63  }
0x89: {  	s3 =	simm.s32 $0x0  }
0x8a: {  	[spmem:s14] =	stream.linear.scatter [tilespmem:s23], [sflag:$0x2], $0x28, $0x38;
	[tilespmem:$0x1EAB0] =	vst v63  }
0x8b: {  	v4 =	vld [tilespmem:s3+$0x0]  }
0x8c: {  	v3 =	vld [tilespmem:s3+$0x400]  }
0x8d: {  	s4 =	simm.s32 $0x40;
	[tilespmem:s3+$0xC80] =	vst v2  }
.LBB2_4:
0x8e: {  	p1 =	sne.s32 s4, $0xFC0  }
.Ltmp1:
0x8f: {  	_ = 	snop;
	(pc) =	sbr.rel @p1 .LBB2_4-.Ltmp1, $4  }
0x90: {  	s14 =	sshra.s32 s4, $0x2;
	v5 =	vsub.s32 v4, v0  }
0x91: {  	v4 =	vld [tilespmem:s14+$0x0];
	v5 =	vmin.u32 v5, $0x7A120;
	[tilespmem:s3+$0x880] =	vst v3  }
0x92: {  	v3 =	vld [tilespmem:s14+$0x400];
	[tilespmem:s3+$0x1080] =	vst v5;
	s3 =	smov.u32 s14  }
0x93: {  	s4 =	sadd.s32 $0x40, s4;
	[tilespmem:s3+$0xC80] =	vst v2  }
0x94: {  	_ =	sdelay $0x1  }
0x95: {  	v4 =	vsub.s32 v4, v0  }
0x96: {  	v4 =	vmin.u32 v4, $0x7A120;
	[tilespmem:s3+$0x880] =	vst v3  }
0x97: {  	[tilespmem:s3+$0x1080] =	vst v4  }
0x98: {  	_ =	swait.ge [sflag:s24], $0x1000  }
0x99: {  	[sflag:s24] =	ssyncset.done $0x0  }
0x9a: {  	[sflag:s24] =	ssyncadd.s32 $0xFFFFF000  }
0x9b: {  	_ =	swait.ge [sflag:s24], $0x1000  }
0x9c: {  	[sflag:s24] =	ssyncset.done $0x0  }
0x9d: {  	[sflag:s24] =	ssyncadd.s32 $0xFFFFF000  }
0x9e: {  	_ =	swait.ge [sflag:s24], $0x1000  }
0x9f: {  	[sflag:s24] =	ssyncset.done $0x0  }
0xa0: {  	[sflag:s24] =	ssyncadd.s32 $0xFFFFF000  }
0xa1: {  	_ =	swait.ge [sflag:s24], $0x1000  }
0xa2: {  	[sflag:s24] =	ssyncset.done $0x0  }
0xa3: {  	[sflag:s24] =	ssyncadd.s32 $0xFFFFF000  }
0xa4: {  	_ =	swait.ge [sflag:s24], $0x1000  }
0xa5: {  	[sflag:s24] =	ssyncset.done $0x0  }
0xa6: {  	[sflag:s24] =	ssyncadd.s32 $0xFFFFF000  }
0xa7: {  	_ =	swait.ge [sflag:s24], $0x1000  }
0xa8: {  	[sflag:s24] =	ssyncset.done $0x0  }
0xa9: {  	[sflag:s24] =	ssyncadd.s32 $0xFFFFF000  }
0xaa: {  	_ =	swait.ge [sflag:s24], $0x1000  }
0xab: {  	[sflag:s24] =	ssyncset.done $0x0  }
0xac: {  	[sflag:s24] =	ssyncadd.s32 $0xFFFFF000  }
0xad: {  	_ =	swait.ge [sflag:s24], $0x1000  }
0xae: {  	[sflag:s24] =	ssyncset.done $0x0  }
0xaf: {  	[sflag:s24] =	ssyncadd.s32 $0xFFFFF000  }
0xb0: {  	_ =	swait.ge [sflag:s24], $0x1000  }
0xb1: {  	[sflag:s24] =	ssyncset.done $0x0  }
0xb2: {  	[sflag:s24] =	ssyncadd.s32 $0xFFFFF000  }
0xb3: {  	_ =	swait.ge [sflag:s24], $0x1000  }
0xb4: {  	[sflag:s24] =	ssyncset.done $0x0  }
0xb5: {  	[sflag:s24] =	ssyncadd.s32 $0xFFFFF000  }
0xb6: {  	_ =	swait.ge [sflag:s24], $0x1000  }
0xb7: {  	[sflag:s24] =	ssyncset.done $0x0  }
0xb8: {  	[sflag:s24] =	ssyncadd.s32 $0xFFFFF000  }
0xb9: {  	_ =	swait.ge [sflag:s24], $0x1000  }
0xba: {  	[sflag:s24] =	ssyncset.done $0x0  }
0xbb: {  	[sflag:s24] =	ssyncadd.s32 $0xFFFFF000  }
0xbc: {  	_ =	swait.ge [sflag:s24], $0x1000  }
0xbd: {  	[sflag:s24] =	ssyncset.done $0x0  }
0xbe: {  	[sflag:s24] =	ssyncadd.s32 $0xFFFFF000  }
0xbf: {  	_ =	swait.ge [sflag:s24], $0x1000  }
0xc0: {  	[sflag:s24] =	ssyncset.done $0x0  }
0xc1: {  	[sflag:s24] =	ssyncadd.s32 $0xFFFFF000  }
0xc2: {  	_ =	swait.ge [sflag:s24], $0xA10  }
0xc3: {  	[sflag:s24] =	ssyncset.done $0x0  }
0xc4: {  	[sflag:s24] =	ssyncadd.s32 $0xFFFFF5F0  }
0xc5: {  	_ =	swait.ge [sflag:s24], $0x28  }
0xc6: {  	[sflag:s24] =	ssyncset.done $0x0  }
0xc7: {  	[sflag:s24] =	ssyncadd.s32 $0xFFFFFFD8  }
0xc8: {  	_ =	swait.ge [sflag:s24], $0xA10  }
0xc9: {  	[sflag:s24] =	ssyncset.done $0x0  }
0xca: {  	[sflag:s24] =	ssyncadd.s32 $0xFFFFF5F0  }
0xcb: {  	_ =	swait.ge [sflag:s24], $0x28  }
0xcc: {  	[sflag:s24] =	ssyncset.done $0x0  }
0xcd: {  	[sflag:s24] =	ssyncadd.s32 $0xFFFFFFD8  }
0xce: {  	s0 =	simm.s32 $0x1080;
	s14 =	simm.s32 $0xC80;
	[bflag:$0x0] =	sbarrier.arrive $0xFFFF  }
0xcf: {  	[spmem:s26] =	stream.indirect.scatter.add.f32 [tilespmem:s14], [sflag:$0x3], $0x1, s0, s25, $0xb8;
	[tilespmem:$0x1EAB0] =	vst v63  }
0xd0: {  	s4 =	simm.s32 $0x880  }
0xd1: {  	[spmem:s31] =	stream.indirect.scatter.add.f32 [tilespmem:s4], [sflag:$0x3], $0x1, s0, s25, $0xb8;
	[tilespmem:$0x1EAB0] =	vst v63  }
0xd2: {  	s14 =	simm.s32 $0xD00;
	s0 =	simm.s32 $0x1100  }
0xd3: {  	[spmem:s26] =	stream.indirect.scatter.add.f32 [tilespmem:s14], [sflag:$0x3], $0x1, s0, s25, $0xb8;
	[tilespmem:$0x1EAB0] =	vst v63  }
0xd4: {  	s4 =	simm.s32 $0x900  }
0xd5: {  	[spmem:s31] =	stream.indirect.scatter.add.f32 [tilespmem:s4], [sflag:$0x3], $0x1, s0, s25, $0xb8;
	[tilespmem:$0x1EAB0] =	vst v63  }
0xd6: {  	s14 =	simm.s32 $0xD80;
	s0 =	simm.s32 $0x1180  }
0xd7: {  	[spmem:s26] =	stream.indirect.scatter.add.f32 [tilespmem:s14], [sflag:$0x3], $0x1, s0, s25, $0xb8;
	[tilespmem:$0x1EAB0] =	vst v63  }
0xd8: {  	s4 =	simm.s32 $0x980  }
0xd9: {  	[spmem:s31] =	stream.indirect.scatter.add.f32 [tilespmem:s4], [sflag:$0x3], $0x1, s0, s25, $0xb8;
	[tilespmem:$0x1EAB0] =	vst v63  }
0xda: {  	s14 =	simm.s32 $0xE00;
	s0 =	simm.s32 $0x1200  }
0xdb: {  	[spmem:s26] =	stream.indirect.scatter.add.f32 [tilespmem:s14], [sflag:$0x3], $0x1, s0, s25, $0xb8;
	[tilespmem:$0x1EAB0] =	vst v63  }
0xdc: {  	s4 =	simm.s32 $0xA00  }
0xdd: {  	[spmem:s31] =	stream.indirect.scatter.add.f32 [tilespmem:s4], [sflag:$0x3], $0x1, s0, s25, $0xb8;
	[tilespmem:$0x1EAB0] =	vst v63  }
0xde: {  	s14 =	simm.s32 $0xE80;
	s0 =	simm.s32 $0x1280  }
0xdf: {  	[spmem:s26] =	stream.indirect.scatter.add.f32 [tilespmem:s14], [sflag:$0x3], $0x1, s0, s25, $0xb8;
	[tilespmem:$0x1EAB0] =	vst v63  }
0xe0: {  	s4 =	simm.s32 $0xA80  }
0xe1: {  	[spmem:s31] =	stream.indirect.scatter.add.f32 [tilespmem:s4], [sflag:$0x3], $0x1, s0, s25, $0xb8;
	[tilespmem:$0x1EAB0] =	vst v63  }
0xe2: {  	s14 =	simm.s32 $0xF00;
	s0 =	simm.s32 $0x1300  }
0xe3: {  	[spmem:s26] =	stream.indirect.scatter.add.f32 [tilespmem:s14], [sflag:$0x3], $0x1, s0, s25, $0xb8;
	[tilespmem:$0x1EAB0] =	vst v63  }
0xe4: {  	s4 =	simm.s32 $0xB00  }
0xe5: {  	[spmem:s31] =	stream.indirect.scatter.add.f32 [tilespmem:s4], [sflag:$0x3], $0x1, s0, s25, $0xb8;
	[tilespmem:$0x1EAB0] =	vst v63  }
0xe6: {  	s14 =	simm.s32 $0xF80;
	s0 =	simm.s32 $0x1380  }
0xe7: {  	[spmem:s26] =	stream.indirect.scatter.add.f32 [tilespmem:s14], [sflag:$0x3], $0x1, s0, s25, $0xb8;
	[tilespmem:$0x1EAB0] =	vst v63  }
0xe8: {  	s4 =	simm.s32 $0xB80  }
0xe9: {  	[spmem:s31] =	stream.indirect.scatter.add.f32 [tilespmem:s4], [sflag:$0x3], $0x1, s0, s25, $0xb8;
	[tilespmem:$0x1EAB0] =	vst v63  }
0xea: {  	s14 =	simm.s32 $0x1000;
	s0 =	simm.s32 $0x1400  }
0xeb: {  	[spmem:s26] =	stream.indirect.scatter.add.f32 [tilespmem:s14], [sflag:$0x3], $0x1, s0, s25, $0xb8;
	[tilespmem:$0x1EAB0] =	vst v63  }
0xec: {  	s4 =	simm.s32 $0xC00  }
0xed: {  	[spmem:s31] =	stream.indirect.scatter.add.f32 [tilespmem:s4], [sflag:$0x3], $0x1, s0, s25, $0xb8;
	[tilespmem:$0x1EAB0] =	vst v63  }
0xee: {  	_ =	swait.ge [sflag:s5], $0x80  }
0xef: {  	[sflag:s5] =	ssyncset.done $0x0  }
0xf0: {  	[sflag:s5] =	ssyncadd.s32 $0xFFFFFF80  }
0xf1: {  	_ =	swait.ge [sflag:s5], $0x80  }
0xf2: {  	[sflag:s5] =	ssyncset.done $0x0  }
0xf3: {  	[sflag:s5] =	ssyncadd.s32 $0xFFFFFF80  }
0xf4: {  	_ =	swait.ge [sflag:s5], $0x80  }
0xf5: {  	[sflag:s5] =	ssyncset.done $0x0  }
0xf6: {  	[sflag:s5] =	ssyncadd.s32 $0xFFFFFF80  }
0xf7: {  	_ =	swait.ge [sflag:s5], $0x80  }
0xf8: {  	[sflag:s5] =	ssyncset.done $0x0  }
0xf9: {  	[sflag:s5] =	ssyncadd.s32 $0xFFFFFF80  }
0xfa: {  	_ =	swait.ge [sflag:s5], $0x80  }
0xfb: {  	[sflag:s5] =	ssyncset.done $0x0  }
0xfc: {  	[sflag:s5] =	ssyncadd.s32 $0xFFFFFF80  }
0xfd: {  	_ =	swait.ge [sflag:s5], $0x80  }
0xfe: {  	[sflag:s5] =	ssyncset.done $0x0  }
0xff: {  	[sflag:s5] =	ssyncadd.s32 $0xFFFFFF80  }
0x100: {  	_ =	swait.ge [sflag:s5], $0x80  }
0x101: {  	[sflag:s5] =	ssyncset.done $0x0  }
0x102: {  	[sflag:s5] =	ssyncadd.s32 $0xFFFFFF80  }
0x103: {  	_ =	swait.ge [sflag:s5], $0x80  }
0x104: {  	[sflag:s5] =	ssyncset.done $0x0  }
0x105: {  	[sflag:s5] =	ssyncadd.s32 $0xFFFFFF80  }
0x106: {  	_ =	swait.ge [sflag:s5], $0x80  }
0x107: {  	[sflag:s5] =	ssyncset.done $0x0  }
0x108: {  	[sflag:s5] =	ssyncadd.s32 $0xFFFFFF80  }
0x109: {  	_ =	swait.ge [sflag:s5], $0x80  }
0x10a: {  	[sflag:s5] =	ssyncset.done $0x0  }
0x10b: {  	[sflag:s5] =	ssyncadd.s32 $0xFFFFFF80  }
0x10c: {  	_ =	swait.ge [sflag:s5], $0x80  }
0x10d: {  	[sflag:s5] =	ssyncset.done $0x0  }
0x10e: {  	[sflag:s5] =	ssyncadd.s32 $0xFFFFFF80  }
0x10f: {  	_ =	swait.ge [sflag:s5], $0x80  }
0x110: {  	[sflag:s5] =	ssyncset.done $0x0  }
0x111: {  	[sflag:s5] =	ssyncadd.s32 $0xFFFFFF80  }
0x112: {  	_ =	swait.ge [sflag:s5], $0x80  }
0x113: {  	[sflag:s5] =	ssyncset.done $0x0  }
0x114: {  	[sflag:s5] =	ssyncadd.s32 $0xFFFFFF80  }
0x115: {  	_ =	swait.ge [sflag:s5], $0x80  }
0x116: {  	[sflag:s5] =	ssyncset.done $0x0  }
0x117: {  	[sflag:s5] =	ssyncadd.s32 $0xFFFFFF80  }
0x118: {  	_ =	swait.ge [sflag:s5], $0x80  }
0x119: {  	[sflag:s5] =	ssyncset.done $0x0  }
0x11a: {  	[sflag:s5] =	ssyncadd.s32 $0xFFFFFF80  }
0x11b: {  	_ =	swait.ge [sflag:s5], $0x80  }
0x11c: {  	[sflag:s5] =	ssyncset.done $0x0  }
0x11d: {  	[sflag:s5] =	ssyncadd.s32 $0xFFFFFF80  }
0x11e: {  	[bflag:$0x0] =	sbarrier.arrive $0xFFFF  }
0x11f: {  	[tilespmem:s6], [sflag:$0x4] =	stream.linear.gather [spmem:s29], $0x1170, $0x38;
	[tilespmem:$0x1EAB0] =	vst v63  }
0x120: {  	s14 =	sld [smem:$0x7E7]  }
0x121: {  	[tilespmem:s28], [sflag:$0x4] =	stream.linear.gather [spmem:s30], $0x1170, $0x38;
	[tilespmem:$0x1EAB0] =	vst v63  }
0x122: {  	s3 =	sld [smem:$0x7E8]  }
0x123: {  	[tilespmem:s7], [sflag:$0x4] =	stream.linear.gather [spmem:s14], $0x1170, $0x38;
	[tilespmem:$0x1EAB0] =	vst v63  }
0x124: {  	s4 =	sld [smem:$0x7E9]  }
0x125: {  	[tilespmem:s8], [sflag:$0x4] =	stream.linear.gather [spmem:s3], $0x1170, $0x38;
	[tilespmem:$0x1EAB0] =	vst v63  }
0x126: {  	s14 =	sld [smem:$0x7EA]  }
0x127: {  	[tilespmem:s9], [sflag:$0x4] =	stream.linear.gather [spmem:s4], $0x1170, $0x38;
	[tilespmem:$0x1EAB0] =	vst v63  }
0x128: {  	_ = 	snop  }
0x129: {  	[tilespmem:s22], [sflag:$0x4] =	stream.linear.gather [spmem:s14], $0x1170, $0x38;
	[tilespmem:$0x1EAB0] =	vst v63  }
0x12a: {  	v3 =	vld [tilespmem:$0x800];
	_ =	swait.ge [sflag:s11], $0x1170  }
0x12b: {  	[sflag:s11] =	ssyncset.done $0x0  }
0x12c: {  	[sflag:s11] =	ssyncadd.s32 $0xFFFFEE90  }
0x12d: {  	_ =	swait.ge [sflag:s11], $0x1170  }
0x12e: {  	[sflag:s11] =	ssyncset.done $0x0  }
0x12f: {  	[sflag:s11] =	ssyncadd.s32 $0xFFFFEE90  }
0x130: {  	_ =	swait.ge [sflag:s12], $0x1170  }
0x131: {  	[sflag:s12] =	ssyncset.done $0x0  }
0x132: {  	[sflag:s12] =	ssyncadd.s32 $0xFFFFEE90  }
0x133: {  	_ =	swait.ge [sflag:s12], $0x1170  }
0x134: {  	[sflag:s12] =	ssyncset.done $0x0  }
0x135: {  	s14 =	simm.s32 $0x0;
	[sflag:s12] =	ssyncadd.s32 $0xFFFFEE90  }
0x136: {  	v5 =	vld [tilespmem:s14+$0x3600]  }
0x137: {  	v4 =	vld [tilespmem:s14+$0x4780]  }
0x138: {  	v6 =	vld [tilespmem:s14+$0x3610]  }
0x139: {  	v10 =	vld [tilespmem:s14+$0x3620]  }
0x13a: {  	v7 =	vld [tilespmem:s14+$0x4790]  }
0x13b: {  	v8 =	vld [tilespmem:s14+$0x47A0]  }
0x13c: {  	v9 =	vmul.f32 v5, v3  }
0x13d: {  	v11 =	vmul.f32 v6, v3  }
0x13e: {  	v12 =	vmul.f32 v10, v3;
	v4 =	vmul.f32 v9, v4  }
0x13f: {  	v7 =	vmul.f32 v11, v7  }
0x140: {  	v8 =	vmul.f32 v12, v8;
	v4 =	vadd.f32 $1.000000000e+00, v4  }
0x141: {  	v7 =	vadd.f32 $1.000000000e+00, v7  }
0x142: {  	(erf) = vrcp.f32 v4;
	v4 =	vadd.f32 $1.000000000e+00, v8  }
0x143: {  	(erf) = vrcp.f32 v7  }
0x144: {  	v13 =	vld [tilespmem:s14+$0x5900];
	(erf) = vrcp.f32 v4  }
0x145: {  	v14 =	vld [tilespmem:s14+$0x5910]  }
0x146: {  	v15 =	vld [tilespmem:s14+$0x5920]  }
0x147: {  	v16 =	vld [tilespmem:s14+$0x2490]  }
0x148: {  	v17 =	vld [tilespmem:s14+$0x24A0]  }
0x149: {  	v18 =	vld [tilespmem:s14+$0x2480]  }
0x14a: {  	s3 =	simm.s32 $0x30  }
0x14b: {  	v13 =	vmul.f32 v13, v9;
	v9 =	vld [tilespmem:s3+$0x4780];
	v12 =	vmul.f32 v15, v12;
	v19 =	vpop (erf)  }
0x14c: {  	v11 =	vmul.f32 v14, v11;
	v8 =	vld [tilespmem:s3+$0x5920];
	v5 =	vmul.f32 v19, v5;
	v14 =	vpop (erf)  }
0x14d: {  	v12 =	vadd.f32 v12, v17;
	v7 =	vld [tilespmem:s3+$0x5910];
	v6 =	vmul.f32 v14, v6;
	v15 =	vpop (erf)  }
0x14e: {  	v13 =	vadd.f32 v13, v18;
	v11 =	vadd.f32 v11, v16;
	v4 =	vld [tilespmem:s3+$0x5900];
	[tilespmem:s14+$0x3600] =	vst v5;
	v63 =	vmul.f32 v15, v10  }
0x14f: {  	v12 =	vmul.f32 v15, v12;
	v5 =	vld [tilespmem:s3+$0x3600];
	[tilespmem:s14+$0x3610] =	vst v6  }
0x150: {  	s4 =	simm.s32 $0x180;
	v11 =	vmul.f32 v14, v11;
	v10 =	vmul.f32 v19, v13;
	v6 =	vld [tilespmem:s3+$0x3610];
	[tilespmem:s14+$0x3620] =	vst v63  }
.LBB2_6:
0x151: {  	p1 =	sne.s32 s4, $0x4500;
	v13 =	vld [tilespmem:s3+$0x3620];
	[tilespmem:s14+$0x24A0] =	vst v12  }
0x152: {  	v12 =	vld [tilespmem:s3+$0x4790];
	[tilespmem:s14+$0x2490] =	vst v11  }
0x153: {  	v11 =	vld [tilespmem:s3+$0x47A0];
	[tilespmem:s14+$0x2480] =	vst v10;
	s14 =	smov.u32 s3  }
0x154: {  	v10 =	vmul.f32 v5, v3;
	v14 =	vld [tilespmem:s14+$0x2490]  }
0x155: {  	v15 =	vmul.f32 v6, v3;
	v16 =	vld [tilespmem:s14+$0x24A0]  }
0x156: {  	v17 =	vld [tilespmem:s14+$0x2480];
	v9 =	vmul.f32 v10, v9;
	v18 =	vmul.f32 v13, v3  }
0x157: {  	v12 =	vmul.f32 v15, v12;
	v7 =	vmul.f32 v7, v15  }
0x158: {  	v9 =	vadd.f32 $1.000000000e+00, v9;
	v11 =	vmul.f32 v18, v11;
	v8 =	vmul.f32 v8, v18  }
0x159: {  	v4 =	vmul.f32 v4, v10;
	v10 =	vadd.f32 $1.000000000e+00, v12;
	v12 =	vadd.f32 v7, v14  }
0x15a: {  	v7 =	vadd.f32 $1.000000000e+00, v11;
	v14 =	vadd.f32 v8, v16;
	(erf) = vrcp.f32 v9  }
0x15b: {  	v8 =	vadd.f32 v4, v17;
	(erf) = vrcp.f32 v10  }
0x15c: {  	(erf) = vrcp.f32 v7;
	_ =	sdelay $0x5  }
0x15d: {  	s3 =	sshra.s32 s4, $0x2  }
0x15e: {  	v4 =	vld [tilespmem:s3+$0x5900];
	v9 =	vpop (erf)  }
.Ltmp2:
0x15f: {  	v7 =	vld [tilespmem:s3+$0x5910];
	v10 =	vmul.f32 v9, v8;
	v5 =	vmul.f32 v9, v5;
	v9 =	vpop (erf);
	(pc) =	sbr.rel @p1 .LBB2_6-.Ltmp2, $4  }
0x160: {  	v8 =	vld [tilespmem:s3+$0x5920];
	v11 =	vmul.f32 v9, v12;
	v6 =	vmul.f32 v9, v6;
	v15 =	vpop (erf)  }
0x161: {  	v9 =	vld [tilespmem:s3+$0x4780];
	[tilespmem:s14+$0x3600] =	vst v5;
	v12 =	vmul.f32 v15, v14;
	v13 =	vmul.f32 v15, v13  }
0x162: {  	v5 =	vld [tilespmem:s3+$0x3600];
	[tilespmem:s14+$0x3610] =	vst v6  }
0x163: {  	s4 =	sadd.s32 $0xC0, s4;
	v6 =	vld [tilespmem:s3+$0x3610];
	[tilespmem:s14+$0x3620] =	vst v13  }
0x164: {  	_ = 	snop  }
0x165: {  	v13 =	vld [tilespmem:s3+$0x3620];
	[tilespmem:s14+$0x24A0] =	vst v12  }
0x166: {  	v12 =	vld [tilespmem:s3+$0x4790];
	[tilespmem:s14+$0x2490] =	vst v11  }
0x167: {  	v11 =	vld [tilespmem:s3+$0x47A0];
	v14 =	vmul.f32 v5, v3;
	_ =	sdelay $0x1  }
0x168: {  	v15 =	vmul.f32 v6, v3;
	v9 =	vmul.f32 v14, v9  }
0x169: {  	v16 =	vmul.f32 v13, v3  }
0x16a: {  	v12 =	vmul.f32 v15, v12;
	v9 =	vadd.f32 $1.000000000e+00, v9  }
0x16b: {  	v11 =	vmul.f32 v16, v11  }
0x16c: {  	v12 =	vadd.f32 $1.000000000e+00, v12;
	(erf) = vrcp.f32 v9  }
0x16d: {  	v11 =	vadd.f32 $1.000000000e+00, v11  }
0x16e: {  	(erf) = vrcp.f32 v12  }
0x16f: {  	[tilespmem:s14+$0x2480] =	vst v10;
	(erf) = vrcp.f32 v11  }
0x170: {  	v11 =	vld [tilespmem:s3+$0x2480];
	_ =	sdelay $0x2  }
0x171: {  	v4 =	vmul.f32 v4, v14;
	v9 =	vld [tilespmem:s3+$0x24A0]  }
0x172: {  	v10 =	vld [tilespmem:s3+$0x2490]  }
0x173: {  	v4 =	vadd.f32 v4, v11;
	v12 =	vpop (erf)  }
0x174: {  	v8 =	vmul.f32 v8, v16;
	v5 =	vmul.f32 v12, v5  }
0x175: {  	v7 =	vmul.f32 v7, v15;
	v15 =	vpop (erf);
	v4 =	vmul.f32 v12, v4  }
0x176: {  	v8 =	vadd.f32 v8, v9;
	v6 =	vmul.f32 v15, v6;
	v9 =	vpop (erf);
	[tilespmem:s3+$0x3600] =	vst v5  }
0x177: {  	v7 =	vadd.f32 v7, v10;
	v5 =	vmul.f32 v9, v13;
	[tilespmem:s3+$0x2480] =	vst v4  }
0x178: {  	v8 =	vmul.f32 v9, v8;
	[tilespmem:s3+$0x3610] =	vst v6  }
0x179: {  	v6 =	vmul.f32 v15, v7;
	[tilespmem:s3+$0x3620] =	vst v5  }
0x17a: {  	[tilespmem:s3+$0x24A0] =	vst v8  }
0x17b: {  	s0 =	sld [smem:$0x7F5];
	s14 =	simm.s32 $0x0;
	[tilespmem:s3+$0x2490] =	vst v6  }
0x17c: {  	[hbm4b:s10+s14] =	stream.linear.scatter [tilespmem:s15], [sflag:$0x5], $0x1170, $0x38;
	[tilespmem:$0x1EAB0] =	vst v63  }
0x17d: {  	s4 =	rddreg [dreg:$0x11]  }
0x17e: {  	[hbm4b:s0+s14] =	stream.linear.scatter [tilespmem:s16], [sflag:$0x5], $0x1170, $0x38;
	[tilespmem:$0x1EAB0] =	vst v63  }
0x17f: {  	s0 =	rddreg [dreg:$0x12]  }
0x180: {  	[tilespmem:s15], [sflag:$0x1] =	stream.linear.gather [hbm4b:s4+s14], $0x1170, $0x38;
	[tilespmem:$0x1EAB0] =	vst v63  }
0x181: {  	s4 =	sld [smem:$0x7EB]  }
0x182: {  	[tilespmem:s16], [sflag:$0x1] =	stream.linear.gather [hbm4b:s0+s14], $0x1170, $0x38;
	[tilespmem:$0x1EAB0] =	vst v63  }
0x183: {  	s14 =	sld [smem:$0x7EC]  }
0x184: {  	[tilespmem:s6], [sflag:$0x4] =	stream.linear.gather [spmem:s4], $0x1170, $0x38;
	[tilespmem:$0x1EAB0] =	vst v63  }
0x185: {  	_ = 	snop  }
0x186: {  	[tilespmem:s28], [sflag:$0x4] =	stream.linear.gather [spmem:s14], $0x1170, $0x38;
	[tilespmem:$0x1EAB0] =	vst v63  }
0x187: {  	_ =	swait.ge [sflag:s11], $0x1170  }
0x188: {  	[sflag:s11] =	ssyncset.done $0x0  }
0x189: {  	[sflag:s11] =	ssyncadd.s32 $0xFFFFEE90  }
0x18a: {  	_ =	swait.ge [sflag:s11], $0x1170  }
0x18b: {  	[sflag:s11] =	ssyncset.done $0x0  }
0x18c: {  	[sflag:s11] =	ssyncadd.s32 $0xFFFFEE90  }
0x18d: {  	_ =	swait.ge [sflag:s12], $0x1170  }
0x18e: {  	[sflag:s12] =	ssyncset.done $0x0  }
0x18f: {  	[sflag:s12] =	ssyncadd.s32 $0xFFFFEE90  }
0x190: {  	_ =	swait.ge [sflag:s12], $0x1170  }
0x191: {  	[sflag:s12] =	ssyncset.done $0x0  }
0x192: {  	s14 =	simm.s32 $0x0;
	[sflag:s12] =	ssyncadd.s32 $0xFFFFEE90  }
0x193: {  	v5 =	vld [tilespmem:s14+$0x7C00]  }
0x194: {  	v4 =	vld [tilespmem:s14+$0x8D80]  }
0x195: {  	v6 =	vld [tilespmem:s14+$0x7C10]  }
0x196: {  	v10 =	vld [tilespmem:s14+$0x7C20]  }
0x197: {  	v7 =	vld [tilespmem:s14+$0x8D90]  }
0x198: {  	v8 =	vld [tilespmem:s14+$0x8DA0]  }
0x199: {  	v9 =	vmul.f32 v5, v3  }
0x19a: {  	v11 =	vmul.f32 v6, v3  }
0x19b: {  	v12 =	vmul.f32 v10, v3;
	v4 =	vmul.f32 v9, v4  }
0x19c: {  	v7 =	vmul.f32 v11, v7  }
0x19d: {  	v8 =	vmul.f32 v12, v8;
	v4 =	vadd.f32 $1.000000000e+00, v4  }
0x19e: {  	v7 =	vadd.f32 $1.000000000e+00, v7  }
0x19f: {  	(erf) = vrcp.f32 v4;
	v4 =	vadd.f32 $1.000000000e+00, v8  }
0x1a0: {  	(erf) = vrcp.f32 v7  }
0x1a1: {  	v13 =	vld [tilespmem:s14+$0x9F00];
	(erf) = vrcp.f32 v4  }
0x1a2: {  	v14 =	vld [tilespmem:s14+$0x9F10]  }
0x1a3: {  	v15 =	vld [tilespmem:s14+$0x9F20]  }
0x1a4: {  	v62 =	vld [tilespmem:s14+$0x6A90]  }
0x1a5: {  	v17 =	vld [tilespmem:s14+$0x6AA0]  }
0x1a6: {  	v18 =	vld [tilespmem:s14+$0x6A80]  }
0x1a7: {  	s3 =	simm.s32 $0x30  }
0x1a8: {  	v13 =	vmul.f32 v13, v9;
	v9 =	vld [tilespmem:s3+$0x8D80];
	v12 =	vmul.f32 v15, v12;
	v19 =	vpop (erf)  }
0x1a9: {  	v11 =	vmul.f32 v14, v11;
	v8 =	vld [tilespmem:s3+$0x9F20];
	v5 =	vmul.f32 v19, v5;
	v14 =	vpop (erf)  }
0x1aa: {  	v12 =	vadd.f32 v12, v17;
	v7 =	vld [tilespmem:s3+$0x9F10];
	v6 =	vmul.f32 v14, v6;
	v15 =	vpop (erf)  }
0x1ab: {  	v13 =	vadd.f32 v13, v18;
	v11 =	vadd.f32 v11, v62;
	v4 =	vld [tilespmem:s3+$0x9F00];
	[tilespmem:s14+$0x7C00] =	vst v5;
	v63 =	vmul.f32 v15, v10  }
0x1ac: {  	v12 =	vmul.f32 v15, v12;
	v5 =	vld [tilespmem:s3+$0x7C00];
	[tilespmem:s14+$0x7C10] =	vst v6  }
0x1ad: {  	s4 =	simm.s32 $0x180;
	v11 =	vmul.f32 v14, v11;
	v10 =	vmul.f32 v19, v13;
	v6 =	vld [tilespmem:s3+$0x7C10];
	[tilespmem:s14+$0x7C20] =	vst v63  }
.LBB2_8:
0x1ae: {  	p1 =	sne.s32 s4, $0x4500;
	v13 =	vld [tilespmem:s3+$0x7C20];
	[tilespmem:s14+$0x6AA0] =	vst v12  }
0x1af: {  	v12 =	vld [tilespmem:s3+$0x8D90];
	[tilespmem:s14+$0x6A90] =	vst v11  }
0x1b0: {  	v11 =	vld [tilespmem:s3+$0x8DA0];
	[tilespmem:s14+$0x6A80] =	vst v10;
	s14 =	smov.u32 s3  }
0x1b1: {  	v10 =	vmul.f32 v5, v3;
	v14 =	vld [tilespmem:s14+$0x6A90]  }
0x1b2: {  	v15 =	vmul.f32 v6, v3;
	v16 =	vld [tilespmem:s14+$0x6AA0]  }
0x1b3: {  	v17 =	vld [tilespmem:s14+$0x6A80];
	v9 =	vmul.f32 v10, v9;
	v18 =	vmul.f32 v13, v3  }
0x1b4: {  	v12 =	vmul.f32 v15, v12;
	v7 =	vmul.f32 v7, v15  }
0x1b5: {  	v9 =	vadd.f32 $1.000000000e+00, v9;
	v11 =	vmul.f32 v18, v11;
	v8 =	vmul.f32 v8, v18  }
0x1b6: {  	v4 =	vmul.f32 v4, v10;
	v10 =	vadd.f32 $1.000000000e+00, v12;
	v12 =	vadd.f32 v7, v14  }
0x1b7: {  	v7 =	vadd.f32 $1.000000000e+00, v11;
	v14 =	vadd.f32 v8, v16;
	(erf) = vrcp.f32 v9  }
0x1b8: {  	v8 =	vadd.f32 v4, v17;
	(erf) = vrcp.f32 v10  }
0x1b9: {  	(erf) = vrcp.f32 v7;
	_ =	sdelay $0x5  }
0x1ba: {  	s3 =	sshra.s32 s4, $0x2  }
0x1bb: {  	v4 =	vld [tilespmem:s3+$0x9F00];
	v9 =	vpop (erf)  }
.Ltmp3:
0x1bc: {  	v7 =	vld [tilespmem:s3+$0x9F10];
	v10 =	vmul.f32 v9, v8;
	v5 =	vmul.f32 v9, v5;
	v9 =	vpop (erf);
	(pc) =	sbr.rel @p1 .LBB2_8-.Ltmp3, $4  }
0x1bd: {  	v8 =	vld [tilespmem:s3+$0x9F20];
	v11 =	vmul.f32 v9, v12;
	v6 =	vmul.f32 v9, v6;
	v15 =	vpop (erf)  }
0x1be: {  	v9 =	vld [tilespmem:s3+$0x8D80];
	[tilespmem:s14+$0x7C00] =	vst v5;
	v12 =	vmul.f32 v15, v14;
	v13 =	vmul.f32 v15, v13  }
0x1bf: {  	v5 =	vld [tilespmem:s3+$0x7C00];
	[tilespmem:s14+$0x7C10] =	vst v6  }
0x1c0: {  	s4 =	sadd.s32 $0xC0, s4;
	v6 =	vld [tilespmem:s3+$0x7C10];
	[tilespmem:s14+$0x7C20] =	vst v13  }
0x1c1: {  	_ = 	snop  }
0x1c2: {  	v13 =	vld [tilespmem:s3+$0x7C20];
	[tilespmem:s14+$0x6AA0] =	vst v12  }
0x1c3: {  	v12 =	vld [tilespmem:s3+$0x8D90];
	[tilespmem:s14+$0x6A90] =	vst v11  }
0x1c4: {  	v11 =	vld [tilespmem:s3+$0x8DA0];
	v14 =	vmul.f32 v5, v3;
	_ =	sdelay $0x1  }
0x1c5: {  	v15 =	vmul.f32 v6, v3;
	v9 =	vmul.f32 v14, v9  }
0x1c6: {  	v16 =	vmul.f32 v13, v3  }
0x1c7: {  	v12 =	vmul.f32 v15, v12;
	v9 =	vadd.f32 $1.000000000e+00, v9  }
0x1c8: {  	v11 =	vmul.f32 v16, v11  }
0x1c9: {  	v12 =	vadd.f32 $1.000000000e+00, v12;
	(erf) = vrcp.f32 v9  }
0x1ca: {  	v11 =	vadd.f32 $1.000000000e+00, v11  }
0x1cb: {  	(erf) = vrcp.f32 v12  }
0x1cc: {  	[tilespmem:s14+$0x6A80] =	vst v10;
	(erf) = vrcp.f32 v11  }
0x1cd: {  	v11 =	vld [tilespmem:s3+$0x6A80];
	_ =	sdelay $0x2  }
0x1ce: {  	v4 =	vmul.f32 v4, v14;
	v9 =	vld [tilespmem:s3+$0x6AA0]  }
0x1cf: {  	v10 =	vld [tilespmem:s3+$0x6A90]  }
0x1d0: {  	v4 =	vadd.f32 v4, v11;
	v12 =	vpop (erf)  }
0x1d1: {  	v8 =	vmul.f32 v8, v16;
	v5 =	vmul.f32 v12, v5  }
0x1d2: {  	v7 =	vmul.f32 v7, v15;
	v15 =	vpop (erf);
	v4 =	vmul.f32 v12, v4  }
0x1d3: {  	v8 =	vadd.f32 v8, v9;
	v6 =	vmul.f32 v15, v6;
	v9 =	vpop (erf);
	[tilespmem:s3+$0x7C00] =	vst v5  }
0x1d4: {  	v7 =	vadd.f32 v7, v10;
	v5 =	vmul.f32 v9, v13;
	[tilespmem:s3+$0x6A80] =	vst v4  }
0x1d5: {  	v8 =	vmul.f32 v9, v8;
	[tilespmem:s3+$0x7C10] =	vst v6  }
0x1d6: {  	v6 =	vmul.f32 v15, v7;
	[tilespmem:s3+$0x7C20] =	vst v5  }
0x1d7: {  	s4 =	rddreg [dreg:$0x13];
	[tilespmem:s3+$0x6AA0] =	vst v8  }
0x1d8: {  	s0 =	sld [smem:$0x7F6];
	[tilespmem:s3+$0x6A90] =	vst v6;
	s3 =	simm.s32 $0x0  }
0x1d9: {  	[hbm4b:s4+s3] =	stream.linear.scatter [tilespmem:s17], [sflag:$0x5], $0x1170, $0x38;
	[tilespmem:$0x1EAB0] =	vst v63  }
0x1da: {  	s14 =	rddreg [dreg:$0x14]  }
0x1db: {  	[hbm4b:s0+s3] =	stream.linear.scatter [tilespmem:s18], [sflag:$0x5], $0x1170, $0x38;
	[tilespmem:$0x1EAB0] =	vst v63  }
0x1dc: {  	s4 =	sld [smem:$0x7ED]  }
0x1dd: {  	[tilespmem:s17], [sflag:$0x1] =	stream.linear.gather [hbm4b:s14+s3], $0x1170, $0x38;
	[tilespmem:$0x1EAB0] =	vst v63  }
0x1de: {  	s0 =	rddreg [dreg:$0x17]  }
0x1df: {  	[tilespmem:s18], [sflag:$0x1] =	stream.linear.gather [hbm4b:s0+s3], $0x1170, $0x38;
	[tilespmem:$0x1EAB0] =	vst v63  }
0x1e0: {  	s14 =	sld [smem:$0x7EE]  }
0x1e1: {  	[tilespmem:s7], [sflag:$0x4] =	stream.linear.gather [spmem:s4], $0x1170, $0x38;
	[tilespmem:$0x1EAB0] =	vst v63  }
0x1e2: {  	_ = 	snop  }
0x1e3: {  	[tilespmem:s8], [sflag:$0x4] =	stream.linear.gather [spmem:s14], $0x1170, $0x38;
	[tilespmem:$0x1EAB0] =	vst v63  }
0x1e4: {  	_ =	swait.ge [sflag:s11], $0x1170  }
0x1e5: {  	[sflag:s11] =	ssyncset.done $0x0  }
0x1e6: {  	[sflag:s11] =	ssyncadd.s32 $0xFFFFEE90  }
0x1e7: {  	_ =	swait.ge [sflag:s11], $0x1170  }
0x1e8: {  	[sflag:s11] =	ssyncset.done $0x0  }
0x1e9: {  	[sflag:s11] =	ssyncadd.s32 $0xFFFFEE90  }
0x1ea: {  	_ =	swait.ge [sflag:s12], $0x1170  }
0x1eb: {  	[sflag:s12] =	ssyncset.done $0x0  }
0x1ec: {  	[sflag:s12] =	ssyncadd.s32 $0xFFFFEE90  }
0x1ed: {  	_ =	swait.ge [sflag:s12], $0x1170  }
0x1ee: {  	[sflag:s12] =	ssyncset.done $0x0  }
0x1ef: {  	s14 =	simm.s32 $0x0;
	[sflag:s12] =	ssyncadd.s32 $0xFFFFEE90  }
0x1f0: {  	v5 =	vld [tilespmem:s14+$0xC200]  }
0x1f1: {  	v4 =	vld [tilespmem:s14+$0xD380]  }
0x1f2: {  	v6 =	vld [tilespmem:s14+$0xC210]  }
0x1f3: {  	v10 =	vld [tilespmem:s14+$0xC220]  }
0x1f4: {  	v7 =	vld [tilespmem:s14+$0xD390]  }
0x1f5: {  	v8 =	vld [tilespmem:s14+$0xD3A0]  }
0x1f6: {  	v9 =	vmul.f32 v5, v3  }
0x1f7: {  	v11 =	vmul.f32 v6, v3  }
0x1f8: {  	v12 =	vmul.f32 v10, v3;
	v4 =	vmul.f32 v9, v4  }
0x1f9: {  	v7 =	vmul.f32 v11, v7  }
0x1fa: {  	v8 =	vmul.f32 v12, v8;
	v4 =	vadd.f32 $1.000000000e+00, v4  }
0x1fb: {  	v7 =	vadd.f32 $1.000000000e+00, v7  }
0x1fc: {  	(erf) = vrcp.f32 v4;
	v4 =	vadd.f32 $1.000000000e+00, v8  }
0x1fd: {  	(erf) = vrcp.f32 v7  }
0x1fe: {  	v13 =	vld [tilespmem:s14+$0xE500];
	(erf) = vrcp.f32 v4  }
0x1ff: {  	v14 =	vld [tilespmem:s14+$0xE510]  }
0x200: {  	v15 =	vld [tilespmem:s14+$0xE520]  }
0x201: {  	v62 =	vld [tilespmem:s14+$0xB090]  }
0x202: {  	v17 =	vld [tilespmem:s14+$0xB0A0]  }
0x203: {  	v18 =	vld [tilespmem:s14+$0xB080]  }
0x204: {  	s3 =	simm.s32 $0x30  }
0x205: {  	v13 =	vmul.f32 v13, v9;
	v9 =	vld [tilespmem:s3+$0xD380];
	v12 =	vmul.f32 v15, v12;
	v19 =	vpop (erf)  }
0x206: {  	v11 =	vmul.f32 v14, v11;
	v8 =	vld [tilespmem:s3+$0xE520];
	v5 =	vmul.f32 v19, v5;
	v14 =	vpop (erf)  }
0x207: {  	v12 =	vadd.f32 v12, v17;
	v7 =	vld [tilespmem:s3+$0xE510];
	v6 =	vmul.f32 v14, v6;
	v15 =	vpop (erf)  }
0x208: {  	v13 =	vadd.f32 v13, v18;
	v11 =	vadd.f32 v11, v62;
	v4 =	vld [tilespmem:s3+$0xE500];
	[tilespmem:s14+$0xC200] =	vst v5;
	v63 =	vmul.f32 v15, v10  }
0x209: {  	v12 =	vmul.f32 v15, v12;
	v5 =	vld [tilespmem:s3+$0xC200];
	[tilespmem:s14+$0xC210] =	vst v6  }
0x20a: {  	s4 =	simm.s32 $0x180;
	v11 =	vmul.f32 v14, v11;
	v10 =	vmul.f32 v19, v13;
	v6 =	vld [tilespmem:s3+$0xC210];
	[tilespmem:s14+$0xC220] =	vst v63  }
.LBB2_10:
0x20b: {  	p1 =	sne.s32 s4, $0x4500;
	v13 =	vld [tilespmem:s3+$0xC220];
	[tilespmem:s14+$0xB0A0] =	vst v12  }
0x20c: {  	v12 =	vld [tilespmem:s3+$0xD390];
	[tilespmem:s14+$0xB090] =	vst v11  }
0x20d: {  	v11 =	vld [tilespmem:s3+$0xD3A0];
	[tilespmem:s14+$0xB080] =	vst v10;
	s14 =	smov.u32 s3  }
0x20e: {  	v10 =	vmul.f32 v5, v3;
	v14 =	vld [tilespmem:s14+$0xB090]  }
0x20f: {  	v15 =	vmul.f32 v6, v3;
	v16 =	vld [tilespmem:s14+$0xB0A0]  }
0x210: {  	v17 =	vld [tilespmem:s14+$0xB080];
	v9 =	vmul.f32 v10, v9;
	v18 =	vmul.f32 v13, v3  }
0x211: {  	v12 =	vmul.f32 v15, v12;
	v7 =	vmul.f32 v7, v15  }
0x212: {  	v9 =	vadd.f32 $1.000000000e+00, v9;
	v11 =	vmul.f32 v18, v11;
	v8 =	vmul.f32 v8, v18  }
0x213: {  	v4 =	vmul.f32 v4, v10;
	v10 =	vadd.f32 $1.000000000e+00, v12;
	v12 =	vadd.f32 v7, v14  }
0x214: {  	v7 =	vadd.f32 $1.000000000e+00, v11;
	v14 =	vadd.f32 v8, v16;
	(erf) = vrcp.f32 v9  }
0x215: {  	v8 =	vadd.f32 v4, v17;
	(erf) = vrcp.f32 v10  }
0x216: {  	(erf) = vrcp.f32 v7;
	_ =	sdelay $0x5  }
0x217: {  	s3 =	sshra.s32 s4, $0x2  }
0x218: {  	v4 =	vld [tilespmem:s3+$0xE500];
	v9 =	vpop (erf)  }
.Ltmp4:
0x219: {  	v7 =	vld [tilespmem:s3+$0xE510];
	v10 =	vmul.f32 v9, v8;
	v5 =	vmul.f32 v9, v5;
	v9 =	vpop (erf);
	(pc) =	sbr.rel @p1 .LBB2_10-.Ltmp4, $4  }
0x21a: {  	v8 =	vld [tilespmem:s3+$0xE520];
	v11 =	vmul.f32 v9, v12;
	v6 =	vmul.f32 v9, v6;
	v15 =	vpop (erf)  }
0x21b: {  	v9 =	vld [tilespmem:s3+$0xD380];
	[tilespmem:s14+$0xC200] =	vst v5;
	v12 =	vmul.f32 v15, v14;
	v13 =	vmul.f32 v15, v13  }
0x21c: {  	v5 =	vld [tilespmem:s3+$0xC200];
	[tilespmem:s14+$0xC210] =	vst v6  }
0x21d: {  	s4 =	sadd.s32 $0xC0, s4;
	v6 =	vld [tilespmem:s3+$0xC210];
	[tilespmem:s14+$0xC220] =	vst v13  }
0x21e: {  	_ = 	snop  }
0x21f: {  	v13 =	vld [tilespmem:s3+$0xC220];
	[tilespmem:s14+$0xB0A0] =	vst v12  }
0x220: {  	v12 =	vld [tilespmem:s3+$0xD390];
	[tilespmem:s14+$0xB090] =	vst v11  }
0x221: {  	v11 =	vld [tilespmem:s3+$0xD3A0];
	v14 =	vmul.f32 v5, v3;
	_ =	sdelay $0x1  }
0x222: {  	v15 =	vmul.f32 v6, v3;
	v9 =	vmul.f32 v14, v9  }
0x223: {  	v16 =	vmul.f32 v13, v3  }
0x224: {  	v12 =	vmul.f32 v15, v12;
	v9 =	vadd.f32 $1.000000000e+00, v9  }
0x225: {  	v11 =	vmul.f32 v16, v11  }
0x226: {  	v12 =	vadd.f32 $1.000000000e+00, v12;
	(erf) = vrcp.f32 v9  }
0x227: {  	v11 =	vadd.f32 $1.000000000e+00, v11  }
0x228: {  	(erf) = vrcp.f32 v12  }
0x229: {  	[tilespmem:s14+$0xB080] =	vst v10;
	(erf) = vrcp.f32 v11  }
0x22a: {  	v11 =	vld [tilespmem:s3+$0xB080];
	_ =	sdelay $0x2  }
0x22b: {  	v4 =	vmul.f32 v4, v14;
	v9 =	vld [tilespmem:s3+$0xB0A0]  }
0x22c: {  	v10 =	vld [tilespmem:s3+$0xB090]  }
0x22d: {  	v4 =	vadd.f32 v4, v11;
	v12 =	vpop (erf)  }
0x22e: {  	v8 =	vmul.f32 v8, v16;
	v5 =	vmul.f32 v12, v5  }
0x22f: {  	v7 =	vmul.f32 v7, v15;
	v15 =	vpop (erf);
	v4 =	vmul.f32 v12, v4  }
0x230: {  	v8 =	vadd.f32 v8, v9;
	v6 =	vmul.f32 v15, v6;
	v9 =	vpop (erf);
	[tilespmem:s3+$0xC200] =	vst v5  }
0x231: {  	v7 =	vadd.f32 v7, v10;
	v5 =	vmul.f32 v9, v13;
	[tilespmem:s3+$0xB080] =	vst v4  }
0x232: {  	v8 =	vmul.f32 v9, v8;
	[tilespmem:s3+$0xC210] =	vst v6  }
0x233: {  	v6 =	vmul.f32 v15, v7;
	[tilespmem:s3+$0xC220] =	vst v5  }
0x234: {  	s4 =	rddreg [dreg:$0x15];
	[tilespmem:s3+$0xB0A0] =	vst v8  }
0x235: {  	s0 =	sld [smem:$0x7F7];
	[tilespmem:s3+$0xB090] =	vst v6;
	s3 =	simm.s32 $0x0  }
0x236: {  	[hbm4b:s4+s3] =	stream.linear.scatter [tilespmem:s19], [sflag:$0x5], $0x1170, $0x38;
	[tilespmem:$0x1EAB0] =	vst v63  }
0x237: {  	s14 =	rddreg [dreg:$0x19]  }
0x238: {  	[hbm4b:s0+s3] =	stream.linear.scatter [tilespmem:s20], [sflag:$0x5], $0x1170, $0x38;
	[tilespmem:$0x1EAB0] =	vst v63  }
0x239: {  	s4 =	sld [smem:$0x7EF]  }
0x23a: {  	[tilespmem:s19], [sflag:$0x1] =	stream.linear.gather [hbm4b:s14+s3], $0x1170, $0x38;
	[tilespmem:$0x1EAB0] =	vst v63  }
0x23b: {  	s0 =	rddreg [dreg:$0x1a]  }
0x23c: {  	[tilespmem:s20], [sflag:$0x1] =	stream.linear.gather [hbm4b:s0+s3], $0x1170, $0x38;
	[tilespmem:$0x1EAB0] =	vst v63  }
0x23d: {  	s14 =	sld [smem:$0x7F0]  }
0x23e: {  	[tilespmem:s9], [sflag:$0x4] =	stream.linear.gather [spmem:s4], $0x1170, $0x38;
	[tilespmem:$0x1EAB0] =	vst v63  }
0x23f: {  	_ = 	snop  }
0x240: {  	[tilespmem:s22], [sflag:$0x4] =	stream.linear.gather [spmem:s14], $0x1170, $0x38;
	[tilespmem:$0x1EAB0] =	vst v63  }
0x241: {  	_ =	swait.ge [sflag:s13], $0x1170  }
0x242: {  	[sflag:s13] =	ssyncset.done $0x0  }
0x243: {  	[sflag:s13] =	ssyncadd.s32 $0xFFFFEE90  }
0x244: {  	_ =	swait.ge [sflag:s13], $0x1170  }
0x245: {  	[sflag:s13] =	ssyncset.done $0x0  }
0x246: {  	[sflag:s13] =	ssyncadd.s32 $0xFFFFEE90  }
0x247: {  	_ =	swait.ge [sflag:s11], $0x1170  }
0x248: {  	[sflag:s11] =	ssyncset.done $0x0  }
0x249: {  	[sflag:s11] =	ssyncadd.s32 $0xFFFFEE90  }
0x24a: {  	_ =	swait.ge [sflag:s11], $0x1170  }
0x24b: {  	[sflag:s11] =	ssyncset.done $0x0  }
0x24c: {  	[sflag:s11] =	ssyncadd.s32 $0xFFFFEE90  }
0x24d: {  	_ =	swait.ge [sflag:s12], $0x1170  }
0x24e: {  	[sflag:s12] =	ssyncset.done $0x0  }
0x24f: {  	[sflag:s12] =	ssyncadd.s32 $0xFFFFEE90  }
0x250: {  	_ =	swait.ge [sflag:s12], $0x1170  }
0x251: {  	[sflag:s12] =	ssyncset.done $0x0  }
0x252: {  	s14 =	simm.s32 $0x0;
	[sflag:s12] =	ssyncadd.s32 $0xFFFFEE90  }
0x253: {  	v5 =	vld [tilespmem:s14+$0x3600]  }
0x254: {  	v4 =	vld [tilespmem:s14+$0x4780]  }
0x255: {  	v6 =	vld [tilespmem:s14+$0x3610]  }
0x256: {  	v10 =	vld [tilespmem:s14+$0x3620]  }
0x257: {  	v7 =	vld [tilespmem:s14+$0x4790]  }
0x258: {  	v8 =	vld [tilespmem:s14+$0x47A0]  }
0x259: {  	v9 =	vmul.f32 v5, v3  }
0x25a: {  	v11 =	vmul.f32 v6, v3  }
0x25b: {  	v12 =	vmul.f32 v10, v3;
	v4 =	vmul.f32 v9, v4  }
0x25c: {  	v7 =	vmul.f32 v11, v7  }
0x25d: {  	v8 =	vmul.f32 v12, v8;
	v4 =	vadd.f32 $1.000000000e+00, v4  }
0x25e: {  	v7 =	vadd.f32 $1.000000000e+00, v7  }
0x25f: {  	(erf) = vrcp.f32 v4;
	v4 =	vadd.f32 $1.000000000e+00, v8  }
0x260: {  	(erf) = vrcp.f32 v7  }
0x261: {  	v13 =	vld [tilespmem:s14+$0x5900];
	(erf) = vrcp.f32 v4  }
0x262: {  	v14 =	vld [tilespmem:s14+$0x5910]  }
0x263: {  	v15 =	vld [tilespmem:s14+$0x5920]  }
0x264: {  	v62 =	vld [tilespmem:s14+$0x2490]  }
0x265: {  	v17 =	vld [tilespmem:s14+$0x24A0]  }
0x266: {  	v18 =	vld [tilespmem:s14+$0x2480]  }
0x267: {  	s3 =	simm.s32 $0x30  }
0x268: {  	v13 =	vmul.f32 v13, v9;
	v9 =	vld [tilespmem:s3+$0x4780];
	v12 =	vmul.f32 v15, v12;
	v19 =	vpop (erf)  }
0x269: {  	v11 =	vmul.f32 v14, v11;
	v8 =	vld [tilespmem:s3+$0x5920];
	v5 =	vmul.f32 v19, v5;
	v14 =	vpop (erf)  }
0x26a: {  	v12 =	vadd.f32 v12, v17;
	v7 =	vld [tilespmem:s3+$0x5910];
	v6 =	vmul.f32 v14, v6;
	v15 =	vpop (erf)  }
0x26b: {  	v13 =	vadd.f32 v13, v18;
	v11 =	vadd.f32 v11, v62;
	v4 =	vld [tilespmem:s3+$0x5900];
	[tilespmem:s14+$0x3600] =	vst v5;
	v63 =	vmul.f32 v15, v10  }
0x26c: {  	v12 =	vmul.f32 v15, v12;
	v5 =	vld [tilespmem:s3+$0x3600];
	[tilespmem:s14+$0x3610] =	vst v6  }
0x26d: {  	s4 =	simm.s32 $0x180;
	v11 =	vmul.f32 v14, v11;
	v10 =	vmul.f32 v19, v13;
	v6 =	vld [tilespmem:s3+$0x3610];
	[tilespmem:s14+$0x3620] =	vst v63  }
.LBB2_12:
0x26e: {  	p1 =	sne.s32 s4, $0x4500;
	v13 =	vld [tilespmem:s3+$0x3620];
	[tilespmem:s14+$0x24A0] =	vst v12  }
0x26f: {  	v12 =	vld [tilespmem:s3+$0x4790];
	[tilespmem:s14+$0x2490] =	vst v11  }
0x270: {  	v11 =	vld [tilespmem:s3+$0x47A0];
	[tilespmem:s14+$0x2480] =	vst v10;
	s14 =	smov.u32 s3  }
0x271: {  	v10 =	vmul.f32 v5, v3;
	v14 =	vld [tilespmem:s14+$0x2490]  }
0x272: {  	v15 =	vmul.f32 v6, v3;
	v16 =	vld [tilespmem:s14+$0x24A0]  }
0x273: {  	v17 =	vld [tilespmem:s14+$0x2480];
	v9 =	vmul.f32 v10, v9;
	v18 =	vmul.f32 v13, v3  }
0x274: {  	v12 =	vmul.f32 v15, v12;
	v7 =	vmul.f32 v7, v15  }
0x275: {  	v9 =	vadd.f32 $1.000000000e+00, v9;
	v11 =	vmul.f32 v18, v11;
	v8 =	vmul.f32 v8, v18  }
0x276: {  	v4 =	vmul.f32 v4, v10;
	v10 =	vadd.f32 $1.000000000e+00, v12;
	v12 =	vadd.f32 v7, v14  }
0x277: {  	v7 =	vadd.f32 $1.000000000e+00, v11;
	v14 =	vadd.f32 v8, v16;
	(erf) = vrcp.f32 v9  }
0x278: {  	v8 =	vadd.f32 v4, v17;
	(erf) = vrcp.f32 v10  }
0x279: {  	(erf) = vrcp.f32 v7;
	_ =	sdelay $0x5  }
0x27a: {  	s3 =	sshra.s32 s4, $0x2  }
0x27b: {  	v4 =	vld [tilespmem:s3+$0x5900];
	v9 =	vpop (erf)  }
.Ltmp5:
0x27c: {  	v7 =	vld [tilespmem:s3+$0x5910];
	v10 =	vmul.f32 v9, v8;
	v5 =	vmul.f32 v9, v5;
	v9 =	vpop (erf);
	(pc) =	sbr.rel @p1 .LBB2_12-.Ltmp5, $4  }
0x27d: {  	v8 =	vld [tilespmem:s3+$0x5920];
	v11 =	vmul.f32 v9, v12;
	v6 =	vmul.f32 v9, v6;
	v15 =	vpop (erf)  }
0x27e: {  	v9 =	vld [tilespmem:s3+$0x4780];
	[tilespmem:s14+$0x3600] =	vst v5;
	v12 =	vmul.f32 v15, v14;
	v13 =	vmul.f32 v15, v13  }
0x27f: {  	v5 =	vld [tilespmem:s3+$0x3600];
	[tilespmem:s14+$0x3610] =	vst v6  }
0x280: {  	s4 =	sadd.s32 $0xC0, s4;
	v6 =	vld [tilespmem:s3+$0x3610];
	[tilespmem:s14+$0x3620] =	vst v13  }
0x281: {  	_ = 	snop  }
0x282: {  	v13 =	vld [tilespmem:s3+$0x3620];
	[tilespmem:s14+$0x24A0] =	vst v12  }
0x283: {  	v12 =	vld [tilespmem:s3+$0x4790];
	[tilespmem:s14+$0x2490] =	vst v11  }
0x284: {  	v11 =	vld [tilespmem:s3+$0x47A0];
	v14 =	vmul.f32 v5, v3;
	_ =	sdelay $0x1  }
0x285: {  	v15 =	vmul.f32 v6, v3;
	v9 =	vmul.f32 v14, v9  }
0x286: {  	v16 =	vmul.f32 v13, v3  }
0x287: {  	v12 =	vmul.f32 v15, v12;
	v9 =	vadd.f32 $1.000000000e+00, v9  }
0x288: {  	v11 =	vmul.f32 v16, v11  }
0x289: {  	v12 =	vadd.f32 $1.000000000e+00, v12;
	(erf) = vrcp.f32 v9  }
0x28a: {  	v11 =	vadd.f32 $1.000000000e+00, v11  }
0x28b: {  	(erf) = vrcp.f32 v12  }
0x28c: {  	[tilespmem:s14+$0x2480] =	vst v10;
	(erf) = vrcp.f32 v11  }
0x28d: {  	v11 =	vld [tilespmem:s3+$0x2480];
	_ =	sdelay $0x2  }
0x28e: {  	v4 =	vmul.f32 v4, v14;
	v9 =	vld [tilespmem:s3+$0x24A0]  }
0x28f: {  	v10 =	vld [tilespmem:s3+$0x2490]  }
0x290: {  	v4 =	vadd.f32 v4, v11;
	v12 =	vpop (erf)  }
0x291: {  	v8 =	vmul.f32 v8, v16;
	v5 =	vmul.f32 v12, v5  }
0x292: {  	v7 =	vmul.f32 v7, v15;
	v15 =	vpop (erf);
	v4 =	vmul.f32 v12, v4  }
0x293: {  	v8 =	vadd.f32 v8, v9;
	v6 =	vmul.f32 v15, v6;
	v9 =	vpop (erf);
	[tilespmem:s3+$0x3600] =	vst v5  }
0x294: {  	v7 =	vadd.f32 v7, v10;
	v5 =	vmul.f32 v9, v13;
	[tilespmem:s3+$0x2480] =	vst v4  }
0x295: {  	v8 =	vmul.f32 v9, v8;
	[tilespmem:s3+$0x3610] =	vst v6  }
0x296: {  	v6 =	vmul.f32 v15, v7;
	[tilespmem:s3+$0x3620] =	vst v5  }
0x297: {  	s4 =	rddreg [dreg:$0x16];
	[tilespmem:s3+$0x24A0] =	vst v8  }
0x298: {  	s0 =	sld [smem:$0x7F8];
	[tilespmem:s3+$0x2490] =	vst v6;
	s3 =	simm.s32 $0x0  }
0x299: {  	[hbm4b:s4+s3] =	stream.linear.scatter [tilespmem:s15], [sflag:$0x5], $0x1170, $0x38;
	[tilespmem:$0x1EAB0] =	vst v63  }
0x29a: {  	s14 =	rddreg [dreg:$0x1c]  }
0x29b: {  	[hbm4b:s0+s3] =	stream.linear.scatter [tilespmem:s16], [sflag:$0x5], $0x1170, $0x38;
	[tilespmem:$0x1EAB0] =	vst v63  }
0x29c: {  	s4 =	sld [smem:$0x7F1]  }
0x29d: {  	[tilespmem:s15], [sflag:$0x1] =	stream.linear.gather [hbm4b:s14+s3], $0x1170, $0x38;
	[tilespmem:$0x1EAB0] =	vst v63  }
0x29e: {  	s0 =	rddreg [dreg:$0x1d]  }
0x29f: {  	[tilespmem:s16], [sflag:$0x1] =	stream.linear.gather [hbm4b:s0+s3], $0x1170, $0x38;
	[tilespmem:$0x1EAB0] =	vst v63  }
0x2a0: {  	s14 =	sld [smem:$0x7F2]  }
0x2a1: {  	[tilespmem:s6], [sflag:$0x4] =	stream.linear.gather [spmem:s4], $0x1170, $0x38;
	[tilespmem:$0x1EAB0] =	vst v63  }
0x2a2: {  	_ = 	snop  }
0x2a3: {  	[tilespmem:s28], [sflag:$0x4] =	stream.linear.gather [spmem:s14], $0x1170, $0x38;
	[tilespmem:$0x1EAB0] =	vst v63  }
0x2a4: {  	_ =	swait.ge [sflag:s13], $0x1170  }
0x2a5: {  	[sflag:s13] =	ssyncset.done $0x0  }
0x2a6: {  	[sflag:s13] =	ssyncadd.s32 $0xFFFFEE90  }
0x2a7: {  	_ =	swait.ge [sflag:s13], $0x1170  }
0x2a8: {  	[sflag:s13] =	ssyncset.done $0x0  }
0x2a9: {  	[sflag:s13] =	ssyncadd.s32 $0xFFFFEE90  }
0x2aa: {  	_ =	swait.ge [sflag:s11], $0x1170  }
0x2ab: {  	[sflag:s11] =	ssyncset.done $0x0  }
0x2ac: {  	[sflag:s11] =	ssyncadd.s32 $0xFFFFEE90  }
0x2ad: {  	_ =	swait.ge [sflag:s11], $0x1170  }
0x2ae: {  	[sflag:s11] =	ssyncset.done $0x0  }
0x2af: {  	[sflag:s11] =	ssyncadd.s32 $0xFFFFEE90  }
0x2b0: {  	_ =	swait.ge [sflag:s12], $0x1170  }
0x2b1: {  	[sflag:s12] =	ssyncset.done $0x0  }
0x2b2: {  	[sflag:s12] =	ssyncadd.s32 $0xFFFFEE90  }
0x2b3: {  	_ =	swait.ge [sflag:s12], $0x1170  }
0x2b4: {  	[sflag:s12] =	ssyncset.done $0x0  }
0x2b5: {  	s14 =	simm.s32 $0x0;
	[sflag:s12] =	ssyncadd.s32 $0xFFFFEE90  }
0x2b6: {  	v5 =	vld [tilespmem:s14+$0x7C00]  }
0x2b7: {  	v4 =	vld [tilespmem:s14+$0x8D80]  }
0x2b8: {  	v6 =	vld [tilespmem:s14+$0x7C10]  }
0x2b9: {  	v10 =	vld [tilespmem:s14+$0x7C20]  }
0x2ba: {  	v7 =	vld [tilespmem:s14+$0x8D90]  }
0x2bb: {  	v8 =	vld [tilespmem:s14+$0x8DA0]  }
0x2bc: {  	v9 =	vmul.f32 v5, v3  }
0x2bd: {  	v11 =	vmul.f32 v6, v3  }
0x2be: {  	v12 =	vmul.f32 v10, v3;
	v4 =	vmul.f32 v9, v4  }
0x2bf: {  	v7 =	vmul.f32 v11, v7  }
0x2c0: {  	v8 =	vmul.f32 v12, v8;
	v4 =	vadd.f32 $1.000000000e+00, v4  }
0x2c1: {  	v7 =	vadd.f32 $1.000000000e+00, v7  }
0x2c2: {  	(erf) = vrcp.f32 v4;
	v4 =	vadd.f32 $1.000000000e+00, v8  }
0x2c3: {  	(erf) = vrcp.f32 v7  }
0x2c4: {  	v13 =	vld [tilespmem:s14+$0x9F00];
	(erf) = vrcp.f32 v4  }
0x2c5: {  	v14 =	vld [tilespmem:s14+$0x9F10]  }
0x2c6: {  	v15 =	vld [tilespmem:s14+$0x9F20]  }
0x2c7: {  	v62 =	vld [tilespmem:s14+$0x6A90]  }
0x2c8: {  	v17 =	vld [tilespmem:s14+$0x6AA0]  }
0x2c9: {  	v18 =	vld [tilespmem:s14+$0x6A80]  }
0x2ca: {  	s3 =	simm.s32 $0x30  }
0x2cb: {  	v13 =	vmul.f32 v13, v9;
	v9 =	vld [tilespmem:s3+$0x8D80];
	v12 =	vmul.f32 v15, v12;
	v19 =	vpop (erf)  }
0x2cc: {  	v11 =	vmul.f32 v14, v11;
	v8 =	vld [tilespmem:s3+$0x9F20];
	v5 =	vmul.f32 v19, v5;
	v14 =	vpop (erf)  }
0x2cd: {  	v12 =	vadd.f32 v12, v17;
	v7 =	vld [tilespmem:s3+$0x9F10];
	v6 =	vmul.f32 v14, v6;
	v15 =	vpop (erf)  }
0x2ce: {  	v13 =	vadd.f32 v13, v18;
	v11 =	vadd.f32 v11, v62;
	v4 =	vld [tilespmem:s3+$0x9F00];
	[tilespmem:s14+$0x7C00] =	vst v5;
	v63 =	vmul.f32 v15, v10  }
0x2cf: {  	v12 =	vmul.f32 v15, v12;
	v5 =	vld [tilespmem:s3+$0x7C00];
	[tilespmem:s14+$0x7C10] =	vst v6  }
0x2d0: {  	s4 =	simm.s32 $0x180;
	v11 =	vmul.f32 v14, v11;
	v10 =	vmul.f32 v19, v13;
	v6 =	vld [tilespmem:s3+$0x7C10];
	[tilespmem:s14+$0x7C20] =	vst v63  }
.LBB2_14:
0x2d1: {  	p1 =	sne.s32 s4, $0x4500;
	v13 =	vld [tilespmem:s3+$0x7C20];
	[tilespmem:s14+$0x6AA0] =	vst v12  }
0x2d2: {  	v12 =	vld [tilespmem:s3+$0x8D90];
	[tilespmem:s14+$0x6A90] =	vst v11  }
0x2d3: {  	v11 =	vld [tilespmem:s3+$0x8DA0];
	[tilespmem:s14+$0x6A80] =	vst v10;
	s14 =	smov.u32 s3  }
0x2d4: {  	v10 =	vmul.f32 v5, v3;
	v14 =	vld [tilespmem:s14+$0x6A90]  }
0x2d5: {  	v15 =	vmul.f32 v6, v3;
	v16 =	vld [tilespmem:s14+$0x6AA0]  }
0x2d6: {  	v17 =	vld [tilespmem:s14+$0x6A80];
	v9 =	vmul.f32 v10, v9;
	v18 =	vmul.f32 v13, v3  }
0x2d7: {  	v12 =	vmul.f32 v15, v12;
	v7 =	vmul.f32 v7, v15  }
0x2d8: {  	v9 =	vadd.f32 $1.000000000e+00, v9;
	v11 =	vmul.f32 v18, v11;
	v8 =	vmul.f32 v8, v18  }
0x2d9: {  	v4 =	vmul.f32 v4, v10;
	v10 =	vadd.f32 $1.000000000e+00, v12;
	v12 =	vadd.f32 v7, v14  }
0x2da: {  	v7 =	vadd.f32 $1.000000000e+00, v11;
	v14 =	vadd.f32 v8, v16;
	(erf) = vrcp.f32 v9  }
0x2db: {  	v8 =	vadd.f32 v4, v17;
	(erf) = vrcp.f32 v10  }
0x2dc: {  	(erf) = vrcp.f32 v7;
	_ =	sdelay $0x5  }
0x2dd: {  	s3 =	sshra.s32 s4, $0x2  }
0x2de: {  	v4 =	vld [tilespmem:s3+$0x9F00];
	v9 =	vpop (erf)  }
.Ltmp6:
0x2df: {  	v7 =	vld [tilespmem:s3+$0x9F10];
	v10 =	vmul.f32 v9, v8;
	v5 =	vmul.f32 v9, v5;
	v9 =	vpop (erf);
	(pc) =	sbr.rel @p1 .LBB2_14-.Ltmp6, $4  }
0x2e0: {  	v8 =	vld [tilespmem:s3+$0x9F20];
	v11 =	vmul.f32 v9, v12;
	v6 =	vmul.f32 v9, v6;
	v15 =	vpop (erf)  }
0x2e1: {  	v9 =	vld [tilespmem:s3+$0x8D80];
	[tilespmem:s14+$0x7C00] =	vst v5;
	v12 =	vmul.f32 v15, v14;
	v13 =	vmul.f32 v15, v13  }
0x2e2: {  	v5 =	vld [tilespmem:s3+$0x7C00];
	[tilespmem:s14+$0x7C10] =	vst v6  }
0x2e3: {  	s4 =	sadd.s32 $0xC0, s4;
	v6 =	vld [tilespmem:s3+$0x7C10];
	[tilespmem:s14+$0x7C20] =	vst v13  }
0x2e4: {  	_ = 	snop  }
0x2e5: {  	v13 =	vld [tilespmem:s3+$0x7C20];
	[tilespmem:s14+$0x6AA0] =	vst v12  }
0x2e6: {  	v12 =	vld [tilespmem:s3+$0x8D90];
	[tilespmem:s14+$0x6A90] =	vst v11  }
0x2e7: {  	v11 =	vld [tilespmem:s3+$0x8DA0];
	v14 =	vmul.f32 v5, v3;
	_ =	sdelay $0x1  }
0x2e8: {  	v15 =	vmul.f32 v6, v3;
	v9 =	vmul.f32 v14, v9  }
0x2e9: {  	v16 =	vmul.f32 v13, v3  }
0x2ea: {  	v12 =	vmul.f32 v15, v12;
	v9 =	vadd.f32 $1.000000000e+00, v9  }
0x2eb: {  	v11 =	vmul.f32 v16, v11  }
0x2ec: {  	v12 =	vadd.f32 $1.000000000e+00, v12;
	(erf) = vrcp.f32 v9  }
0x2ed: {  	v11 =	vadd.f32 $1.000000000e+00, v11  }
0x2ee: {  	(erf) = vrcp.f32 v12  }
0x2ef: {  	[tilespmem:s14+$0x6A80] =	vst v10;
	(erf) = vrcp.f32 v11  }
0x2f0: {  	v11 =	vld [tilespmem:s3+$0x6A80];
	_ =	sdelay $0x2  }
0x2f1: {  	v4 =	vmul.f32 v4, v14;
	v9 =	vld [tilespmem:s3+$0x6AA0]  }
0x2f2: {  	v10 =	vld [tilespmem:s3+$0x6A90]  }
0x2f3: {  	v4 =	vadd.f32 v4, v11;
	v12 =	vpop (erf)  }
0x2f4: {  	v8 =	vmul.f32 v8, v16;
	v5 =	vmul.f32 v12, v5  }
0x2f5: {  	v7 =	vmul.f32 v7, v15;
	v15 =	vpop (erf);
	v4 =	vmul.f32 v12, v4  }
0x2f6: {  	v8 =	vadd.f32 v8, v9;
	v6 =	vmul.f32 v15, v6;
	v9 =	vpop (erf);
	[tilespmem:s3+$0x7C00] =	vst v5  }
0x2f7: {  	v7 =	vadd.f32 v7, v10;
	v5 =	vmul.f32 v9, v13;
	[tilespmem:s3+$0x6A80] =	vst v4  }
0x2f8: {  	v8 =	vmul.f32 v9, v8;
	[tilespmem:s3+$0x7C10] =	vst v6  }
0x2f9: {  	v6 =	vmul.f32 v15, v7;
	[tilespmem:s3+$0x7C20] =	vst v5  }
0x2fa: {  	s4 =	rddreg [dreg:$0x18];
	[tilespmem:s3+$0x6AA0] =	vst v8  }
0x2fb: {  	s0 =	sld [smem:$0x7F9];
	s14 =	simm.s32 $0x0;
	[tilespmem:s3+$0x6A90] =	vst v6  }
0x2fc: {  	[hbm4b:s4+s14] =	stream.linear.scatter [tilespmem:s17], [sflag:$0x5], $0x1170, $0x38;
	[tilespmem:$0x1EAB0] =	vst v63  }
0x2fd: {  	_ = 	snop  }
0x2fe: {  	[hbm4b:s0+s14] =	stream.linear.scatter [tilespmem:s18], [sflag:$0x5], $0x1170, $0x38;
	[tilespmem:$0x1EAB0] =	vst v63  }
0x2ff: {  	_ =	swait.ge [sflag:s13], $0x1170  }
0x300: {  	[sflag:s13] =	ssyncset.done $0x0  }
0x301: {  	[sflag:s13] =	ssyncadd.s32 $0xFFFFEE90  }
0x302: {  	_ =	swait.ge [sflag:s13], $0x1170  }
0x303: {  	[sflag:s13] =	ssyncset.done $0x0  }
0x304: {  	[sflag:s13] =	ssyncadd.s32 $0xFFFFEE90  }
0x305: {  	_ =	swait.ge [sflag:s11], $0x1170  }
0x306: {  	[sflag:s11] =	ssyncset.done $0x0  }
0x307: {  	[sflag:s11] =	ssyncadd.s32 $0xFFFFEE90  }
0x308: {  	_ =	swait.ge [sflag:s11], $0x1170  }
0x309: {  	[sflag:s11] =	ssyncset.done $0x0  }
0x30a: {  	[sflag:s11] =	ssyncadd.s32 $0xFFFFEE90  }
0x30b: {  	_ =	swait.ge [sflag:s12], $0x1170  }
0x30c: {  	[sflag:s12] =	ssyncset.done $0x0  }
0x30d: {  	[sflag:s12] =	ssyncadd.s32 $0xFFFFEE90  }
0x30e: {  	_ =	swait.ge [sflag:s12], $0x1170  }
0x30f: {  	[sflag:s12] =	ssyncset.done $0x0  }
0x310: {  	s14 =	simm.s32 $0x0;
	[sflag:s12] =	ssyncadd.s32 $0xFFFFEE90  }
0x311: {  	v5 =	vld [tilespmem:s14+$0xC200]  }
0x312: {  	v4 =	vld [tilespmem:s14+$0xD380]  }
0x313: {  	v6 =	vld [tilespmem:s14+$0xC210]  }
0x314: {  	v10 =	vld [tilespmem:s14+$0xC220]  }
0x315: {  	v7 =	vld [tilespmem:s14+$0xD390]  }
0x316: {  	v8 =	vld [tilespmem:s14+$0xD3A0]  }
0x317: {  	v9 =	vmul.f32 v5, v3  }
0x318: {  	v11 =	vmul.f32 v6, v3  }
0x319: {  	v12 =	vmul.f32 v10, v3;
	v4 =	vmul.f32 v9, v4  }
0x31a: {  	v7 =	vmul.f32 v11, v7  }
0x31b: {  	v8 =	vmul.f32 v12, v8;
	v4 =	vadd.f32 $1.000000000e+00, v4  }
0x31c: {  	v7 =	vadd.f32 $1.000000000e+00, v7  }
0x31d: {  	(erf) = vrcp.f32 v4;
	v4 =	vadd.f32 $1.000000000e+00, v8  }
0x31e: {  	(erf) = vrcp.f32 v7  }
0x31f: {  	v13 =	vld [tilespmem:s14+$0xE500];
	(erf) = vrcp.f32 v4  }
0x320: {  	v14 =	vld [tilespmem:s14+$0xE510]  }
0x321: {  	v15 =	vld [tilespmem:s14+$0xE520]  }
0x322: {  	v62 =	vld [tilespmem:s14+$0xB090]  }
0x323: {  	v17 =	vld [tilespmem:s14+$0xB0A0]  }
0x324: {  	v18 =	vld [tilespmem:s14+$0xB080]  }
0x325: {  	s3 =	simm.s32 $0x30  }
0x326: {  	v13 =	vmul.f32 v13, v9;
	v9 =	vld [tilespmem:s3+$0xD380];
	v12 =	vmul.f32 v15, v12;
	v19 =	vpop (erf)  }
0x327: {  	v11 =	vmul.f32 v14, v11;
	v8 =	vld [tilespmem:s3+$0xE520];
	v5 =	vmul.f32 v19, v5;
	v14 =	vpop (erf)  }
0x328: {  	v12 =	vadd.f32 v12, v17;
	v7 =	vld [tilespmem:s3+$0xE510];
	v6 =	vmul.f32 v14, v6;
	v15 =	vpop (erf)  }
0x329: {  	v13 =	vadd.f32 v13, v18;
	v11 =	vadd.f32 v11, v62;
	v4 =	vld [tilespmem:s3+$0xE500];
	[tilespmem:s14+$0xC200] =	vst v5;
	v63 =	vmul.f32 v15, v10  }
0x32a: {  	v12 =	vmul.f32 v15, v12;
	v5 =	vld [tilespmem:s3+$0xC200];
	[tilespmem:s14+$0xC210] =	vst v6  }
0x32b: {  	s4 =	simm.s32 $0x180;
	v11 =	vmul.f32 v14, v11;
	v10 =	vmul.f32 v19, v13;
	v6 =	vld [tilespmem:s3+$0xC210];
	[tilespmem:s14+$0xC220] =	vst v63  }
.LBB2_16:
0x32c: {  	p1 =	sne.s32 s4, $0x4500;
	v13 =	vld [tilespmem:s3+$0xC220];
	[tilespmem:s14+$0xB0A0] =	vst v12  }
0x32d: {  	v12 =	vld [tilespmem:s3+$0xD390];
	[tilespmem:s14+$0xB090] =	vst v11  }
0x32e: {  	v11 =	vld [tilespmem:s3+$0xD3A0];
	[tilespmem:s14+$0xB080] =	vst v10;
	s14 =	smov.u32 s3  }
0x32f: {  	v10 =	vmul.f32 v5, v3;
	v14 =	vld [tilespmem:s14+$0xB090]  }
0x330: {  	v15 =	vmul.f32 v6, v3;
	v16 =	vld [tilespmem:s14+$0xB0A0]  }
0x331: {  	v17 =	vld [tilespmem:s14+$0xB080];
	v9 =	vmul.f32 v10, v9;
	v18 =	vmul.f32 v13, v3  }
0x332: {  	v12 =	vmul.f32 v15, v12;
	v7 =	vmul.f32 v7, v15  }
0x333: {  	v9 =	vadd.f32 $1.000000000e+00, v9;
	v11 =	vmul.f32 v18, v11;
	v8 =	vmul.f32 v8, v18  }
0x334: {  	v4 =	vmul.f32 v4, v10;
	v10 =	vadd.f32 $1.000000000e+00, v12;
	v12 =	vadd.f32 v7, v14  }
0x335: {  	v7 =	vadd.f32 $1.000000000e+00, v11;
	v14 =	vadd.f32 v8, v16;
	(erf) = vrcp.f32 v9  }
0x336: {  	v8 =	vadd.f32 v4, v17;
	(erf) = vrcp.f32 v10  }
0x337: {  	(erf) = vrcp.f32 v7;
	_ =	sdelay $0x5  }
0x338: {  	s3 =	sshra.s32 s4, $0x2  }
0x339: {  	v4 =	vld [tilespmem:s3+$0xE500];
	v9 =	vpop (erf)  }
.Ltmp7:
0x33a: {  	v7 =	vld [tilespmem:s3+$0xE510];
	v10 =	vmul.f32 v9, v8;
	v5 =	vmul.f32 v9, v5;
	v9 =	vpop (erf);
	(pc) =	sbr.rel @p1 .LBB2_16-.Ltmp7, $4  }
0x33b: {  	v8 =	vld [tilespmem:s3+$0xE520];
	v11 =	vmul.f32 v9, v12;
	v6 =	vmul.f32 v9, v6;
	v15 =	vpop (erf)  }
0x33c: {  	v9 =	vld [tilespmem:s3+$0xD380];
	[tilespmem:s14+$0xC200] =	vst v5;
	v12 =	vmul.f32 v15, v14;
	v13 =	vmul.f32 v15, v13  }
0x33d: {  	v5 =	vld [tilespmem:s3+$0xC200];
	[tilespmem:s14+$0xC210] =	vst v6  }
0x33e: {  	s4 =	sadd.s32 $0xC0, s4;
	v6 =	vld [tilespmem:s3+$0xC210];
	[tilespmem:s14+$0xC220] =	vst v13  }
0x33f: {  	_ = 	snop  }
0x340: {  	v13 =	vld [tilespmem:s3+$0xC220];
	[tilespmem:s14+$0xB0A0] =	vst v12  }
0x341: {  	v12 =	vld [tilespmem:s3+$0xD390];
	[tilespmem:s14+$0xB090] =	vst v11  }
0x342: {  	v11 =	vld [tilespmem:s3+$0xD3A0];
	v14 =	vmul.f32 v5, v3;
	_ =	sdelay $0x1  }
0x343: {  	v15 =	vmul.f32 v6, v3;
	v9 =	vmul.f32 v14, v9  }
0x344: {  	v16 =	vmul.f32 v13, v3  }
0x345: {  	v12 =	vmul.f32 v15, v12;
	v9 =	vadd.f32 $1.000000000e+00, v9  }
0x346: {  	v11 =	vmul.f32 v16, v11  }
0x347: {  	v12 =	vadd.f32 $1.000000000e+00, v12;
	(erf) = vrcp.f32 v9  }
0x348: {  	v11 =	vadd.f32 $1.000000000e+00, v11  }
0x349: {  	(erf) = vrcp.f32 v12  }
0x34a: {  	[tilespmem:s14+$0xB080] =	vst v10;
	(erf) = vrcp.f32 v11  }
0x34b: {  	v11 =	vld [tilespmem:s3+$0xB080];
	_ =	sdelay $0x2  }
0x34c: {  	v4 =	vmul.f32 v4, v14;
	v9 =	vld [tilespmem:s3+$0xB0A0]  }
0x34d: {  	v10 =	vld [tilespmem:s3+$0xB090]  }
0x34e: {  	v4 =	vadd.f32 v4, v11;
	v12 =	vpop (erf)  }
0x34f: {  	v8 =	vmul.f32 v8, v16;
	v5 =	vmul.f32 v12, v5  }
0x350: {  	v7 =	vmul.f32 v7, v15;
	v15 =	vpop (erf);
	v4 =	vmul.f32 v12, v4  }
0x351: {  	v8 =	vadd.f32 v8, v9;
	v6 =	vmul.f32 v15, v6;
	v9 =	vpop (erf);
	[tilespmem:s3+$0xC200] =	vst v5  }
0x352: {  	v7 =	vadd.f32 v7, v10;
	v5 =	vmul.f32 v9, v13;
	[tilespmem:s3+$0xB080] =	vst v4  }
0x353: {  	v8 =	vmul.f32 v9, v8;
	[tilespmem:s3+$0xC210] =	vst v6  }
0x354: {  	v6 =	vmul.f32 v15, v7;
	[tilespmem:s3+$0xC220] =	vst v5  }
0x355: {  	s4 =	rddreg [dreg:$0x1b];
	[tilespmem:s3+$0xB0A0] =	vst v8  }
0x356: {  	s0 =	sld [smem:$0x7FA];
	s14 =	simm.s32 $0x0;
	[tilespmem:s3+$0xB090] =	vst v6  }
0x357: {  	[hbm4b:s4+s14] =	stream.linear.scatter [tilespmem:s19], [sflag:$0x5], $0x1170, $0x38;
	[tilespmem:$0x1EAB0] =	vst v63  }
0x358: {  	_ = 	snop  }
0x359: {  	[hbm4b:s0+s14] =	stream.linear.scatter [tilespmem:s20], [sflag:$0x5], $0x1170, $0x38;
	[tilespmem:$0x1EAB0] =	vst v63  }
0x35a: {  	_ =	swait.ge [sflag:s13], $0x1170  }
0x35b: {  	[sflag:s13] =	ssyncset.done $0x0  }
0x35c: {  	[sflag:s13] =	ssyncadd.s32 $0xFFFFEE90  }
0x35d: {  	_ =	swait.ge [sflag:s13], $0x1170  }
0x35e: {  	[sflag:s13] =	ssyncset.done $0x0  }
0x35f: {  	[sflag:s13] =	ssyncadd.s32 $0xFFFFEE90  }
0x360: {  	_ =	swait.ge [sflag:s11], $0x1170  }
0x361: {  	[sflag:s11] =	ssyncset.done $0x0  }
0x362: {  	[sflag:s11] =	ssyncadd.s32 $0xFFFFEE90  }
0x363: {  	_ =	swait.ge [sflag:s11], $0x1170  }
0x364: {  	[sflag:s11] =	ssyncset.done $0x0  }
0x365: {  	[sflag:s11] =	ssyncadd.s32 $0xFFFFEE90  }
0x366: {  	_ =	swait.ge [sflag:s12], $0x1170  }
0x367: {  	[sflag:s12] =	ssyncset.done $0x0  }
0x368: {  	[sflag:s12] =	ssyncadd.s32 $0xFFFFEE90  }
0x369: {  	_ =	swait.ge [sflag:s12], $0x1170  }
0x36a: {  	[sflag:s12] =	ssyncset.done $0x0  }
0x36b: {  	s14 =	simm.s32 $0x0;
	[sflag:s12] =	ssyncadd.s32 $0xFFFFEE90  }
0x36c: {  	v5 =	vld [tilespmem:s14+$0x3600]  }
0x36d: {  	v4 =	vld [tilespmem:s14+$0x4780]  }
0x36e: {  	v6 =	vld [tilespmem:s14+$0x3610]  }
0x36f: {  	v10 =	vld [tilespmem:s14+$0x3620]  }
0x370: {  	v7 =	vld [tilespmem:s14+$0x4790]  }
0x371: {  	v8 =	vld [tilespmem:s14+$0x47A0]  }
0x372: {  	v9 =	vmul.f32 v5, v3  }
0x373: {  	v11 =	vmul.f32 v6, v3  }
0x374: {  	v12 =	vmul.f32 v10, v3;
	v4 =	vmul.f32 v9, v4  }
0x375: {  	v7 =	vmul.f32 v11, v7  }
0x376: {  	v8 =	vmul.f32 v12, v8;
	v4 =	vadd.f32 $1.000000000e+00, v4  }
0x377: {  	v7 =	vadd.f32 $1.000000000e+00, v7  }
0x378: {  	(erf) = vrcp.f32 v4;
	v4 =	vadd.f32 $1.000000000e+00, v8  }
0x379: {  	(erf) = vrcp.f32 v7  }
0x37a: {  	v13 =	vld [tilespmem:s14+$0x5900];
	(erf) = vrcp.f32 v4  }
0x37b: {  	v14 =	vld [tilespmem:s14+$0x5910]  }
0x37c: {  	v15 =	vld [tilespmem:s14+$0x5920]  }
0x37d: {  	v62 =	vld [tilespmem:s14+$0x2490]  }
0x37e: {  	v17 =	vld [tilespmem:s14+$0x24A0]  }
0x37f: {  	v18 =	vld [tilespmem:s14+$0x2480]  }
0x380: {  	s3 =	simm.s32 $0x30  }
0x381: {  	v13 =	vmul.f32 v13, v9;
	v9 =	vld [tilespmem:s3+$0x4780];
	v12 =	vmul.f32 v15, v12;
	v19 =	vpop (erf)  }
0x382: {  	v11 =	vmul.f32 v14, v11;
	v8 =	vld [tilespmem:s3+$0x5920];
	v5 =	vmul.f32 v19, v5;
	v14 =	vpop (erf)  }
0x383: {  	v12 =	vadd.f32 v12, v17;
	v7 =	vld [tilespmem:s3+$0x5910];
	v6 =	vmul.f32 v14, v6;
	v15 =	vpop (erf)  }
0x384: {  	v13 =	vadd.f32 v13, v18;
	v11 =	vadd.f32 v11, v62;
	v4 =	vld [tilespmem:s3+$0x5900];
	[tilespmem:s14+$0x3600] =	vst v5;
	v63 =	vmul.f32 v15, v10  }
0x385: {  	v12 =	vmul.f32 v15, v12;
	v5 =	vld [tilespmem:s3+$0x3600];
	[tilespmem:s14+$0x3610] =	vst v6  }
0x386: {  	s4 =	simm.s32 $0x180;
	v11 =	vmul.f32 v14, v11;
	v10 =	vmul.f32 v19, v13;
	v6 =	vld [tilespmem:s3+$0x3610];
	[tilespmem:s14+$0x3620] =	vst v63  }
.LBB2_18:
0x387: {  	p1 =	sne.s32 s4, $0x4500;
	v13 =	vld [tilespmem:s3+$0x3620];
	[tilespmem:s14+$0x24A0] =	vst v12  }
0x388: {  	v12 =	vld [tilespmem:s3+$0x4790];
	[tilespmem:s14+$0x2490] =	vst v11  }
0x389: {  	v11 =	vld [tilespmem:s3+$0x47A0];
	[tilespmem:s14+$0x2480] =	vst v10;
	s14 =	smov.u32 s3  }
0x38a: {  	v10 =	vmul.f32 v5, v3;
	v14 =	vld [tilespmem:s14+$0x2490]  }
0x38b: {  	v15 =	vmul.f32 v6, v3;
	v16 =	vld [tilespmem:s14+$0x24A0]  }
0x38c: {  	v17 =	vld [tilespmem:s14+$0x2480];
	v9 =	vmul.f32 v10, v9;
	v18 =	vmul.f32 v13, v3  }
0x38d: {  	v12 =	vmul.f32 v15, v12;
	v7 =	vmul.f32 v7, v15  }
0x38e: {  	v9 =	vadd.f32 $1.000000000e+00, v9;
	v11 =	vmul.f32 v18, v11;
	v8 =	vmul.f32 v8, v18  }
0x38f: {  	v4 =	vmul.f32 v4, v10;
	v10 =	vadd.f32 $1.000000000e+00, v12;
	v12 =	vadd.f32 v7, v14  }
0x390: {  	v7 =	vadd.f32 $1.000000000e+00, v11;
	v14 =	vadd.f32 v8, v16;
	(erf) = vrcp.f32 v9  }
0x391: {  	v8 =	vadd.f32 v4, v17;
	(erf) = vrcp.f32 v10  }
0x392: {  	(erf) = vrcp.f32 v7;
	_ =	sdelay $0x5  }
0x393: {  	s3 =	sshra.s32 s4, $0x2  }
0x394: {  	v4 =	vld [tilespmem:s3+$0x5900];
	v9 =	vpop (erf)  }
.Ltmp8:
0x395: {  	v7 =	vld [tilespmem:s3+$0x5910];
	v10 =	vmul.f32 v9, v8;
	v5 =	vmul.f32 v9, v5;
	v9 =	vpop (erf);
	(pc) =	sbr.rel @p1 .LBB2_18-.Ltmp8, $4  }
0x396: {  	v8 =	vld [tilespmem:s3+$0x5920];
	v11 =	vmul.f32 v9, v12;
	v6 =	vmul.f32 v9, v6;
	v15 =	vpop (erf)  }
0x397: {  	v9 =	vld [tilespmem:s3+$0x4780];
	[tilespmem:s14+$0x3600] =	vst v5;
	v12 =	vmul.f32 v15, v14;
	v13 =	vmul.f32 v15, v13  }
0x398: {  	v5 =	vld [tilespmem:s3+$0x3600];
	[tilespmem:s14+$0x3610] =	vst v6  }
0x399: {  	s4 =	sadd.s32 $0xC0, s4;
	v6 =	vld [tilespmem:s3+$0x3610];
	[tilespmem:s14+$0x3620] =	vst v13  }
0x39a: {  	_ = 	snop  }
0x39b: {  	v13 =	vld [tilespmem:s3+$0x3620];
	[tilespmem:s14+$0x24A0] =	vst v12  }
0x39c: {  	v12 =	vld [tilespmem:s3+$0x4790]  }
0x39d: {  	[tilespmem:s14+$0x2490] =	vst v11;
	v14 =	vmul.f32 v5, v3  }
0x39e: {  	v11 =	vld [tilespmem:s3+$0x47A0]  }
0x39f: {  	v15 =	vmul.f32 v6, v3;
	v9 =	vmul.f32 v14, v9;
	_ =	sdelay $0x1  }
0x3a0: {  	v16 =	vmul.f32 v13, v3;
	v12 =	vmul.f32 v15, v12;
	v9 =	vadd.f32 $1.000000000e+00, v9;
	_ =	sdelay $0x1  }
0x3a1: {  	v11 =	vmul.f32 v16, v11;
	v12 =	vadd.f32 $1.000000000e+00, v12;
	(erf) = vrcp.f32 v9;
	_ =	sdelay $0x1  }
0x3a2: {  	v11 =	vadd.f32 $1.000000000e+00, v11;
	(erf) = vrcp.f32 v12  }
0x3a3: {  	[tilespmem:s14+$0x2480] =	vst v10  }
0x3a4: {  	v56 =	vld [tilespmem:s3+$0x2480];
	(erf) = vrcp.f32 v11;
	_ =	sdelay $0x1  }
0x3a5: {  	v10 =	vld [tilespmem:s3+$0x2490]  }
0x3a6: {  	v4 =	vmul.f32 v4, v14  }
0x3a7: {  	v55 =	vld [tilespmem:s3+$0x24A0]  }
0x3a8: {  	v7 =	vmul.f32 v7, v15;
	v4 =	vadd.f32 v4, v56;
	v57 =	vpop (erf)  }
0x3a9: {  	v58 =	vmul.f32 v57, v5  }
0x3aa: {  	v8 =	vmul.f32 v8, v16;
	v7 =	vadd.f32 v7, v10;
	v59 =	vpop (erf);
	v4 =	vmul.f32 v57, v4  }
0x3ab: {  	v60 =	vmul.f32 v59, v6;
	[tilespmem:s3+$0x3600] =	vst v58  }
0x3ac: {  	v8 =	vadd.f32 v8, v55;
	v61 =	vpop (erf);
	v63 =	vmul.f32 v59, v7;
	[tilespmem:s3+$0x2480] =	vst v4  }
0x3ad: {  	v62 =	vmul.f32 v61, v13;
	[tilespmem:s3+$0x3610] =	vst v60  }
0x3ae: {  	v8 =	vmul.f32 v61, v8;
	[tilespmem:s3+$0x2490] =	vst v63  }
0x3af: {  	s4 =	rddreg [dreg:$0x1e];
	[tilespmem:s3+$0x3620] =	vst v62  }
0x3b0: {  	s0 =	sld [smem:$0x7FB];
	[tilespmem:s3+$0x24A0] =	vst v8  }
0x3b1: {  	[hbm4b:s4+s1] =	stream.linear.scatter [tilespmem:s15], [sflag:$0x5], $0x1170, $0x38;
	[tilespmem:$0x1EAB0] =	vst v63  }
0x3b2: {  	_ = 	snop  }
0x3b3: {  	[hbm4b:s0+s1] =	stream.linear.scatter [tilespmem:s16], [sflag:$0x5], $0x1170, $0x38;
	[tilespmem:$0x1EAB0] =	vst v63  }
0x3b4: {  	s14 =	rddreg [dreg:$0x1f];
	s3 =	simm.s32 @!p0 $0x0;
	s4 =	simm.s32 @!p0 $0x1480  }
0x3b5: {  	[tilespmem:s4], [sflag:$0x6] =	stream.linear.gather @!p0 [hbm4b:s14+s3], $0x20, $0x38;
	[tilespmem:$0x1EAB0] =	vst v63  }
0x3b6: {  	s4 =	simm.s32 @!p0 $0x6  }
0x3b7: {  	_ =	swait.ge @!p0 [sflag:s4], $0x20  }
0x3b8: {  	s0 =	sld [smem:$0x7D5]  }
0x3b9: {  	[sflag:s4] =	ssyncset.done @!p0 $0x0  }
0x3ba: {  	s14 =	simm.s32 @!p0 $0x14A0;
	[sflag:s4] =	ssyncadd.s32 @!p0 $0xFFFFFFE0  }
0x3bb: {  	[tilespmem:s14], [sflag:$0x6] =	stream.linear.gather @!p0 [hbm4b:s0+s3], $0x20, $0x38;
	[tilespmem:$0x1EAB0] =	vst v63  }
0x3bc: {  	_ =	swait.ge @!p0 [sflag:s4], $0x20  }
0x3bd: {  	s0 =	sld [smem:$0x7FC]  }
0x3be: {  	[sflag:s4] =	ssyncset.done @!p0 $0x0  }
0x3bf: {  	s14 =	simm.s32 @!p0 $0x14C0;
	[sflag:s4] =	ssyncadd.s32 @!p0 $0xFFFFFFE0  }
0x3c0: {  	[tilespmem:s14], [sflag:$0x6] =	stream.linear.gather @!p0 [spmem:s0], $0x20, $0x38;
	[tilespmem:$0x1EAB0] =	vst v63  }
0x3c1: {  	_ =	swait.ge @!p0 [sflag:s4], $0x20  }
0x3c2: {  	s0 =	sld [smem:$0x7FD]  }
0x3c3: {  	[sflag:s4] =	ssyncset.done @!p0 $0x0  }
0x3c4: {  	s14 =	simm.s32 @!p0 $0x14E0;
	[sflag:s4] =	ssyncadd.s32 @!p0 $0xFFFFFFE0  }
0x3c5: {  	[tilespmem:s14], [sflag:$0x6] =	stream.linear.gather @!p0 [spmem:s0], $0x20, $0x38;
	[tilespmem:$0x1EAB0] =	vst v63  }
0x3c6: {  	_ =	swait.ge @!p0 [sflag:s4], $0x20  }
0x3c7: {  	[sflag:s4] =	ssyncset.done @!p0 $0x0  }
0x3c8: {  	[sflag:s4] =	ssyncadd.s32 @!p0 $0xFFFFFFE0  }
0x3c9: {  	v4 =	vld @!p0 [tilespmem:$0x14A0]  }
0x3ca: {  	v5 =	vld @!p0 [tilespmem:$0x14C0]  }
0x3cb: {  	v6 =	vld @!p0 [tilespmem:$0x14B0];
	_ =	sdelay $0x1  }
0x3cc: {  	v7 =	vld @!p0 [tilespmem:$0x14D0]  }
0x3cd: {  	v8 =	vmul.f32 @!p0 v4, v3;
	_ =	sdelay $0x1  }
0x3ce: {  	v3 =	vmul.f32 @!p0 v6, v3;
	v5 =	vmul.f32 @!p0 v8, v5;
	_ =	sdelay $0x1  }
0x3cf: {  	v7 =	vmul.f32 @!p0 v3, v7;
	v5 =	vadd.f32 @!p0 $1.000000000e+00, v5;
	_ =	sdelay $0x1  }
0x3d0: {  	(erf) = vrcp.f32 @!p0 v5;
	v5 =	vadd.f32 @!p0 $1.000000000e+00, v7  }
0x3d1: {  	v7 =	vld @!p0 [tilespmem:$0x14E0]  }
0x3d2: {  	v9 =	vld @!p0 [tilespmem:$0x1480];
	(erf) = vrcp.f32 @!p0 v5  }
0x3d3: {  	v5 =	vld @!p0 [tilespmem:$0x14F0];
	_ =	sdelay $0x1  }
0x3d4: {  	v10 =	vld @!p0 [tilespmem:$0x1490]  }
0x3d5: {  	v7 =	vmul.f32 @!p0 v7, v8;
	_ =	sdelay $0x1  }
0x3d6: {  	v7 =	vadd.f32 @!p0 v7, v9;
	v3 =	vmul.f32 @!p0 v5, v3  }
0x3d7: {  	v5 =	vpop @!p0 (erf)  }
0x3d8: {  	v3 =	vadd.f32 @!p0 v3, v10;
	v7 =	vmul.f32 @!p0 v5, v7  }
0x3d9: {  	v4 =	vmul.f32 @!p0 v5, v4;
	v5 =	vpop @!p0 (erf)  }
0x3da: {  	[tilespmem:$0x1500] =	vst @!p0 v7;
	v3 =	vmul.f32 @!p0 v5, v3  }
0x3db: {  	s0 =	sld [smem:$0x7D6];
	[tilespmem:$0x1520] =	vst @!p0 v4;
	v4 =	vmul.f32 @!p0 v5, v6  }
0x3dc: {  	[tilespmem:$0x1510] =	vst @!p0 v3  }
0x3dd: {  	s14 =	simm.s32 @!p0 $0x1500;
	[tilespmem:$0x1530] =	vst @!p0 v4  }
0x3de: {  	[hbm4b:s0+s3] =	stream.linear.scatter @!p0 [tilespmem:s14], [sflag:$0x6], $0x20, $0x38;
	[tilespmem:$0x1EAB0] =	vst v63  }
0x3df: {  	_ =	swait.ge @!p0 [sflag:s4], $0x20  }
0x3e0: {  	s0 =	sld [smem:$0x7F3]  }
0x3e1: {  	[sflag:s4] =	ssyncset.done @!p0 $0x0  }
0x3e2: {  	s14 =	simm.s32 @!p0 $0x1520;
	[sflag:s4] =	ssyncadd.s32 @!p0 $0xFFFFFFE0  }
0x3e3: {  	[hbm4b:s0+s3] =	stream.linear.scatter @!p0 [tilespmem:s14], [sflag:$0x6], $0x20, $0x38;
	[tilespmem:$0x1EAB0] =	vst v63  }
0x3e4: {  	_ =	swait.ge @!p0 [sflag:s4], $0x20  }
0x3e5: {  	[sflag:s4] =	ssyncset.done @!p0 $0x0  }
0x3e6: {  	[sflag:s4] =	ssyncadd.s32 @!p0 $0xFFFFFFE0  }
0x3e7: {  	_ =	swait.ge [sflag:s13], $0x1170  }
0x3e8: {  	[sflag:s13] =	ssyncset.done $0x0  }
0x3e9: {  	[sflag:s13] =	ssyncadd.s32 $0xFFFFEE90  }
0x3ea: {  	_ =	swait.ge [sflag:s13], $0x1170  }
0x3eb: {  	[sflag:s13] =	ssyncset.done $0x0  }
0x3ec: {  	[sflag:s13] =	ssyncadd.s32 $0xFFFFEE90  }
0x3ed: {  	_ =	swait.ge [sflag:s13], $0x1170  }
0x3ee: {  	[sflag:s13] =	ssyncset.done $0x0  }
0x3ef: {  	[sflag:s13] =	ssyncadd.s32 $0xFFFFEE90  }
0x3f0: {  	_ =	swait.ge [sflag:s13], $0x1170  }
0x3f1: {  	[sflag:s13] =	ssyncset.done $0x0  }
0x3f2: {  	[sflag:s13] =	ssyncadd.s32 $0xFFFFEE90  }
0x3f3: {  	_ =	swait.ge [sflag:s13], $0x1170  }
0x3f4: {  	[sflag:s13] =	ssyncset.done $0x0  }
0x3f5: {  	[sflag:s13] =	ssyncadd.s32 $0xFFFFEE90  }
0x3f6: {  	_ =	swait.ge [sflag:s13], $0x1170  }
0x3f7: {  	s14 =	sld [smem:$0x7F4];
	_ =	sdelay $0x1  }
0x3f8: {  	s2 =	sadd.s32 $0x1, s2  }
0x3f9: {  	p1 =	sne.s32 s2, s14  }
.Ltmp9:
0x3fa: {  	_ = 	snop;
	(pc) =	sbr.rel @p1 .LBB2_1-.Ltmp9, $3  }
0x3fb: {  	_ =	sdelay $0x1  }
0x3fc: {  	[sflag:s13] =	ssyncset.done $0x0  }
0x3fd: {  	[sflag:s13] =	ssyncadd.s32 $0xFFFFEE90  }
0x3fe: {  	_ =	sfence.sel $0x180000  }
0x3ff: {  	[bflag:$0x0] =	sbarrier.arrive $0xFFFF  }
0x400: {  	_ =	strace $0x90000047  }
0x401: {  	s0 =	stileid.u32;
	[bflag:$0x2] =	sbarrier.arrive $0xFFFF  }
0x402: {  	p0 =	sne.s32 s0, $0x0;
	s0 =	rddreg [dreg:$0x8]  }
0x403: {  	s0 =	sadd.s32 @!p0 $0x100000, s0  }
0x404: {  	[sflag:s0] =	ssyncadd.tile.s32 @!p0 $0x1;
	_ =	shalt  }
.Lfunc_end2:
_tile_overlayer_lowered:
.L_overlay_start_2:
0x405: {  	(tag) =	ssettag $0x2  }
0x406: {  	s0 =	rddreg [dreg:$0x0];
	s2 =	stileid.u32  }
0x407: {  	s1 =	rddreg [dreg:$0x1];
	p0 =	sne.s32 s2, $0x0  }
0x408: {  	s3 =	rddreg [dreg:$0x2];
	[bflag:$0x3] =	sbarrier.arrive $0xFFFF;
	s2 =	simm.s32 @!p0 $0x1C06  }
0x409: {  	[timem:s3], [sflag:s2] =	dma.local @!p0 [hbm:s0], s1  }
0x40a: {  	s0 =	simm.s32 @!p0 $0x6  }
0x40b: {  	_ =	swait.ge @!p0 [sflag:s0], s1  }
0x40c: {  	s1 =	ssub.s32 @!p0 $0x0, s1;
	[sflag:s0] =	ssyncset.done @!p0 $0x0  }
0x40d: {  	[sflag:s0] =	ssyncadd.s32 @!p0 s1  }
0x40e: {  	[bflag:$0x3] =	sbarrier.arrive $0xFFFF  }
0x40f: {  	_ =	shalt  }

</sc_bundles>
